<compile_context>
chip_gen: v7x
topology: tpu7x:2x2x1
jax: 0.10.2.dev20260603
libtpu: 0.0.44.dev20260713+nightly
codegen_flags: <defaults>
</compile_context>

<pallas_src>
import functools

import jax
import jax.numpy as jnp
from jax import lax
from jax.experimental import pallas as pl
from jax.experimental.pallas import tpu as pltpu
from jax.experimental.pallas import tpu_sc as plsc

NC = 2
NS = 16
NW = NC * NS
K = 128
ZR = 16
NBUF = 2


def _sc_segment_sums(feat, src_all, dst_all, ones_k, zrow, zcnt, np_, d, cpt):
    trows = np_ // NS
    mesh = plsc.VectorSubcoreMesh(core_axis_name="c", subcore_axis_name="s")

    @functools.partial(
        pl.kernel,
        out_type=(
            jax.ShapeDtypeStruct((3, NC, np_, d), jnp.float32),
            jax.ShapeDtypeStruct((3, NC, np_), jnp.float32),
        ),
        mesh=mesh,
        scratch_types=[
            pltpu.VMEM((cpt, K), jnp.int32),
            pltpu.VMEM((cpt, K), jnp.int32),
            pltpu.VMEM((NBUF, K, d), jnp.float32),
            pltpu.VMEM((K,), jnp.float32),
            pltpu.VMEM((ZR, d), jnp.float32),
            pltpu.VMEM((np_ // NS,), jnp.float32),
            pltpu.VMEM_SHARED((np_, d), jnp.float32),
            pltpu.VMEM_SHARED((np_,), jnp.float32),
            [pltpu.SemaphoreType.DMA] * NBUF,
            [pltpu.SemaphoreType.DMA] * NBUF,
            pltpu.SemaphoreType.DMA,
        ],
    )
    def sc_fn(feat_hbm, src_hbm, dst_hbm, ones_hbm, zrow_hbm, zcnt_hbm,
              psum_hbm, pcnt_hbm,
              src_v, dst_v, rows_v, ones_v, zbuf, zcbuf, accum, cnt,
              sem_g, sem_s, sem_c):
        cid = lax.axis_index("c")
        sid = lax.axis_index("s")
        wid = sid * NC + cid
        row0 = sid * trows

        pltpu.sync_copy(ones_hbm, ones_v)
        pltpu.sync_copy(zrow_hbm, zbuf)
        pltpu.sync_copy(zcnt_hbm, zcbuf)
        for z in range(trows // ZR):
            pltpu.sync_copy(zbuf, accum.at[pl.ds(row0 + z * ZR, ZR)])
        pltpu.sync_copy(zcbuf, cnt.at[pl.ds(row0, trows)])
        plsc.subcore_barrier()

        groups = cpt // NBUF
        for r in range(3):
            pltpu.sync_copy(src_hbm.at[r, wid], src_v)
            pltpu.sync_copy(dst_hbm.at[r, wid], dst_v)

            for b in range(NBUF):
                pltpu.async_copy(feat_hbm.at[src_v.at[b]], rows_v.at[b],
                                 sem_g[b])

            def group(g, carry):
                for b in range(NBUF):
                    c = g * NBUF + b
                    pltpu.make_async_copy(feat_hbm.at[src_v.at[c]],
                                          rows_v.at[b], sem_g[b]).wait()
                    pltpu.async_copy(rows_v.at[b], accum.at[dst_v.at[c]],
                                     sem_s[b], add=True)
                    pltpu.async_copy(ones_v, cnt.at[dst_v.at[c]], sem_c,
                                     add=True)

                    @pl.when(g < groups - 1)
                    def _():
                        pltpu.make_async_copy(rows_v.at[b],
                                              accum.at[dst_v.at[c]],
                                              sem_s[b]).wait()
                        pltpu.async_copy(feat_hbm.at[src_v.at[c + NBUF]],
                                         rows_v.at[b], sem_g[b])

                return carry

            lax.fori_loop(0, groups, group, 0)

            for b in range(NBUF):
                pltpu.make_async_copy(rows_v.at[b], accum.at[dst_v.at[0]],
                                      sem_s[b]).wait()

            def drain(c, carry):
                pltpu.make_async_copy(ones_v, cnt.at[dst_v.at[0]],
                                      sem_c).wait()
                return carry

            lax.fori_loop(0, cpt, drain, 0)
            plsc.subcore_barrier()

            pltpu.sync_copy(accum.at[pl.ds(row0, trows)],
                            psum_hbm.at[r, cid, pl.ds(row0, trows)])
            pltpu.sync_copy(cnt.at[pl.ds(row0, trows)],
                            pcnt_hbm.at[r, cid, pl.ds(row0, trows)])
            if r < 2:
                for z in range(trows // ZR):
                    pltpu.sync_copy(zbuf, accum.at[pl.ds(row0 + z * ZR, ZR)])
                pltpu.sync_copy(zcbuf, cnt.at[pl.ds(row0, trows)])
                plsc.subcore_barrier()

    return sc_fn(feat, src_all, dst_all, ones_k, zrow, zcnt)


def _tc_combine(psum, pcnt4, feat_pad, w, b2, np_, d, br):

    def body(p_ref, c_ref, f_ref, w_ref, b_ref, o_ref):
        acc = f_ref[...]
        for r in range(3):
            s = p_ref[r, 0] + p_ref[r, 1]
            c = c_ref[r, 0] + c_ref[r, 1]
            acc = acc + (0.5 * s) / jnp.clip(c, 1.0, None)
        o_ref[...] = lax.dot_general(
            acc, w_ref[...], (((1,), (1,)), ((), ())),
            preferred_element_type=jnp.float32) + b_ref[...]

    return pl.pallas_call(
        body,
        grid=(np_ // br,),
        in_specs=[
            pl.BlockSpec((3, NC, br, d), lambda i: (0, 0, i, 0)),
            pl.BlockSpec((3, NC, br, 1), lambda i: (0, 0, i, 0)),
            pl.BlockSpec((br, d), lambda i: (i, 0)),
            pl.BlockSpec((d, d), lambda i: (0, 0)),
            pl.BlockSpec((1, d), lambda i: (0, 0)),
        ],
        out_specs=pl.BlockSpec((br, d), lambda i: (i, 0)),
        out_shape=jax.ShapeDtypeStruct((np_, d), jnp.float32),
    )(psum, pcnt4, feat_pad, w, b2)


def kernel(feat, edge_index_rur, edge_index_rtr, edge_index_rsr, W_lin, b_lin):
    n, d = feat.shape
    e = edge_index_rur.shape[1]
    cpt = -(-e // (NW * K))
    ept = cpt * K
    ep = NW * ept
    np_ = -(-(n + 1) // (NS * ZR)) * (NS * ZR)

    def prep(ei):
        src = ei[0].astype(jnp.int32)
        dst = ei[1].astype(jnp.int32)
        src = jnp.concatenate([src, jnp.zeros((ep - e,), jnp.int32)])
        dst = jnp.concatenate([dst, jnp.full((ep - e,), n, jnp.int32)])
        return src, dst

    pairs = [prep(ei) for ei in (edge_index_rur, edge_index_rtr, edge_index_rsr)]
    src_all = jnp.stack([p[0] for p in pairs]).reshape(3, NW, cpt, K)
    dst_all = jnp.stack([p[1] for p in pairs]).reshape(3, NW, cpt, K)

    ones_k = jnp.ones((K,), jnp.float32)
    zrow = jnp.zeros((ZR, d), jnp.float32)
    zcnt = jnp.zeros((np_ // NS,), jnp.float32)

    psum, pcnt = _sc_segment_sums(feat, src_all, dst_all, ones_k, zrow, zcnt,
                                  np_, d, cpt)

    feat_pad = jnp.concatenate([feat, jnp.zeros((np_ - n, d), jnp.float32)])
    out_pad = _tc_combine(psum, pcnt.reshape(3, NC, np_, 1), feat_pad,
                          W_lin, b_lin.reshape(1, d), np_, d, np_ // 8)
    return out_pad[:n]

# --- scband reference (transcript-rebuilt; emitter-appended) ---
"""Pipeline reference for scband-careconv-62199716381201 (READ-ONLY COPY).

The authoritative reference and input builder live on the scoring server;
editing this copy changes nothing except your own understanding.
"""

import jax, jax.numpy as jnp
import numpy as np

N_NODES = 10000
N_EDGES = 160000
D_IN = 128
D_OUT = 128


def setup_inputs(seed: int = 0) -> dict:
    key = jax.random.key(seed)
    k_feat, k_e1, k_e2, k_e3, k_w, k_b = (jax.random.fold_in(key, i) for i in range(6))
    feat = jax.random.normal(k_feat, (N_NODES, D_IN), dtype=jnp.float32)
    edge_index_rur = jax.random.randint(k_e1, (2, N_EDGES), 0, N_NODES, dtype=jnp.int64)
    edge_index_rtr = jax.random.randint(k_e2, (2, N_EDGES), 0, N_NODES, dtype=jnp.int64)
    edge_index_rsr = jax.random.randint(k_e3, (2, N_EDGES), 0, N_NODES, dtype=jnp.int64)
    # nn.Linear(in_dim, out_dim) params: W [out, in], b [out]
    bound = 1.0 / np.sqrt(D_IN)
    W_lin = jax.random.uniform(k_w, (D_OUT, D_IN), minval=-bound, maxval=bound, dtype=jnp.float32)
    b_lin = jax.random.uniform(k_b, (D_OUT,), minval=-bound, maxval=bound, dtype=jnp.float32)
    return {
        "feat": feat,
        "edge_index_rur": edge_index_rur,
        "edge_index_rtr": edge_index_rtr,
        "edge_index_rsr": edge_index_rsr,
        "W_lin": W_lin,
        "b_lin": b_lin,
    }


def _mean_agg(feat, edge_index, num_nodes):
    # DGL update_all(copy_u('h','m'), mean('m','hr')): gather src feats, mean-reduce by dst.
    src = edge_index[0]
    dst = edge_index[1]
    msg = jnp.take(feat, src, axis=0)  # gather [E, d]
    summed = jax.ops.segment_sum(msg, dst, num_segments=num_nodes)
    cnt = jax.ops.segment_sum(jnp.ones((edge_index.shape[1],), dtype=feat.dtype), dst, num_segments=num_nodes)
    # zero in-degree nodes get 0 (DGL fills with zeros); sum is 0 so clipped divide is safe
    return summed / jnp.clip(cnt, 1.0, None)[:, None]


def reference(feat, edge_index_rur, edge_index_rtr, edge_index_rsr, W_lin, b_lin):
    N = feat.shape[0]
    p = 0.5  # self.p[etype] initialized to 0.5 for all etypes
    hr_rur = _mean_agg(feat, edge_index_rur, N)
    hr_rtr = _mean_agg(feat, edge_index_rtr, N)
    hr_rsr = _mean_agg(feat, edge_index_rsr, N)
    # activation is None, so no nonlinearity applied to hr or h_homo
    h_homo = p * hr_rur + p * hr_rtr + p * hr_rsr
    h_homo = h_homo + feat[:N]
    return h_homo @ W_lin.T + b_lin

if __name__ == "__main__":
    import jax
    _d = setup_inputs()
    print(jax.jit(kernel)(*tuple(_d.values())))

</pallas_src>

<mosaic_0001>
#map = affine_map<(d0, d1) -> (0, 0)>
#map1 = affine_map<(d0, d1) -> (0, 0, 0, 0)>
#map2 = affine_map<(d0, d1) -> (0)>
#map3 = affine_map<(d0, d1) -> (0, 0, 0)>
module attributes {stable_mosaic.version = 14 : i64} {
  func.func @sc_fn(%arg0: i32, %arg1: i32, %arg2: memref<10000x128xf32, #tpu.memory_space<hbm>>, %arg3: memref<3x32x40x128xi32, #tpu.memory_space<hbm>>, %arg4: memref<3x32x40x128xi32, #tpu.memory_space<hbm>>, %arg5: memref<128xf32, #tpu.memory_space<hbm>>, %arg6: memref<16x128xf32, #tpu.memory_space<hbm>>, %arg7: memref<640xf32, #tpu.memory_space<hbm>>, %arg8: memref<3x2x10240x128xf32, #tpu.memory_space<hbm>>, %arg9: memref<3x2x10240xf32, #tpu.memory_space<hbm>>, %arg10: memref<40x128xi32, #tpu.memory_space<vmem>>, %arg11: memref<40x128xi32, #tpu.memory_space<vmem>>, %arg12: memref<2x128x128xf32, #tpu.memory_space<vmem>>, %arg13: memref<128xf32, #tpu.memory_space<vmem>>, %arg14: memref<16x128xf32, #tpu.memory_space<vmem>>, %arg15: memref<640xf32, #tpu.memory_space<vmem>>, %arg16: memref<10240x128xf32, #tpu.memory_space<vmem_shared>>, %arg17: memref<10240xf32, #tpu.memory_space<vmem_shared>>, %arg18: memref<!tpu.dma_semaphore, #tpu.memory_space<semaphore_mem>>, %arg19: memref<!tpu.dma_semaphore, #tpu.memory_space<semaphore_mem>>, %arg20: memref<!tpu.dma_semaphore, #tpu.memory_space<semaphore_mem>>, %arg21: memref<!tpu.dma_semaphore, #tpu.memory_space<semaphore_mem>>, %arg22: memref<!tpu.dma_semaphore, #tpu.memory_space<semaphore_mem>>) attributes {dimension_semantics = [#tpu.dimension_semantics<core_parallel>, #tpu.dimension_semantics<subcore_parallel>], iteration_bounds = array<i64: 2, 16>, scalar_prefetch = 0 : i64, scratch_operands = 13 : i64, tpu.core_type = #tpu.core_type<sc_vector_subcore>, window_params = [{transform_indices = #map}, {transform_indices = #map1}, {transform_indices = #map1}, {transform_indices = #map2}, {transform_indices = #map}, {transform_indices = #map2}, {transform_indices = #map1}, {transform_indices = #map3}]} {
    %mul3A = arith.constant 2 : i32
    %mul3A_0 = arith.muli %arg1, %mul3A : i32
    %add3A = arith.addi %mul3A_0, %arg0 : i32
    %mul3A_1 = arith.constant 640 : i32
    %mul3A_2 = arith.muli %arg1, %mul3A_1 : i32
    "tpu.region"() ({
      %run_scoped3A_436 = tpu.sem_alloc : memref<!tpu.dma_semaphore, #tpu.memory_space<semaphore_mem>>
      tpu.enqueue_dma source(%arg5 : memref<128xf32, #tpu.memory_space<hbm>>) target(%arg13 : memref<128xf32, #tpu.memory_space<vmem>>) target_semaphore(%run_scoped3A_436 : memref<!tpu.dma_semaphore, #tpu.memory_space<semaphore_mem>>)
      tpu.wait_dma2 semaphore(%run_scoped3A_436 : memref<!tpu.dma_semaphore, #tpu.memory_space<semaphore_mem>>) src(%arg5 : memref<128xf32, #tpu.memory_space<hbm>>) dst(%arg13 : memref<128xf32, #tpu.memory_space<vmem>>)
      tpu.yield
    }) : () -> ()
    "tpu.region"() ({
      %run_scoped3A_436 = tpu.sem_alloc : memref<!tpu.dma_semaphore, #tpu.memory_space<semaphore_mem>>
      tpu.enqueue_dma source(%arg6 : memref<16x128xf32, #tpu.memory_space<hbm>>) target(%arg14 : memref<16x128xf32, #tpu.memory_space<vmem>>) target_semaphore(%run_scoped3A_436 : memref<!tpu.dma_semaphore, #tpu.memory_space<semaphore_mem>>)
      tpu.wait_dma2 semaphore(%run_scoped3A_436 : memref<!tpu.dma_semaphore, #tpu.memory_space<semaphore_mem>>) src(%arg6 : memref<16x128xf32, #tpu.memory_space<hbm>>) dst(%arg14 : memref<16x128xf32, #tpu.memory_space<vmem>>)
      tpu.yield
    }) : () -> ()
    "tpu.region"() ({
      %run_scoped3A_436 = tpu.sem_alloc : memref<!tpu.dma_semaphore, #tpu.memory_space<semaphore_mem>>
      tpu.enqueue_dma source(%arg7 : memref<640xf32, #tpu.memory_space<hbm>>) target(%arg15 : memref<640xf32, #tpu.memory_space<vmem>>) target_semaphore(%run_scoped3A_436 : memref<!tpu.dma_semaphore, #tpu.memory_space<semaphore_mem>>)
      tpu.wait_dma2 semaphore(%run_scoped3A_436 : memref<!tpu.dma_semaphore, #tpu.memory_space<semaphore_mem>>) src(%arg7 : memref<640xf32, #tpu.memory_space<hbm>>) dst(%arg15 : memref<640xf32, #tpu.memory_space<vmem>>)
      tpu.yield
    }) : () -> ()
    %add3A_3 = arith.constant 0 : i32
    %add3A_4 = arith.addi %mul3A_2, %add3A_3 : i32
    "tpu.region"() ({
      %run_scoped3A_436 = tpu.sem_alloc : memref<!tpu.dma_semaphore, #tpu.memory_space<semaphore_mem>>
      %dma_start3A_437 = arith.constant 0 : i32
      %dma_start3A_438 = tpu.memref_slice %arg16[%add3A_4, %dma_start3A_437] : memref<10240x128xf32, #tpu.memory_space<vmem_shared>> -> memref<16x128xf32, #tpu.memory_space<vmem_shared>>
      %dma_start3A_439 = arith.constant 0 : i32
      %dma_start3A_440 = tpu.memref_slice %arg16[%add3A_4, %dma_start3A_439] : memref<10240x128xf32, #tpu.memory_space<vmem_shared>> -> memref<16x128xf32, #tpu.memory_space<vmem_shared>>
      tpu.enqueue_dma source(%arg14 : memref<16x128xf32, #tpu.memory_space<vmem>>) target(%dma_start3A_440 : memref<16x128xf32, #tpu.memory_space<vmem_shared>>) target_semaphore(%run_scoped3A_436 : memref<!tpu.dma_semaphore, #tpu.memory_space<semaphore_mem>>)
      %dma_wait3A_441 = arith.constant 0 : i32
      %dma_wait3A_442 = tpu.memref_slice %arg16[%add3A_4, %dma_wait3A_441] : memref<10240x128xf32, #tpu.memory_space<vmem_shared>> -> memref<16x128xf32, #tpu.memory_space<vmem_shared>>
      %dma_wait3A_443 = arith.constant 0 : i32
      %dma_wait3A_444 = tpu.memref_slice %arg16[%add3A_4, %dma_wait3A_443] : memref<10240x128xf32, #tpu.memory_space<vmem_shared>> -> memref<16x128xf32, #tpu.memory_space<vmem_shared>>
      tpu.wait_dma2 semaphore(%run_scoped3A_436 : memref<!tpu.dma_semaphore, #tpu.memory_space<semaphore_mem>>) src(%arg14 : memref<16x128xf32, #tpu.memory_space<vmem>>) dst(%dma_wait3A_444 : memref<16x128xf32, #tpu.memory_space<vmem_shared>>)
      tpu.yield
    }) : () -> ()
    %add3A_5 = arith.constant 16 : i32
    %add3A_6 = arith.addi %mul3A_2, %add3A_5 : i32
    "tpu.region"() ({
      %run_scoped3A_436 = tpu.sem_alloc : memref<!tpu.dma_semaphore, #tpu.memory_space<semaphore_mem>>
      %dma_start3A_437 = arith.constant 0 : i32
      %dma_start3A_438 = tpu.memref_slice %arg16[%add3A_6, %dma_start3A_437] : memref<10240x128xf32, #tpu.memory_space<vmem_shared>> -> memref<16x128xf32, #tpu.memory_space<vmem_shared>>
      %dma_start3A_439 = arith.constant 0 : i32
      %dma_start3A_440 = tpu.memref_slice %arg16[%add3A_6, %dma_start3A_439] : memref<10240x128xf32, #tpu.memory_space<vmem_shared>> -> memref<16x128xf32, #tpu.memory_space<vmem_shared>>
      tpu.enqueue_dma source(%arg14 : memref<16x128xf32, #tpu.memory_space<vmem>>) target(%dma_start3A_440 : memref<16x128xf32, #tpu.memory_space<vmem_shared>>) target_semaphore(%run_scoped3A_436 : memref<!tpu.dma_semaphore, #tpu.memory_space<semaphore_mem>>)
      %dma_wait3A_441 = arith.constant 0 : i32
      %dma_wait3A_442 = tpu.memref_slice %arg16[%add3A_6, %dma_wait3A_441] : memref<10240x128xf32, #tpu.memory_space<vmem_shared>> -> memref<16x128xf32, #tpu.memory_space<vmem_shared>>
      %dma_wait3A_443 = arith.constant 0 : i32
      %dma_wait3A_444 = tpu.memref_slice %arg16[%add3A_6, %dma_wait3A_443] : memref<10240x128xf32, #tpu.memory_space<vmem_shared>> -> memref<16x128xf32, #tpu.memory_space<vmem_shared>>
      tpu.wait_dma2 semaphore(%run_scoped3A_436 : memref<!tpu.dma_semaphore, #tpu.memory_space<semaphore_mem>>) src(%arg14 : memref<16x128xf32, #tpu.memory_space<vmem>>) dst(%dma_wait3A_444 : memref<16x128xf32, #tpu.memory_space<vmem_shared>>)
      tpu.yield
    }) : () -> ()
    %add3A_7 = arith.constant 32 : i32
    %add3A_8 = arith.addi %mul3A_2, %add3A_7 : i32
    "tpu.region"() ({
      %run_scoped3A_436 = tpu.sem_alloc : memref<!tpu.dma_semaphore, #tpu.memory_space<semaphore_mem>>
      %dma_start3A_437 = arith.constant 0 : i32
      %dma_start3A_438 = tpu.memref_slice %arg16[%add3A_8, %dma_start3A_437] : memref<10240x128xf32, #tpu.memory_space<vmem_shared>> -> memref<16x128xf32, #tpu.memory_space<vmem_shared>>
      %dma_start3A_439 = arith.constant 0 : i32
      %dma_start3A_440 = tpu.memref_slice %arg16[%add3A_8, %dma_start3A_439] : memref<10240x128xf32, #tpu.memory_space<vmem_shared>> -> memref<16x128xf32, #tpu.memory_space<vmem_shared>>
      tpu.enqueue_dma source(%arg14 : memref<16x128xf32, #tpu.memory_space<vmem>>) target(%dma_start3A_440 : memref<16x128xf32, #tpu.memory_space<vmem_shared>>) target_semaphore(%run_scoped3A_436 : memref<!tpu.dma_semaphore, #tpu.memory_space<semaphore_mem>>)
      %dma_wait3A_441 = arith.constant 0 : i32
      %dma_wait3A_442 = tpu.memref_slice %arg16[%add3A_8, %dma_wait3A_441] : memref<10240x128xf32, #tpu.memory_space<vmem_shared>> -> memref<16x128xf32, #tpu.memory_space<vmem_shared>>
      %dma_wait3A_443 = arith.constant 0 : i32
      %dma_wait3A_444 = tpu.memref_slice %arg16[%add3A_8, %dma_wait3A_443] : memref<10240x128xf32, #tpu.memory_space<vmem_shared>> -> memref<16x128xf32, #tpu.memory_space<vmem_shared>>
      tpu.wait_dma2 semaphore(%run_scoped3A_436 : memref<!tpu.dma_semaphore, #tpu.memory_space<semaphore_mem>>) src(%arg14 : memref<16x128xf32, #tpu.memory_space<vmem>>) dst(%dma_wait3A_444 : memref<16x128xf32, #tpu.memory_space<vmem_shared>>)
      tpu.yield
    }) : () -> ()
    %add3A_9 = arith.constant 48 : i32
    %add3A_10 = arith.addi %mul3A_2, %add3A_9 : i32
    "tpu.region"() ({
      %run_scoped3A_436 = tpu.sem_alloc : memref<!tpu.dma_semaphore, #tpu.memory_space<semaphore_mem>>
      %dma_start3A_437 = arith.constant 0 : i32
      %dma_start3A_438 = tpu.memref_slice %arg16[%add3A_10, %dma_start3A_437] : memref<10240x128xf32, #tpu.memory_space<vmem_shared>> -> memref<16x128xf32, #tpu.memory_space<vmem_shared>>
      %dma_start3A_439 = arith.constant 0 : i32
      %dma_start3A_440 = tpu.memref_slice %arg16[%add3A_10, %dma_start3A_439] : memref<10240x128xf32, #tpu.memory_space<vmem_shared>> -> memref<16x128xf32, #tpu.memory_space<vmem_shared>>
      tpu.enqueue_dma source(%arg14 : memref<16x128xf32, #tpu.memory_space<vmem>>) target(%dma_start3A_440 : memref<16x128xf32, #tpu.memory_space<vmem_shared>>) target_semaphore(%run_scoped3A_436 : memref<!tpu.dma_semaphore, #tpu.memory_space<semaphore_mem>>)
      %dma_wait3A_441 = arith.constant 0 : i32
      %dma_wait3A_442 = tpu.memref_slice %arg16[%add3A_10, %dma_wait3A_441] : memref<10240x128xf32, #tpu.memory_space<vmem_shared>> -> memref<16x128xf32, #tpu.memory_space<vmem_shared>>
      %dma_wait3A_443 = arith.constant 0 : i32
      %dma_wait3A_444 = tpu.memref_slice %arg16[%add3A_10, %dma_wait3A_443] : memref<10240x128xf32, #tpu.memory_space<vmem_shared>> -> memref<16x128xf32, #tpu.memory_space<vmem_shared>>
      tpu.wait_dma2 semaphore(%run_scoped3A_436 : memref<!tpu.dma_semaphore, #tpu.memory_space<semaphore_mem>>) src(%arg14 : memref<16x128xf32, #tpu.memory_space<vmem>>) dst(%dma_wait3A_444 : memref<16x128xf32, #tpu.memory_space<vmem_shared>>)
      tpu.yield
    }) : () -> ()
    %add3A_11 = arith.constant 64 : i32
    %add3A_12 = arith.addi %mul3A_2, %add3A_11 : i32
    "tpu.region"() ({
      %run_scoped3A_436 = tpu.sem_alloc : memref<!tpu.dma_semaphore, #tpu.memory_space<semaphore_mem>>
      %dma_start3A_437 = arith.constant 0 : i32
      %dma_start3A_438 = tpu.memref_slice %arg16[%add3A_12, %dma_start3A_437] : memref<10240x128xf32, #tpu.memory_space<vmem_shared>> -> memref<16x128xf32, #tpu.memory_space<vmem_shared>>
      %dma_start3A_439 = arith.constant 0 : i32
      %dma_start3A_440 = tpu.memref_slice %arg16[%add3A_12, %dma_start3A_439] : memref<10240x128xf32, #tpu.memory_space<vmem_shared>> -> memref<16x128xf32, #tpu.memory_space<vmem_shared>>
      tpu.enqueue_dma source(%arg14 : memref<16x128xf32, #tpu.memory_space<vmem>>) target(%dma_start3A_440 : memref<16x128xf32, #tpu.memory_space<vmem_shared>>) target_semaphore(%run_scoped3A_436 : memref<!tpu.dma_semaphore, #tpu.memory_space<semaphore_mem>>)
      %dma_wait3A_441 = arith.constant 0 : i32
      %dma_wait3A_442 = tpu.memref_slice %arg16[%add3A_12, %dma_wait3A_441] : memref<10240x128xf32, #tpu.memory_space<vmem_shared>> -> memref<16x128xf32, #tpu.memory_space<vmem_shared>>
      %dma_wait3A_443 = arith.constant 0 : i32
      %dma_wait3A_444 = tpu.memref_slice %arg16[%add3A_12, %dma_wait3A_443] : memref<10240x128xf32, #tpu.memory_space<vmem_shared>> -> memref<16x128xf32, #tpu.memory_space<vmem_shared>>
      tpu.wait_dma2 semaphore(%run_scoped3A_436 : memref<!tpu.dma_semaphore, #tpu.memory_space<semaphore_mem>>) src(%arg14 : memref<16x128xf32, #tpu.memory_space<vmem>>) dst(%dma_wait3A_444 : memref<16x128xf32, #tpu.memory_space<vmem_shared>>)
      tpu.yield
    }) : () -> ()
    %add3A_13 = arith.constant 80 : i32
    %add3A_14 = arith.addi %mul3A_2, %add3A_13 : i32
    "tpu.region"() ({
      %run_scoped3A_436 = tpu.sem_alloc : memref<!tpu.dma_semaphore, #tpu.memory_space<semaphore_mem>>
      %dma_start3A_437 = arith.constant 0 : i32
      %dma_start3A_438 = tpu.memref_slice %arg16[%add3A_14, %dma_start3A_437] : memref<10240x128xf32, #tpu.memory_space<vmem_shared>> -> memref<16x128xf32, #tpu.memory_space<vmem_shared>>
      %dma_start3A_439 = arith.constant 0 : i32
      %dma_start3A_440 = tpu.memref_slice %arg16[%add3A_14, %dma_start3A_439] : memref<10240x128xf32, #tpu.memory_space<vmem_shared>> -> memref<16x128xf32, #tpu.memory_space<vmem_shared>>
      tpu.enqueue_dma source(%arg14 : memref<16x128xf32, #tpu.memory_space<vmem>>) target(%dma_start3A_440 : memref<16x128xf32, #tpu.memory_space<vmem_shared>>) target_semaphore(%run_scoped3A_436 : memref<!tpu.dma_semaphore, #tpu.memory_space<semaphore_mem>>)
      %dma_wait3A_441 = arith.constant 0 : i32
      %dma_wait3A_442 = tpu.memref_slice %arg16[%add3A_14, %dma_wait3A_441] : memref<10240x128xf32, #tpu.memory_space<vmem_shared>> -> memref<16x128xf32, #tpu.memory_space<vmem_shared>>
      %dma_wait3A_443 = arith.constant 0 : i32
      %dma_wait3A_444 = tpu.memref_slice %arg16[%add3A_14, %dma_wait3A_443] : memref<10240x128xf32, #tpu.memory_space<vmem_shared>> -> memref<16x128xf32, #tpu.memory_space<vmem_shared>>
      tpu.wait_dma2 semaphore(%run_scoped3A_436 : memref<!tpu.dma_semaphore, #tpu.memory_space<semaphore_mem>>) src(%arg14 : memref<16x128xf32, #tpu.memory_space<vmem>>) dst(%dma_wait3A_444 : memref<16x128xf32, #tpu.memory_space<vmem_shared>>)
      tpu.yield
    }) : () -> ()
    %add3A_15 = arith.constant 96 : i32
    %add3A_16 = arith.addi %mul3A_2, %add3A_15 : i32
    "tpu.region"() ({
      %run_scoped3A_436 = tpu.sem_alloc : memref<!tpu.dma_semaphore, #tpu.memory_space<semaphore_mem>>
      %dma_start3A_437 = arith.constant 0 : i32
      %dma_start3A_438 = tpu.memref_slice %arg16[%add3A_16, %dma_start3A_437] : memref<10240x128xf32, #tpu.memory_space<vmem_shared>> -> memref<16x128xf32, #tpu.memory_space<vmem_shared>>
      %dma_start3A_439 = arith.constant 0 : i32
      %dma_start3A_440 = tpu.memref_slice %arg16[%add3A_16, %dma_start3A_439] : memref<10240x128xf32, #tpu.memory_space<vmem_shared>> -> memref<16x128xf32, #tpu.memory_space<vmem_shared>>
      tpu.enqueue_dma source(%arg14 : memref<16x128xf32, #tpu.memory_space<vmem>>) target(%dma_start3A_440 : memref<16x128xf32, #tpu.memory_space<vmem_shared>>) target_semaphore(%run_scoped3A_436 : memref<!tpu.dma_semaphore, #tpu.memory_space<semaphore_mem>>)
      %dma_wait3A_441 = arith.constant 0 : i32
      %dma_wait3A_442 = tpu.memref_slice %arg16[%add3A_16, %dma_wait3A_441] : memref<10240x128xf32, #tpu.memory_space<vmem_shared>> -> memref<16x128xf32, #tpu.memory_space<vmem_shared>>
      %dma_wait3A_443 = arith.constant 0 : i32
      %dma_wait3A_444 = tpu.memref_slice %arg16[%add3A_16, %dma_wait3A_443] : memref<10240x128xf32, #tpu.memory_space<vmem_shared>> -> memref<16x128xf32, #tpu.memory_space<vmem_shared>>
      tpu.wait_dma2 semaphore(%run_scoped3A_436 : memref<!tpu.dma_semaphore, #tpu.memory_space<semaphore_mem>>) src(%arg14 : memref<16x128xf32, #tpu.memory_space<vmem>>) dst(%dma_wait3A_444 : memref<16x128xf32, #tpu.memory_space<vmem_shared>>)
      tpu.yield
    }) : () -> ()
    %add3A_17 = arith.constant 112 : i32
    %add3A_18 = arith.addi %mul3A_2, %add3A_17 : i32
    "tpu.region"() ({
      %run_scoped3A_436 = tpu.sem_alloc : memref<!tpu.dma_semaphore, #tpu.memory_space<semaphore_mem>>
      %dma_start3A_437 = arith.constant 0 : i32
      %dma_start3A_438 = tpu.memref_slice %arg16[%add3A_18, %dma_start3A_437] : memref<10240x128xf32, #tpu.memory_space<vmem_shared>> -> memref<16x128xf32, #tpu.memory_space<vmem_shared>>
      %dma_start3A_439 = arith.constant 0 : i32
      %dma_start3A_440 = tpu.memref_slice %arg16[%add3A_18, %dma_start3A_439] : memref<10240x128xf32, #tpu.memory_space<vmem_shared>> -> memref<16x128xf32, #tpu.memory_space<vmem_shared>>
      tpu.enqueue_dma source(%arg14 : memref<16x128xf32, #tpu.memory_space<vmem>>) target(%dma_start3A_440 : memref<16x128xf32, #tpu.memory_space<vmem_shared>>) target_semaphore(%run_scoped3A_436 : memref<!tpu.dma_semaphore, #tpu.memory_space<semaphore_mem>>)
      %dma_wait3A_441 = arith.constant 0 : i32
      %dma_wait3A_442 = tpu.memref_slice %arg16[%add3A_18, %dma_wait3A_441] : memref<10240x128xf32, #tpu.memory_space<vmem_shared>> -> memref<16x128xf32, #tpu.memory_space<vmem_shared>>
      %dma_wait3A_443 = arith.constant 0 : i32
      %dma_wait3A_444 = tpu.memref_slice %arg16[%add3A_18, %dma_wait3A_443] : memref<10240x128xf32, #tpu.memory_space<vmem_shared>> -> memref<16x128xf32, #tpu.memory_space<vmem_shared>>
      tpu.wait_dma2 semaphore(%run_scoped3A_436 : memref<!tpu.dma_semaphore, #tpu.memory_space<semaphore_mem>>) src(%arg14 : memref<16x128xf32, #tpu.memory_space<vmem>>) dst(%dma_wait3A_444 : memref<16x128xf32, #tpu.memory_space<vmem_shared>>)
      tpu.yield
    }) : () -> ()
    %add3A_19 = arith.constant 128 : i32
    %add3A_20 = arith.addi %mul3A_2, %add3A_19 : i32
    "tpu.region"() ({
      %run_scoped3A_436 = tpu.sem_alloc : memref<!tpu.dma_semaphore, #tpu.memory_space<semaphore_mem>>
      %dma_start3A_437 = arith.constant 0 : i32
      %dma_start3A_438 = tpu.memref_slice %arg16[%add3A_20, %dma_start3A_437] : memref<10240x128xf32, #tpu.memory_space<vmem_shared>> -> memref<16x128xf32, #tpu.memory_space<vmem_shared>>
      %dma_start3A_439 = arith.constant 0 : i32
      %dma_start3A_440 = tpu.memref_slice %arg16[%add3A_20, %dma_start3A_439] : memref<10240x128xf32, #tpu.memory_space<vmem_shared>> -> memref<16x128xf32, #tpu.memory_space<vmem_shared>>
      tpu.enqueue_dma source(%arg14 : memref<16x128xf32, #tpu.memory_space<vmem>>) target(%dma_start3A_440 : memref<16x128xf32, #tpu.memory_space<vmem_shared>>) target_semaphore(%run_scoped3A_436 : memref<!tpu.dma_semaphore, #tpu.memory_space<semaphore_mem>>)
      %dma_wait3A_441 = arith.constant 0 : i32
      %dma_wait3A_442 = tpu.memref_slice %arg16[%add3A_20, %dma_wait3A_441] : memref<10240x128xf32, #tpu.memory_space<vmem_shared>> -> memref<16x128xf32, #tpu.memory_space<vmem_shared>>
      %dma_wait3A_443 = arith.constant 0 : i32
      %dma_wait3A_444 = tpu.memref_slice %arg16[%add3A_20, %dma_wait3A_443] : memref<10240x128xf32, #tpu.memory_space<vmem_shared>> -> memref<16x128xf32, #tpu.memory_space<vmem_shared>>
      tpu.wait_dma2 semaphore(%run_scoped3A_436 : memref<!tpu.dma_semaphore, #tpu.memory_space<semaphore_mem>>) src(%arg14 : memref<16x128xf32, #tpu.memory_space<vmem>>) dst(%dma_wait3A_444 : memref<16x128xf32, #tpu.memory_space<vmem_shared>>)
      tpu.yield
    }) : () -> ()
    %add3A_21 = arith.constant 144 : i32
    %add3A_22 = arith.addi %mul3A_2, %add3A_21 : i32
    "tpu.region"() ({
      %run_scoped3A_436 = tpu.sem_alloc : memref<!tpu.dma_semaphore, #tpu.memory_space<semaphore_mem>>
      %dma_start3A_437 = arith.constant 0 : i32
      %dma_start3A_438 = tpu.memref_slice %arg16[%add3A_22, %dma_start3A_437] : memref<10240x128xf32, #tpu.memory_space<vmem_shared>> -> memref<16x128xf32, #tpu.memory_space<vmem_shared>>
      %dma_start3A_439 = arith.constant 0 : i32
      %dma_start3A_440 = tpu.memref_slice %arg16[%add3A_22, %dma_start3A_439] : memref<10240x128xf32, #tpu.memory_space<vmem_shared>> -> memref<16x128xf32, #tpu.memory_space<vmem_shared>>
      tpu.enqueue_dma source(%arg14 : memref<16x128xf32, #tpu.memory_space<vmem>>) target(%dma_start3A_440 : memref<16x128xf32, #tpu.memory_space<vmem_shared>>) target_semaphore(%run_scoped3A_436 : memref<!tpu.dma_semaphore, #tpu.memory_space<semaphore_mem>>)
      %dma_wait3A_441 = arith.constant 0 : i32
      %dma_wait3A_442 = tpu.memref_slice %arg16[%add3A_22, %dma_wait3A_441] : memref<10240x128xf32, #tpu.memory_space<vmem_shared>> -> memref<16x128xf32, #tpu.memory_space<vmem_shared>>
      %dma_wait3A_443 = arith.constant 0 : i32
      %dma_wait3A_444 = tpu.memref_slice %arg16[%add3A_22, %dma_wait3A_443] : memref<10240x128xf32, #tpu.memory_space<vmem_shared>> -> memref<16x128xf32, #tpu.memory_space<vmem_shared>>
      tpu.wait_dma2 semaphore(%run_scoped3A_436 : memref<!tpu.dma_semaphore, #tpu.memory_space<semaphore_mem>>) src(%arg14 : memref<16x128xf32, #tpu.memory_space<vmem>>) dst(%dma_wait3A_444 : memref<16x128xf32, #tpu.memory_space<vmem_shared>>)
      tpu.yield
    }) : () -> ()
    %add3A_23 = arith.constant 160 : i32
    %add3A_24 = arith.addi %mul3A_2, %add3A_23 : i32
    "tpu.region"() ({
      %run_scoped3A_436 = tpu.sem_alloc : memref<!tpu.dma_semaphore, #tpu.memory_space<semaphore_mem>>
      %dma_start3A_437 = arith.constant 0 : i32
      %dma_start3A_438 = tpu.memref_slice %arg16[%add3A_24, %dma_start3A_437] : memref<10240x128xf32, #tpu.memory_space<vmem_shared>> -> memref<16x128xf32, #tpu.memory_space<vmem_shared>>
      %dma_start3A_439 = arith.constant 0 : i32
      %dma_start3A_440 = tpu.memref_slice %arg16[%add3A_24, %dma_start3A_439] : memref<10240x128xf32, #tpu.memory_space<vmem_shared>> -> memref<16x128xf32, #tpu.memory_space<vmem_shared>>
      tpu.enqueue_dma source(%arg14 : memref<16x128xf32, #tpu.memory_space<vmem>>) target(%dma_start3A_440 : memref<16x128xf32, #tpu.memory_space<vmem_shared>>) target_semaphore(%run_scoped3A_436 : memref<!tpu.dma_semaphore, #tpu.memory_space<semaphore_mem>>)
      %dma_wait3A_441 = arith.constant 0 : i32
      %dma_wait3A_442 = tpu.memref_slice %arg16[%add3A_24, %dma_wait3A_441] : memref<10240x128xf32, #tpu.memory_space<vmem_shared>> -> memref<16x128xf32, #tpu.memory_space<vmem_shared>>
      %dma_wait3A_443 = arith.constant 0 : i32
      %dma_wait3A_444 = tpu.memref_slice %arg16[%add3A_24, %dma_wait3A_443] : memref<10240x128xf32, #tpu.memory_space<vmem_shared>> -> memref<16x128xf32, #tpu.memory_space<vmem_shared>>
      tpu.wait_dma2 semaphore(%run_scoped3A_436 : memref<!tpu.dma_semaphore, #tpu.memory_space<semaphore_mem>>) src(%arg14 : memref<16x128xf32, #tpu.memory_space<vmem>>) dst(%dma_wait3A_444 : memref<16x128xf32, #tpu.memory_space<vmem_shared>>)
      tpu.yield
    }) : () -> ()
    %add3A_25 = arith.constant 176 : i32
    %add3A_26 = arith.addi %mul3A_2, %add3A_25 : i32
    "tpu.region"() ({
      %run_scoped3A_436 = tpu.sem_alloc : memref<!tpu.dma_semaphore, #tpu.memory_space<semaphore_mem>>
      %dma_start3A_437 = arith.constant 0 : i32
      %dma_start3A_438 = tpu.memref_slice %arg16[%add3A_26, %dma_start3A_437] : memref<10240x128xf32, #tpu.memory_space<vmem_shared>> -> memref<16x128xf32, #tpu.memory_space<vmem_shared>>
      %dma_start3A_439 = arith.constant 0 : i32
      %dma_start3A_440 = tpu.memref_slice %arg16[%add3A_26, %dma_start3A_439] : memref<10240x128xf32, #tpu.memory_space<vmem_shared>> -> memref<16x128xf32, #tpu.memory_space<vmem_shared>>
      tpu.enqueue_dma source(%arg14 : memref<16x128xf32, #tpu.memory_space<vmem>>) target(%dma_start3A_440 : memref<16x128xf32, #tpu.memory_space<vmem_shared>>) target_semaphore(%run_scoped3A_436 : memref<!tpu.dma_semaphore, #tpu.memory_space<semaphore_mem>>)
      %dma_wait3A_441 = arith.constant 0 : i32
      %dma_wait3A_442 = tpu.memref_slice %arg16[%add3A_26, %dma_wait3A_441] : memref<10240x128xf32, #tpu.memory_space<vmem_shared>> -> memref<16x128xf32, #tpu.memory_space<vmem_shared>>
      %dma_wait3A_443 = arith.constant 0 : i32
      %dma_wait3A_444 = tpu.memref_slice %arg16[%add3A_26, %dma_wait3A_443] : memref<10240x128xf32, #tpu.memory_space<vmem_shared>> -> memref<16x128xf32, #tpu.memory_space<vmem_shared>>
      tpu.wait_dma2 semaphore(%run_scoped3A_436 : memref<!tpu.dma_semaphore, #tpu.memory_space<semaphore_mem>>) src(%arg14 : memref<16x128xf32, #tpu.memory_space<vmem>>) dst(%dma_wait3A_444 : memref<16x128xf32, #tpu.memory_space<vmem_shared>>)
      tpu.yield
    }) : () -> ()
    %add3A_27 = arith.constant 192 : i32
    %add3A_28 = arith.addi %mul3A_2, %add3A_27 : i32
    "tpu.region"() ({
      %run_scoped3A_436 = tpu.sem_alloc : memref<!tpu.dma_semaphore, #tpu.memory_space<semaphore_mem>>
      %dma_start3A_437 = arith.constant 0 : i32
      %dma_start3A_438 = tpu.memref_slice %arg16[%add3A_28, %dma_start3A_437] : memref<10240x128xf32, #tpu.memory_space<vmem_shared>> -> memref<16x128xf32, #tpu.memory_space<vmem_shared>>
      %dma_start3A_439 = arith.constant 0 : i32
      %dma_start3A_440 = tpu.memref_slice %arg16[%add3A_28, %dma_start3A_439] : memref<10240x128xf32, #tpu.memory_space<vmem_shared>> -> memref<16x128xf32, #tpu.memory_space<vmem_shared>>
      tpu.enqueue_dma source(%arg14 : memref<16x128xf32, #tpu.memory_space<vmem>>) target(%dma_start3A_440 : memref<16x128xf32, #tpu.memory_space<vmem_shared>>) target_semaphore(%run_scoped3A_436 : memref<!tpu.dma_semaphore, #tpu.memory_space<semaphore_mem>>)
      %dma_wait3A_441 = arith.constant 0 : i32
      %dma_wait3A_442 = tpu.memref_slice %arg16[%add3A_28, %dma_wait3A_441] : memref<10240x128xf32, #tpu.memory_space<vmem_shared>> -> memref<16x128xf32, #tpu.memory_space<vmem_shared>>
      %dma_wait3A_443 = arith.constant 0 : i32
      %dma_wait3A_444 = tpu.memref_slice %arg16[%add3A_28, %dma_wait3A_443] : memref<10240x128xf32, #tpu.memory_space<vmem_shared>> -> memref<16x128xf32, #tpu.memory_space<vmem_shared>>
      tpu.wait_dma2 semaphore(%run_scoped3A_436 : memref<!tpu.dma_semaphore, #tpu.memory_space<semaphore_mem>>) src(%arg14 : memref<16x128xf32, #tpu.memory_space<vmem>>) dst(%dma_wait3A_444 : memref<16x128xf32, #tpu.memory_space<vmem_shared>>)
      tpu.yield
    }) : () -> ()
    %add3A_29 = arith.constant 208 : i32
    %add3A_30 = arith.addi %mul3A_2, %add3A_29 : i32
    "tpu.region"() ({
      %run_scoped3A_436 = tpu.sem_alloc : memref<!tpu.dma_semaphore, #tpu.memory_space<semaphore_mem>>
      %dma_start3A_437 = arith.constant 0 : i32
      %dma_start3A_438 = tpu.memref_slice %arg16[%add3A_30, %dma_start3A_437] : memref<10240x128xf32, #tpu.memory_space<vmem_shared>> -> memref<16x128xf32, #tpu.memory_space<vmem_shared>>
      %dma_start3A_439 = arith.constant 0 : i32
      %dma_start3A_440 = tpu.memref_slice %arg16[%add3A_30, %dma_start3A_439] : memref<10240x128xf32, #tpu.memory_space<vmem_shared>> -> memref<16x128xf32, #tpu.memory_space<vmem_shared>>
      tpu.enqueue_dma source(%arg14 : memref<16x128xf32, #tpu.memory_space<vmem>>) target(%dma_start3A_440 : memref<16x128xf32, #tpu.memory_space<vmem_shared>>) target_semaphore(%run_scoped3A_436 : memref<!tpu.dma_semaphore, #tpu.memory_space<semaphore_mem>>)
      %dma_wait3A_441 = arith.constant 0 : i32
      %dma_wait3A_442 = tpu.memref_slice %arg16[%add3A_30, %dma_wait3A_441] : memref<10240x128xf32, #tpu.memory_space<vmem_shared>> -> memref<16x128xf32, #tpu.memory_space<vmem_shared>>
      %dma_wait3A_443 = arith.constant 0 : i32
      %dma_wait3A_444 = tpu.memref_slice %arg16[%add3A_30, %dma_wait3A_443] : memref<10240x128xf32, #tpu.memory_space<vmem_shared>> -> memref<16x128xf32, #tpu.memory_space<vmem_shared>>
      tpu.wait_dma2 semaphore(%run_scoped3A_436 : memref<!tpu.dma_semaphore, #tpu.memory_space<semaphore_mem>>) src(%arg14 : memref<16x128xf32, #tpu.memory_space<vmem>>) dst(%dma_wait3A_444 : memref<16x128xf32, #tpu.memory_space<vmem_shared>>)
      tpu.yield
    }) : () -> ()
    %add3A_31 = arith.constant 224 : i32
    %add3A_32 = arith.addi %mul3A_2, %add3A_31 : i32
    "tpu.region"() ({
      %run_scoped3A_436 = tpu.sem_alloc : memref<!tpu.dma_semaphore, #tpu.memory_space<semaphore_mem>>
      %dma_start3A_437 = arith.constant 0 : i32
      %dma_start3A_438 = tpu.memref_slice %arg16[%add3A_32, %dma_start3A_437] : memref<10240x128xf32, #tpu.memory_space<vmem_shared>> -> memref<16x128xf32, #tpu.memory_space<vmem_shared>>
      %dma_start3A_439 = arith.constant 0 : i32
      %dma_start3A_440 = tpu.memref_slice %arg16[%add3A_32, %dma_start3A_439] : memref<10240x128xf32, #tpu.memory_space<vmem_shared>> -> memref<16x128xf32, #tpu.memory_space<vmem_shared>>
      tpu.enqueue_dma source(%arg14 : memref<16x128xf32, #tpu.memory_space<vmem>>) target(%dma_start3A_440 : memref<16x128xf32, #tpu.memory_space<vmem_shared>>) target_semaphore(%run_scoped3A_436 : memref<!tpu.dma_semaphore, #tpu.memory_space<semaphore_mem>>)
      %dma_wait3A_441 = arith.constant 0 : i32
      %dma_wait3A_442 = tpu.memref_slice %arg16[%add3A_32, %dma_wait3A_441] : memref<10240x128xf32, #tpu.memory_space<vmem_shared>> -> memref<16x128xf32, #tpu.memory_space<vmem_shared>>
      %dma_wait3A_443 = arith.constant 0 : i32
      %dma_wait3A_444 = tpu.memref_slice %arg16[%add3A_32, %dma_wait3A_443] : memref<10240x128xf32, #tpu.memory_space<vmem_shared>> -> memref<16x128xf32, #tpu.memory_space<vmem_shared>>
      tpu.wait_dma2 semaphore(%run_scoped3A_436 : memref<!tpu.dma_semaphore, #tpu.memory_space<semaphore_mem>>) src(%arg14 : memref<16x128xf32, #tpu.memory_space<vmem>>) dst(%dma_wait3A_444 : memref<16x128xf32, #tpu.memory_space<vmem_shared>>)
      tpu.yield
    }) : () -> ()
    %add3A_33 = arith.constant 240 : i32
    %add3A_34 = arith.addi %mul3A_2, %add3A_33 : i32
    "tpu.region"() ({
      %run_scoped3A_436 = tpu.sem_alloc : memref<!tpu.dma_semaphore, #tpu.memory_space<semaphore_mem>>
      %dma_start3A_437 = arith.constant 0 : i32
      %dma_start3A_438 = tpu.memref_slice %arg16[%add3A_34, %dma_start3A_437] : memref<10240x128xf32, #tpu.memory_space<vmem_shared>> -> memref<16x128xf32, #tpu.memory_space<vmem_shared>>
      %dma_start3A_439 = arith.constant 0 : i32
      %dma_start3A_440 = tpu.memref_slice %arg16[%add3A_34, %dma_start3A_439] : memref<10240x128xf32, #tpu.memory_space<vmem_shared>> -> memref<16x128xf32, #tpu.memory_space<vmem_shared>>
      tpu.enqueue_dma source(%arg14 : memref<16x128xf32, #tpu.memory_space<vmem>>) target(%dma_start3A_440 : memref<16x128xf32, #tpu.memory_space<vmem_shared>>) target_semaphore(%run_scoped3A_436 : memref<!tpu.dma_semaphore, #tpu.memory_space<semaphore_mem>>)
      %dma_wait3A_441 = arith.constant 0 : i32
      %dma_wait3A_442 = tpu.memref_slice %arg16[%add3A_34, %dma_wait3A_441] : memref<10240x128xf32, #tpu.memory_space<vmem_shared>> -> memref<16x128xf32, #tpu.memory_space<vmem_shared>>
      %dma_wait3A_443 = arith.constant 0 : i32
      %dma_wait3A_444 = tpu.memref_slice %arg16[%add3A_34, %dma_wait3A_443] : memref<10240x128xf32, #tpu.memory_space<vmem_shared>> -> memref<16x128xf32, #tpu.memory_space<vmem_shared>>
      tpu.wait_dma2 semaphore(%run_scoped3A_436 : memref<!tpu.dma_semaphore, #tpu.memory_space<semaphore_mem>>) src(%arg14 : memref<16x128xf32, #tpu.memory_space<vmem>>) dst(%dma_wait3A_444 : memref<16x128xf32, #tpu.memory_space<vmem_shared>>)
      tpu.yield
    }) : () -> ()
    %add3A_35 = arith.constant 256 : i32
    %add3A_36 = arith.addi %mul3A_2, %add3A_35 : i32
    "tpu.region"() ({
      %run_scoped3A_436 = tpu.sem_alloc : memref<!tpu.dma_semaphore, #tpu.memory_space<semaphore_mem>>
      %dma_start3A_437 = arith.constant 0 : i32
      %dma_start3A_438 = tpu.memref_slice %arg16[%add3A_36, %dma_start3A_437] : memref<10240x128xf32, #tpu.memory_space<vmem_shared>> -> memref<16x128xf32, #tpu.memory_space<vmem_shared>>
      %dma_start3A_439 = arith.constant 0 : i32
      %dma_start3A_440 = tpu.memref_slice %arg16[%add3A_36, %dma_start3A_439] : memref<10240x128xf32, #tpu.memory_space<vmem_shared>> -> memref<16x128xf32, #tpu.memory_space<vmem_shared>>
      tpu.enqueue_dma source(%arg14 : memref<16x128xf32, #tpu.memory_space<vmem>>) target(%dma_start3A_440 : memref<16x128xf32, #tpu.memory_space<vmem_shared>>) target_semaphore(%run_scoped3A_436 : memref<!tpu.dma_semaphore, #tpu.memory_space<semaphore_mem>>)
      %dma_wait3A_441 = arith.constant 0 : i32
      %dma_wait3A_442 = tpu.memref_slice %arg16[%add3A_36, %dma_wait3A_441] : memref<10240x128xf32, #tpu.memory_space<vmem_shared>> -> memref<16x128xf32, #tpu.memory_space<vmem_shared>>
      %dma_wait3A_443 = arith.constant 0 : i32
      %dma_wait3A_444 = tpu.memref_slice %arg16[%add3A_36, %dma_wait3A_443] : memref<10240x128xf32, #tpu.memory_space<vmem_shared>> -> memref<16x128xf32, #tpu.memory_space<vmem_shared>>
      tpu.wait_dma2 semaphore(%run_scoped3A_436 : memref<!tpu.dma_semaphore, #tpu.memory_space<semaphore_mem>>) src(%arg14 : memref<16x128xf32, #tpu.memory_space<vmem>>) dst(%dma_wait3A_444 : memref<16x128xf32, #tpu.memory_space<vmem_shared>>)
      tpu.yield
    }) : () -> ()
    %add3A_37 = arith.constant 272 : i32
    %add3A_38 = arith.addi %mul3A_2, %add3A_37 : i32
    "tpu.region"() ({
      %run_scoped3A_436 = tpu.sem_alloc : memref<!tpu.dma_semaphore, #tpu.memory_space<semaphore_mem>>
      %dma_start3A_437 = arith.constant 0 : i32
      %dma_start3A_438 = tpu.memref_slice %arg16[%add3A_38, %dma_start3A_437] : memref<10240x128xf32, #tpu.memory_space<vmem_shared>> -> memref<16x128xf32, #tpu.memory_space<vmem_shared>>
      %dma_start3A_439 = arith.constant 0 : i32
      %dma_start3A_440 = tpu.memref_slice %arg16[%add3A_38, %dma_start3A_439] : memref<10240x128xf32, #tpu.memory_space<vmem_shared>> -> memref<16x128xf32, #tpu.memory_space<vmem_shared>>
      tpu.enqueue_dma source(%arg14 : memref<16x128xf32, #tpu.memory_space<vmem>>) target(%dma_start3A_440 : memref<16x128xf32, #tpu.memory_space<vmem_shared>>) target_semaphore(%run_scoped3A_436 : memref<!tpu.dma_semaphore, #tpu.memory_space<semaphore_mem>>)
      %dma_wait3A_441 = arith.constant 0 : i32
      %dma_wait3A_442 = tpu.memref_slice %arg16[%add3A_38, %dma_wait3A_441] : memref<10240x128xf32, #tpu.memory_space<vmem_shared>> -> memref<16x128xf32, #tpu.memory_space<vmem_shared>>
      %dma_wait3A_443 = arith.constant 0 : i32
      %dma_wait3A_444 = tpu.memref_slice %arg16[%add3A_38, %dma_wait3A_443] : memref<10240x128xf32, #tpu.memory_space<vmem_shared>> -> memref<16x128xf32, #tpu.memory_space<vmem_shared>>
      tpu.wait_dma2 semaphore(%run_scoped3A_436 : memref<!tpu.dma_semaphore, #tpu.memory_space<semaphore_mem>>) src(%arg14 : memref<16x128xf32, #tpu.memory_space<vmem>>) dst(%dma_wait3A_444 : memref<16x128xf32, #tpu.memory_space<vmem_shared>>)
      tpu.yield
    }) : () -> ()
    %add3A_39 = arith.constant 288 : i32
    %add3A_40 = arith.addi %mul3A_2, %add3A_39 : i32
    "tpu.region"() ({
      %run_scoped3A_436 = tpu.sem_alloc : memref<!tpu.dma_semaphore, #tpu.memory_space<semaphore_mem>>
      %dma_start3A_437 = arith.constant 0 : i32
      %dma_start3A_438 = tpu.memref_slice %arg16[%add3A_40, %dma_start3A_437] : memref<10240x128xf32, #tpu.memory_space<vmem_shared>> -> memref<16x128xf32, #tpu.memory_space<vmem_shared>>
      %dma_start3A_439 = arith.constant 0 : i32
      %dma_start3A_440 = tpu.memref_slice %arg16[%add3A_40, %dma_start3A_439] : memref<10240x128xf32, #tpu.memory_space<vmem_shared>> -> memref<16x128xf32, #tpu.memory_space<vmem_shared>>
      tpu.enqueue_dma source(%arg14 : memref<16x128xf32, #tpu.memory_space<vmem>>) target(%dma_start3A_440 : memref<16x128xf32, #tpu.memory_space<vmem_shared>>) target_semaphore(%run_scoped3A_436 : memref<!tpu.dma_semaphore, #tpu.memory_space<semaphore_mem>>)
      %dma_wait3A_441 = arith.constant 0 : i32
      %dma_wait3A_442 = tpu.memref_slice %arg16[%add3A_40, %dma_wait3A_441] : memref<10240x128xf32, #tpu.memory_space<vmem_shared>> -> memref<16x128xf32, #tpu.memory_space<vmem_shared>>
      %dma_wait3A_443 = arith.constant 0 : i32
      %dma_wait3A_444 = tpu.memref_slice %arg16[%add3A_40, %dma_wait3A_443] : memref<10240x128xf32, #tpu.memory_space<vmem_shared>> -> memref<16x128xf32, #tpu.memory_space<vmem_shared>>
      tpu.wait_dma2 semaphore(%run_scoped3A_436 : memref<!tpu.dma_semaphore, #tpu.memory_space<semaphore_mem>>) src(%arg14 : memref<16x128xf32, #tpu.memory_space<vmem>>) dst(%dma_wait3A_444 : memref<16x128xf32, #tpu.memory_space<vmem_shared>>)
      tpu.yield
    }) : () -> ()
    %add3A_41 = arith.constant 304 : i32
    %add3A_42 = arith.addi %mul3A_2, %add3A_41 : i32
    "tpu.region"() ({
      %run_scoped3A_436 = tpu.sem_alloc : memref<!tpu.dma_semaphore, #tpu.memory_space<semaphore_mem>>
      %dma_start3A_437 = arith.constant 0 : i32
      %dma_start3A_438 = tpu.memref_slice %arg16[%add3A_42, %dma_start3A_437] : memref<10240x128xf32, #tpu.memory_space<vmem_shared>> -> memref<16x128xf32, #tpu.memory_space<vmem_shared>>
      %dma_start3A_439 = arith.constant 0 : i32
      %dma_start3A_440 = tpu.memref_slice %arg16[%add3A_42, %dma_start3A_439] : memref<10240x128xf32, #tpu.memory_space<vmem_shared>> -> memref<16x128xf32, #tpu.memory_space<vmem_shared>>
      tpu.enqueue_dma source(%arg14 : memref<16x128xf32, #tpu.memory_space<vmem>>) target(%dma_start3A_440 : memref<16x128xf32, #tpu.memory_space<vmem_shared>>) target_semaphore(%run_scoped3A_436 : memref<!tpu.dma_semaphore, #tpu.memory_space<semaphore_mem>>)
      %dma_wait3A_441 = arith.constant 0 : i32
      %dma_wait3A_442 = tpu.memref_slice %arg16[%add3A_42, %dma_wait3A_441] : memref<10240x128xf32, #tpu.memory_space<vmem_shared>> -> memref<16x128xf32, #tpu.memory_space<vmem_shared>>
      %dma_wait3A_443 = arith.constant 0 : i32
      %dma_wait3A_444 = tpu.memref_slice %arg16[%add3A_42, %dma_wait3A_443] : memref<10240x128xf32, #tpu.memory_space<vmem_shared>> -> memref<16x128xf32, #tpu.memory_space<vmem_shared>>
      tpu.wait_dma2 semaphore(%run_scoped3A_436 : memref<!tpu.dma_semaphore, #tpu.memory_space<semaphore_mem>>) src(%arg14 : memref<16x128xf32, #tpu.memory_space<vmem>>) dst(%dma_wait3A_444 : memref<16x128xf32, #tpu.memory_space<vmem_shared>>)
      tpu.yield
    }) : () -> ()
    %add3A_43 = arith.constant 320 : i32
    %add3A_44 = arith.addi %mul3A_2, %add3A_43 : i32
    "tpu.region"() ({
      %run_scoped3A_436 = tpu.sem_alloc : memref<!tpu.dma_semaphore, #tpu.memory_space<semaphore_mem>>
      %dma_start3A_437 = arith.constant 0 : i32
      %dma_start3A_438 = tpu.memref_slice %arg16[%add3A_44, %dma_start3A_437] : memref<10240x128xf32, #tpu.memory_space<vmem_shared>> -> memref<16x128xf32, #tpu.memory_space<vmem_shared>>
      %dma_start3A_439 = arith.constant 0 : i32
      %dma_start3A_440 = tpu.memref_slice %arg16[%add3A_44, %dma_start3A_439] : memref<10240x128xf32, #tpu.memory_space<vmem_shared>> -> memref<16x128xf32, #tpu.memory_space<vmem_shared>>
      tpu.enqueue_dma source(%arg14 : memref<16x128xf32, #tpu.memory_space<vmem>>) target(%dma_start3A_440 : memref<16x128xf32, #tpu.memory_space<vmem_shared>>) target_semaphore(%run_scoped3A_436 : memref<!tpu.dma_semaphore, #tpu.memory_space<semaphore_mem>>)
      %dma_wait3A_441 = arith.constant 0 : i32
      %dma_wait3A_442 = tpu.memref_slice %arg16[%add3A_44, %dma_wait3A_441] : memref<10240x128xf32, #tpu.memory_space<vmem_shared>> -> memref<16x128xf32, #tpu.memory_space<vmem_shared>>
      %dma_wait3A_443 = arith.constant 0 : i32
      %dma_wait3A_444 = tpu.memref_slice %arg16[%add3A_44, %dma_wait3A_443] : memref<10240x128xf32, #tpu.memory_space<vmem_shared>> -> memref<16x128xf32, #tpu.memory_space<vmem_shared>>
      tpu.wait_dma2 semaphore(%run_scoped3A_436 : memref<!tpu.dma_semaphore, #tpu.memory_space<semaphore_mem>>) src(%arg14 : memref<16x128xf32, #tpu.memory_space<vmem>>) dst(%dma_wait3A_444 : memref<16x128xf32, #tpu.memory_space<vmem_shared>>)
      tpu.yield
    }) : () -> ()
    %add3A_45 = arith.constant 336 : i32
    %add3A_46 = arith.addi %mul3A_2, %add3A_45 : i32
    "tpu.region"() ({
      %run_scoped3A_436 = tpu.sem_alloc : memref<!tpu.dma_semaphore, #tpu.memory_space<semaphore_mem>>
      %dma_start3A_437 = arith.constant 0 : i32
      %dma_start3A_438 = tpu.memref_slice %arg16[%add3A_46, %dma_start3A_437] : memref<10240x128xf32, #tpu.memory_space<vmem_shared>> -> memref<16x128xf32, #tpu.memory_space<vmem_shared>>
      %dma_start3A_439 = arith.constant 0 : i32
      %dma_start3A_440 = tpu.memref_slice %arg16[%add3A_46, %dma_start3A_439] : memref<10240x128xf32, #tpu.memory_space<vmem_shared>> -> memref<16x128xf32, #tpu.memory_space<vmem_shared>>
      tpu.enqueue_dma source(%arg14 : memref<16x128xf32, #tpu.memory_space<vmem>>) target(%dma_start3A_440 : memref<16x128xf32, #tpu.memory_space<vmem_shared>>) target_semaphore(%run_scoped3A_436 : memref<!tpu.dma_semaphore, #tpu.memory_space<semaphore_mem>>)
      %dma_wait3A_441 = arith.constant 0 : i32
      %dma_wait3A_442 = tpu.memref_slice %arg16[%add3A_46, %dma_wait3A_441] : memref<10240x128xf32, #tpu.memory_space<vmem_shared>> -> memref<16x128xf32, #tpu.memory_space<vmem_shared>>
      %dma_wait3A_443 = arith.constant 0 : i32
      %dma_wait3A_444 = tpu.memref_slice %arg16[%add3A_46, %dma_wait3A_443] : memref<10240x128xf32, #tpu.memory_space<vmem_shared>> -> memref<16x128xf32, #tpu.memory_space<vmem_shared>>
      tpu.wait_dma2 semaphore(%run_scoped3A_436 : memref<!tpu.dma_semaphore, #tpu.memory_space<semaphore_mem>>) src(%arg14 : memref<16x128xf32, #tpu.memory_space<vmem>>) dst(%dma_wait3A_444 : memref<16x128xf32, #tpu.memory_space<vmem_shared>>)
      tpu.yield
    }) : () -> ()
    %add3A_47 = arith.constant 352 : i32
    %add3A_48 = arith.addi %mul3A_2, %add3A_47 : i32
    "tpu.region"() ({
      %run_scoped3A_436 = tpu.sem_alloc : memref<!tpu.dma_semaphore, #tpu.memory_space<semaphore_mem>>
      %dma_start3A_437 = arith.constant 0 : i32
      %dma_start3A_438 = tpu.memref_slice %arg16[%add3A_48, %dma_start3A_437] : memref<10240x128xf32, #tpu.memory_space<vmem_shared>> -> memref<16x128xf32, #tpu.memory_space<vmem_shared>>
      %dma_start3A_439 = arith.constant 0 : i32
      %dma_start3A_440 = tpu.memref_slice %arg16[%add3A_48, %dma_start3A_439] : memref<10240x128xf32, #tpu.memory_space<vmem_shared>> -> memref<16x128xf32, #tpu.memory_space<vmem_shared>>
      tpu.enqueue_dma source(%arg14 : memref<16x128xf32, #tpu.memory_space<vmem>>) target(%dma_start3A_440 : memref<16x128xf32, #tpu.memory_space<vmem_shared>>) target_semaphore(%run_scoped3A_436 : memref<!tpu.dma_semaphore, #tpu.memory_space<semaphore_mem>>)
      %dma_wait3A_441 = arith.constant 0 : i32
      %dma_wait3A_442 = tpu.memref_slice %arg16[%add3A_48, %dma_wait3A_441] : memref<10240x128xf32, #tpu.memory_space<vmem_shared>> -> memref<16x128xf32, #tpu.memory_space<vmem_shared>>
      %dma_wait3A_443 = arith.constant 0 : i32
      %dma_wait3A_444 = tpu.memref_slice %arg16[%add3A_48, %dma_wait3A_443] : memref<10240x128xf32, #tpu.memory_space<vmem_shared>> -> memref<16x128xf32, #tpu.memory_space<vmem_shared>>
      tpu.wait_dma2 semaphore(%run_scoped3A_436 : memref<!tpu.dma_semaphore, #tpu.memory_space<semaphore_mem>>) src(%arg14 : memref<16x128xf32, #tpu.memory_space<vmem>>) dst(%dma_wait3A_444 : memref<16x128xf32, #tpu.memory_space<vmem_shared>>)
      tpu.yield
    }) : () -> ()
    %add3A_49 = arith.constant 368 : i32
    %add3A_50 = arith.addi %mul3A_2, %add3A_49 : i32
    "tpu.region"() ({
      %run_scoped3A_436 = tpu.sem_alloc : memref<!tpu.dma_semaphore, #tpu.memory_space<semaphore_mem>>
      %dma_start3A_437 = arith.constant 0 : i32
      %dma_start3A_438 = tpu.memref_slice %arg16[%add3A_50, %dma_start3A_437] : memref<10240x128xf32, #tpu.memory_space<vmem_shared>> -> memref<16x128xf32, #tpu.memory_space<vmem_shared>>
      %dma_start3A_439 = arith.constant 0 : i32
      %dma_start3A_440 = tpu.memref_slice %arg16[%add3A_50, %dma_start3A_439] : memref<10240x128xf32, #tpu.memory_space<vmem_shared>> -> memref<16x128xf32, #tpu.memory_space<vmem_shared>>
      tpu.enqueue_dma source(%arg14 : memref<16x128xf32, #tpu.memory_space<vmem>>) target(%dma_start3A_440 : memref<16x128xf32, #tpu.memory_space<vmem_shared>>) target_semaphore(%run_scoped3A_436 : memref<!tpu.dma_semaphore, #tpu.memory_space<semaphore_mem>>)
      %dma_wait3A_441 = arith.constant 0 : i32
      %dma_wait3A_442 = tpu.memref_slice %arg16[%add3A_50, %dma_wait3A_441] : memref<10240x128xf32, #tpu.memory_space<vmem_shared>> -> memref<16x128xf32, #tpu.memory_space<vmem_shared>>
      %dma_wait3A_443 = arith.constant 0 : i32
      %dma_wait3A_444 = tpu.memref_slice %arg16[%add3A_50, %dma_wait3A_443] : memref<10240x128xf32, #tpu.memory_space<vmem_shared>> -> memref<16x128xf32, #tpu.memory_space<vmem_shared>>
      tpu.wait_dma2 semaphore(%run_scoped3A_436 : memref<!tpu.dma_semaphore, #tpu.memory_space<semaphore_mem>>) src(%arg14 : memref<16x128xf32, #tpu.memory_space<vmem>>) dst(%dma_wait3A_444 : memref<16x128xf32, #tpu.memory_space<vmem_shared>>)
      tpu.yield
    }) : () -> ()
    %add3A_51 = arith.constant 384 : i32
    %add3A_52 = arith.addi %mul3A_2, %add3A_51 : i32
    "tpu.region"() ({
      %run_scoped3A_436 = tpu.sem_alloc : memref<!tpu.dma_semaphore, #tpu.memory_space<semaphore_mem>>
      %dma_start3A_437 = arith.constant 0 : i32
      %dma_start3A_438 = tpu.memref_slice %arg16[%add3A_52, %dma_start3A_437] : memref<10240x128xf32, #tpu.memory_space<vmem_shared>> -> memref<16x128xf32, #tpu.memory_space<vmem_shared>>
      %dma_start3A_439 = arith.constant 0 : i32
      %dma_start3A_440 = tpu.memref_slice %arg16[%add3A_52, %dma_start3A_439] : memref<10240x128xf32, #tpu.memory_space<vmem_shared>> -> memref<16x128xf32, #tpu.memory_space<vmem_shared>>
      tpu.enqueue_dma source(%arg14 : memref<16x128xf32, #tpu.memory_space<vmem>>) target(%dma_start3A_440 : memref<16x128xf32, #tpu.memory_space<vmem_shared>>) target_semaphore(%run_scoped3A_436 : memref<!tpu.dma_semaphore, #tpu.memory_space<semaphore_mem>>)
      %dma_wait3A_441 = arith.constant 0 : i32
      %dma_wait3A_442 = tpu.memref_slice %arg16[%add3A_52, %dma_wait3A_441] : memref<10240x128xf32, #tpu.memory_space<vmem_shared>> -> memref<16x128xf32, #tpu.memory_space<vmem_shared>>
      %dma_wait3A_443 = arith.constant 0 : i32
      %dma_wait3A_444 = tpu.memref_slice %arg16[%add3A_52, %dma_wait3A_443] : memref<10240x128xf32, #tpu.memory_space<vmem_shared>> -> memref<16x128xf32, #tpu.memory_space<vmem_shared>>
      tpu.wait_dma2 semaphore(%run_scoped3A_436 : memref<!tpu.dma_semaphore, #tpu.memory_space<semaphore_mem>>) src(%arg14 : memref<16x128xf32, #tpu.memory_space<vmem>>) dst(%dma_wait3A_444 : memref<16x128xf32, #tpu.memory_space<vmem_shared>>)
      tpu.yield
    }) : () -> ()
    %add3A_53 = arith.constant 400 : i32
    %add3A_54 = arith.addi %mul3A_2, %add3A_53 : i32
    "tpu.region"() ({
      %run_scoped3A_436 = tpu.sem_alloc : memref<!tpu.dma_semaphore, #tpu.memory_space<semaphore_mem>>
      %dma_start3A_437 = arith.constant 0 : i32
      %dma_start3A_438 = tpu.memref_slice %arg16[%add3A_54, %dma_start3A_437] : memref<10240x128xf32, #tpu.memory_space<vmem_shared>> -> memref<16x128xf32, #tpu.memory_space<vmem_shared>>
      %dma_start3A_439 = arith.constant 0 : i32
      %dma_start3A_440 = tpu.memref_slice %arg16[%add3A_54, %dma_start3A_439] : memref<10240x128xf32, #tpu.memory_space<vmem_shared>> -> memref<16x128xf32, #tpu.memory_space<vmem_shared>>
      tpu.enqueue_dma source(%arg14 : memref<16x128xf32, #tpu.memory_space<vmem>>) target(%dma_start3A_440 : memref<16x128xf32, #tpu.memory_space<vmem_shared>>) target_semaphore(%run_scoped3A_436 : memref<!tpu.dma_semaphore, #tpu.memory_space<semaphore_mem>>)
      %dma_wait3A_441 = arith.constant 0 : i32
      %dma_wait3A_442 = tpu.memref_slice %arg16[%add3A_54, %dma_wait3A_441] : memref<10240x128xf32, #tpu.memory_space<vmem_shared>> -> memref<16x128xf32, #tpu.memory_space<vmem_shared>>
      %dma_wait3A_443 = arith.constant 0 : i32
      %dma_wait3A_444 = tpu.memref_slice %arg16[%add3A_54, %dma_wait3A_443] : memref<10240x128xf32, #tpu.memory_space<vmem_shared>> -> memref<16x128xf32, #tpu.memory_space<vmem_shared>>
      tpu.wait_dma2 semaphore(%run_scoped3A_436 : memref<!tpu.dma_semaphore, #tpu.memory_space<semaphore_mem>>) src(%arg14 : memref<16x128xf32, #tpu.memory_space<vmem>>) dst(%dma_wait3A_444 : memref<16x128xf32, #tpu.memory_space<vmem_shared>>)
      tpu.yield
    }) : () -> ()
    %add3A_55 = arith.constant 416 : i32
    %add3A_56 = arith.addi %mul3A_2, %add3A_55 : i32
    "tpu.region"() ({
      %run_scoped3A_436 = tpu.sem_alloc : memref<!tpu.dma_semaphore, #tpu.memory_space<semaphore_mem>>
      %dma_start3A_437 = arith.constant 0 : i32
      %dma_start3A_438 = tpu.memref_slice %arg16[%add3A_56, %dma_start3A_437] : memref<10240x128xf32, #tpu.memory_space<vmem_shared>> -> memref<16x128xf32, #tpu.memory_space<vmem_shared>>
      %dma_start3A_439 = arith.constant 0 : i32
      %dma_start3A_440 = tpu.memref_slice %arg16[%add3A_56, %dma_start3A_439] : memref<10240x128xf32, #tpu.memory_space<vmem_shared>> -> memref<16x128xf32, #tpu.memory_space<vmem_shared>>
      tpu.enqueue_dma source(%arg14 : memref<16x128xf32, #tpu.memory_space<vmem>>) target(%dma_start3A_440 : memref<16x128xf32, #tpu.memory_space<vmem_shared>>) target_semaphore(%run_scoped3A_436 : memref<!tpu.dma_semaphore, #tpu.memory_space<semaphore_mem>>)
      %dma_wait3A_441 = arith.constant 0 : i32
      %dma_wait3A_442 = tpu.memref_slice %arg16[%add3A_56, %dma_wait3A_441] : memref<10240x128xf32, #tpu.memory_space<vmem_shared>> -> memref<16x128xf32, #tpu.memory_space<vmem_shared>>
      %dma_wait3A_443 = arith.constant 0 : i32
      %dma_wait3A_444 = tpu.memref_slice %arg16[%add3A_56, %dma_wait3A_443] : memref<10240x128xf32, #tpu.memory_space<vmem_shared>> -> memref<16x128xf32, #tpu.memory_space<vmem_shared>>
      tpu.wait_dma2 semaphore(%run_scoped3A_436 : memref<!tpu.dma_semaphore, #tpu.memory_space<semaphore_mem>>) src(%arg14 : memref<16x128xf32, #tpu.memory_space<vmem>>) dst(%dma_wait3A_444 : memref<16x128xf32, #tpu.memory_space<vmem_shared>>)
      tpu.yield
    }) : () -> ()
    %add3A_57 = arith.constant 432 : i32
    %add3A_58 = arith.addi %mul3A_2, %add3A_57 : i32
    "tpu.region"() ({
      %run_scoped3A_436 = tpu.sem_alloc : memref<!tpu.dma_semaphore, #tpu.memory_space<semaphore_mem>>
      %dma_start3A_437 = arith.constant 0 : i32
      %dma_start3A_438 = tpu.memref_slice %arg16[%add3A_58, %dma_start3A_437] : memref<10240x128xf32, #tpu.memory_space<vmem_shared>> -> memref<16x128xf32, #tpu.memory_space<vmem_shared>>
      %dma_start3A_439 = arith.constant 0 : i32
      %dma_start3A_440 = tpu.memref_slice %arg16[%add3A_58, %dma_start3A_439] : memref<10240x128xf32, #tpu.memory_space<vmem_shared>> -> memref<16x128xf32, #tpu.memory_space<vmem_shared>>
      tpu.enqueue_dma source(%arg14 : memref<16x128xf32, #tpu.memory_space<vmem>>) target(%dma_start3A_440 : memref<16x128xf32, #tpu.memory_space<vmem_shared>>) target_semaphore(%run_scoped3A_436 : memref<!tpu.dma_semaphore, #tpu.memory_space<semaphore_mem>>)
      %dma_wait3A_441 = arith.constant 0 : i32
      %dma_wait3A_442 = tpu.memref_slice %arg16[%add3A_58, %dma_wait3A_441] : memref<10240x128xf32, #tpu.memory_space<vmem_shared>> -> memref<16x128xf32, #tpu.memory_space<vmem_shared>>
      %dma_wait3A_443 = arith.constant 0 : i32
      %dma_wait3A_444 = tpu.memref_slice %arg16[%add3A_58, %dma_wait3A_443] : memref<10240x128xf32, #tpu.memory_space<vmem_shared>> -> memref<16x128xf32, #tpu.memory_space<vmem_shared>>
      tpu.wait_dma2 semaphore(%run_scoped3A_436 : memref<!tpu.dma_semaphore, #tpu.memory_space<semaphore_mem>>) src(%arg14 : memref<16x128xf32, #tpu.memory_space<vmem>>) dst(%dma_wait3A_444 : memref<16x128xf32, #tpu.memory_space<vmem_shared>>)
      tpu.yield
    }) : () -> ()
    %add3A_59 = arith.constant 448 : i32
    %add3A_60 = arith.addi %mul3A_2, %add3A_59 : i32
    "tpu.region"() ({
      %run_scoped3A_436 = tpu.sem_alloc : memref<!tpu.dma_semaphore, #tpu.memory_space<semaphore_mem>>
      %dma_start3A_437 = arith.constant 0 : i32
      %dma_start3A_438 = tpu.memref_slice %arg16[%add3A_60, %dma_start3A_437] : memref<10240x128xf32, #tpu.memory_space<vmem_shared>> -> memref<16x128xf32, #tpu.memory_space<vmem_shared>>
      %dma_start3A_439 = arith.constant 0 : i32
      %dma_start3A_440 = tpu.memref_slice %arg16[%add3A_60, %dma_start3A_439] : memref<10240x128xf32, #tpu.memory_space<vmem_shared>> -> memref<16x128xf32, #tpu.memory_space<vmem_shared>>
      tpu.enqueue_dma source(%arg14 : memref<16x128xf32, #tpu.memory_space<vmem>>) target(%dma_start3A_440 : memref<16x128xf32, #tpu.memory_space<vmem_shared>>) target_semaphore(%run_scoped3A_436 : memref<!tpu.dma_semaphore, #tpu.memory_space<semaphore_mem>>)
      %dma_wait3A_441 = arith.constant 0 : i32
      %dma_wait3A_442 = tpu.memref_slice %arg16[%add3A_60, %dma_wait3A_441] : memref<10240x128xf32, #tpu.memory_space<vmem_shared>> -> memref<16x128xf32, #tpu.memory_space<vmem_shared>>
      %dma_wait3A_443 = arith.constant 0 : i32
      %dma_wait3A_444 = tpu.memref_slice %arg16[%add3A_60, %dma_wait3A_443] : memref<10240x128xf32, #tpu.memory_space<vmem_shared>> -> memref<16x128xf32, #tpu.memory_space<vmem_shared>>
      tpu.wait_dma2 semaphore(%run_scoped3A_436 : memref<!tpu.dma_semaphore, #tpu.memory_space<semaphore_mem>>) src(%arg14 : memref<16x128xf32, #tpu.memory_space<vmem>>) dst(%dma_wait3A_444 : memref<16x128xf32, #tpu.memory_space<vmem_shared>>)
      tpu.yield
    }) : () -> ()
    %add3A_61 = arith.constant 464 : i32
    %add3A_62 = arith.addi %mul3A_2, %add3A_61 : i32
    "tpu.region"() ({
      %run_scoped3A_436 = tpu.sem_alloc : memref<!tpu.dma_semaphore, #tpu.memory_space<semaphore_mem>>
      %dma_start3A_437 = arith.constant 0 : i32
      %dma_start3A_438 = tpu.memref_slice %arg16[%add3A_62, %dma_start3A_437] : memref<10240x128xf32, #tpu.memory_space<vmem_shared>> -> memref<16x128xf32, #tpu.memory_space<vmem_shared>>
      %dma_start3A_439 = arith.constant 0 : i32
      %dma_start3A_440 = tpu.memref_slice %arg16[%add3A_62, %dma_start3A_439] : memref<10240x128xf32, #tpu.memory_space<vmem_shared>> -> memref<16x128xf32, #tpu.memory_space<vmem_shared>>
      tpu.enqueue_dma source(%arg14 : memref<16x128xf32, #tpu.memory_space<vmem>>) target(%dma_start3A_440 : memref<16x128xf32, #tpu.memory_space<vmem_shared>>) target_semaphore(%run_scoped3A_436 : memref<!tpu.dma_semaphore, #tpu.memory_space<semaphore_mem>>)
      %dma_wait3A_441 = arith.constant 0 : i32
      %dma_wait3A_442 = tpu.memref_slice %arg16[%add3A_62, %dma_wait3A_441] : memref<10240x128xf32, #tpu.memory_space<vmem_shared>> -> memref<16x128xf32, #tpu.memory_space<vmem_shared>>
      %dma_wait3A_443 = arith.constant 0 : i32
      %dma_wait3A_444 = tpu.memref_slice %arg16[%add3A_62, %dma_wait3A_443] : memref<10240x128xf32, #tpu.memory_space<vmem_shared>> -> memref<16x128xf32, #tpu.memory_space<vmem_shared>>
      tpu.wait_dma2 semaphore(%run_scoped3A_436 : memref<!tpu.dma_semaphore, #tpu.memory_space<semaphore_mem>>) src(%arg14 : memref<16x128xf32, #tpu.memory_space<vmem>>) dst(%dma_wait3A_444 : memref<16x128xf32, #tpu.memory_space<vmem_shared>>)
      tpu.yield
    }) : () -> ()
    %add3A_63 = arith.constant 480 : i32
    %add3A_64 = arith.addi %mul3A_2, %add3A_63 : i32
    "tpu.region"() ({
      %run_scoped3A_436 = tpu.sem_alloc : memref<!tpu.dma_semaphore, #tpu.memory_space<semaphore_mem>>
      %dma_start3A_437 = arith.constant 0 : i32
      %dma_start3A_438 = tpu.memref_slice %arg16[%add3A_64, %dma_start3A_437] : memref<10240x128xf32, #tpu.memory_space<vmem_shared>> -> memref<16x128xf32, #tpu.memory_space<vmem_shared>>
      %dma_start3A_439 = arith.constant 0 : i32
      %dma_start3A_440 = tpu.memref_slice %arg16[%add3A_64, %dma_start3A_439] : memref<10240x128xf32, #tpu.memory_space<vmem_shared>> -> memref<16x128xf32, #tpu.memory_space<vmem_shared>>
      tpu.enqueue_dma source(%arg14 : memref<16x128xf32, #tpu.memory_space<vmem>>) target(%dma_start3A_440 : memref<16x128xf32, #tpu.memory_space<vmem_shared>>) target_semaphore(%run_scoped3A_436 : memref<!tpu.dma_semaphore, #tpu.memory_space<semaphore_mem>>)
      %dma_wait3A_441 = arith.constant 0 : i32
      %dma_wait3A_442 = tpu.memref_slice %arg16[%add3A_64, %dma_wait3A_441] : memref<10240x128xf32, #tpu.memory_space<vmem_shared>> -> memref<16x128xf32, #tpu.memory_space<vmem_shared>>
      %dma_wait3A_443 = arith.constant 0 : i32
      %dma_wait3A_444 = tpu.memref_slice %arg16[%add3A_64, %dma_wait3A_443] : memref<10240x128xf32, #tpu.memory_space<vmem_shared>> -> memref<16x128xf32, #tpu.memory_space<vmem_shared>>
      tpu.wait_dma2 semaphore(%run_scoped3A_436 : memref<!tpu.dma_semaphore, #tpu.memory_space<semaphore_mem>>) src(%arg14 : memref<16x128xf32, #tpu.memory_space<vmem>>) dst(%dma_wait3A_444 : memref<16x128xf32, #tpu.memory_space<vmem_shared>>)
      tpu.yield
    }) : () -> ()
    %add3A_65 = arith.constant 496 : i32
    %add3A_66 = arith.addi %mul3A_2, %add3A_65 : i32
    "tpu.region"() ({
      %run_scoped3A_436 = tpu.sem_alloc : memref<!tpu.dma_semaphore, #tpu.memory_space<semaphore_mem>>
      %dma_start3A_437 = arith.constant 0 : i32
      %dma_start3A_438 = tpu.memref_slice %arg16[%add3A_66, %dma_start3A_437] : memref<10240x128xf32, #tpu.memory_space<vmem_shared>> -> memref<16x128xf32, #tpu.memory_space<vmem_shared>>
      %dma_start3A_439 = arith.constant 0 : i32
      %dma_start3A_440 = tpu.memref_slice %arg16[%add3A_66, %dma_start3A_439] : memref<10240x128xf32, #tpu.memory_space<vmem_shared>> -> memref<16x128xf32, #tpu.memory_space<vmem_shared>>
      tpu.enqueue_dma source(%arg14 : memref<16x128xf32, #tpu.memory_space<vmem>>) target(%dma_start3A_440 : memref<16x128xf32, #tpu.memory_space<vmem_shared>>) target_semaphore(%run_scoped3A_436 : memref<!tpu.dma_semaphore, #tpu.memory_space<semaphore_mem>>)
      %dma_wait3A_441 = arith.constant 0 : i32
      %dma_wait3A_442 = tpu.memref_slice %arg16[%add3A_66, %dma_wait3A_441] : memref<10240x128xf32, #tpu.memory_space<vmem_shared>> -> memref<16x128xf32, #tpu.memory_space<vmem_shared>>
      %dma_wait3A_443 = arith.constant 0 : i32
      %dma_wait3A_444 = tpu.memref_slice %arg16[%add3A_66, %dma_wait3A_443] : memref<10240x128xf32, #tpu.memory_space<vmem_shared>> -> memref<16x128xf32, #tpu.memory_space<vmem_shared>>
      tpu.wait_dma2 semaphore(%run_scoped3A_436 : memref<!tpu.dma_semaphore, #tpu.memory_space<semaphore_mem>>) src(%arg14 : memref<16x128xf32, #tpu.memory_space<vmem>>) dst(%dma_wait3A_444 : memref<16x128xf32, #tpu.memory_space<vmem_shared>>)
      tpu.yield
    }) : () -> ()
    %add3A_67 = arith.constant 512 : i32
    %add3A_68 = arith.addi %mul3A_2, %add3A_67 : i32
    "tpu.region"() ({
      %run_scoped3A_436 = tpu.sem_alloc : memref<!tpu.dma_semaphore, #tpu.memory_space<semaphore_mem>>
      %dma_start3A_437 = arith.constant 0 : i32
      %dma_start3A_438 = tpu.memref_slice %arg16[%add3A_68, %dma_start3A_437] : memref<10240x128xf32, #tpu.memory_space<vmem_shared>> -> memref<16x128xf32, #tpu.memory_space<vmem_shared>>
      %dma_start3A_439 = arith.constant 0 : i32
      %dma_start3A_440 = tpu.memref_slice %arg16[%add3A_68, %dma_start3A_439] : memref<10240x128xf32, #tpu.memory_space<vmem_shared>> -> memref<16x128xf32, #tpu.memory_space<vmem_shared>>
      tpu.enqueue_dma source(%arg14 : memref<16x128xf32, #tpu.memory_space<vmem>>) target(%dma_start3A_440 : memref<16x128xf32, #tpu.memory_space<vmem_shared>>) target_semaphore(%run_scoped3A_436 : memref<!tpu.dma_semaphore, #tpu.memory_space<semaphore_mem>>)
      %dma_wait3A_441 = arith.constant 0 : i32
      %dma_wait3A_442 = tpu.memref_slice %arg16[%add3A_68, %dma_wait3A_441] : memref<10240x128xf32, #tpu.memory_space<vmem_shared>> -> memref<16x128xf32, #tpu.memory_space<vmem_shared>>
      %dma_wait3A_443 = arith.constant 0 : i32
      %dma_wait3A_444 = tpu.memref_slice %arg16[%add3A_68, %dma_wait3A_443] : memref<10240x128xf32, #tpu.memory_space<vmem_shared>> -> memref<16x128xf32, #tpu.memory_space<vmem_shared>>
      tpu.wait_dma2 semaphore(%run_scoped3A_436 : memref<!tpu.dma_semaphore, #tpu.memory_space<semaphore_mem>>) src(%arg14 : memref<16x128xf32, #tpu.memory_space<vmem>>) dst(%dma_wait3A_444 : memref<16x128xf32, #tpu.memory_space<vmem_shared>>)
      tpu.yield
    }) : () -> ()
    %add3A_69 = arith.constant 528 : i32
    %add3A_70 = arith.addi %mul3A_2, %add3A_69 : i32
    "tpu.region"() ({
      %run_scoped3A_436 = tpu.sem_alloc : memref<!tpu.dma_semaphore, #tpu.memory_space<semaphore_mem>>
      %dma_start3A_437 = arith.constant 0 : i32
      %dma_start3A_438 = tpu.memref_slice %arg16[%add3A_70, %dma_start3A_437] : memref<10240x128xf32, #tpu.memory_space<vmem_shared>> -> memref<16x128xf32, #tpu.memory_space<vmem_shared>>
      %dma_start3A_439 = arith.constant 0 : i32
      %dma_start3A_440 = tpu.memref_slice %arg16[%add3A_70, %dma_start3A_439] : memref<10240x128xf32, #tpu.memory_space<vmem_shared>> -> memref<16x128xf32, #tpu.memory_space<vmem_shared>>
      tpu.enqueue_dma source(%arg14 : memref<16x128xf32, #tpu.memory_space<vmem>>) target(%dma_start3A_440 : memref<16x128xf32, #tpu.memory_space<vmem_shared>>) target_semaphore(%run_scoped3A_436 : memref<!tpu.dma_semaphore, #tpu.memory_space<semaphore_mem>>)
      %dma_wait3A_441 = arith.constant 0 : i32
      %dma_wait3A_442 = tpu.memref_slice %arg16[%add3A_70, %dma_wait3A_441] : memref<10240x128xf32, #tpu.memory_space<vmem_shared>> -> memref<16x128xf32, #tpu.memory_space<vmem_shared>>
      %dma_wait3A_443 = arith.constant 0 : i32
      %dma_wait3A_444 = tpu.memref_slice %arg16[%add3A_70, %dma_wait3A_443] : memref<10240x128xf32, #tpu.memory_space<vmem_shared>> -> memref<16x128xf32, #tpu.memory_space<vmem_shared>>
      tpu.wait_dma2 semaphore(%run_scoped3A_436 : memref<!tpu.dma_semaphore, #tpu.memory_space<semaphore_mem>>) src(%arg14 : memref<16x128xf32, #tpu.memory_space<vmem>>) dst(%dma_wait3A_444 : memref<16x128xf32, #tpu.memory_space<vmem_shared>>)
      tpu.yield
    }) : () -> ()
    %add3A_71 = arith.constant 544 : i32
    %add3A_72 = arith.addi %mul3A_2, %add3A_71 : i32
    "tpu.region"() ({
      %run_scoped3A_436 = tpu.sem_alloc : memref<!tpu.dma_semaphore, #tpu.memory_space<semaphore_mem>>
      %dma_start3A_437 = arith.constant 0 : i32
      %dma_start3A_438 = tpu.memref_slice %arg16[%add3A_72, %dma_start3A_437] : memref<10240x128xf32, #tpu.memory_space<vmem_shared>> -> memref<16x128xf32, #tpu.memory_space<vmem_shared>>
      %dma_start3A_439 = arith.constant 0 : i32
      %dma_start3A_440 = tpu.memref_slice %arg16[%add3A_72, %dma_start3A_439] : memref<10240x128xf32, #tpu.memory_space<vmem_shared>> -> memref<16x128xf32, #tpu.memory_space<vmem_shared>>
      tpu.enqueue_dma source(%arg14 : memref<16x128xf32, #tpu.memory_space<vmem>>) target(%dma_start3A_440 : memref<16x128xf32, #tpu.memory_space<vmem_shared>>) target_semaphore(%run_scoped3A_436 : memref<!tpu.dma_semaphore, #tpu.memory_space<semaphore_mem>>)
      %dma_wait3A_441 = arith.constant 0 : i32
      %dma_wait3A_442 = tpu.memref_slice %arg16[%add3A_72, %dma_wait3A_441] : memref<10240x128xf32, #tpu.memory_space<vmem_shared>> -> memref<16x128xf32, #tpu.memory_space<vmem_shared>>
      %dma_wait3A_443 = arith.constant 0 : i32
      %dma_wait3A_444 = tpu.memref_slice %arg16[%add3A_72, %dma_wait3A_443] : memref<10240x128xf32, #tpu.memory_space<vmem_shared>> -> memref<16x128xf32, #tpu.memory_space<vmem_shared>>
      tpu.wait_dma2 semaphore(%run_scoped3A_436 : memref<!tpu.dma_semaphore, #tpu.memory_space<semaphore_mem>>) src(%arg14 : memref<16x128xf32, #tpu.memory_space<vmem>>) dst(%dma_wait3A_444 : memref<16x128xf32, #tpu.memory_space<vmem_shared>>)
      tpu.yield
    }) : () -> ()
    %add3A_73 = arith.constant 560 : i32
    %add3A_74 = arith.addi %mul3A_2, %add3A_73 : i32
    "tpu.region"() ({
      %run_scoped3A_436 = tpu.sem_alloc : memref<!tpu.dma_semaphore, #tpu.memory_space<semaphore_mem>>
      %dma_start3A_437 = arith.constant 0 : i32
      %dma_start3A_438 = tpu.memref_slice %arg16[%add3A_74, %dma_start3A_437] : memref<10240x128xf32, #tpu.memory_space<vmem_shared>> -> memref<16x128xf32, #tpu.memory_space<vmem_shared>>
      %dma_start3A_439 = arith.constant 0 : i32
      %dma_start3A_440 = tpu.memref_slice %arg16[%add3A_74, %dma_start3A_439] : memref<10240x128xf32, #tpu.memory_space<vmem_shared>> -> memref<16x128xf32, #tpu.memory_space<vmem_shared>>
      tpu.enqueue_dma source(%arg14 : memref<16x128xf32, #tpu.memory_space<vmem>>) target(%dma_start3A_440 : memref<16x128xf32, #tpu.memory_space<vmem_shared>>) target_semaphore(%run_scoped3A_436 : memref<!tpu.dma_semaphore, #tpu.memory_space<semaphore_mem>>)
      %dma_wait3A_441 = arith.constant 0 : i32
      %dma_wait3A_442 = tpu.memref_slice %arg16[%add3A_74, %dma_wait3A_441] : memref<10240x128xf32, #tpu.memory_space<vmem_shared>> -> memref<16x128xf32, #tpu.memory_space<vmem_shared>>
      %dma_wait3A_443 = arith.constant 0 : i32
      %dma_wait3A_444 = tpu.memref_slice %arg16[%add3A_74, %dma_wait3A_443] : memref<10240x128xf32, #tpu.memory_space<vmem_shared>> -> memref<16x128xf32, #tpu.memory_space<vmem_shared>>
      tpu.wait_dma2 semaphore(%run_scoped3A_436 : memref<!tpu.dma_semaphore, #tpu.memory_space<semaphore_mem>>) src(%arg14 : memref<16x128xf32, #tpu.memory_space<vmem>>) dst(%dma_wait3A_444 : memref<16x128xf32, #tpu.memory_space<vmem_shared>>)
      tpu.yield
    }) : () -> ()
    %add3A_75 = arith.constant 576 : i32
    %add3A_76 = arith.addi %mul3A_2, %add3A_75 : i32
    "tpu.region"() ({
      %run_scoped3A_436 = tpu.sem_alloc : memref<!tpu.dma_semaphore, #tpu.memory_space<semaphore_mem>>
      %dma_start3A_437 = arith.constant 0 : i32
      %dma_start3A_438 = tpu.memref_slice %arg16[%add3A_76, %dma_start3A_437] : memref<10240x128xf32, #tpu.memory_space<vmem_shared>> -> memref<16x128xf32, #tpu.memory_space<vmem_shared>>
      %dma_start3A_439 = arith.constant 0 : i32
      %dma_start3A_440 = tpu.memref_slice %arg16[%add3A_76, %dma_start3A_439] : memref<10240x128xf32, #tpu.memory_space<vmem_shared>> -> memref<16x128xf32, #tpu.memory_space<vmem_shared>>
      tpu.enqueue_dma source(%arg14 : memref<16x128xf32, #tpu.memory_space<vmem>>) target(%dma_start3A_440 : memref<16x128xf32, #tpu.memory_space<vmem_shared>>) target_semaphore(%run_scoped3A_436 : memref<!tpu.dma_semaphore, #tpu.memory_space<semaphore_mem>>)
      %dma_wait3A_441 = arith.constant 0 : i32
      %dma_wait3A_442 = tpu.memref_slice %arg16[%add3A_76, %dma_wait3A_441] : memref<10240x128xf32, #tpu.memory_space<vmem_shared>> -> memref<16x128xf32, #tpu.memory_space<vmem_shared>>
      %dma_wait3A_443 = arith.constant 0 : i32
      %dma_wait3A_444 = tpu.memref_slice %arg16[%add3A_76, %dma_wait3A_443] : memref<10240x128xf32, #tpu.memory_space<vmem_shared>> -> memref<16x128xf32, #tpu.memory_space<vmem_shared>>
      tpu.wait_dma2 semaphore(%run_scoped3A_436 : memref<!tpu.dma_semaphore, #tpu.memory_space<semaphore_mem>>) src(%arg14 : memref<16x128xf32, #tpu.memory_space<vmem>>) dst(%dma_wait3A_444 : memref<16x128xf32, #tpu.memory_space<vmem_shared>>)
      tpu.yield
    }) : () -> ()
    %add3A_77 = arith.constant 592 : i32
    %add3A_78 = arith.addi %mul3A_2, %add3A_77 : i32
    "tpu.region"() ({
      %run_scoped3A_436 = tpu.sem_alloc : memref<!tpu.dma_semaphore, #tpu.memory_space<semaphore_mem>>
      %dma_start3A_437 = arith.constant 0 : i32
      %dma_start3A_438 = tpu.memref_slice %arg16[%add3A_78, %dma_start3A_437] : memref<10240x128xf32, #tpu.memory_space<vmem_shared>> -> memref<16x128xf32, #tpu.memory_space<vmem_shared>>
      %dma_start3A_439 = arith.constant 0 : i32
      %dma_start3A_440 = tpu.memref_slice %arg16[%add3A_78, %dma_start3A_439] : memref<10240x128xf32, #tpu.memory_space<vmem_shared>> -> memref<16x128xf32, #tpu.memory_space<vmem_shared>>
      tpu.enqueue_dma source(%arg14 : memref<16x128xf32, #tpu.memory_space<vmem>>) target(%dma_start3A_440 : memref<16x128xf32, #tpu.memory_space<vmem_shared>>) target_semaphore(%run_scoped3A_436 : memref<!tpu.dma_semaphore, #tpu.memory_space<semaphore_mem>>)
      %dma_wait3A_441 = arith.constant 0 : i32
      %dma_wait3A_442 = tpu.memref_slice %arg16[%add3A_78, %dma_wait3A_441] : memref<10240x128xf32, #tpu.memory_space<vmem_shared>> -> memref<16x128xf32, #tpu.memory_space<vmem_shared>>
      %dma_wait3A_443 = arith.constant 0 : i32
      %dma_wait3A_444 = tpu.memref_slice %arg16[%add3A_78, %dma_wait3A_443] : memref<10240x128xf32, #tpu.memory_space<vmem_shared>> -> memref<16x128xf32, #tpu.memory_space<vmem_shared>>
      tpu.wait_dma2 semaphore(%run_scoped3A_436 : memref<!tpu.dma_semaphore, #tpu.memory_space<semaphore_mem>>) src(%arg14 : memref<16x128xf32, #tpu.memory_space<vmem>>) dst(%dma_wait3A_444 : memref<16x128xf32, #tpu.memory_space<vmem_shared>>)
      tpu.yield
    }) : () -> ()
    %add3A_79 = arith.constant 608 : i32
    %add3A_80 = arith.addi %mul3A_2, %add3A_79 : i32
    "tpu.region"() ({
      %run_scoped3A_436 = tpu.sem_alloc : memref<!tpu.dma_semaphore, #tpu.memory_space<semaphore_mem>>
      %dma_start3A_437 = arith.constant 0 : i32
      %dma_start3A_438 = tpu.memref_slice %arg16[%add3A_80, %dma_start3A_437] : memref<10240x128xf32, #tpu.memory_space<vmem_shared>> -> memref<16x128xf32, #tpu.memory_space<vmem_shared>>
      %dma_start3A_439 = arith.constant 0 : i32
      %dma_start3A_440 = tpu.memref_slice %arg16[%add3A_80, %dma_start3A_439] : memref<10240x128xf32, #tpu.memory_space<vmem_shared>> -> memref<16x128xf32, #tpu.memory_space<vmem_shared>>
      tpu.enqueue_dma source(%arg14 : memref<16x128xf32, #tpu.memory_space<vmem>>) target(%dma_start3A_440 : memref<16x128xf32, #tpu.memory_space<vmem_shared>>) target_semaphore(%run_scoped3A_436 : memref<!tpu.dma_semaphore, #tpu.memory_space<semaphore_mem>>)
      %dma_wait3A_441 = arith.constant 0 : i32
      %dma_wait3A_442 = tpu.memref_slice %arg16[%add3A_80, %dma_wait3A_441] : memref<10240x128xf32, #tpu.memory_space<vmem_shared>> -> memref<16x128xf32, #tpu.memory_space<vmem_shared>>
      %dma_wait3A_443 = arith.constant 0 : i32
      %dma_wait3A_444 = tpu.memref_slice %arg16[%add3A_80, %dma_wait3A_443] : memref<10240x128xf32, #tpu.memory_space<vmem_shared>> -> memref<16x128xf32, #tpu.memory_space<vmem_shared>>
      tpu.wait_dma2 semaphore(%run_scoped3A_436 : memref<!tpu.dma_semaphore, #tpu.memory_space<semaphore_mem>>) src(%arg14 : memref<16x128xf32, #tpu.memory_space<vmem>>) dst(%dma_wait3A_444 : memref<16x128xf32, #tpu.memory_space<vmem_shared>>)
      tpu.yield
    }) : () -> ()
    %add3A_81 = arith.constant 624 : i32
    %add3A_82 = arith.addi %mul3A_2, %add3A_81 : i32
    "tpu.region"() ({
      %run_scoped3A_436 = tpu.sem_alloc : memref<!tpu.dma_semaphore, #tpu.memory_space<semaphore_mem>>
      %dma_start3A_437 = arith.constant 0 : i32
      %dma_start3A_438 = tpu.memref_slice %arg16[%add3A_82, %dma_start3A_437] : memref<10240x128xf32, #tpu.memory_space<vmem_shared>> -> memref<16x128xf32, #tpu.memory_space<vmem_shared>>
      %dma_start3A_439 = arith.constant 0 : i32
      %dma_start3A_440 = tpu.memref_slice %arg16[%add3A_82, %dma_start3A_439] : memref<10240x128xf32, #tpu.memory_space<vmem_shared>> -> memref<16x128xf32, #tpu.memory_space<vmem_shared>>
      tpu.enqueue_dma source(%arg14 : memref<16x128xf32, #tpu.memory_space<vmem>>) target(%dma_start3A_440 : memref<16x128xf32, #tpu.memory_space<vmem_shared>>) target_semaphore(%run_scoped3A_436 : memref<!tpu.dma_semaphore, #tpu.memory_space<semaphore_mem>>)
      %dma_wait3A_441 = arith.constant 0 : i32
      %dma_wait3A_442 = tpu.memref_slice %arg16[%add3A_82, %dma_wait3A_441] : memref<10240x128xf32, #tpu.memory_space<vmem_shared>> -> memref<16x128xf32, #tpu.memory_space<vmem_shared>>
      %dma_wait3A_443 = arith.constant 0 : i32
      %dma_wait3A_444 = tpu.memref_slice %arg16[%add3A_82, %dma_wait3A_443] : memref<10240x128xf32, #tpu.memory_space<vmem_shared>> -> memref<16x128xf32, #tpu.memory_space<vmem_shared>>
      tpu.wait_dma2 semaphore(%run_scoped3A_436 : memref<!tpu.dma_semaphore, #tpu.memory_space<semaphore_mem>>) src(%arg14 : memref<16x128xf32, #tpu.memory_space<vmem>>) dst(%dma_wait3A_444 : memref<16x128xf32, #tpu.memory_space<vmem_shared>>)
      tpu.yield
    }) : () -> ()
    "tpu.region"() ({
      %run_scoped3A_436 = tpu.sem_alloc : memref<!tpu.dma_semaphore, #tpu.memory_space<semaphore_mem>>
      %dma_start3A_437 = tpu.memref_slice %arg17[%mul3A_2] : memref<10240xf32, #tpu.memory_space<vmem_shared>> -> memref<640xf32, #tpu.memory_space<vmem_shared>>
      %dma_start3A_438 = tpu.memref_slice %arg17[%mul3A_2] : memref<10240xf32, #tpu.memory_space<vmem_shared>> -> memref<640xf32, #tpu.memory_space<vmem_shared>>
      tpu.enqueue_dma source(%arg15 : memref<640xf32, #tpu.memory_space<vmem>>) target(%dma_start3A_438 : memref<640xf32, #tpu.memory_space<vmem_shared>>) target_semaphore(%run_scoped3A_436 : memref<!tpu.dma_semaphore, #tpu.memory_space<semaphore_mem>>)
      %dma_wait3A_439 = tpu.memref_slice %arg17[%mul3A_2] : memref<10240xf32, #tpu.memory_space<vmem_shared>> -> memref<640xf32, #tpu.memory_space<vmem_shared>>
      %dma_wait3A_440 = tpu.memref_slice %arg17[%mul3A_2] : memref<10240xf32, #tpu.memory_space<vmem_shared>> -> memref<640xf32, #tpu.memory_space<vmem_shared>>
      tpu.wait_dma2 semaphore(%run_scoped3A_436 : memref<!tpu.dma_semaphore, #tpu.memory_space<semaphore_mem>>) src(%arg15 : memref<640xf32, #tpu.memory_space<vmem>>) dst(%dma_wait3A_440 : memref<640xf32, #tpu.memory_space<vmem_shared>>)
      tpu.yield
    }) : () -> ()
    %barrier3A = arith.constant 0 : index
    tpu.barrier barrier_id(%barrier3A)
    %run_scoped3A = arith.constant 0 : i32
    "tpu.region"() ({
      %run_scoped3A_436 = tpu.sem_alloc : memref<!tpu.dma_semaphore, #tpu.memory_space<semaphore_mem>>
      %dma_start3A_437 = arith.constant 0 : i32
      %dma_start3A_438 = arith.constant 0 : i32
      %dma_start3A_439 = tpu.memref_slice %arg3[%run_scoped3A, %add3A, %dma_start3A_437, %dma_start3A_438] : memref<3x32x40x128xi32, #tpu.memory_space<hbm>> -> memref<1x1x40x128xi32, #tpu.memory_space<hbm>>
      %dma_start3A_440 = tpu.memref_squeeze %dma_start3A_439 : memref<1x1x40x128xi32, #tpu.memory_space<hbm>> -> memref<40x128xi32, #tpu.memory_space<hbm>>
      %dma_start3A_441 = arith.constant 0 : i32
      %dma_start3A_442 = arith.constant 0 : i32
      %dma_start3A_443 = tpu.memref_slice %arg3[%run_scoped3A, %add3A, %dma_start3A_441, %dma_start3A_442] : memref<3x32x40x128xi32, #tpu.memory_space<hbm>> -> memref<1x1x40x128xi32, #tpu.memory_space<hbm>>
      %dma_start3A_444 = tpu.memref_squeeze %dma_start3A_443 : memref<1x1x40x128xi32, #tpu.memory_space<hbm>> -> memref<40x128xi32, #tpu.memory_space<hbm>>
      tpu.enqueue_dma source(%dma_start3A_444 : memref<40x128xi32, #tpu.memory_space<hbm>>) target(%arg10 : memref<40x128xi32, #tpu.memory_space<vmem>>) target_semaphore(%run_scoped3A_436 : memref<!tpu.dma_semaphore, #tpu.memory_space<semaphore_mem>>)
      %dma_wait3A_445 = arith.constant 0 : i32
      %dma_wait3A_446 = arith.constant 0 : i32
      %dma_wait3A_447 = tpu.memref_slice %arg3[%run_scoped3A, %add3A, %dma_wait3A_445, %dma_wait3A_446] : memref<3x32x40x128xi32, #tpu.memory_space<hbm>> -> memref<1x1x40x128xi32, #tpu.memory_space<hbm>>
      %dma_wait3A_448 = tpu.memref_squeeze %dma_wait3A_447 : memref<1x1x40x128xi32, #tpu.memory_space<hbm>> -> memref<40x128xi32, #tpu.memory_space<hbm>>
      %dma_wait3A_449 = arith.constant 0 : i32
      %dma_wait3A_450 = arith.constant 0 : i32
      %dma_wait3A_451 = tpu.memref_slice %arg3[%run_scoped3A, %add3A, %dma_wait3A_449, %dma_wait3A_450] : memref<3x32x40x128xi32, #tpu.memory_space<hbm>> -> memref<1x1x40x128xi32, #tpu.memory_space<hbm>>
      %dma_wait3A_452 = tpu.memref_squeeze %dma_wait3A_451 : memref<1x1x40x128xi32, #tpu.memory_space<hbm>> -> memref<40x128xi32, #tpu.memory_space<hbm>>
      tpu.wait_dma2 semaphore(%run_scoped3A_436 : memref<!tpu.dma_semaphore, #tpu.memory_space<semaphore_mem>>) src(%dma_wait3A_452 : memref<40x128xi32, #tpu.memory_space<hbm>>) dst(%arg10 : memref<40x128xi32, #tpu.memory_space<vmem>>)
      tpu.yield
    }) : () -> ()
    %run_scoped3A_83 = arith.constant 0 : i32
    "tpu.region"() ({
      %run_scoped3A_436 = tpu.sem_alloc : memref<!tpu.dma_semaphore, #tpu.memory_space<semaphore_mem>>
      %dma_start3A_437 = arith.constant 0 : i32
      %dma_start3A_438 = arith.constant 0 : i32
      %dma_start3A_439 = tpu.memref_slice %arg4[%run_scoped3A_83, %add3A, %dma_start3A_437, %dma_start3A_438] : memref<3x32x40x128xi32, #tpu.memory_space<hbm>> -> memref<1x1x40x128xi32, #tpu.memory_space<hbm>>
      %dma_start3A_440 = tpu.memref_squeeze %dma_start3A_439 : memref<1x1x40x128xi32, #tpu.memory_space<hbm>> -> memref<40x128xi32, #tpu.memory_space<hbm>>
      %dma_start3A_441 = arith.constant 0 : i32
      %dma_start3A_442 = arith.constant 0 : i32
      %dma_start3A_443 = tpu.memref_slice %arg4[%run_scoped3A_83, %add3A, %dma_start3A_441, %dma_start3A_442] : memref<3x32x40x128xi32, #tpu.memory_space<hbm>> -> memref<1x1x40x128xi32, #tpu.memory_space<hbm>>
      %dma_start3A_444 = tpu.memref_squeeze %dma_start3A_443 : memref<1x1x40x128xi32, #tpu.memory_space<hbm>> -> memref<40x128xi32, #tpu.memory_space<hbm>>
      tpu.enqueue_dma source(%dma_start3A_444 : memref<40x128xi32, #tpu.memory_space<hbm>>) target(%arg11 : memref<40x128xi32, #tpu.memory_space<vmem>>) target_semaphore(%run_scoped3A_436 : memref<!tpu.dma_semaphore, #tpu.memory_space<semaphore_mem>>)
      %dma_wait3A_445 = arith.constant 0 : i32
      %dma_wait3A_446 = arith.constant 0 : i32
      %dma_wait3A_447 = tpu.memref_slice %arg4[%run_scoped3A_83, %add3A, %dma_wait3A_445, %dma_wait3A_446] : memref<3x32x40x128xi32, #tpu.memory_space<hbm>> -> memref<1x1x40x128xi32, #tpu.memory_space<hbm>>
      %dma_wait3A_448 = tpu.memref_squeeze %dma_wait3A_447 : memref<1x1x40x128xi32, #tpu.memory_space<hbm>> -> memref<40x128xi32, #tpu.memory_space<hbm>>
      %dma_wait3A_449 = arith.constant 0 : i32
      %dma_wait3A_450 = arith.constant 0 : i32
      %dma_wait3A_451 = tpu.memref_slice %arg4[%run_scoped3A_83, %add3A, %dma_wait3A_449, %dma_wait3A_450] : memref<3x32x40x128xi32, #tpu.memory_space<hbm>> -> memref<1x1x40x128xi32, #tpu.memory_space<hbm>>
      %dma_wait3A_452 = tpu.memref_squeeze %dma_wait3A_451 : memref<1x1x40x128xi32, #tpu.memory_space<hbm>> -> memref<40x128xi32, #tpu.memory_space<hbm>>
      tpu.wait_dma2 semaphore(%run_scoped3A_436 : memref<!tpu.dma_semaphore, #tpu.memory_space<semaphore_mem>>) src(%dma_wait3A_452 : memref<40x128xi32, #tpu.memory_space<hbm>>) dst(%arg11 : memref<40x128xi32, #tpu.memory_space<vmem>>)
      tpu.yield
    }) : () -> ()
    %dma_start3A = arith.constant 0 : i32
    %dma_start3A_84 = arith.constant 0 : i32
    %dma_start3A_85 = arith.constant 0 : i32
    %dma_start3A_86 = arith.constant 0 : i32
    %dma_start3A_87 = tpu.memref_slice %arg12[%dma_start3A_84, %dma_start3A_85, %dma_start3A_86] : memref<2x128x128xf32, #tpu.memory_space<vmem>> -> memref<1x128x128xf32, #tpu.memory_space<vmem>>
    %dma_start3A_88 = tpu.memref_squeeze %dma_start3A_87 : memref<1x128x128xf32, #tpu.memory_space<vmem>> -> memref<128x128xf32, #tpu.memory_space<vmem>>
    %dma_start3A_89 = arith.constant 0 : i32
    %dma_start3A_90 = tpu.memref_slice %arg10[%dma_start3A, %dma_start3A_89] : memref<40x128xi32, #tpu.memory_space<vmem>> -> memref<1x128xi32, #tpu.memory_space<vmem>>
    %dma_start3A_91 = tpu.memref_squeeze %dma_start3A_90 : memref<1x128xi32, #tpu.memory_space<vmem>> -> memref<128xi32, #tpu.memory_space<vmem>>
    %dma_start3A_92 = arith.constant 0 : i32
    %dma_start3A_93 = arith.constant 0 : i32
    %dma_start3A_94 = tpu.memref_slice %arg2[%dma_start3A_92, %dma_start3A_93] : memref<10000x128xf32, #tpu.memory_space<hbm>> -> memref<10000x128xf32, #tpu.memory_space<hbm>>
    tpu.enqueue_indirect_dma source(%dma_start3A_94 : memref<10000x128xf32, #tpu.memory_space<hbm>>) target(%dma_start3A_88 : memref<128x128xf32, #tpu.memory_space<vmem>>) offsets(%dma_start3A_91 : memref<128xi32, #tpu.memory_space<vmem>>) semaphore(%arg18 : memref<!tpu.dma_semaphore, #tpu.memory_space<semaphore_mem>>)
    %dma_start3A_95 = arith.constant 1 : i32
    %dma_start3A_96 = arith.constant 1 : i32
    %dma_start3A_97 = arith.constant 0 : i32
    %dma_start3A_98 = arith.constant 0 : i32
    %dma_start3A_99 = tpu.memref_slice %arg12[%dma_start3A_96, %dma_start3A_97, %dma_start3A_98] : memref<2x128x128xf32, #tpu.memory_space<vmem>> -> memref<1x128x128xf32, #tpu.memory_space<vmem>>
    %dma_start3A_100 = tpu.memref_squeeze %dma_start3A_99 : memref<1x128x128xf32, #tpu.memory_space<vmem>> -> memref<128x128xf32, #tpu.memory_space<vmem>>
    %dma_start3A_101 = arith.constant 0 : i32
    %dma_start3A_102 = tpu.memref_slice %arg10[%dma_start3A_95, %dma_start3A_101] : memref<40x128xi32, #tpu.memory_space<vmem>> -> memref<1x128xi32, #tpu.memory_space<vmem>>
    %dma_start3A_103 = tpu.memref_squeeze %dma_start3A_102 : memref<1x128xi32, #tpu.memory_space<vmem>> -> memref<128xi32, #tpu.memory_space<vmem>>
    %dma_start3A_104 = arith.constant 0 : i32
    %dma_start3A_105 = arith.constant 0 : i32
    %dma_start3A_106 = tpu.memref_slice %arg2[%dma_start3A_104, %dma_start3A_105] : memref<10000x128xf32, #tpu.memory_space<hbm>> -> memref<10000x128xf32, #tpu.memory_space<hbm>>
    tpu.enqueue_indirect_dma source(%dma_start3A_106 : memref<10000x128xf32, #tpu.memory_space<hbm>>) target(%dma_start3A_100 : memref<128x128xf32, #tpu.memory_space<vmem>>) offsets(%dma_start3A_103 : memref<128xi32, #tpu.memory_space<vmem>>) semaphore(%arg19 : memref<!tpu.dma_semaphore, #tpu.memory_space<semaphore_mem>>)
    %scan3A = arith.constant 0 : i32
    %scan3A_107 = arith.constant 0 : i32
    %scan3A_108 = arith.constant 20 : i32
    %scan3A_109 = arith.addi %scan3A_107, %scan3A_108 : i32
    %scan3A_110 = arith.constant 1 : i32
    scf.for %scan3A_436 = %scan3A_107 to %scan3A_109 step %scan3A_110  : i32 {
      %mul3A_437 = arith.constant 2 : i32
      %mul3A_438 = arith.muli %scan3A_436, %mul3A_437 : i32
      %add3A_439 = arith.constant 0 : i32
      %add3A_440 = arith.addi %mul3A_438, %add3A_439 : i32
      %dma_wait3A_441 = arith.constant 0 : i32
      %dma_wait3A_442 = arith.constant 0 : i32
      %dma_wait3A_443 = arith.constant 0 : i32
      %dma_wait3A_444 = tpu.memref_slice %arg12[%dma_wait3A_441, %dma_wait3A_442, %dma_wait3A_443] : memref<2x128x128xf32, #tpu.memory_space<vmem>> -> memref<1x128x128xf32, #tpu.memory_space<vmem>>
      %dma_wait3A_445 = tpu.memref_squeeze %dma_wait3A_444 : memref<1x128x128xf32, #tpu.memory_space<vmem>> -> memref<128x128xf32, #tpu.memory_space<vmem>>
      %dma_wait3A_446 = arith.constant 0 : i32
      %dma_wait3A_447 = tpu.memref_slice %arg10[%add3A_440, %dma_wait3A_446] : memref<40x128xi32, #tpu.memory_space<vmem>> -> memref<1x128xi32, #tpu.memory_space<vmem>>
      %dma_wait3A_448 = tpu.memref_squeeze %dma_wait3A_447 : memref<1x128xi32, #tpu.memory_space<vmem>> -> memref<128xi32, #tpu.memory_space<vmem>>
      %dma_wait3A_449 = arith.constant 0 : i32
      %dma_wait3A_450 = arith.constant 0 : i32
      %dma_wait3A_451 = tpu.memref_slice %arg2[%dma_wait3A_449, %dma_wait3A_450] : memref<10000x128xf32, #tpu.memory_space<hbm>> -> memref<10000x128xf32, #tpu.memory_space<hbm>>
      tpu.wait_indirect_dma semaphore(%arg18 : memref<!tpu.dma_semaphore, #tpu.memory_space<semaphore_mem>>) src(%dma_wait3A_451 : memref<10000x128xf32, #tpu.memory_space<hbm>>) dst(%dma_wait3A_445 : memref<128x128xf32, #tpu.memory_space<vmem>>)
      %dma_start3A_452 = arith.constant 0 : i32
      %dma_start3A_453 = arith.constant 0 : i32
      %dma_start3A_454 = arith.constant 0 : i32
      %dma_start3A_455 = tpu.memref_slice %arg12[%dma_start3A_452, %dma_start3A_453, %dma_start3A_454] : memref<2x128x128xf32, #tpu.memory_space<vmem>> -> memref<1x128x128xf32, #tpu.memory_space<vmem>>
      %dma_start3A_456 = tpu.memref_squeeze %dma_start3A_455 : memref<1x128x128xf32, #tpu.memory_space<vmem>> -> memref<128x128xf32, #tpu.memory_space<vmem>>
      %dma_start3A_457 = arith.constant 0 : i32
      %dma_start3A_458 = tpu.memref_slice %arg11[%add3A_440, %dma_start3A_457] : memref<40x128xi32, #tpu.memory_space<vmem>> -> memref<1x128xi32, #tpu.memory_space<vmem>>
      %dma_start3A_459 = tpu.memref_squeeze %dma_start3A_458 : memref<1x128xi32, #tpu.memory_space<vmem>> -> memref<128xi32, #tpu.memory_space<vmem>>
      %dma_start3A_460 = arith.constant 0 : i32
      %dma_start3A_461 = arith.constant 0 : i32
      %dma_start3A_462 = tpu.memref_slice %arg16[%dma_start3A_460, %dma_start3A_461] : memref<10240x128xf32, #tpu.memory_space<vmem_shared>> -> memref<10240x128xf32, #tpu.memory_space<vmem_shared>>
      tpu.enqueue_indirect_dma source(%dma_start3A_456 : memref<128x128xf32, #tpu.memory_space<vmem>>) target(%dma_start3A_462 : memref<10240x128xf32, #tpu.memory_space<vmem_shared>>) offsets(%dma_start3A_459 : memref<128xi32, #tpu.memory_space<vmem>>) semaphore(%arg20 : memref<!tpu.dma_semaphore, #tpu.memory_space<semaphore_mem>>) {add = true}
      %dma_start3A_463 = arith.constant 0 : i32
      %dma_start3A_464 = tpu.memref_slice %arg11[%add3A_440, %dma_start3A_463] : memref<40x128xi32, #tpu.memory_space<vmem>> -> memref<1x128xi32, #tpu.memory_space<vmem>>
      %dma_start3A_465 = tpu.memref_squeeze %dma_start3A_464 : memref<1x128xi32, #tpu.memory_space<vmem>> -> memref<128xi32, #tpu.memory_space<vmem>>
      %dma_start3A_466 = arith.constant 0 : i32
      %dma_start3A_467 = tpu.memref_slice %arg17[%dma_start3A_466] : memref<10240xf32, #tpu.memory_space<vmem_shared>> -> memref<10240xf32, #tpu.memory_space<vmem_shared>>
      tpu.enqueue_indirect_dma source(%arg13 : memref<128xf32, #tpu.memory_space<vmem>>) target(%dma_start3A_467 : memref<10240xf32, #tpu.memory_space<vmem_shared>>) offsets(%dma_start3A_465 : memref<128xi32, #tpu.memory_space<vmem>>) semaphore(%arg22 : memref<!tpu.dma_semaphore, #tpu.memory_space<semaphore_mem>>) {add = true}
      %lt3A = arith.constant 19 : i32
      %lt3A_468 = arith.cmpi slt, %scan3A_436, %lt3A : i32
      %convert_element_type3A = arith.extui %lt3A_468 : i1 to i32
      %cond3A = arith.constant 0 : i32
      %cond3A_469 = arith.cmpi ne, %convert_element_type3A, %cond3A : i32
      scf.if %cond3A_469 {
        %dma_wait3A_506 = arith.constant 0 : i32
        %dma_wait3A_507 = arith.constant 0 : i32
        %dma_wait3A_508 = arith.constant 0 : i32
        %dma_wait3A_509 = tpu.memref_slice %arg12[%dma_wait3A_506, %dma_wait3A_507, %dma_wait3A_508] : memref<2x128x128xf32, #tpu.memory_space<vmem>> -> memref<1x128x128xf32, #tpu.memory_space<vmem>>
        %dma_wait3A_510 = tpu.memref_squeeze %dma_wait3A_509 : memref<1x128x128xf32, #tpu.memory_space<vmem>> -> memref<128x128xf32, #tpu.memory_space<vmem>>
        %dma_wait3A_511 = arith.constant 0 : i32
        %dma_wait3A_512 = tpu.memref_slice %arg11[%add3A_440, %dma_wait3A_511] : memref<40x128xi32, #tpu.memory_space<vmem>> -> memref<1x128xi32, #tpu.memory_space<vmem>>
        %dma_wait3A_513 = tpu.memref_squeeze %dma_wait3A_512 : memref<1x128xi32, #tpu.memory_space<vmem>> -> memref<128xi32, #tpu.memory_space<vmem>>
        %dma_wait3A_514 = arith.constant 0 : i32
        %dma_wait3A_515 = arith.constant 0 : i32
        %dma_wait3A_516 = tpu.memref_slice %arg16[%dma_wait3A_514, %dma_wait3A_515] : memref<10240x128xf32, #tpu.memory_space<vmem_shared>> -> memref<10240x128xf32, #tpu.memory_space<vmem_shared>>
        tpu.wait_indirect_dma semaphore(%arg20 : memref<!tpu.dma_semaphore, #tpu.memory_space<semaphore_mem>>) src(%dma_wait3A_510 : memref<128x128xf32, #tpu.memory_space<vmem>>) dst(%dma_wait3A_516 : memref<10240x128xf32, #tpu.memory_space<vmem_shared>>)
        %add3A_517 = arith.constant 2 : i32
        %add3A_518 = arith.addi %add3A_440, %add3A_517 : i32
        %dma_start3A_519 = arith.constant 0 : i32
        %dma_start3A_520 = arith.constant 0 : i32
        %dma_start3A_521 = arith.constant 0 : i32
        %dma_start3A_522 = tpu.memref_slice %arg12[%dma_start3A_519, %dma_start3A_520, %dma_start3A_521] : memref<2x128x128xf32, #tpu.memory_space<vmem>> -> memref<1x128x128xf32, #tpu.memory_space<vmem>>
        %dma_start3A_523 = tpu.memref_squeeze %dma_start3A_522 : memref<1x128x128xf32, #tpu.memory_space<vmem>> -> memref<128x128xf32, #tpu.memory_space<vmem>>
        %dma_start3A_524 = arith.constant 0 : i32
        %dma_start3A_525 = tpu.memref_slice %arg10[%add3A_518, %dma_start3A_524] : memref<40x128xi32, #tpu.memory_space<vmem>> -> memref<1x128xi32, #tpu.memory_space<vmem>>
        %dma_start3A_526 = tpu.memref_squeeze %dma_start3A_525 : memref<1x128xi32, #tpu.memory_space<vmem>> -> memref<128xi32, #tpu.memory_space<vmem>>
        %dma_start3A_527 = arith.constant 0 : i32
        %dma_start3A_528 = arith.constant 0 : i32
        %dma_start3A_529 = tpu.memref_slice %arg2[%dma_start3A_527, %dma_start3A_528] : memref<10000x128xf32, #tpu.memory_space<hbm>> -> memref<10000x128xf32, #tpu.memory_space<hbm>>
        tpu.enqueue_indirect_dma source(%dma_start3A_529 : memref<10000x128xf32, #tpu.memory_space<hbm>>) target(%dma_start3A_523 : memref<128x128xf32, #tpu.memory_space<vmem>>) offsets(%dma_start3A_526 : memref<128xi32, #tpu.memory_space<vmem>>) semaphore(%arg18 : memref<!tpu.dma_semaphore, #tpu.memory_space<semaphore_mem>>)
      } else {
      }
      %mul3A_470 = arith.constant 2 : i32
      %mul3A_471 = arith.muli %scan3A_436, %mul3A_470 : i32
      %add3A_472 = arith.constant 1 : i32
      %add3A_473 = arith.addi %mul3A_471, %add3A_472 : i32
      %dma_wait3A_474 = arith.constant 1 : i32
      %dma_wait3A_475 = arith.constant 0 : i32
      %dma_wait3A_476 = arith.constant 0 : i32
      %dma_wait3A_477 = tpu.memref_slice %arg12[%dma_wait3A_474, %dma_wait3A_475, %dma_wait3A_476] : memref<2x128x128xf32, #tpu.memory_space<vmem>> -> memref<1x128x128xf32, #tpu.memory_space<vmem>>
      %dma_wait3A_478 = tpu.memref_squeeze %dma_wait3A_477 : memref<1x128x128xf32, #tpu.memory_space<vmem>> -> memref<128x128xf32, #tpu.memory_space<vmem>>
      %dma_wait3A_479 = arith.constant 0 : i32
      %dma_wait3A_480 = tpu.memref_slice %arg10[%add3A_473, %dma_wait3A_479] : memref<40x128xi32, #tpu.memory_space<vmem>> -> memref<1x128xi32, #tpu.memory_space<vmem>>
      %dma_wait3A_481 = tpu.memref_squeeze %dma_wait3A_480 : memref<1x128xi32, #tpu.memory_space<vmem>> -> memref<128xi32, #tpu.memory_space<vmem>>
      %dma_wait3A_482 = arith.constant 0 : i32
      %dma_wait3A_483 = arith.constant 0 : i32
      %dma_wait3A_484 = tpu.memref_slice %arg2[%dma_wait3A_482, %dma_wait3A_483] : memref<10000x128xf32, #tpu.memory_space<hbm>> -> memref<10000x128xf32, #tpu.memory_space<hbm>>
      tpu.wait_indirect_dma semaphore(%arg19 : memref<!tpu.dma_semaphore, #tpu.memory_space<semaphore_mem>>) src(%dma_wait3A_484 : memref<10000x128xf32, #tpu.memory_space<hbm>>) dst(%dma_wait3A_478 : memref<128x128xf32, #tpu.memory_space<vmem>>)
      %dma_start3A_485 = arith.constant 1 : i32
      %dma_start3A_486 = arith.constant 0 : i32
      %dma_start3A_487 = arith.constant 0 : i32
      %dma_start3A_488 = tpu.memref_slice %arg12[%dma_start3A_485, %dma_start3A_486, %dma_start3A_487] : memref<2x128x128xf32, #tpu.memory_space<vmem>> -> memref<1x128x128xf32, #tpu.memory_space<vmem>>
      %dma_start3A_489 = tpu.memref_squeeze %dma_start3A_488 : memref<1x128x128xf32, #tpu.memory_space<vmem>> -> memref<128x128xf32, #tpu.memory_space<vmem>>
      %dma_start3A_490 = arith.constant 0 : i32
      %dma_start3A_491 = tpu.memref_slice %arg11[%add3A_473, %dma_start3A_490] : memref<40x128xi32, #tpu.memory_space<vmem>> -> memref<1x128xi32, #tpu.memory_space<vmem>>
      %dma_start3A_492 = tpu.memref_squeeze %dma_start3A_491 : memref<1x128xi32, #tpu.memory_space<vmem>> -> memref<128xi32, #tpu.memory_space<vmem>>
      %dma_start3A_493 = arith.constant 0 : i32
      %dma_start3A_494 = arith.constant 0 : i32
      %dma_start3A_495 = tpu.memref_slice %arg16[%dma_start3A_493, %dma_start3A_494] : memref<10240x128xf32, #tpu.memory_space<vmem_shared>> -> memref<10240x128xf32, #tpu.memory_space<vmem_shared>>
      tpu.enqueue_indirect_dma source(%dma_start3A_489 : memref<128x128xf32, #tpu.memory_space<vmem>>) target(%dma_start3A_495 : memref<10240x128xf32, #tpu.memory_space<vmem_shared>>) offsets(%dma_start3A_492 : memref<128xi32, #tpu.memory_space<vmem>>) semaphore(%arg21 : memref<!tpu.dma_semaphore, #tpu.memory_space<semaphore_mem>>) {add = true}
      %dma_start3A_496 = arith.constant 0 : i32
      %dma_start3A_497 = tpu.memref_slice %arg11[%add3A_473, %dma_start3A_496] : memref<40x128xi32, #tpu.memory_space<vmem>> -> memref<1x128xi32, #tpu.memory_space<vmem>>
      %dma_start3A_498 = tpu.memref_squeeze %dma_start3A_497 : memref<1x128xi32, #tpu.memory_space<vmem>> -> memref<128xi32, #tpu.memory_space<vmem>>
      %dma_start3A_499 = arith.constant 0 : i32
      %dma_start3A_500 = tpu.memref_slice %arg17[%dma_start3A_499] : memref<10240xf32, #tpu.memory_space<vmem_shared>> -> memref<10240xf32, #tpu.memory_space<vmem_shared>>
      tpu.enqueue_indirect_dma source(%arg13 : memref<128xf32, #tpu.memory_space<vmem>>) target(%dma_start3A_500 : memref<10240xf32, #tpu.memory_space<vmem_shared>>) offsets(%dma_start3A_498 : memref<128xi32, #tpu.memory_space<vmem>>) semaphore(%arg22 : memref<!tpu.dma_semaphore, #tpu.memory_space<semaphore_mem>>) {add = true}
      %lt3A_501 = arith.constant 19 : i32
      %lt3A_502 = arith.cmpi slt, %scan3A_436, %lt3A_501 : i32
      %convert_element_type3A_503 = arith.extui %lt3A_502 : i1 to i32
      %cond3A_504 = arith.constant 0 : i32
      %cond3A_505 = arith.cmpi ne, %convert_element_type3A_503, %cond3A_504 : i32
      scf.if %cond3A_505 {
        %dma_wait3A_506 = arith.constant 1 : i32
        %dma_wait3A_507 = arith.constant 0 : i32
        %dma_wait3A_508 = arith.constant 0 : i32
        %dma_wait3A_509 = tpu.memref_slice %arg12[%dma_wait3A_506, %dma_wait3A_507, %dma_wait3A_508] : memref<2x128x128xf32, #tpu.memory_space<vmem>> -> memref<1x128x128xf32, #tpu.memory_space<vmem>>
        %dma_wait3A_510 = tpu.memref_squeeze %dma_wait3A_509 : memref<1x128x128xf32, #tpu.memory_space<vmem>> -> memref<128x128xf32, #tpu.memory_space<vmem>>
        %dma_wait3A_511 = arith.constant 0 : i32
        %dma_wait3A_512 = tpu.memref_slice %arg11[%add3A_473, %dma_wait3A_511] : memref<40x128xi32, #tpu.memory_space<vmem>> -> memref<1x128xi32, #tpu.memory_space<vmem>>
        %dma_wait3A_513 = tpu.memref_squeeze %dma_wait3A_512 : memref<1x128xi32, #tpu.memory_space<vmem>> -> memref<128xi32, #tpu.memory_space<vmem>>
        %dma_wait3A_514 = arith.constant 0 : i32
        %dma_wait3A_515 = arith.constant 0 : i32
        %dma_wait3A_516 = tpu.memref_slice %arg16[%dma_wait3A_514, %dma_wait3A_515] : memref<10240x128xf32, #tpu.memory_space<vmem_shared>> -> memref<10240x128xf32, #tpu.memory_space<vmem_shared>>
        tpu.wait_indirect_dma semaphore(%arg21 : memref<!tpu.dma_semaphore, #tpu.memory_space<semaphore_mem>>) src(%dma_wait3A_510 : memref<128x128xf32, #tpu.memory_space<vmem>>) dst(%dma_wait3A_516 : memref<10240x128xf32, #tpu.memory_space<vmem_shared>>)
        %add3A_517 = arith.constant 2 : i32
        %add3A_518 = arith.addi %add3A_473, %add3A_517 : i32
        %dma_start3A_519 = arith.constant 1 : i32
        %dma_start3A_520 = arith.constant 0 : i32
        %dma_start3A_521 = arith.constant 0 : i32
        %dma_start3A_522 = tpu.memref_slice %arg12[%dma_start3A_519, %dma_start3A_520, %dma_start3A_521] : memref<2x128x128xf32, #tpu.memory_space<vmem>> -> memref<1x128x128xf32, #tpu.memory_space<vmem>>
        %dma_start3A_523 = tpu.memref_squeeze %dma_start3A_522 : memref<1x128x128xf32, #tpu.memory_space<vmem>> -> memref<128x128xf32, #tpu.memory_space<vmem>>
        %dma_start3A_524 = arith.constant 0 : i32
        %dma_start3A_525 = tpu.memref_slice %arg10[%add3A_518, %dma_start3A_524] : memref<40x128xi32, #tpu.memory_space<vmem>> -> memref<1x128xi32, #tpu.memory_space<vmem>>
        %dma_start3A_526 = tpu.memref_squeeze %dma_start3A_525 : memref<1x128xi32, #tpu.memory_space<vmem>> -> memref<128xi32, #tpu.memory_space<vmem>>
        %dma_start3A_527 = arith.constant 0 : i32
        %dma_start3A_528 = arith.constant 0 : i32
        %dma_start3A_529 = tpu.memref_slice %arg2[%dma_start3A_527, %dma_start3A_528] : memref<10000x128xf32, #tpu.memory_space<hbm>> -> memref<10000x128xf32, #tpu.memory_space<hbm>>
        tpu.enqueue_indirect_dma source(%dma_start3A_529 : memref<10000x128xf32, #tpu.memory_space<hbm>>) target(%dma_start3A_523 : memref<128x128xf32, #tpu.memory_space<vmem>>) offsets(%dma_start3A_526 : memref<128xi32, #tpu.memory_space<vmem>>) semaphore(%arg19 : memref<!tpu.dma_semaphore, #tpu.memory_space<semaphore_mem>>)
      } else {
      }
    }
    %scan3A_111 = arith.constant 20 : i32
    %dma_wait3A = arith.constant 0 : i32
    %dma_wait3A_112 = arith.constant 0 : i32
    %dma_wait3A_113 = arith.constant 0 : i32
    %dma_wait3A_114 = arith.constant 0 : i32
    %dma_wait3A_115 = tpu.memref_slice %arg12[%dma_wait3A, %dma_wait3A_113, %dma_wait3A_114] : memref<2x128x128xf32, #tpu.memory_space<vmem>> -> memref<1x128x128xf32, #tpu.memory_space<vmem>>
    %dma_wait3A_116 = tpu.memref_squeeze %dma_wait3A_115 : memref<1x128x128xf32, #tpu.memory_space<vmem>> -> memref<128x128xf32, #tpu.memory_space<vmem>>
    %dma_wait3A_117 = arith.constant 0 : i32
    %dma_wait3A_118 = tpu.memref_slice %arg11[%dma_wait3A_112, %dma_wait3A_117] : memref<40x128xi32, #tpu.memory_space<vmem>> -> memref<1x128xi32, #tpu.memory_space<vmem>>
    %dma_wait3A_119 = tpu.memref_squeeze %dma_wait3A_118 : memref<1x128xi32, #tpu.memory_space<vmem>> -> memref<128xi32, #tpu.memory_space<vmem>>
    %dma_wait3A_120 = arith.constant 0 : i32
    %dma_wait3A_121 = arith.constant 0 : i32
    %dma_wait3A_122 = tpu.memref_slice %arg16[%dma_wait3A_120, %dma_wait3A_121] : memref<10240x128xf32, #tpu.memory_space<vmem_shared>> -> memref<10240x128xf32, #tpu.memory_space<vmem_shared>>
    tpu.wait_indirect_dma semaphore(%arg20 : memref<!tpu.dma_semaphore, #tpu.memory_space<semaphore_mem>>) src(%dma_wait3A_116 : memref<128x128xf32, #tpu.memory_space<vmem>>) dst(%dma_wait3A_122 : memref<10240x128xf32, #tpu.memory_space<vmem_shared>>)
    %dma_wait3A_123 = arith.constant 1 : i32
    %dma_wait3A_124 = arith.constant 0 : i32
    %dma_wait3A_125 = arith.constant 0 : i32
    %dma_wait3A_126 = arith.constant 0 : i32
    %dma_wait3A_127 = tpu.memref_slice %arg12[%dma_wait3A_123, %dma_wait3A_125, %dma_wait3A_126] : memref<2x128x128xf32, #tpu.memory_space<vmem>> -> memref<1x128x128xf32, #tpu.memory_space<vmem>>
    %dma_wait3A_128 = tpu.memref_squeeze %dma_wait3A_127 : memref<1x128x128xf32, #tpu.memory_space<vmem>> -> memref<128x128xf32, #tpu.memory_space<vmem>>
    %dma_wait3A_129 = arith.constant 0 : i32
    %dma_wait3A_130 = tpu.memref_slice %arg11[%dma_wait3A_124, %dma_wait3A_129] : memref<40x128xi32, #tpu.memory_space<vmem>> -> memref<1x128xi32, #tpu.memory_space<vmem>>
    %dma_wait3A_131 = tpu.memref_squeeze %dma_wait3A_130 : memref<1x128xi32, #tpu.memory_space<vmem>> -> memref<128xi32, #tpu.memory_space<vmem>>
    %dma_wait3A_132 = arith.constant 0 : i32
    %dma_wait3A_133 = arith.constant 0 : i32
    %dma_wait3A_134 = tpu.memref_slice %arg16[%dma_wait3A_132, %dma_wait3A_133] : memref<10240x128xf32, #tpu.memory_space<vmem_shared>> -> memref<10240x128xf32, #tpu.memory_space<vmem_shared>>
    tpu.wait_indirect_dma semaphore(%arg21 : memref<!tpu.dma_semaphore, #tpu.memory_space<semaphore_mem>>) src(%dma_wait3A_128 : memref<128x128xf32, #tpu.memory_space<vmem>>) dst(%dma_wait3A_134 : memref<10240x128xf32, #tpu.memory_space<vmem_shared>>)
    %scan3A_135 = arith.constant 0 : i32
    %scan3A_136 = arith.constant 0 : i32
    %scan3A_137 = arith.constant 40 : i32
    %scan3A_138 = arith.addi %scan3A_136, %scan3A_137 : i32
    %scan3A_139 = arith.constant 1 : i32
    scf.for %scan3A_436 = %scan3A_136 to %scan3A_138 step %scan3A_139  : i32 {
      %dma_wait3A_437 = arith.constant 0 : i32
      %dma_wait3A_438 = arith.constant 0 : i32
      %dma_wait3A_439 = tpu.memref_slice %arg11[%dma_wait3A_437, %dma_wait3A_438] : memref<40x128xi32, #tpu.memory_space<vmem>> -> memref<1x128xi32, #tpu.memory_space<vmem>>
      %dma_wait3A_440 = tpu.memref_squeeze %dma_wait3A_439 : memref<1x128xi32, #tpu.memory_space<vmem>> -> memref<128xi32, #tpu.memory_space<vmem>>
      %dma_wait3A_441 = arith.constant 0 : i32
      %dma_wait3A_442 = tpu.memref_slice %arg17[%dma_wait3A_441] : memref<10240xf32, #tpu.memory_space<vmem_shared>> -> memref<10240xf32, #tpu.memory_space<vmem_shared>>
      tpu.wait_indirect_dma semaphore(%arg22 : memref<!tpu.dma_semaphore, #tpu.memory_space<semaphore_mem>>) src(%arg13 : memref<128xf32, #tpu.memory_space<vmem>>) dst(%dma_wait3A_442 : memref<10240xf32, #tpu.memory_space<vmem_shared>>)
    }
    %scan3A_140 = arith.constant 40 : i32
    %barrier3A_141 = arith.constant 0 : index
    tpu.barrier barrier_id(%barrier3A_141)
    %run_scoped3A_142 = arith.constant 0 : i32
    "tpu.region"() ({
      %run_scoped3A_436 = tpu.sem_alloc : memref<!tpu.dma_semaphore, #tpu.memory_space<semaphore_mem>>
      %dma_start3A_437 = arith.constant 0 : i32
      %dma_start3A_438 = tpu.memref_slice %arg8[%run_scoped3A_142, %arg0, %mul3A_2, %dma_start3A_437] : memref<3x2x10240x128xf32, #tpu.memory_space<hbm>> -> memref<1x1x640x128xf32, #tpu.memory_space<hbm>>
      %dma_start3A_439 = tpu.memref_squeeze %dma_start3A_438 : memref<1x1x640x128xf32, #tpu.memory_space<hbm>> -> memref<640x128xf32, #tpu.memory_space<hbm>>
      %dma_start3A_440 = arith.constant 0 : i32
      %dma_start3A_441 = tpu.memref_slice %arg16[%mul3A_2, %dma_start3A_440] : memref<10240x128xf32, #tpu.memory_space<vmem_shared>> -> memref<640x128xf32, #tpu.memory_space<vmem_shared>>
      tpu.enqueue_dma source(%dma_start3A_441 : memref<640x128xf32, #tpu.memory_space<vmem_shared>>) target(%dma_start3A_439 : memref<640x128xf32, #tpu.memory_space<hbm>>) target_semaphore(%run_scoped3A_436 : memref<!tpu.dma_semaphore, #tpu.memory_space<semaphore_mem>>)
      %dma_wait3A_442 = arith.constant 0 : i32
      %dma_wait3A_443 = tpu.memref_slice %arg8[%run_scoped3A_142, %arg0, %mul3A_2, %dma_wait3A_442] : memref<3x2x10240x128xf32, #tpu.memory_space<hbm>> -> memref<1x1x640x128xf32, #tpu.memory_space<hbm>>
      %dma_wait3A_444 = tpu.memref_squeeze %dma_wait3A_443 : memref<1x1x640x128xf32, #tpu.memory_space<hbm>> -> memref<640x128xf32, #tpu.memory_space<hbm>>
      %dma_wait3A_445 = arith.constant 0 : i32
      %dma_wait3A_446 = tpu.memref_slice %arg16[%mul3A_2, %dma_wait3A_445] : memref<10240x128xf32, #tpu.memory_space<vmem_shared>> -> memref<640x128xf32, #tpu.memory_space<vmem_shared>>
      tpu.wait_dma2 semaphore(%run_scoped3A_436 : memref<!tpu.dma_semaphore, #tpu.memory_space<semaphore_mem>>) src(%dma_wait3A_446 : memref<640x128xf32, #tpu.memory_space<vmem_shared>>) dst(%dma_wait3A_444 : memref<640x128xf32, #tpu.memory_space<hbm>>)
      tpu.yield
    }) : () -> ()
    %run_scoped3A_143 = arith.constant 0 : i32
    "tpu.region"() ({
      %run_scoped3A_436 = tpu.sem_alloc : memref<!tpu.dma_semaphore, #tpu.memory_space<semaphore_mem>>
      %dma_start3A_437 = tpu.memref_slice %arg9[%run_scoped3A_143, %arg0, %mul3A_2] : memref<3x2x10240xf32, #tpu.memory_space<hbm>> -> memref<1x1x640xf32, #tpu.memory_space<hbm>>
      %dma_start3A_438 = tpu.memref_squeeze %dma_start3A_437 : memref<1x1x640xf32, #tpu.memory_space<hbm>> -> memref<640xf32, #tpu.memory_space<hbm>>
      %dma_start3A_439 = tpu.memref_slice %arg17[%mul3A_2] : memref<10240xf32, #tpu.memory_space<vmem_shared>> -> memref<640xf32, #tpu.memory_space<vmem_shared>>
      tpu.enqueue_dma source(%dma_start3A_439 : memref<640xf32, #tpu.memory_space<vmem_shared>>) target(%dma_start3A_438 : memref<640xf32, #tpu.memory_space<hbm>>) target_semaphore(%run_scoped3A_436 : memref<!tpu.dma_semaphore, #tpu.memory_space<semaphore_mem>>)
      %dma_wait3A_440 = tpu.memref_slice %arg9[%run_scoped3A_143, %arg0, %mul3A_2] : memref<3x2x10240xf32, #tpu.memory_space<hbm>> -> memref<1x1x640xf32, #tpu.memory_space<hbm>>
      %dma_wait3A_441 = tpu.memref_squeeze %dma_wait3A_440 : memref<1x1x640xf32, #tpu.memory_space<hbm>> -> memref<640xf32, #tpu.memory_space<hbm>>
      %dma_wait3A_442 = tpu.memref_slice %arg17[%mul3A_2] : memref<10240xf32, #tpu.memory_space<vmem_shared>> -> memref<640xf32, #tpu.memory_space<vmem_shared>>
      tpu.wait_dma2 semaphore(%run_scoped3A_436 : memref<!tpu.dma_semaphore, #tpu.memory_space<semaphore_mem>>) src(%dma_wait3A_442 : memref<640xf32, #tpu.memory_space<vmem_shared>>) dst(%dma_wait3A_441 : memref<640xf32, #tpu.memory_space<hbm>>)
      tpu.yield
    }) : () -> ()
    %add3A_144 = arith.constant 0 : i32
    %add3A_145 = arith.addi %mul3A_2, %add3A_144 : i32
    "tpu.region"() ({
      %run_scoped3A_436 = tpu.sem_alloc : memref<!tpu.dma_semaphore, #tpu.memory_space<semaphore_mem>>
      %dma_start3A_437 = arith.constant 0 : i32
      %dma_start3A_438 = tpu.memref_slice %arg16[%add3A_145, %dma_start3A_437] : memref<10240x128xf32, #tpu.memory_space<vmem_shared>> -> memref<16x128xf32, #tpu.memory_space<vmem_shared>>
      %dma_start3A_439 = arith.constant 0 : i32
      %dma_start3A_440 = tpu.memref_slice %arg16[%add3A_145, %dma_start3A_439] : memref<10240x128xf32, #tpu.memory_space<vmem_shared>> -> memref<16x128xf32, #tpu.memory_space<vmem_shared>>
      tpu.enqueue_dma source(%arg14 : memref<16x128xf32, #tpu.memory_space<vmem>>) target(%dma_start3A_440 : memref<16x128xf32, #tpu.memory_space<vmem_shared>>) target_semaphore(%run_scoped3A_436 : memref<!tpu.dma_semaphore, #tpu.memory_space<semaphore_mem>>)
      %dma_wait3A_441 = arith.constant 0 : i32
      %dma_wait3A_442 = tpu.memref_slice %arg16[%add3A_145, %dma_wait3A_441] : memref<10240x128xf32, #tpu.memory_space<vmem_shared>> -> memref<16x128xf32, #tpu.memory_space<vmem_shared>>
      %dma_wait3A_443 = arith.constant 0 : i32
      %dma_wait3A_444 = tpu.memref_slice %arg16[%add3A_145, %dma_wait3A_443] : memref<10240x128xf32, #tpu.memory_space<vmem_shared>> -> memref<16x128xf32, #tpu.memory_space<vmem_shared>>
      tpu.wait_dma2 semaphore(%run_scoped3A_436 : memref<!tpu.dma_semaphore, #tpu.memory_space<semaphore_mem>>) src(%arg14 : memref<16x128xf32, #tpu.memory_space<vmem>>) dst(%dma_wait3A_444 : memref<16x128xf32, #tpu.memory_space<vmem_shared>>)
      tpu.yield
    }) : () -> ()
    %add3A_146 = arith.constant 16 : i32
    %add3A_147 = arith.addi %mul3A_2, %add3A_146 : i32
    "tpu.region"() ({
      %run_scoped3A_436 = tpu.sem_alloc : memref<!tpu.dma_semaphore, #tpu.memory_space<semaphore_mem>>
      %dma_start3A_437 = arith.constant 0 : i32
      %dma_start3A_438 = tpu.memref_slice %arg16[%add3A_147, %dma_start3A_437] : memref<10240x128xf32, #tpu.memory_space<vmem_shared>> -> memref<16x128xf32, #tpu.memory_space<vmem_shared>>
      %dma_start3A_439 = arith.constant 0 : i32
      %dma_start3A_440 = tpu.memref_slice %arg16[%add3A_147, %dma_start3A_439] : memref<10240x128xf32, #tpu.memory_space<vmem_shared>> -> memref<16x128xf32, #tpu.memory_space<vmem_shared>>
      tpu.enqueue_dma source(%arg14 : memref<16x128xf32, #tpu.memory_space<vmem>>) target(%dma_start3A_440 : memref<16x128xf32, #tpu.memory_space<vmem_shared>>) target_semaphore(%run_scoped3A_436 : memref<!tpu.dma_semaphore, #tpu.memory_space<semaphore_mem>>)
      %dma_wait3A_441 = arith.constant 0 : i32
      %dma_wait3A_442 = tpu.memref_slice %arg16[%add3A_147, %dma_wait3A_441] : memref<10240x128xf32, #tpu.memory_space<vmem_shared>> -> memref<16x128xf32, #tpu.memory_space<vmem_shared>>
      %dma_wait3A_443 = arith.constant 0 : i32
      %dma_wait3A_444 = tpu.memref_slice %arg16[%add3A_147, %dma_wait3A_443] : memref<10240x128xf32, #tpu.memory_space<vmem_shared>> -> memref<16x128xf32, #tpu.memory_space<vmem_shared>>
      tpu.wait_dma2 semaphore(%run_scoped3A_436 : memref<!tpu.dma_semaphore, #tpu.memory_space<semaphore_mem>>) src(%arg14 : memref<16x128xf32, #tpu.memory_space<vmem>>) dst(%dma_wait3A_444 : memref<16x128xf32, #tpu.memory_space<vmem_shared>>)
      tpu.yield
    }) : () -> ()
    %add3A_148 = arith.constant 32 : i32
    %add3A_149 = arith.addi %mul3A_2, %add3A_148 : i32
    "tpu.region"() ({
      %run_scoped3A_436 = tpu.sem_alloc : memref<!tpu.dma_semaphore, #tpu.memory_space<semaphore_mem>>
      %dma_start3A_437 = arith.constant 0 : i32
      %dma_start3A_438 = tpu.memref_slice %arg16[%add3A_149, %dma_start3A_437] : memref<10240x128xf32, #tpu.memory_space<vmem_shared>> -> memref<16x128xf32, #tpu.memory_space<vmem_shared>>
      %dma_start3A_439 = arith.constant 0 : i32
      %dma_start3A_440 = tpu.memref_slice %arg16[%add3A_149, %dma_start3A_439] : memref<10240x128xf32, #tpu.memory_space<vmem_shared>> -> memref<16x128xf32, #tpu.memory_space<vmem_shared>>
      tpu.enqueue_dma source(%arg14 : memref<16x128xf32, #tpu.memory_space<vmem>>) target(%dma_start3A_440 : memref<16x128xf32, #tpu.memory_space<vmem_shared>>) target_semaphore(%run_scoped3A_436 : memref<!tpu.dma_semaphore, #tpu.memory_space<semaphore_mem>>)
      %dma_wait3A_441 = arith.constant 0 : i32
      %dma_wait3A_442 = tpu.memref_slice %arg16[%add3A_149, %dma_wait3A_441] : memref<10240x128xf32, #tpu.memory_space<vmem_shared>> -> memref<16x128xf32, #tpu.memory_space<vmem_shared>>
      %dma_wait3A_443 = arith.constant 0 : i32
      %dma_wait3A_444 = tpu.memref_slice %arg16[%add3A_149, %dma_wait3A_443] : memref<10240x128xf32, #tpu.memory_space<vmem_shared>> -> memref<16x128xf32, #tpu.memory_space<vmem_shared>>
      tpu.wait_dma2 semaphore(%run_scoped3A_436 : memref<!tpu.dma_semaphore, #tpu.memory_space<semaphore_mem>>) src(%arg14 : memref<16x128xf32, #tpu.memory_space<vmem>>) dst(%dma_wait3A_444 : memref<16x128xf32, #tpu.memory_space<vmem_shared>>)
      tpu.yield
    }) : () -> ()
    %add3A_150 = arith.constant 48 : i32
    %add3A_151 = arith.addi %mul3A_2, %add3A_150 : i32
    "tpu.region"() ({
      %run_scoped3A_436 = tpu.sem_alloc : memref<!tpu.dma_semaphore, #tpu.memory_space<semaphore_mem>>
      %dma_start3A_437 = arith.constant 0 : i32
      %dma_start3A_438 = tpu.memref_slice %arg16[%add3A_151, %dma_start3A_437] : memref<10240x128xf32, #tpu.memory_space<vmem_shared>> -> memref<16x128xf32, #tpu.memory_space<vmem_shared>>
      %dma_start3A_439 = arith.constant 0 : i32
      %dma_start3A_440 = tpu.memref_slice %arg16[%add3A_151, %dma_start3A_439] : memref<10240x128xf32, #tpu.memory_space<vmem_shared>> -> memref<16x128xf32, #tpu.memory_space<vmem_shared>>
      tpu.enqueue_dma source(%arg14 : memref<16x128xf32, #tpu.memory_space<vmem>>) target(%dma_start3A_440 : memref<16x128xf32, #tpu.memory_space<vmem_shared>>) target_semaphore(%run_scoped3A_436 : memref<!tpu.dma_semaphore, #tpu.memory_space<semaphore_mem>>)
      %dma_wait3A_441 = arith.constant 0 : i32
      %dma_wait3A_442 = tpu.memref_slice %arg16[%add3A_151, %dma_wait3A_441] : memref<10240x128xf32, #tpu.memory_space<vmem_shared>> -> memref<16x128xf32, #tpu.memory_space<vmem_shared>>
      %dma_wait3A_443 = arith.constant 0 : i32
      %dma_wait3A_444 = tpu.memref_slice %arg16[%add3A_151, %dma_wait3A_443] : memref<10240x128xf32, #tpu.memory_space<vmem_shared>> -> memref<16x128xf32, #tpu.memory_space<vmem_shared>>
      tpu.wait_dma2 semaphore(%run_scoped3A_436 : memref<!tpu.dma_semaphore, #tpu.memory_space<semaphore_mem>>) src(%arg14 : memref<16x128xf32, #tpu.memory_space<vmem>>) dst(%dma_wait3A_444 : memref<16x128xf32, #tpu.memory_space<vmem_shared>>)
      tpu.yield
    }) : () -> ()
    %add3A_152 = arith.constant 64 : i32
    %add3A_153 = arith.addi %mul3A_2, %add3A_152 : i32
    "tpu.region"() ({
      %run_scoped3A_436 = tpu.sem_alloc : memref<!tpu.dma_semaphore, #tpu.memory_space<semaphore_mem>>
      %dma_start3A_437 = arith.constant 0 : i32
      %dma_start3A_438 = tpu.memref_slice %arg16[%add3A_153, %dma_start3A_437] : memref<10240x128xf32, #tpu.memory_space<vmem_shared>> -> memref<16x128xf32, #tpu.memory_space<vmem_shared>>
      %dma_start3A_439 = arith.constant 0 : i32
      %dma_start3A_440 = tpu.memref_slice %arg16[%add3A_153, %dma_start3A_439] : memref<10240x128xf32, #tpu.memory_space<vmem_shared>> -> memref<16x128xf32, #tpu.memory_space<vmem_shared>>
      tpu.enqueue_dma source(%arg14 : memref<16x128xf32, #tpu.memory_space<vmem>>) target(%dma_start3A_440 : memref<16x128xf32, #tpu.memory_space<vmem_shared>>) target_semaphore(%run_scoped3A_436 : memref<!tpu.dma_semaphore, #tpu.memory_space<semaphore_mem>>)
      %dma_wait3A_441 = arith.constant 0 : i32
      %dma_wait3A_442 = tpu.memref_slice %arg16[%add3A_153, %dma_wait3A_441] : memref<10240x128xf32, #tpu.memory_space<vmem_shared>> -> memref<16x128xf32, #tpu.memory_space<vmem_shared>>
      %dma_wait3A_443 = arith.constant 0 : i32
      %dma_wait3A_444 = tpu.memref_slice %arg16[%add3A_153, %dma_wait3A_443] : memref<10240x128xf32, #tpu.memory_space<vmem_shared>> -> memref<16x128xf32, #tpu.memory_space<vmem_shared>>
      tpu.wait_dma2 semaphore(%run_scoped3A_436 : memref<!tpu.dma_semaphore, #tpu.memory_space<semaphore_mem>>) src(%arg14 : memref<16x128xf32, #tpu.memory_space<vmem>>) dst(%dma_wait3A_444 : memref<16x128xf32, #tpu.memory_space<vmem_shared>>)
      tpu.yield
    }) : () -> ()
    %add3A_154 = arith.constant 80 : i32
    %add3A_155 = arith.addi %mul3A_2, %add3A_154 : i32
    "tpu.region"() ({
      %run_scoped3A_436 = tpu.sem_alloc : memref<!tpu.dma_semaphore, #tpu.memory_space<semaphore_mem>>
      %dma_start3A_437 = arith.constant 0 : i32
      %dma_start3A_438 = tpu.memref_slice %arg16[%add3A_155, %dma_start3A_437] : memref<10240x128xf32, #tpu.memory_space<vmem_shared>> -> memref<16x128xf32, #tpu.memory_space<vmem_shared>>
      %dma_start3A_439 = arith.constant 0 : i32
      %dma_start3A_440 = tpu.memref_slice %arg16[%add3A_155, %dma_start3A_439] : memref<10240x128xf32, #tpu.memory_space<vmem_shared>> -> memref<16x128xf32, #tpu.memory_space<vmem_shared>>
      tpu.enqueue_dma source(%arg14 : memref<16x128xf32, #tpu.memory_space<vmem>>) target(%dma_start3A_440 : memref<16x128xf32, #tpu.memory_space<vmem_shared>>) target_semaphore(%run_scoped3A_436 : memref<!tpu.dma_semaphore, #tpu.memory_space<semaphore_mem>>)
      %dma_wait3A_441 = arith.constant 0 : i32
      %dma_wait3A_442 = tpu.memref_slice %arg16[%add3A_155, %dma_wait3A_441] : memref<10240x128xf32, #tpu.memory_space<vmem_shared>> -> memref<16x128xf32, #tpu.memory_space<vmem_shared>>
      %dma_wait3A_443 = arith.constant 0 : i32
      %dma_wait3A_444 = tpu.memref_slice %arg16[%add3A_155, %dma_wait3A_443] : memref<10240x128xf32, #tpu.memory_space<vmem_shared>> -> memref<16x128xf32, #tpu.memory_space<vmem_shared>>
      tpu.wait_dma2 semaphore(%run_scoped3A_436 : memref<!tpu.dma_semaphore, #tpu.memory_space<semaphore_mem>>) src(%arg14 : memref<16x128xf32, #tpu.memory_space<vmem>>) dst(%dma_wait3A_444 : memref<16x128xf32, #tpu.memory_space<vmem_shared>>)
      tpu.yield
    }) : () -> ()
    %add3A_156 = arith.constant 96 : i32
    %add3A_157 = arith.addi %mul3A_2, %add3A_156 : i32
    "tpu.region"() ({
      %run_scoped3A_436 = tpu.sem_alloc : memref<!tpu.dma_semaphore, #tpu.memory_space<semaphore_mem>>
      %dma_start3A_437 = arith.constant 0 : i32
      %dma_start3A_438 = tpu.memref_slice %arg16[%add3A_157, %dma_start3A_437] : memref<10240x128xf32, #tpu.memory_space<vmem_shared>> -> memref<16x128xf32, #tpu.memory_space<vmem_shared>>
      %dma_start3A_439 = arith.constant 0 : i32
      %dma_start3A_440 = tpu.memref_slice %arg16[%add3A_157, %dma_start3A_439] : memref<10240x128xf32, #tpu.memory_space<vmem_shared>> -> memref<16x128xf32, #tpu.memory_space<vmem_shared>>
      tpu.enqueue_dma source(%arg14 : memref<16x128xf32, #tpu.memory_space<vmem>>) target(%dma_start3A_440 : memref<16x128xf32, #tpu.memory_space<vmem_shared>>) target_semaphore(%run_scoped3A_436 : memref<!tpu.dma_semaphore, #tpu.memory_space<semaphore_mem>>)
      %dma_wait3A_441 = arith.constant 0 : i32
      %dma_wait3A_442 = tpu.memref_slice %arg16[%add3A_157, %dma_wait3A_441] : memref<10240x128xf32, #tpu.memory_space<vmem_shared>> -> memref<16x128xf32, #tpu.memory_space<vmem_shared>>
      %dma_wait3A_443 = arith.constant 0 : i32
      %dma_wait3A_444 = tpu.memref_slice %arg16[%add3A_157, %dma_wait3A_443] : memref<10240x128xf32, #tpu.memory_space<vmem_shared>> -> memref<16x128xf32, #tpu.memory_space<vmem_shared>>
      tpu.wait_dma2 semaphore(%run_scoped3A_436 : memref<!tpu.dma_semaphore, #tpu.memory_space<semaphore_mem>>) src(%arg14 : memref<16x128xf32, #tpu.memory_space<vmem>>) dst(%dma_wait3A_444 : memref<16x128xf32, #tpu.memory_space<vmem_shared>>)
      tpu.yield
    }) : () -> ()
    %add3A_158 = arith.constant 112 : i32
    %add3A_159 = arith.addi %mul3A_2, %add3A_158 : i32
    "tpu.region"() ({
      %run_scoped3A_436 = tpu.sem_alloc : memref<!tpu.dma_semaphore, #tpu.memory_space<semaphore_mem>>
      %dma_start3A_437 = arith.constant 0 : i32
      %dma_start3A_438 = tpu.memref_slice %arg16[%add3A_159, %dma_start3A_437] : memref<10240x128xf32, #tpu.memory_space<vmem_shared>> -> memref<16x128xf32, #tpu.memory_space<vmem_shared>>
      %dma_start3A_439 = arith.constant 0 : i32
      %dma_start3A_440 = tpu.memref_slice %arg16[%add3A_159, %dma_start3A_439] : memref<10240x128xf32, #tpu.memory_space<vmem_shared>> -> memref<16x128xf32, #tpu.memory_space<vmem_shared>>
      tpu.enqueue_dma source(%arg14 : memref<16x128xf32, #tpu.memory_space<vmem>>) target(%dma_start3A_440 : memref<16x128xf32, #tpu.memory_space<vmem_shared>>) target_semaphore(%run_scoped3A_436 : memref<!tpu.dma_semaphore, #tpu.memory_space<semaphore_mem>>)
      %dma_wait3A_441 = arith.constant 0 : i32
      %dma_wait3A_442 = tpu.memref_slice %arg16[%add3A_159, %dma_wait3A_441] : memref<10240x128xf32, #tpu.memory_space<vmem_shared>> -> memref<16x128xf32, #tpu.memory_space<vmem_shared>>
      %dma_wait3A_443 = arith.constant 0 : i32
      %dma_wait3A_444 = tpu.memref_slice %arg16[%add3A_159, %dma_wait3A_443] : memref<10240x128xf32, #tpu.memory_space<vmem_shared>> -> memref<16x128xf32, #tpu.memory_space<vmem_shared>>
      tpu.wait_dma2 semaphore(%run_scoped3A_436 : memref<!tpu.dma_semaphore, #tpu.memory_space<semaphore_mem>>) src(%arg14 : memref<16x128xf32, #tpu.memory_space<vmem>>) dst(%dma_wait3A_444 : memref<16x128xf32, #tpu.memory_space<vmem_shared>>)
      tpu.yield
    }) : () -> ()
    %add3A_160 = arith.constant 128 : i32
    %add3A_161 = arith.addi %mul3A_2, %add3A_160 : i32
    "tpu.region"() ({
      %run_scoped3A_436 = tpu.sem_alloc : memref<!tpu.dma_semaphore, #tpu.memory_space<semaphore_mem>>
      %dma_start3A_437 = arith.constant 0 : i32
      %dma_start3A_438 = tpu.memref_slice %arg16[%add3A_161, %dma_start3A_437] : memref<10240x128xf32, #tpu.memory_space<vmem_shared>> -> memref<16x128xf32, #tpu.memory_space<vmem_shared>>
      %dma_start3A_439 = arith.constant 0 : i32
      %dma_start3A_440 = tpu.memref_slice %arg16[%add3A_161, %dma_start3A_439] : memref<10240x128xf32, #tpu.memory_space<vmem_shared>> -> memref<16x128xf32, #tpu.memory_space<vmem_shared>>
      tpu.enqueue_dma source(%arg14 : memref<16x128xf32, #tpu.memory_space<vmem>>) target(%dma_start3A_440 : memref<16x128xf32, #tpu.memory_space<vmem_shared>>) target_semaphore(%run_scoped3A_436 : memref<!tpu.dma_semaphore, #tpu.memory_space<semaphore_mem>>)
      %dma_wait3A_441 = arith.constant 0 : i32
      %dma_wait3A_442 = tpu.memref_slice %arg16[%add3A_161, %dma_wait3A_441] : memref<10240x128xf32, #tpu.memory_space<vmem_shared>> -> memref<16x128xf32, #tpu.memory_space<vmem_shared>>
      %dma_wait3A_443 = arith.constant 0 : i32
      %dma_wait3A_444 = tpu.memref_slice %arg16[%add3A_161, %dma_wait3A_443] : memref<10240x128xf32, #tpu.memory_space<vmem_shared>> -> memref<16x128xf32, #tpu.memory_space<vmem_shared>>
      tpu.wait_dma2 semaphore(%run_scoped3A_436 : memref<!tpu.dma_semaphore, #tpu.memory_space<semaphore_mem>>) src(%arg14 : memref<16x128xf32, #tpu.memory_space<vmem>>) dst(%dma_wait3A_444 : memref<16x128xf32, #tpu.memory_space<vmem_shared>>)
      tpu.yield
    }) : () -> ()
    %add3A_162 = arith.constant 144 : i32
    %add3A_163 = arith.addi %mul3A_2, %add3A_162 : i32
    "tpu.region"() ({
      %run_scoped3A_436 = tpu.sem_alloc : memref<!tpu.dma_semaphore, #tpu.memory_space<semaphore_mem>>
      %dma_start3A_437 = arith.constant 0 : i32
      %dma_start3A_438 = tpu.memref_slice %arg16[%add3A_163, %dma_start3A_437] : memref<10240x128xf32, #tpu.memory_space<vmem_shared>> -> memref<16x128xf32, #tpu.memory_space<vmem_shared>>
      %dma_start3A_439 = arith.constant 0 : i32
      %dma_start3A_440 = tpu.memref_slice %arg16[%add3A_163, %dma_start3A_439] : memref<10240x128xf32, #tpu.memory_space<vmem_shared>> -> memref<16x128xf32, #tpu.memory_space<vmem_shared>>
      tpu.enqueue_dma source(%arg14 : memref<16x128xf32, #tpu.memory_space<vmem>>) target(%dma_start3A_440 : memref<16x128xf32, #tpu.memory_space<vmem_shared>>) target_semaphore(%run_scoped3A_436 : memref<!tpu.dma_semaphore, #tpu.memory_space<semaphore_mem>>)
      %dma_wait3A_441 = arith.constant 0 : i32
      %dma_wait3A_442 = tpu.memref_slice %arg16[%add3A_163, %dma_wait3A_441] : memref<10240x128xf32, #tpu.memory_space<vmem_shared>> -> memref<16x128xf32, #tpu.memory_space<vmem_shared>>
      %dma_wait3A_443 = arith.constant 0 : i32
      %dma_wait3A_444 = tpu.memref_slice %arg16[%add3A_163, %dma_wait3A_443] : memref<10240x128xf32, #tpu.memory_space<vmem_shared>> -> memref<16x128xf32, #tpu.memory_space<vmem_shared>>
      tpu.wait_dma2 semaphore(%run_scoped3A_436 : memref<!tpu.dma_semaphore, #tpu.memory_space<semaphore_mem>>) src(%arg14 : memref<16x128xf32, #tpu.memory_space<vmem>>) dst(%dma_wait3A_444 : memref<16x128xf32, #tpu.memory_space<vmem_shared>>)
      tpu.yield
    }) : () -> ()
    %add3A_164 = arith.constant 160 : i32
    %add3A_165 = arith.addi %mul3A_2, %add3A_164 : i32
    "tpu.region"() ({
      %run_scoped3A_436 = tpu.sem_alloc : memref<!tpu.dma_semaphore, #tpu.memory_space<semaphore_mem>>
      %dma_start3A_437 = arith.constant 0 : i32
      %dma_start3A_438 = tpu.memref_slice %arg16[%add3A_165, %dma_start3A_437] : memref<10240x128xf32, #tpu.memory_space<vmem_shared>> -> memref<16x128xf32, #tpu.memory_space<vmem_shared>>
      %dma_start3A_439 = arith.constant 0 : i32
      %dma_start3A_440 = tpu.memref_slice %arg16[%add3A_165, %dma_start3A_439] : memref<10240x128xf32, #tpu.memory_space<vmem_shared>> -> memref<16x128xf32, #tpu.memory_space<vmem_shared>>
      tpu.enqueue_dma source(%arg14 : memref<16x128xf32, #tpu.memory_space<vmem>>) target(%dma_start3A_440 : memref<16x128xf32, #tpu.memory_space<vmem_shared>>) target_semaphore(%run_scoped3A_436 : memref<!tpu.dma_semaphore, #tpu.memory_space<semaphore_mem>>)
      %dma_wait3A_441 = arith.constant 0 : i32
      %dma_wait3A_442 = tpu.memref_slice %arg16[%add3A_165, %dma_wait3A_441] : memref<10240x128xf32, #tpu.memory_space<vmem_shared>> -> memref<16x128xf32, #tpu.memory_space<vmem_shared>>
      %dma_wait3A_443 = arith.constant 0 : i32
      %dma_wait3A_444 = tpu.memref_slice %arg16[%add3A_165, %dma_wait3A_443] : memref<10240x128xf32, #tpu.memory_space<vmem_shared>> -> memref<16x128xf32, #tpu.memory_space<vmem_shared>>
      tpu.wait_dma2 semaphore(%run_scoped3A_436 : memref<!tpu.dma_semaphore, #tpu.memory_space<semaphore_mem>>) src(%arg14 : memref<16x128xf32, #tpu.memory_space<vmem>>) dst(%dma_wait3A_444 : memref<16x128xf32, #tpu.memory_space<vmem_shared>>)
      tpu.yield
    }) : () -> ()
    %add3A_166 = arith.constant 176 : i32
    %add3A_167 = arith.addi %mul3A_2, %add3A_166 : i32
    "tpu.region"() ({
      %run_scoped3A_436 = tpu.sem_alloc : memref<!tpu.dma_semaphore, #tpu.memory_space<semaphore_mem>>
      %dma_start3A_437 = arith.constant 0 : i32
      %dma_start3A_438 = tpu.memref_slice %arg16[%add3A_167, %dma_start3A_437] : memref<10240x128xf32, #tpu.memory_space<vmem_shared>> -> memref<16x128xf32, #tpu.memory_space<vmem_shared>>
      %dma_start3A_439 = arith.constant 0 : i32
      %dma_start3A_440 = tpu.memref_slice %arg16[%add3A_167, %dma_start3A_439] : memref<10240x128xf32, #tpu.memory_space<vmem_shared>> -> memref<16x128xf32, #tpu.memory_space<vmem_shared>>
      tpu.enqueue_dma source(%arg14 : memref<16x128xf32, #tpu.memory_space<vmem>>) target(%dma_start3A_440 : memref<16x128xf32, #tpu.memory_space<vmem_shared>>) target_semaphore(%run_scoped3A_436 : memref<!tpu.dma_semaphore, #tpu.memory_space<semaphore_mem>>)
      %dma_wait3A_441 = arith.constant 0 : i32
      %dma_wait3A_442 = tpu.memref_slice %arg16[%add3A_167, %dma_wait3A_441] : memref<10240x128xf32, #tpu.memory_space<vmem_shared>> -> memref<16x128xf32, #tpu.memory_space<vmem_shared>>
      %dma_wait3A_443 = arith.constant 0 : i32
      %dma_wait3A_444 = tpu.memref_slice %arg16[%add3A_167, %dma_wait3A_443] : memref<10240x128xf32, #tpu.memory_space<vmem_shared>> -> memref<16x128xf32, #tpu.memory_space<vmem_shared>>
      tpu.wait_dma2 semaphore(%run_scoped3A_436 : memref<!tpu.dma_semaphore, #tpu.memory_space<semaphore_mem>>) src(%arg14 : memref<16x128xf32, #tpu.memory_space<vmem>>) dst(%dma_wait3A_444 : memref<16x128xf32, #tpu.memory_space<vmem_shared>>)
      tpu.yield
    }) : () -> ()
    %add3A_168 = arith.constant 192 : i32
    %add3A_169 = arith.addi %mul3A_2, %add3A_168 : i32
    "tpu.region"() ({
      %run_scoped3A_436 = tpu.sem_alloc : memref<!tpu.dma_semaphore, #tpu.memory_space<semaphore_mem>>
      %dma_start3A_437 = arith.constant 0 : i32
      %dma_start3A_438 = tpu.memref_slice %arg16[%add3A_169, %dma_start3A_437] : memref<10240x128xf32, #tpu.memory_space<vmem_shared>> -> memref<16x128xf32, #tpu.memory_space<vmem_shared>>
      %dma_start3A_439 = arith.constant 0 : i32
      %dma_start3A_440 = tpu.memref_slice %arg16[%add3A_169, %dma_start3A_439] : memref<10240x128xf32, #tpu.memory_space<vmem_shared>> -> memref<16x128xf32, #tpu.memory_space<vmem_shared>>
      tpu.enqueue_dma source(%arg14 : memref<16x128xf32, #tpu.memory_space<vmem>>) target(%dma_start3A_440 : memref<16x128xf32, #tpu.memory_space<vmem_shared>>) target_semaphore(%run_scoped3A_436 : memref<!tpu.dma_semaphore, #tpu.memory_space<semaphore_mem>>)
      %dma_wait3A_441 = arith.constant 0 : i32
      %dma_wait3A_442 = tpu.memref_slice %arg16[%add3A_169, %dma_wait3A_441] : memref<10240x128xf32, #tpu.memory_space<vmem_shared>> -> memref<16x128xf32, #tpu.memory_space<vmem_shared>>
      %dma_wait3A_443 = arith.constant 0 : i32
      %dma_wait3A_444 = tpu.memref_slice %arg16[%add3A_169, %dma_wait3A_443] : memref<10240x128xf32, #tpu.memory_space<vmem_shared>> -> memref<16x128xf32, #tpu.memory_space<vmem_shared>>
      tpu.wait_dma2 semaphore(%run_scoped3A_436 : memref<!tpu.dma_semaphore, #tpu.memory_space<semaphore_mem>>) src(%arg14 : memref<16x128xf32, #tpu.memory_space<vmem>>) dst(%dma_wait3A_444 : memref<16x128xf32, #tpu.memory_space<vmem_shared>>)
      tpu.yield
    }) : () -> ()
    %add3A_170 = arith.constant 208 : i32
    %add3A_171 = arith.addi %mul3A_2, %add3A_170 : i32
    "tpu.region"() ({
      %run_scoped3A_436 = tpu.sem_alloc : memref<!tpu.dma_semaphore, #tpu.memory_space<semaphore_mem>>
      %dma_start3A_437 = arith.constant 0 : i32
      %dma_start3A_438 = tpu.memref_slice %arg16[%add3A_171, %dma_start3A_437] : memref<10240x128xf32, #tpu.memory_space<vmem_shared>> -> memref<16x128xf32, #tpu.memory_space<vmem_shared>>
      %dma_start3A_439 = arith.constant 0 : i32
      %dma_start3A_440 = tpu.memref_slice %arg16[%add3A_171, %dma_start3A_439] : memref<10240x128xf32, #tpu.memory_space<vmem_shared>> -> memref<16x128xf32, #tpu.memory_space<vmem_shared>>
      tpu.enqueue_dma source(%arg14 : memref<16x128xf32, #tpu.memory_space<vmem>>) target(%dma_start3A_440 : memref<16x128xf32, #tpu.memory_space<vmem_shared>>) target_semaphore(%run_scoped3A_436 : memref<!tpu.dma_semaphore, #tpu.memory_space<semaphore_mem>>)
      %dma_wait3A_441 = arith.constant 0 : i32
      %dma_wait3A_442 = tpu.memref_slice %arg16[%add3A_171, %dma_wait3A_441] : memref<10240x128xf32, #tpu.memory_space<vmem_shared>> -> memref<16x128xf32, #tpu.memory_space<vmem_shared>>
      %dma_wait3A_443 = arith.constant 0 : i32
      %dma_wait3A_444 = tpu.memref_slice %arg16[%add3A_171, %dma_wait3A_443] : memref<10240x128xf32, #tpu.memory_space<vmem_shared>> -> memref<16x128xf32, #tpu.memory_space<vmem_shared>>
      tpu.wait_dma2 semaphore(%run_scoped3A_436 : memref<!tpu.dma_semaphore, #tpu.memory_space<semaphore_mem>>) src(%arg14 : memref<16x128xf32, #tpu.memory_space<vmem>>) dst(%dma_wait3A_444 : memref<16x128xf32, #tpu.memory_space<vmem_shared>>)
      tpu.yield
    }) : () -> ()
    %add3A_172 = arith.constant 224 : i32
    %add3A_173 = arith.addi %mul3A_2, %add3A_172 : i32
    "tpu.region"() ({
      %run_scoped3A_436 = tpu.sem_alloc : memref<!tpu.dma_semaphore, #tpu.memory_space<semaphore_mem>>
      %dma_start3A_437 = arith.constant 0 : i32
      %dma_start3A_438 = tpu.memref_slice %arg16[%add3A_173, %dma_start3A_437] : memref<10240x128xf32, #tpu.memory_space<vmem_shared>> -> memref<16x128xf32, #tpu.memory_space<vmem_shared>>
      %dma_start3A_439 = arith.constant 0 : i32
      %dma_start3A_440 = tpu.memref_slice %arg16[%add3A_173, %dma_start3A_439] : memref<10240x128xf32, #tpu.memory_space<vmem_shared>> -> memref<16x128xf32, #tpu.memory_space<vmem_shared>>
      tpu.enqueue_dma source(%arg14 : memref<16x128xf32, #tpu.memory_space<vmem>>) target(%dma_start3A_440 : memref<16x128xf32, #tpu.memory_space<vmem_shared>>) target_semaphore(%run_scoped3A_436 : memref<!tpu.dma_semaphore, #tpu.memory_space<semaphore_mem>>)
      %dma_wait3A_441 = arith.constant 0 : i32
      %dma_wait3A_442 = tpu.memref_slice %arg16[%add3A_173, %dma_wait3A_441] : memref<10240x128xf32, #tpu.memory_space<vmem_shared>> -> memref<16x128xf32, #tpu.memory_space<vmem_shared>>
      %dma_wait3A_443 = arith.constant 0 : i32
      %dma_wait3A_444 = tpu.memref_slice %arg16[%add3A_173, %dma_wait3A_443] : memref<10240x128xf32, #tpu.memory_space<vmem_shared>> -> memref<16x128xf32, #tpu.memory_space<vmem_shared>>
      tpu.wait_dma2 semaphore(%run_scoped3A_436 : memref<!tpu.dma_semaphore, #tpu.memory_space<semaphore_mem>>) src(%arg14 : memref<16x128xf32, #tpu.memory_space<vmem>>) dst(%dma_wait3A_444 : memref<16x128xf32, #tpu.memory_space<vmem_shared>>)
      tpu.yield
    }) : () -> ()
    %add3A_174 = arith.constant 240 : i32
    %add3A_175 = arith.addi %mul3A_2, %add3A_174 : i32
    "tpu.region"() ({
      %run_scoped3A_436 = tpu.sem_alloc : memref<!tpu.dma_semaphore, #tpu.memory_space<semaphore_mem>>
      %dma_start3A_437 = arith.constant 0 : i32
      %dma_start3A_438 = tpu.memref_slice %arg16[%add3A_175, %dma_start3A_437] : memref<10240x128xf32, #tpu.memory_space<vmem_shared>> -> memref<16x128xf32, #tpu.memory_space<vmem_shared>>
      %dma_start3A_439 = arith.constant 0 : i32
      %dma_start3A_440 = tpu.memref_slice %arg16[%add3A_175, %dma_start3A_439] : memref<10240x128xf32, #tpu.memory_space<vmem_shared>> -> memref<16x128xf32, #tpu.memory_space<vmem_shared>>
      tpu.enqueue_dma source(%arg14 : memref<16x128xf32, #tpu.memory_space<vmem>>) target(%dma_start3A_440 : memref<16x128xf32, #tpu.memory_space<vmem_shared>>) target_semaphore(%run_scoped3A_436 : memref<!tpu.dma_semaphore, #tpu.memory_space<semaphore_mem>>)
      %dma_wait3A_441 = arith.constant 0 : i32
      %dma_wait3A_442 = tpu.memref_slice %arg16[%add3A_175, %dma_wait3A_441] : memref<10240x128xf32, #tpu.memory_space<vmem_shared>> -> memref<16x128xf32, #tpu.memory_space<vmem_shared>>
      %dma_wait3A_443 = arith.constant 0 : i32
      %dma_wait3A_444 = tpu.memref_slice %arg16[%add3A_175, %dma_wait3A_443] : memref<10240x128xf32, #tpu.memory_space<vmem_shared>> -> memref<16x128xf32, #tpu.memory_space<vmem_shared>>
      tpu.wait_dma2 semaphore(%run_scoped3A_436 : memref<!tpu.dma_semaphore, #tpu.memory_space<semaphore_mem>>) src(%arg14 : memref<16x128xf32, #tpu.memory_space<vmem>>) dst(%dma_wait3A_444 : memref<16x128xf32, #tpu.memory_space<vmem_shared>>)
      tpu.yield
    }) : () -> ()
    %add3A_176 = arith.constant 256 : i32
    %add3A_177 = arith.addi %mul3A_2, %add3A_176 : i32
    "tpu.region"() ({
      %run_scoped3A_436 = tpu.sem_alloc : memref<!tpu.dma_semaphore, #tpu.memory_space<semaphore_mem>>
      %dma_start3A_437 = arith.constant 0 : i32
      %dma_start3A_438 = tpu.memref_slice %arg16[%add3A_177, %dma_start3A_437] : memref<10240x128xf32, #tpu.memory_space<vmem_shared>> -> memref<16x128xf32, #tpu.memory_space<vmem_shared>>
      %dma_start3A_439 = arith.constant 0 : i32
      %dma_start3A_440 = tpu.memref_slice %arg16[%add3A_177, %dma_start3A_439] : memref<10240x128xf32, #tpu.memory_space<vmem_shared>> -> memref<16x128xf32, #tpu.memory_space<vmem_shared>>
      tpu.enqueue_dma source(%arg14 : memref<16x128xf32, #tpu.memory_space<vmem>>) target(%dma_start3A_440 : memref<16x128xf32, #tpu.memory_space<vmem_shared>>) target_semaphore(%run_scoped3A_436 : memref<!tpu.dma_semaphore, #tpu.memory_space<semaphore_mem>>)
      %dma_wait3A_441 = arith.constant 0 : i32
      %dma_wait3A_442 = tpu.memref_slice %arg16[%add3A_177, %dma_wait3A_441] : memref<10240x128xf32, #tpu.memory_space<vmem_shared>> -> memref<16x128xf32, #tpu.memory_space<vmem_shared>>
      %dma_wait3A_443 = arith.constant 0 : i32
      %dma_wait3A_444 = tpu.memref_slice %arg16[%add3A_177, %dma_wait3A_443] : memref<10240x128xf32, #tpu.memory_space<vmem_shared>> -> memref<16x128xf32, #tpu.memory_space<vmem_shared>>
      tpu.wait_dma2 semaphore(%run_scoped3A_436 : memref<!tpu.dma_semaphore, #tpu.memory_space<semaphore_mem>>) src(%arg14 : memref<16x128xf32, #tpu.memory_space<vmem>>) dst(%dma_wait3A_444 : memref<16x128xf32, #tpu.memory_space<vmem_shared>>)
      tpu.yield
    }) : () -> ()
    %add3A_178 = arith.constant 272 : i32
    %add3A_179 = arith.addi %mul3A_2, %add3A_178 : i32
    "tpu.region"() ({
      %run_scoped3A_436 = tpu.sem_alloc : memref<!tpu.dma_semaphore, #tpu.memory_space<semaphore_mem>>
      %dma_start3A_437 = arith.constant 0 : i32
      %dma_start3A_438 = tpu.memref_slice %arg16[%add3A_179, %dma_start3A_437] : memref<10240x128xf32, #tpu.memory_space<vmem_shared>> -> memref<16x128xf32, #tpu.memory_space<vmem_shared>>
      %dma_start3A_439 = arith.constant 0 : i32
      %dma_start3A_440 = tpu.memref_slice %arg16[%add3A_179, %dma_start3A_439] : memref<10240x128xf32, #tpu.memory_space<vmem_shared>> -> memref<16x128xf32, #tpu.memory_space<vmem_shared>>
      tpu.enqueue_dma source(%arg14 : memref<16x128xf32, #tpu.memory_space<vmem>>) target(%dma_start3A_440 : memref<16x128xf32, #tpu.memory_space<vmem_shared>>) target_semaphore(%run_scoped3A_436 : memref<!tpu.dma_semaphore, #tpu.memory_space<semaphore_mem>>)
      %dma_wait3A_441 = arith.constant 0 : i32
      %dma_wait3A_442 = tpu.memref_slice %arg16[%add3A_179, %dma_wait3A_441] : memref<10240x128xf32, #tpu.memory_space<vmem_shared>> -> memref<16x128xf32, #tpu.memory_space<vmem_shared>>
      %dma_wait3A_443 = arith.constant 0 : i32
      %dma_wait3A_444 = tpu.memref_slice %arg16[%add3A_179, %dma_wait3A_443] : memref<10240x128xf32, #tpu.memory_space<vmem_shared>> -> memref<16x128xf32, #tpu.memory_space<vmem_shared>>
      tpu.wait_dma2 semaphore(%run_scoped3A_436 : memref<!tpu.dma_semaphore, #tpu.memory_space<semaphore_mem>>) src(%arg14 : memref<16x128xf32, #tpu.memory_space<vmem>>) dst(%dma_wait3A_444 : memref<16x128xf32, #tpu.memory_space<vmem_shared>>)
      tpu.yield
    }) : () -> ()
    %add3A_180 = arith.constant 288 : i32
    %add3A_181 = arith.addi %mul3A_2, %add3A_180 : i32
    "tpu.region"() ({
      %run_scoped3A_436 = tpu.sem_alloc : memref<!tpu.dma_semaphore, #tpu.memory_space<semaphore_mem>>
      %dma_start3A_437 = arith.constant 0 : i32
      %dma_start3A_438 = tpu.memref_slice %arg16[%add3A_181, %dma_start3A_437] : memref<10240x128xf32, #tpu.memory_space<vmem_shared>> -> memref<16x128xf32, #tpu.memory_space<vmem_shared>>
      %dma_start3A_439 = arith.constant 0 : i32
      %dma_start3A_440 = tpu.memref_slice %arg16[%add3A_181, %dma_start3A_439] : memref<10240x128xf32, #tpu.memory_space<vmem_shared>> -> memref<16x128xf32, #tpu.memory_space<vmem_shared>>
      tpu.enqueue_dma source(%arg14 : memref<16x128xf32, #tpu.memory_space<vmem>>) target(%dma_start3A_440 : memref<16x128xf32, #tpu.memory_space<vmem_shared>>) target_semaphore(%run_scoped3A_436 : memref<!tpu.dma_semaphore, #tpu.memory_space<semaphore_mem>>)
      %dma_wait3A_441 = arith.constant 0 : i32
      %dma_wait3A_442 = tpu.memref_slice %arg16[%add3A_181, %dma_wait3A_441] : memref<10240x128xf32, #tpu.memory_space<vmem_shared>> -> memref<16x128xf32, #tpu.memory_space<vmem_shared>>
      %dma_wait3A_443 = arith.constant 0 : i32
      %dma_wait3A_444 = tpu.memref_slice %arg16[%add3A_181, %dma_wait3A_443] : memref<10240x128xf32, #tpu.memory_space<vmem_shared>> -> memref<16x128xf32, #tpu.memory_space<vmem_shared>>
      tpu.wait_dma2 semaphore(%run_scoped3A_436 : memref<!tpu.dma_semaphore, #tpu.memory_space<semaphore_mem>>) src(%arg14 : memref<16x128xf32, #tpu.memory_space<vmem>>) dst(%dma_wait3A_444 : memref<16x128xf32, #tpu.memory_space<vmem_shared>>)
      tpu.yield
    }) : () -> ()
    %add3A_182 = arith.constant 304 : i32
    %add3A_183 = arith.addi %mul3A_2, %add3A_182 : i32
    "tpu.region"() ({
      %run_scoped3A_436 = tpu.sem_alloc : memref<!tpu.dma_semaphore, #tpu.memory_space<semaphore_mem>>
      %dma_start3A_437 = arith.constant 0 : i32
      %dma_start3A_438 = tpu.memref_slice %arg16[%add3A_183, %dma_start3A_437] : memref<10240x128xf32, #tpu.memory_space<vmem_shared>> -> memref<16x128xf32, #tpu.memory_space<vmem_shared>>
      %dma_start3A_439 = arith.constant 0 : i32
      %dma_start3A_440 = tpu.memref_slice %arg16[%add3A_183, %dma_start3A_439] : memref<10240x128xf32, #tpu.memory_space<vmem_shared>> -> memref<16x128xf32, #tpu.memory_space<vmem_shared>>
      tpu.enqueue_dma source(%arg14 : memref<16x128xf32, #tpu.memory_space<vmem>>) target(%dma_start3A_440 : memref<16x128xf32, #tpu.memory_space<vmem_shared>>) target_semaphore(%run_scoped3A_436 : memref<!tpu.dma_semaphore, #tpu.memory_space<semaphore_mem>>)
      %dma_wait3A_441 = arith.constant 0 : i32
      %dma_wait3A_442 = tpu.memref_slice %arg16[%add3A_183, %dma_wait3A_441] : memref<10240x128xf32, #tpu.memory_space<vmem_shared>> -> memref<16x128xf32, #tpu.memory_space<vmem_shared>>
      %dma_wait3A_443 = arith.constant 0 : i32
      %dma_wait3A_444 = tpu.memref_slice %arg16[%add3A_183, %dma_wait3A_443] : memref<10240x128xf32, #tpu.memory_space<vmem_shared>> -> memref<16x128xf32, #tpu.memory_space<vmem_shared>>
      tpu.wait_dma2 semaphore(%run_scoped3A_436 : memref<!tpu.dma_semaphore, #tpu.memory_space<semaphore_mem>>) src(%arg14 : memref<16x128xf32, #tpu.memory_space<vmem>>) dst(%dma_wait3A_444 : memref<16x128xf32, #tpu.memory_space<vmem_shared>>)
      tpu.yield
    }) : () -> ()
    %add3A_184 = arith.constant 320 : i32
    %add3A_185 = arith.addi %mul3A_2, %add3A_184 : i32
    "tpu.region"() ({
      %run_scoped3A_436 = tpu.sem_alloc : memref<!tpu.dma_semaphore, #tpu.memory_space<semaphore_mem>>
      %dma_start3A_437 = arith.constant 0 : i32
      %dma_start3A_438 = tpu.memref_slice %arg16[%add3A_185, %dma_start3A_437] : memref<10240x128xf32, #tpu.memory_space<vmem_shared>> -> memref<16x128xf32, #tpu.memory_space<vmem_shared>>
      %dma_start3A_439 = arith.constant 0 : i32
      %dma_start3A_440 = tpu.memref_slice %arg16[%add3A_185, %dma_start3A_439] : memref<10240x128xf32, #tpu.memory_space<vmem_shared>> -> memref<16x128xf32, #tpu.memory_space<vmem_shared>>
      tpu.enqueue_dma source(%arg14 : memref<16x128xf32, #tpu.memory_space<vmem>>) target(%dma_start3A_440 : memref<16x128xf32, #tpu.memory_space<vmem_shared>>) target_semaphore(%run_scoped3A_436 : memref<!tpu.dma_semaphore, #tpu.memory_space<semaphore_mem>>)
      %dma_wait3A_441 = arith.constant 0 : i32
      %dma_wait3A_442 = tpu.memref_slice %arg16[%add3A_185, %dma_wait3A_441] : memref<10240x128xf32, #tpu.memory_space<vmem_shared>> -> memref<16x128xf32, #tpu.memory_space<vmem_shared>>
      %dma_wait3A_443 = arith.constant 0 : i32
      %dma_wait3A_444 = tpu.memref_slice %arg16[%add3A_185, %dma_wait3A_443] : memref<10240x128xf32, #tpu.memory_space<vmem_shared>> -> memref<16x128xf32, #tpu.memory_space<vmem_shared>>
      tpu.wait_dma2 semaphore(%run_scoped3A_436 : memref<!tpu.dma_semaphore, #tpu.memory_space<semaphore_mem>>) src(%arg14 : memref<16x128xf32, #tpu.memory_space<vmem>>) dst(%dma_wait3A_444 : memref<16x128xf32, #tpu.memory_space<vmem_shared>>)
      tpu.yield
    }) : () -> ()
    %add3A_186 = arith.constant 336 : i32
    %add3A_187 = arith.addi %mul3A_2, %add3A_186 : i32
    "tpu.region"() ({
      %run_scoped3A_436 = tpu.sem_alloc : memref<!tpu.dma_semaphore, #tpu.memory_space<semaphore_mem>>
      %dma_start3A_437 = arith.constant 0 : i32
      %dma_start3A_438 = tpu.memref_slice %arg16[%add3A_187, %dma_start3A_437] : memref<10240x128xf32, #tpu.memory_space<vmem_shared>> -> memref<16x128xf32, #tpu.memory_space<vmem_shared>>
      %dma_start3A_439 = arith.constant 0 : i32
      %dma_start3A_440 = tpu.memref_slice %arg16[%add3A_187, %dma_start3A_439] : memref<10240x128xf32, #tpu.memory_space<vmem_shared>> -> memref<16x128xf32, #tpu.memory_space<vmem_shared>>
      tpu.enqueue_dma source(%arg14 : memref<16x128xf32, #tpu.memory_space<vmem>>) target(%dma_start3A_440 : memref<16x128xf32, #tpu.memory_space<vmem_shared>>) target_semaphore(%run_scoped3A_436 : memref<!tpu.dma_semaphore, #tpu.memory_space<semaphore_mem>>)
      %dma_wait3A_441 = arith.constant 0 : i32
      %dma_wait3A_442 = tpu.memref_slice %arg16[%add3A_187, %dma_wait3A_441] : memref<10240x128xf32, #tpu.memory_space<vmem_shared>> -> memref<16x128xf32, #tpu.memory_space<vmem_shared>>
      %dma_wait3A_443 = arith.constant 0 : i32
      %dma_wait3A_444 = tpu.memref_slice %arg16[%add3A_187, %dma_wait3A_443] : memref<10240x128xf32, #tpu.memory_space<vmem_shared>> -> memref<16x128xf32, #tpu.memory_space<vmem_shared>>
      tpu.wait_dma2 semaphore(%run_scoped3A_436 : memref<!tpu.dma_semaphore, #tpu.memory_space<semaphore_mem>>) src(%arg14 : memref<16x128xf32, #tpu.memory_space<vmem>>) dst(%dma_wait3A_444 : memref<16x128xf32, #tpu.memory_space<vmem_shared>>)
      tpu.yield
    }) : () -> ()
    %add3A_188 = arith.constant 352 : i32
    %add3A_189 = arith.addi %mul3A_2, %add3A_188 : i32
    "tpu.region"() ({
      %run_scoped3A_436 = tpu.sem_alloc : memref<!tpu.dma_semaphore, #tpu.memory_space<semaphore_mem>>
      %dma_start3A_437 = arith.constant 0 : i32
      %dma_start3A_438 = tpu.memref_slice %arg16[%add3A_189, %dma_start3A_437] : memref<10240x128xf32, #tpu.memory_space<vmem_shared>> -> memref<16x128xf32, #tpu.memory_space<vmem_shared>>
      %dma_start3A_439 = arith.constant 0 : i32
      %dma_start3A_440 = tpu.memref_slice %arg16[%add3A_189, %dma_start3A_439] : memref<10240x128xf32, #tpu.memory_space<vmem_shared>> -> memref<16x128xf32, #tpu.memory_space<vmem_shared>>
      tpu.enqueue_dma source(%arg14 : memref<16x128xf32, #tpu.memory_space<vmem>>) target(%dma_start3A_440 : memref<16x128xf32, #tpu.memory_space<vmem_shared>>) target_semaphore(%run_scoped3A_436 : memref<!tpu.dma_semaphore, #tpu.memory_space<semaphore_mem>>)
      %dma_wait3A_441 = arith.constant 0 : i32
      %dma_wait3A_442 = tpu.memref_slice %arg16[%add3A_189, %dma_wait3A_441] : memref<10240x128xf32, #tpu.memory_space<vmem_shared>> -> memref<16x128xf32, #tpu.memory_space<vmem_shared>>
      %dma_wait3A_443 = arith.constant 0 : i32
      %dma_wait3A_444 = tpu.memref_slice %arg16[%add3A_189, %dma_wait3A_443] : memref<10240x128xf32, #tpu.memory_space<vmem_shared>> -> memref<16x128xf32, #tpu.memory_space<vmem_shared>>
      tpu.wait_dma2 semaphore(%run_scoped3A_436 : memref<!tpu.dma_semaphore, #tpu.memory_space<semaphore_mem>>) src(%arg14 : memref<16x128xf32, #tpu.memory_space<vmem>>) dst(%dma_wait3A_444 : memref<16x128xf32, #tpu.memory_space<vmem_shared>>)
      tpu.yield
    }) : () -> ()
    %add3A_190 = arith.constant 368 : i32
    %add3A_191 = arith.addi %mul3A_2, %add3A_190 : i32
    "tpu.region"() ({
      %run_scoped3A_436 = tpu.sem_alloc : memref<!tpu.dma_semaphore, #tpu.memory_space<semaphore_mem>>
      %dma_start3A_437 = arith.constant 0 : i32
      %dma_start3A_438 = tpu.memref_slice %arg16[%add3A_191, %dma_start3A_437] : memref<10240x128xf32, #tpu.memory_space<vmem_shared>> -> memref<16x128xf32, #tpu.memory_space<vmem_shared>>
      %dma_start3A_439 = arith.constant 0 : i32
      %dma_start3A_440 = tpu.memref_slice %arg16[%add3A_191, %dma_start3A_439] : memref<10240x128xf32, #tpu.memory_space<vmem_shared>> -> memref<16x128xf32, #tpu.memory_space<vmem_shared>>
      tpu.enqueue_dma source(%arg14 : memref<16x128xf32, #tpu.memory_space<vmem>>) target(%dma_start3A_440 : memref<16x128xf32, #tpu.memory_space<vmem_shared>>) target_semaphore(%run_scoped3A_436 : memref<!tpu.dma_semaphore, #tpu.memory_space<semaphore_mem>>)
      %dma_wait3A_441 = arith.constant 0 : i32
      %dma_wait3A_442 = tpu.memref_slice %arg16[%add3A_191, %dma_wait3A_441] : memref<10240x128xf32, #tpu.memory_space<vmem_shared>> -> memref<16x128xf32, #tpu.memory_space<vmem_shared>>
      %dma_wait3A_443 = arith.constant 0 : i32
      %dma_wait3A_444 = tpu.memref_slice %arg16[%add3A_191, %dma_wait3A_443] : memref<10240x128xf32, #tpu.memory_space<vmem_shared>> -> memref<16x128xf32, #tpu.memory_space<vmem_shared>>
      tpu.wait_dma2 semaphore(%run_scoped3A_436 : memref<!tpu.dma_semaphore, #tpu.memory_space<semaphore_mem>>) src(%arg14 : memref<16x128xf32, #tpu.memory_space<vmem>>) dst(%dma_wait3A_444 : memref<16x128xf32, #tpu.memory_space<vmem_shared>>)
      tpu.yield
    }) : () -> ()
    %add3A_192 = arith.constant 384 : i32
    %add3A_193 = arith.addi %mul3A_2, %add3A_192 : i32
    "tpu.region"() ({
      %run_scoped3A_436 = tpu.sem_alloc : memref<!tpu.dma_semaphore, #tpu.memory_space<semaphore_mem>>
      %dma_start3A_437 = arith.constant 0 : i32
      %dma_start3A_438 = tpu.memref_slice %arg16[%add3A_193, %dma_start3A_437] : memref<10240x128xf32, #tpu.memory_space<vmem_shared>> -> memref<16x128xf32, #tpu.memory_space<vmem_shared>>
      %dma_start3A_439 = arith.constant 0 : i32
      %dma_start3A_440 = tpu.memref_slice %arg16[%add3A_193, %dma_start3A_439] : memref<10240x128xf32, #tpu.memory_space<vmem_shared>> -> memref<16x128xf32, #tpu.memory_space<vmem_shared>>
      tpu.enqueue_dma source(%arg14 : memref<16x128xf32, #tpu.memory_space<vmem>>) target(%dma_start3A_440 : memref<16x128xf32, #tpu.memory_space<vmem_shared>>) target_semaphore(%run_scoped3A_436 : memref<!tpu.dma_semaphore, #tpu.memory_space<semaphore_mem>>)
      %dma_wait3A_441 = arith.constant 0 : i32
      %dma_wait3A_442 = tpu.memref_slice %arg16[%add3A_193, %dma_wait3A_441] : memref<10240x128xf32, #tpu.memory_space<vmem_shared>> -> memref<16x128xf32, #tpu.memory_space<vmem_shared>>
      %dma_wait3A_443 = arith.constant 0 : i32
      %dma_wait3A_444 = tpu.memref_slice %arg16[%add3A_193, %dma_wait3A_443] : memref<10240x128xf32, #tpu.memory_space<vmem_shared>> -> memref<16x128xf32, #tpu.memory_space<vmem_shared>>
      tpu.wait_dma2 semaphore(%run_scoped3A_436 : memref<!tpu.dma_semaphore, #tpu.memory_space<semaphore_mem>>) src(%arg14 : memref<16x128xf32, #tpu.memory_space<vmem>>) dst(%dma_wait3A_444 : memref<16x128xf32, #tpu.memory_space<vmem_shared>>)
      tpu.yield
    }) : () -> ()
    %add3A_194 = arith.constant 400 : i32
    %add3A_195 = arith.addi %mul3A_2, %add3A_194 : i32
    "tpu.region"() ({
      %run_scoped3A_436 = tpu.sem_alloc : memref<!tpu.dma_semaphore, #tpu.memory_space<semaphore_mem>>
      %dma_start3A_437 = arith.constant 0 : i32
      %dma_start3A_438 = tpu.memref_slice %arg16[%add3A_195, %dma_start3A_437] : memref<10240x128xf32, #tpu.memory_space<vmem_shared>> -> memref<16x128xf32, #tpu.memory_space<vmem_shared>>
      %dma_start3A_439 = arith.constant 0 : i32
      %dma_start3A_440 = tpu.memref_slice %arg16[%add3A_195, %dma_start3A_439] : memref<10240x128xf32, #tpu.memory_space<vmem_shared>> -> memref<16x128xf32, #tpu.memory_space<vmem_shared>>
      tpu.enqueue_dma source(%arg14 : memref<16x128xf32, #tpu.memory_space<vmem>>) target(%dma_start3A_440 : memref<16x128xf32, #tpu.memory_space<vmem_shared>>) target_semaphore(%run_scoped3A_436 : memref<!tpu.dma_semaphore, #tpu.memory_space<semaphore_mem>>)
      %dma_wait3A_441 = arith.constant 0 : i32
      %dma_wait3A_442 = tpu.memref_slice %arg16[%add3A_195, %dma_wait3A_441] : memref<10240x128xf32, #tpu.memory_space<vmem_shared>> -> memref<16x128xf32, #tpu.memory_space<vmem_shared>>
      %dma_wait3A_443 = arith.constant 0 : i32
      %dma_wait3A_444 = tpu.memref_slice %arg16[%add3A_195, %dma_wait3A_443] : memref<10240x128xf32, #tpu.memory_space<vmem_shared>> -> memref<16x128xf32, #tpu.memory_space<vmem_shared>>
      tpu.wait_dma2 semaphore(%run_scoped3A_436 : memref<!tpu.dma_semaphore, #tpu.memory_space<semaphore_mem>>) src(%arg14 : memref<16x128xf32, #tpu.memory_space<vmem>>) dst(%dma_wait3A_444 : memref<16x128xf32, #tpu.memory_space<vmem_shared>>)
      tpu.yield
    }) : () -> ()
    %add3A_196 = arith.constant 416 : i32
    %add3A_197 = arith.addi %mul3A_2, %add3A_196 : i32
    "tpu.region"() ({
      %run_scoped3A_436 = tpu.sem_alloc : memref<!tpu.dma_semaphore, #tpu.memory_space<semaphore_mem>>
      %dma_start3A_437 = arith.constant 0 : i32
      %dma_start3A_438 = tpu.memref_slice %arg16[%add3A_197, %dma_start3A_437] : memref<10240x128xf32, #tpu.memory_space<vmem_shared>> -> memref<16x128xf32, #tpu.memory_space<vmem_shared>>
      %dma_start3A_439 = arith.constant 0 : i32
      %dma_start3A_440 = tpu.memref_slice %arg16[%add3A_197, %dma_start3A_439] : memref<10240x128xf32, #tpu.memory_space<vmem_shared>> -> memref<16x128xf32, #tpu.memory_space<vmem_shared>>
      tpu.enqueue_dma source(%arg14 : memref<16x128xf32, #tpu.memory_space<vmem>>) target(%dma_start3A_440 : memref<16x128xf32, #tpu.memory_space<vmem_shared>>) target_semaphore(%run_scoped3A_436 : memref<!tpu.dma_semaphore, #tpu.memory_space<semaphore_mem>>)
      %dma_wait3A_441 = arith.constant 0 : i32
      %dma_wait3A_442 = tpu.memref_slice %arg16[%add3A_197, %dma_wait3A_441] : memref<10240x128xf32, #tpu.memory_space<vmem_shared>> -> memref<16x128xf32, #tpu.memory_space<vmem_shared>>
      %dma_wait3A_443 = arith.constant 0 : i32
      %dma_wait3A_444 = tpu.memref_slice %arg16[%add3A_197, %dma_wait3A_443] : memref<10240x128xf32, #tpu.memory_space<vmem_shared>> -> memref<16x128xf32, #tpu.memory_space<vmem_shared>>
      tpu.wait_dma2 semaphore(%run_scoped3A_436 : memref<!tpu.dma_semaphore, #tpu.memory_space<semaphore_mem>>) src(%arg14 : memref<16x128xf32, #tpu.memory_space<vmem>>) dst(%dma_wait3A_444 : memref<16x128xf32, #tpu.memory_space<vmem_shared>>)
      tpu.yield
    }) : () -> ()
    %add3A_198 = arith.constant 432 : i32
    %add3A_199 = arith.addi %mul3A_2, %add3A_198 : i32
    "tpu.region"() ({
      %run_scoped3A_436 = tpu.sem_alloc : memref<!tpu.dma_semaphore, #tpu.memory_space<semaphore_mem>>
      %dma_start3A_437 = arith.constant 0 : i32
      %dma_start3A_438 = tpu.memref_slice %arg16[%add3A_199, %dma_start3A_437] : memref<10240x128xf32, #tpu.memory_space<vmem_shared>> -> memref<16x128xf32, #tpu.memory_space<vmem_shared>>
      %dma_start3A_439 = arith.constant 0 : i32
      %dma_start3A_440 = tpu.memref_slice %arg16[%add3A_199, %dma_start3A_439] : memref<10240x128xf32, #tpu.memory_space<vmem_shared>> -> memref<16x128xf32, #tpu.memory_space<vmem_shared>>
      tpu.enqueue_dma source(%arg14 : memref<16x128xf32, #tpu.memory_space<vmem>>) target(%dma_start3A_440 : memref<16x128xf32, #tpu.memory_space<vmem_shared>>) target_semaphore(%run_scoped3A_436 : memref<!tpu.dma_semaphore, #tpu.memory_space<semaphore_mem>>)
      %dma_wait3A_441 = arith.constant 0 : i32
      %dma_wait3A_442 = tpu.memref_slice %arg16[%add3A_199, %dma_wait3A_441] : memref<10240x128xf32, #tpu.memory_space<vmem_shared>> -> memref<16x128xf32, #tpu.memory_space<vmem_shared>>
      %dma_wait3A_443 = arith.constant 0 : i32
      %dma_wait3A_444 = tpu.memref_slice %arg16[%add3A_199, %dma_wait3A_443] : memref<10240x128xf32, #tpu.memory_space<vmem_shared>> -> memref<16x128xf32, #tpu.memory_space<vmem_shared>>
      tpu.wait_dma2 semaphore(%run_scoped3A_436 : memref<!tpu.dma_semaphore, #tpu.memory_space<semaphore_mem>>) src(%arg14 : memref<16x128xf32, #tpu.memory_space<vmem>>) dst(%dma_wait3A_444 : memref<16x128xf32, #tpu.memory_space<vmem_shared>>)
      tpu.yield
    }) : () -> ()
    %add3A_200 = arith.constant 448 : i32
    %add3A_201 = arith.addi %mul3A_2, %add3A_200 : i32
    "tpu.region"() ({
      %run_scoped3A_436 = tpu.sem_alloc : memref<!tpu.dma_semaphore, #tpu.memory_space<semaphore_mem>>
      %dma_start3A_437 = arith.constant 0 : i32
      %dma_start3A_438 = tpu.memref_slice %arg16[%add3A_201, %dma_start3A_437] : memref<10240x128xf32, #tpu.memory_space<vmem_shared>> -> memref<16x128xf32, #tpu.memory_space<vmem_shared>>
      %dma_start3A_439 = arith.constant 0 : i32
      %dma_start3A_440 = tpu.memref_slice %arg16[%add3A_201, %dma_start3A_439] : memref<10240x128xf32, #tpu.memory_space<vmem_shared>> -> memref<16x128xf32, #tpu.memory_space<vmem_shared>>
      tpu.enqueue_dma source(%arg14 : memref<16x128xf32, #tpu.memory_space<vmem>>) target(%dma_start3A_440 : memref<16x128xf32, #tpu.memory_space<vmem_shared>>) target_semaphore(%run_scoped3A_436 : memref<!tpu.dma_semaphore, #tpu.memory_space<semaphore_mem>>)
      %dma_wait3A_441 = arith.constant 0 : i32
      %dma_wait3A_442 = tpu.memref_slice %arg16[%add3A_201, %dma_wait3A_441] : memref<10240x128xf32, #tpu.memory_space<vmem_shared>> -> memref<16x128xf32, #tpu.memory_space<vmem_shared>>
      %dma_wait3A_443 = arith.constant 0 : i32
      %dma_wait3A_444 = tpu.memref_slice %arg16[%add3A_201, %dma_wait3A_443] : memref<10240x128xf32, #tpu.memory_space<vmem_shared>> -> memref<16x128xf32, #tpu.memory_space<vmem_shared>>
      tpu.wait_dma2 semaphore(%run_scoped3A_436 : memref<!tpu.dma_semaphore, #tpu.memory_space<semaphore_mem>>) src(%arg14 : memref<16x128xf32, #tpu.memory_space<vmem>>) dst(%dma_wait3A_444 : memref<16x128xf32, #tpu.memory_space<vmem_shared>>)
      tpu.yield
    }) : () -> ()
    %add3A_202 = arith.constant 464 : i32
    %add3A_203 = arith.addi %mul3A_2, %add3A_202 : i32
    "tpu.region"() ({
      %run_scoped3A_436 = tpu.sem_alloc : memref<!tpu.dma_semaphore, #tpu.memory_space<semaphore_mem>>
      %dma_start3A_437 = arith.constant 0 : i32
      %dma_start3A_438 = tpu.memref_slice %arg16[%add3A_203, %dma_start3A_437] : memref<10240x128xf32, #tpu.memory_space<vmem_shared>> -> memref<16x128xf32, #tpu.memory_space<vmem_shared>>
      %dma_start3A_439 = arith.constant 0 : i32
      %dma_start3A_440 = tpu.memref_slice %arg16[%add3A_203, %dma_start3A_439] : memref<10240x128xf32, #tpu.memory_space<vmem_shared>> -> memref<16x128xf32, #tpu.memory_space<vmem_shared>>
      tpu.enqueue_dma source(%arg14 : memref<16x128xf32, #tpu.memory_space<vmem>>) target(%dma_start3A_440 : memref<16x128xf32, #tpu.memory_space<vmem_shared>>) target_semaphore(%run_scoped3A_436 : memref<!tpu.dma_semaphore, #tpu.memory_space<semaphore_mem>>)
      %dma_wait3A_441 = arith.constant 0 : i32
      %dma_wait3A_442 = tpu.memref_slice %arg16[%add3A_203, %dma_wait3A_441] : memref<10240x128xf32, #tpu.memory_space<vmem_shared>> -> memref<16x128xf32, #tpu.memory_space<vmem_shared>>
      %dma_wait3A_443 = arith.constant 0 : i32
      %dma_wait3A_444 = tpu.memref_slice %arg16[%add3A_203, %dma_wait3A_443] : memref<10240x128xf32, #tpu.memory_space<vmem_shared>> -> memref<16x128xf32, #tpu.memory_space<vmem_shared>>
      tpu.wait_dma2 semaphore(%run_scoped3A_436 : memref<!tpu.dma_semaphore, #tpu.memory_space<semaphore_mem>>) src(%arg14 : memref<16x128xf32, #tpu.memory_space<vmem>>) dst(%dma_wait3A_444 : memref<16x128xf32, #tpu.memory_space<vmem_shared>>)
      tpu.yield
    }) : () -> ()
    %add3A_204 = arith.constant 480 : i32
    %add3A_205 = arith.addi %mul3A_2, %add3A_204 : i32
    "tpu.region"() ({
      %run_scoped3A_436 = tpu.sem_alloc : memref<!tpu.dma_semaphore, #tpu.memory_space<semaphore_mem>>
      %dma_start3A_437 = arith.constant 0 : i32
      %dma_start3A_438 = tpu.memref_slice %arg16[%add3A_205, %dma_start3A_437] : memref<10240x128xf32, #tpu.memory_space<vmem_shared>> -> memref<16x128xf32, #tpu.memory_space<vmem_shared>>
      %dma_start3A_439 = arith.constant 0 : i32
      %dma_start3A_440 = tpu.memref_slice %arg16[%add3A_205, %dma_start3A_439] : memref<10240x128xf32, #tpu.memory_space<vmem_shared>> -> memref<16x128xf32, #tpu.memory_space<vmem_shared>>
      tpu.enqueue_dma source(%arg14 : memref<16x128xf32, #tpu.memory_space<vmem>>) target(%dma_start3A_440 : memref<16x128xf32, #tpu.memory_space<vmem_shared>>) target_semaphore(%run_scoped3A_436 : memref<!tpu.dma_semaphore, #tpu.memory_space<semaphore_mem>>)
      %dma_wait3A_441 = arith.constant 0 : i32
      %dma_wait3A_442 = tpu.memref_slice %arg16[%add3A_205, %dma_wait3A_441] : memref<10240x128xf32, #tpu.memory_space<vmem_shared>> -> memref<16x128xf32, #tpu.memory_space<vmem_shared>>
      %dma_wait3A_443 = arith.constant 0 : i32
      %dma_wait3A_444 = tpu.memref_slice %arg16[%add3A_205, %dma_wait3A_443] : memref<10240x128xf32, #tpu.memory_space<vmem_shared>> -> memref<16x128xf32, #tpu.memory_space<vmem_shared>>
      tpu.wait_dma2 semaphore(%run_scoped3A_436 : memref<!tpu.dma_semaphore, #tpu.memory_space<semaphore_mem>>) src(%arg14 : memref<16x128xf32, #tpu.memory_space<vmem>>) dst(%dma_wait3A_444 : memref<16x128xf32, #tpu.memory_space<vmem_shared>>)
      tpu.yield
    }) : () -> ()
    %add3A_206 = arith.constant 496 : i32
    %add3A_207 = arith.addi %mul3A_2, %add3A_206 : i32
    "tpu.region"() ({
      %run_scoped3A_436 = tpu.sem_alloc : memref<!tpu.dma_semaphore, #tpu.memory_space<semaphore_mem>>
      %dma_start3A_437 = arith.constant 0 : i32
      %dma_start3A_438 = tpu.memref_slice %arg16[%add3A_207, %dma_start3A_437] : memref<10240x128xf32, #tpu.memory_space<vmem_shared>> -> memref<16x128xf32, #tpu.memory_space<vmem_shared>>
      %dma_start3A_439 = arith.constant 0 : i32
      %dma_start3A_440 = tpu.memref_slice %arg16[%add3A_207, %dma_start3A_439] : memref<10240x128xf32, #tpu.memory_space<vmem_shared>> -> memref<16x128xf32, #tpu.memory_space<vmem_shared>>
      tpu.enqueue_dma source(%arg14 : memref<16x128xf32, #tpu.memory_space<vmem>>) target(%dma_start3A_440 : memref<16x128xf32, #tpu.memory_space<vmem_shared>>) target_semaphore(%run_scoped3A_436 : memref<!tpu.dma_semaphore, #tpu.memory_space<semaphore_mem>>)
      %dma_wait3A_441 = arith.constant 0 : i32
      %dma_wait3A_442 = tpu.memref_slice %arg16[%add3A_207, %dma_wait3A_441] : memref<10240x128xf32, #tpu.memory_space<vmem_shared>> -> memref<16x128xf32, #tpu.memory_space<vmem_shared>>
      %dma_wait3A_443 = arith.constant 0 : i32
      %dma_wait3A_444 = tpu.memref_slice %arg16[%add3A_207, %dma_wait3A_443] : memref<10240x128xf32, #tpu.memory_space<vmem_shared>> -> memref<16x128xf32, #tpu.memory_space<vmem_shared>>
      tpu.wait_dma2 semaphore(%run_scoped3A_436 : memref<!tpu.dma_semaphore, #tpu.memory_space<semaphore_mem>>) src(%arg14 : memref<16x128xf32, #tpu.memory_space<vmem>>) dst(%dma_wait3A_444 : memref<16x128xf32, #tpu.memory_space<vmem_shared>>)
      tpu.yield
    }) : () -> ()
    %add3A_208 = arith.constant 512 : i32
    %add3A_209 = arith.addi %mul3A_2, %add3A_208 : i32
    "tpu.region"() ({
      %run_scoped3A_436 = tpu.sem_alloc : memref<!tpu.dma_semaphore, #tpu.memory_space<semaphore_mem>>
      %dma_start3A_437 = arith.constant 0 : i32
      %dma_start3A_438 = tpu.memref_slice %arg16[%add3A_209, %dma_start3A_437] : memref<10240x128xf32, #tpu.memory_space<vmem_shared>> -> memref<16x128xf32, #tpu.memory_space<vmem_shared>>
      %dma_start3A_439 = arith.constant 0 : i32
      %dma_start3A_440 = tpu.memref_slice %arg16[%add3A_209, %dma_start3A_439] : memref<10240x128xf32, #tpu.memory_space<vmem_shared>> -> memref<16x128xf32, #tpu.memory_space<vmem_shared>>
      tpu.enqueue_dma source(%arg14 : memref<16x128xf32, #tpu.memory_space<vmem>>) target(%dma_start3A_440 : memref<16x128xf32, #tpu.memory_space<vmem_shared>>) target_semaphore(%run_scoped3A_436 : memref<!tpu.dma_semaphore, #tpu.memory_space<semaphore_mem>>)
      %dma_wait3A_441 = arith.constant 0 : i32
      %dma_wait3A_442 = tpu.memref_slice %arg16[%add3A_209, %dma_wait3A_441] : memref<10240x128xf32, #tpu.memory_space<vmem_shared>> -> memref<16x128xf32, #tpu.memory_space<vmem_shared>>
      %dma_wait3A_443 = arith.constant 0 : i32
      %dma_wait3A_444 = tpu.memref_slice %arg16[%add3A_209, %dma_wait3A_443] : memref<10240x128xf32, #tpu.memory_space<vmem_shared>> -> memref<16x128xf32, #tpu.memory_space<vmem_shared>>
      tpu.wait_dma2 semaphore(%run_scoped3A_436 : memref<!tpu.dma_semaphore, #tpu.memory_space<semaphore_mem>>) src(%arg14 : memref<16x128xf32, #tpu.memory_space<vmem>>) dst(%dma_wait3A_444 : memref<16x128xf32, #tpu.memory_space<vmem_shared>>)
      tpu.yield
    }) : () -> ()
    %add3A_210 = arith.constant 528 : i32
    %add3A_211 = arith.addi %mul3A_2, %add3A_210 : i32
    "tpu.region"() ({
      %run_scoped3A_436 = tpu.sem_alloc : memref<!tpu.dma_semaphore, #tpu.memory_space<semaphore_mem>>
      %dma_start3A_437 = arith.constant 0 : i32
      %dma_start3A_438 = tpu.memref_slice %arg16[%add3A_211, %dma_start3A_437] : memref<10240x128xf32, #tpu.memory_space<vmem_shared>> -> memref<16x128xf32, #tpu.memory_space<vmem_shared>>
      %dma_start3A_439 = arith.constant 0 : i32
      %dma_start3A_440 = tpu.memref_slice %arg16[%add3A_211, %dma_start3A_439] : memref<10240x128xf32, #tpu.memory_space<vmem_shared>> -> memref<16x128xf32, #tpu.memory_space<vmem_shared>>
      tpu.enqueue_dma source(%arg14 : memref<16x128xf32, #tpu.memory_space<vmem>>) target(%dma_start3A_440 : memref<16x128xf32, #tpu.memory_space<vmem_shared>>) target_semaphore(%run_scoped3A_436 : memref<!tpu.dma_semaphore, #tpu.memory_space<semaphore_mem>>)
      %dma_wait3A_441 = arith.constant 0 : i32
      %dma_wait3A_442 = tpu.memref_slice %arg16[%add3A_211, %dma_wait3A_441] : memref<10240x128xf32, #tpu.memory_space<vmem_shared>> -> memref<16x128xf32, #tpu.memory_space<vmem_shared>>
      %dma_wait3A_443 = arith.constant 0 : i32
      %dma_wait3A_444 = tpu.memref_slice %arg16[%add3A_211, %dma_wait3A_443] : memref<10240x128xf32, #tpu.memory_space<vmem_shared>> -> memref<16x128xf32, #tpu.memory_space<vmem_shared>>
      tpu.wait_dma2 semaphore(%run_scoped3A_436 : memref<!tpu.dma_semaphore, #tpu.memory_space<semaphore_mem>>) src(%arg14 : memref<16x128xf32, #tpu.memory_space<vmem>>) dst(%dma_wait3A_444 : memref<16x128xf32, #tpu.memory_space<vmem_shared>>)
      tpu.yield
    }) : () -> ()
    %add3A_212 = arith.constant 544 : i32
    %add3A_213 = arith.addi %mul3A_2, %add3A_212 : i32
    "tpu.region"() ({
      %run_scoped3A_436 = tpu.sem_alloc : memref<!tpu.dma_semaphore, #tpu.memory_space<semaphore_mem>>
      %dma_start3A_437 = arith.constant 0 : i32
      %dma_start3A_438 = tpu.memref_slice %arg16[%add3A_213, %dma_start3A_437] : memref<10240x128xf32, #tpu.memory_space<vmem_shared>> -> memref<16x128xf32, #tpu.memory_space<vmem_shared>>
      %dma_start3A_439 = arith.constant 0 : i32
      %dma_start3A_440 = tpu.memref_slice %arg16[%add3A_213, %dma_start3A_439] : memref<10240x128xf32, #tpu.memory_space<vmem_shared>> -> memref<16x128xf32, #tpu.memory_space<vmem_shared>>
      tpu.enqueue_dma source(%arg14 : memref<16x128xf32, #tpu.memory_space<vmem>>) target(%dma_start3A_440 : memref<16x128xf32, #tpu.memory_space<vmem_shared>>) target_semaphore(%run_scoped3A_436 : memref<!tpu.dma_semaphore, #tpu.memory_space<semaphore_mem>>)
      %dma_wait3A_441 = arith.constant 0 : i32
      %dma_wait3A_442 = tpu.memref_slice %arg16[%add3A_213, %dma_wait3A_441] : memref<10240x128xf32, #tpu.memory_space<vmem_shared>> -> memref<16x128xf32, #tpu.memory_space<vmem_shared>>
      %dma_wait3A_443 = arith.constant 0 : i32
      %dma_wait3A_444 = tpu.memref_slice %arg16[%add3A_213, %dma_wait3A_443] : memref<10240x128xf32, #tpu.memory_space<vmem_shared>> -> memref<16x128xf32, #tpu.memory_space<vmem_shared>>
      tpu.wait_dma2 semaphore(%run_scoped3A_436 : memref<!tpu.dma_semaphore, #tpu.memory_space<semaphore_mem>>) src(%arg14 : memref<16x128xf32, #tpu.memory_space<vmem>>) dst(%dma_wait3A_444 : memref<16x128xf32, #tpu.memory_space<vmem_shared>>)
      tpu.yield
    }) : () -> ()
    %add3A_214 = arith.constant 560 : i32
    %add3A_215 = arith.addi %mul3A_2, %add3A_214 : i32
    "tpu.region"() ({
      %run_scoped3A_436 = tpu.sem_alloc : memref<!tpu.dma_semaphore, #tpu.memory_space<semaphore_mem>>
      %dma_start3A_437 = arith.constant 0 : i32
      %dma_start3A_438 = tpu.memref_slice %arg16[%add3A_215, %dma_start3A_437] : memref<10240x128xf32, #tpu.memory_space<vmem_shared>> -> memref<16x128xf32, #tpu.memory_space<vmem_shared>>
      %dma_start3A_439 = arith.constant 0 : i32
      %dma_start3A_440 = tpu.memref_slice %arg16[%add3A_215, %dma_start3A_439] : memref<10240x128xf32, #tpu.memory_space<vmem_shared>> -> memref<16x128xf32, #tpu.memory_space<vmem_shared>>
      tpu.enqueue_dma source(%arg14 : memref<16x128xf32, #tpu.memory_space<vmem>>) target(%dma_start3A_440 : memref<16x128xf32, #tpu.memory_space<vmem_shared>>) target_semaphore(%run_scoped3A_436 : memref<!tpu.dma_semaphore, #tpu.memory_space<semaphore_mem>>)
      %dma_wait3A_441 = arith.constant 0 : i32
      %dma_wait3A_442 = tpu.memref_slice %arg16[%add3A_215, %dma_wait3A_441] : memref<10240x128xf32, #tpu.memory_space<vmem_shared>> -> memref<16x128xf32, #tpu.memory_space<vmem_shared>>
      %dma_wait3A_443 = arith.constant 0 : i32
      %dma_wait3A_444 = tpu.memref_slice %arg16[%add3A_215, %dma_wait3A_443] : memref<10240x128xf32, #tpu.memory_space<vmem_shared>> -> memref<16x128xf32, #tpu.memory_space<vmem_shared>>
      tpu.wait_dma2 semaphore(%run_scoped3A_436 : memref<!tpu.dma_semaphore, #tpu.memory_space<semaphore_mem>>) src(%arg14 : memref<16x128xf32, #tpu.memory_space<vmem>>) dst(%dma_wait3A_444 : memref<16x128xf32, #tpu.memory_space<vmem_shared>>)
      tpu.yield
    }) : () -> ()
    %add3A_216 = arith.constant 576 : i32
    %add3A_217 = arith.addi %mul3A_2, %add3A_216 : i32
    "tpu.region"() ({
      %run_scoped3A_436 = tpu.sem_alloc : memref<!tpu.dma_semaphore, #tpu.memory_space<semaphore_mem>>
      %dma_start3A_437 = arith.constant 0 : i32
      %dma_start3A_438 = tpu.memref_slice %arg16[%add3A_217, %dma_start3A_437] : memref<10240x128xf32, #tpu.memory_space<vmem_shared>> -> memref<16x128xf32, #tpu.memory_space<vmem_shared>>
      %dma_start3A_439 = arith.constant 0 : i32
      %dma_start3A_440 = tpu.memref_slice %arg16[%add3A_217, %dma_start3A_439] : memref<10240x128xf32, #tpu.memory_space<vmem_shared>> -> memref<16x128xf32, #tpu.memory_space<vmem_shared>>
      tpu.enqueue_dma source(%arg14 : memref<16x128xf32, #tpu.memory_space<vmem>>) target(%dma_start3A_440 : memref<16x128xf32, #tpu.memory_space<vmem_shared>>) target_semaphore(%run_scoped3A_436 : memref<!tpu.dma_semaphore, #tpu.memory_space<semaphore_mem>>)
      %dma_wait3A_441 = arith.constant 0 : i32
      %dma_wait3A_442 = tpu.memref_slice %arg16[%add3A_217, %dma_wait3A_441] : memref<10240x128xf32, #tpu.memory_space<vmem_shared>> -> memref<16x128xf32, #tpu.memory_space<vmem_shared>>
      %dma_wait3A_443 = arith.constant 0 : i32
      %dma_wait3A_444 = tpu.memref_slice %arg16[%add3A_217, %dma_wait3A_443] : memref<10240x128xf32, #tpu.memory_space<vmem_shared>> -> memref<16x128xf32, #tpu.memory_space<vmem_shared>>
      tpu.wait_dma2 semaphore(%run_scoped3A_436 : memref<!tpu.dma_semaphore, #tpu.memory_space<semaphore_mem>>) src(%arg14 : memref<16x128xf32, #tpu.memory_space<vmem>>) dst(%dma_wait3A_444 : memref<16x128xf32, #tpu.memory_space<vmem_shared>>)
      tpu.yield
    }) : () -> ()
    %add3A_218 = arith.constant 592 : i32
    %add3A_219 = arith.addi %mul3A_2, %add3A_218 : i32
    "tpu.region"() ({
      %run_scoped3A_436 = tpu.sem_alloc : memref<!tpu.dma_semaphore, #tpu.memory_space<semaphore_mem>>
      %dma_start3A_437 = arith.constant 0 : i32
      %dma_start3A_438 = tpu.memref_slice %arg16[%add3A_219, %dma_start3A_437] : memref<10240x128xf32, #tpu.memory_space<vmem_shared>> -> memref<16x128xf32, #tpu.memory_space<vmem_shared>>
      %dma_start3A_439 = arith.constant 0 : i32
      %dma_start3A_440 = tpu.memref_slice %arg16[%add3A_219, %dma_start3A_439] : memref<10240x128xf32, #tpu.memory_space<vmem_shared>> -> memref<16x128xf32, #tpu.memory_space<vmem_shared>>
      tpu.enqueue_dma source(%arg14 : memref<16x128xf32, #tpu.memory_space<vmem>>) target(%dma_start3A_440 : memref<16x128xf32, #tpu.memory_space<vmem_shared>>) target_semaphore(%run_scoped3A_436 : memref<!tpu.dma_semaphore, #tpu.memory_space<semaphore_mem>>)
      %dma_wait3A_441 = arith.constant 0 : i32
      %dma_wait3A_442 = tpu.memref_slice %arg16[%add3A_219, %dma_wait3A_441] : memref<10240x128xf32, #tpu.memory_space<vmem_shared>> -> memref<16x128xf32, #tpu.memory_space<vmem_shared>>
      %dma_wait3A_443 = arith.constant 0 : i32
      %dma_wait3A_444 = tpu.memref_slice %arg16[%add3A_219, %dma_wait3A_443] : memref<10240x128xf32, #tpu.memory_space<vmem_shared>> -> memref<16x128xf32, #tpu.memory_space<vmem_shared>>
      tpu.wait_dma2 semaphore(%run_scoped3A_436 : memref<!tpu.dma_semaphore, #tpu.memory_space<semaphore_mem>>) src(%arg14 : memref<16x128xf32, #tpu.memory_space<vmem>>) dst(%dma_wait3A_444 : memref<16x128xf32, #tpu.memory_space<vmem_shared>>)
      tpu.yield
    }) : () -> ()
    %add3A_220 = arith.constant 608 : i32
    %add3A_221 = arith.addi %mul3A_2, %add3A_220 : i32
    "tpu.region"() ({
      %run_scoped3A_436 = tpu.sem_alloc : memref<!tpu.dma_semaphore, #tpu.memory_space<semaphore_mem>>
      %dma_start3A_437 = arith.constant 0 : i32
      %dma_start3A_438 = tpu.memref_slice %arg16[%add3A_221, %dma_start3A_437] : memref<10240x128xf32, #tpu.memory_space<vmem_shared>> -> memref<16x128xf32, #tpu.memory_space<vmem_shared>>
      %dma_start3A_439 = arith.constant 0 : i32
      %dma_start3A_440 = tpu.memref_slice %arg16[%add3A_221, %dma_start3A_439] : memref<10240x128xf32, #tpu.memory_space<vmem_shared>> -> memref<16x128xf32, #tpu.memory_space<vmem_shared>>
      tpu.enqueue_dma source(%arg14 : memref<16x128xf32, #tpu.memory_space<vmem>>) target(%dma_start3A_440 : memref<16x128xf32, #tpu.memory_space<vmem_shared>>) target_semaphore(%run_scoped3A_436 : memref<!tpu.dma_semaphore, #tpu.memory_space<semaphore_mem>>)
      %dma_wait3A_441 = arith.constant 0 : i32
      %dma_wait3A_442 = tpu.memref_slice %arg16[%add3A_221, %dma_wait3A_441] : memref<10240x128xf32, #tpu.memory_space<vmem_shared>> -> memref<16x128xf32, #tpu.memory_space<vmem_shared>>
      %dma_wait3A_443 = arith.constant 0 : i32
      %dma_wait3A_444 = tpu.memref_slice %arg16[%add3A_221, %dma_wait3A_443] : memref<10240x128xf32, #tpu.memory_space<vmem_shared>> -> memref<16x128xf32, #tpu.memory_space<vmem_shared>>
      tpu.wait_dma2 semaphore(%run_scoped3A_436 : memref<!tpu.dma_semaphore, #tpu.memory_space<semaphore_mem>>) src(%arg14 : memref<16x128xf32, #tpu.memory_space<vmem>>) dst(%dma_wait3A_444 : memref<16x128xf32, #tpu.memory_space<vmem_shared>>)
      tpu.yield
    }) : () -> ()
    %add3A_222 = arith.constant 624 : i32
    %add3A_223 = arith.addi %mul3A_2, %add3A_222 : i32
    "tpu.region"() ({
      %run_scoped3A_436 = tpu.sem_alloc : memref<!tpu.dma_semaphore, #tpu.memory_space<semaphore_mem>>
      %dma_start3A_437 = arith.constant 0 : i32
      %dma_start3A_438 = tpu.memref_slice %arg16[%add3A_223, %dma_start3A_437] : memref<10240x128xf32, #tpu.memory_space<vmem_shared>> -> memref<16x128xf32, #tpu.memory_space<vmem_shared>>
      %dma_start3A_439 = arith.constant 0 : i32
      %dma_start3A_440 = tpu.memref_slice %arg16[%add3A_223, %dma_start3A_439] : memref<10240x128xf32, #tpu.memory_space<vmem_shared>> -> memref<16x128xf32, #tpu.memory_space<vmem_shared>>
      tpu.enqueue_dma source(%arg14 : memref<16x128xf32, #tpu.memory_space<vmem>>) target(%dma_start3A_440 : memref<16x128xf32, #tpu.memory_space<vmem_shared>>) target_semaphore(%run_scoped3A_436 : memref<!tpu.dma_semaphore, #tpu.memory_space<semaphore_mem>>)
      %dma_wait3A_441 = arith.constant 0 : i32
      %dma_wait3A_442 = tpu.memref_slice %arg16[%add3A_223, %dma_wait3A_441] : memref<10240x128xf32, #tpu.memory_space<vmem_shared>> -> memref<16x128xf32, #tpu.memory_space<vmem_shared>>
      %dma_wait3A_443 = arith.constant 0 : i32
      %dma_wait3A_444 = tpu.memref_slice %arg16[%add3A_223, %dma_wait3A_443] : memref<10240x128xf32, #tpu.memory_space<vmem_shared>> -> memref<16x128xf32, #tpu.memory_space<vmem_shared>>
      tpu.wait_dma2 semaphore(%run_scoped3A_436 : memref<!tpu.dma_semaphore, #tpu.memory_space<semaphore_mem>>) src(%arg14 : memref<16x128xf32, #tpu.memory_space<vmem>>) dst(%dma_wait3A_444 : memref<16x128xf32, #tpu.memory_space<vmem_shared>>)
      tpu.yield
    }) : () -> ()
    "tpu.region"() ({
      %run_scoped3A_436 = tpu.sem_alloc : memref<!tpu.dma_semaphore, #tpu.memory_space<semaphore_mem>>
      %dma_start3A_437 = tpu.memref_slice %arg17[%mul3A_2] : memref<10240xf32, #tpu.memory_space<vmem_shared>> -> memref<640xf32, #tpu.memory_space<vmem_shared>>
      %dma_start3A_438 = tpu.memref_slice %arg17[%mul3A_2] : memref<10240xf32, #tpu.memory_space<vmem_shared>> -> memref<640xf32, #tpu.memory_space<vmem_shared>>
      tpu.enqueue_dma source(%arg15 : memref<640xf32, #tpu.memory_space<vmem>>) target(%dma_start3A_438 : memref<640xf32, #tpu.memory_space<vmem_shared>>) target_semaphore(%run_scoped3A_436 : memref<!tpu.dma_semaphore, #tpu.memory_space<semaphore_mem>>)
      %dma_wait3A_439 = tpu.memref_slice %arg17[%mul3A_2] : memref<10240xf32, #tpu.memory_space<vmem_shared>> -> memref<640xf32, #tpu.memory_space<vmem_shared>>
      %dma_wait3A_440 = tpu.memref_slice %arg17[%mul3A_2] : memref<10240xf32, #tpu.memory_space<vmem_shared>> -> memref<640xf32, #tpu.memory_space<vmem_shared>>
      tpu.wait_dma2 semaphore(%run_scoped3A_436 : memref<!tpu.dma_semaphore, #tpu.memory_space<semaphore_mem>>) src(%arg15 : memref<640xf32, #tpu.memory_space<vmem>>) dst(%dma_wait3A_440 : memref<640xf32, #tpu.memory_space<vmem_shared>>)
      tpu.yield
    }) : () -> ()
    %barrier3A_224 = arith.constant 0 : index
    tpu.barrier barrier_id(%barrier3A_224)
    %run_scoped3A_225 = arith.constant 1 : i32
    "tpu.region"() ({
      %run_scoped3A_436 = tpu.sem_alloc : memref<!tpu.dma_semaphore, #tpu.memory_space<semaphore_mem>>
      %dma_start3A_437 = arith.constant 0 : i32
      %dma_start3A_438 = arith.constant 0 : i32
      %dma_start3A_439 = tpu.memref_slice %arg3[%run_scoped3A_225, %add3A, %dma_start3A_437, %dma_start3A_438] : memref<3x32x40x128xi32, #tpu.memory_space<hbm>> -> memref<1x1x40x128xi32, #tpu.memory_space<hbm>>
      %dma_start3A_440 = tpu.memref_squeeze %dma_start3A_439 : memref<1x1x40x128xi32, #tpu.memory_space<hbm>> -> memref<40x128xi32, #tpu.memory_space<hbm>>
      %dma_start3A_441 = arith.constant 0 : i32
      %dma_start3A_442 = arith.constant 0 : i32
      %dma_start3A_443 = tpu.memref_slice %arg3[%run_scoped3A_225, %add3A, %dma_start3A_441, %dma_start3A_442] : memref<3x32x40x128xi32, #tpu.memory_space<hbm>> -> memref<1x1x40x128xi32, #tpu.memory_space<hbm>>
      %dma_start3A_444 = tpu.memref_squeeze %dma_start3A_443 : memref<1x1x40x128xi32, #tpu.memory_space<hbm>> -> memref<40x128xi32, #tpu.memory_space<hbm>>
      tpu.enqueue_dma source(%dma_start3A_444 : memref<40x128xi32, #tpu.memory_space<hbm>>) target(%arg10 : memref<40x128xi32, #tpu.memory_space<vmem>>) target_semaphore(%run_scoped3A_436 : memref<!tpu.dma_semaphore, #tpu.memory_space<semaphore_mem>>)
      %dma_wait3A_445 = arith.constant 0 : i32
      %dma_wait3A_446 = arith.constant 0 : i32
      %dma_wait3A_447 = tpu.memref_slice %arg3[%run_scoped3A_225, %add3A, %dma_wait3A_445, %dma_wait3A_446] : memref<3x32x40x128xi32, #tpu.memory_space<hbm>> -> memref<1x1x40x128xi32, #tpu.memory_space<hbm>>
      %dma_wait3A_448 = tpu.memref_squeeze %dma_wait3A_447 : memref<1x1x40x128xi32, #tpu.memory_space<hbm>> -> memref<40x128xi32, #tpu.memory_space<hbm>>
      %dma_wait3A_449 = arith.constant 0 : i32
      %dma_wait3A_450 = arith.constant 0 : i32
      %dma_wait3A_451 = tpu.memref_slice %arg3[%run_scoped3A_225, %add3A, %dma_wait3A_449, %dma_wait3A_450] : memref<3x32x40x128xi32, #tpu.memory_space<hbm>> -> memref<1x1x40x128xi32, #tpu.memory_space<hbm>>
      %dma_wait3A_452 = tpu.memref_squeeze %dma_wait3A_451 : memref<1x1x40x128xi32, #tpu.memory_space<hbm>> -> memref<40x128xi32, #tpu.memory_space<hbm>>
      tpu.wait_dma2 semaphore(%run_scoped3A_436 : memref<!tpu.dma_semaphore, #tpu.memory_space<semaphore_mem>>) src(%dma_wait3A_452 : memref<40x128xi32, #tpu.memory_space<hbm>>) dst(%arg10 : memref<40x128xi32, #tpu.memory_space<vmem>>)
      tpu.yield
    }) : () -> ()
    %run_scoped3A_226 = arith.constant 1 : i32
    "tpu.region"() ({
      %run_scoped3A_436 = tpu.sem_alloc : memref<!tpu.dma_semaphore, #tpu.memory_space<semaphore_mem>>
      %dma_start3A_437 = arith.constant 0 : i32
      %dma_start3A_438 = arith.constant 0 : i32
      %dma_start3A_439 = tpu.memref_slice %arg4[%run_scoped3A_226, %add3A, %dma_start3A_437, %dma_start3A_438] : memref<3x32x40x128xi32, #tpu.memory_space<hbm>> -> memref<1x1x40x128xi32, #tpu.memory_space<hbm>>
      %dma_start3A_440 = tpu.memref_squeeze %dma_start3A_439 : memref<1x1x40x128xi32, #tpu.memory_space<hbm>> -> memref<40x128xi32, #tpu.memory_space<hbm>>
      %dma_start3A_441 = arith.constant 0 : i32
      %dma_start3A_442 = arith.constant 0 : i32
      %dma_start3A_443 = tpu.memref_slice %arg4[%run_scoped3A_226, %add3A, %dma_start3A_441, %dma_start3A_442] : memref<3x32x40x128xi32, #tpu.memory_space<hbm>> -> memref<1x1x40x128xi32, #tpu.memory_space<hbm>>
      %dma_start3A_444 = tpu.memref_squeeze %dma_start3A_443 : memref<1x1x40x128xi32, #tpu.memory_space<hbm>> -> memref<40x128xi32, #tpu.memory_space<hbm>>
      tpu.enqueue_dma source(%dma_start3A_444 : memref<40x128xi32, #tpu.memory_space<hbm>>) target(%arg11 : memref<40x128xi32, #tpu.memory_space<vmem>>) target_semaphore(%run_scoped3A_436 : memref<!tpu.dma_semaphore, #tpu.memory_space<semaphore_mem>>)
      %dma_wait3A_445 = arith.constant 0 : i32
      %dma_wait3A_446 = arith.constant 0 : i32
      %dma_wait3A_447 = tpu.memref_slice %arg4[%run_scoped3A_226, %add3A, %dma_wait3A_445, %dma_wait3A_446] : memref<3x32x40x128xi32, #tpu.memory_space<hbm>> -> memref<1x1x40x128xi32, #tpu.memory_space<hbm>>
      %dma_wait3A_448 = tpu.memref_squeeze %dma_wait3A_447 : memref<1x1x40x128xi32, #tpu.memory_space<hbm>> -> memref<40x128xi32, #tpu.memory_space<hbm>>
      %dma_wait3A_449 = arith.constant 0 : i32
      %dma_wait3A_450 = arith.constant 0 : i32
      %dma_wait3A_451 = tpu.memref_slice %arg4[%run_scoped3A_226, %add3A, %dma_wait3A_449, %dma_wait3A_450] : memref<3x32x40x128xi32, #tpu.memory_space<hbm>> -> memref<1x1x40x128xi32, #tpu.memory_space<hbm>>
      %dma_wait3A_452 = tpu.memref_squeeze %dma_wait3A_451 : memref<1x1x40x128xi32, #tpu.memory_space<hbm>> -> memref<40x128xi32, #tpu.memory_space<hbm>>
      tpu.wait_dma2 semaphore(%run_scoped3A_436 : memref<!tpu.dma_semaphore, #tpu.memory_space<semaphore_mem>>) src(%dma_wait3A_452 : memref<40x128xi32, #tpu.memory_space<hbm>>) dst(%arg11 : memref<40x128xi32, #tpu.memory_space<vmem>>)
      tpu.yield
    }) : () -> ()
    %dma_start3A_227 = arith.constant 0 : i32
    %dma_start3A_228 = arith.constant 0 : i32
    %dma_start3A_229 = arith.constant 0 : i32
    %dma_start3A_230 = arith.constant 0 : i32
    %dma_start3A_231 = tpu.memref_slice %arg12[%dma_start3A_228, %dma_start3A_229, %dma_start3A_230] : memref<2x128x128xf32, #tpu.memory_space<vmem>> -> memref<1x128x128xf32, #tpu.memory_space<vmem>>
    %dma_start3A_232 = tpu.memref_squeeze %dma_start3A_231 : memref<1x128x128xf32, #tpu.memory_space<vmem>> -> memref<128x128xf32, #tpu.memory_space<vmem>>
    %dma_start3A_233 = arith.constant 0 : i32
    %dma_start3A_234 = tpu.memref_slice %arg10[%dma_start3A_227, %dma_start3A_233] : memref<40x128xi32, #tpu.memory_space<vmem>> -> memref<1x128xi32, #tpu.memory_space<vmem>>
    %dma_start3A_235 = tpu.memref_squeeze %dma_start3A_234 : memref<1x128xi32, #tpu.memory_space<vmem>> -> memref<128xi32, #tpu.memory_space<vmem>>
    %dma_start3A_236 = arith.constant 0 : i32
    %dma_start3A_237 = arith.constant 0 : i32
    %dma_start3A_238 = tpu.memref_slice %arg2[%dma_start3A_236, %dma_start3A_237] : memref<10000x128xf32, #tpu.memory_space<hbm>> -> memref<10000x128xf32, #tpu.memory_space<hbm>>
    tpu.enqueue_indirect_dma source(%dma_start3A_238 : memref<10000x128xf32, #tpu.memory_space<hbm>>) target(%dma_start3A_232 : memref<128x128xf32, #tpu.memory_space<vmem>>) offsets(%dma_start3A_235 : memref<128xi32, #tpu.memory_space<vmem>>) semaphore(%arg18 : memref<!tpu.dma_semaphore, #tpu.memory_space<semaphore_mem>>)
    %dma_start3A_239 = arith.constant 1 : i32
    %dma_start3A_240 = arith.constant 1 : i32
    %dma_start3A_241 = arith.constant 0 : i32
    %dma_start3A_242 = arith.constant 0 : i32
    %dma_start3A_243 = tpu.memref_slice %arg12[%dma_start3A_240, %dma_start3A_241, %dma_start3A_242] : memref<2x128x128xf32, #tpu.memory_space<vmem>> -> memref<1x128x128xf32, #tpu.memory_space<vmem>>
    %dma_start3A_244 = tpu.memref_squeeze %dma_start3A_243 : memref<1x128x128xf32, #tpu.memory_space<vmem>> -> memref<128x128xf32, #tpu.memory_space<vmem>>
    %dma_start3A_245 = arith.constant 0 : i32
    %dma_start3A_246 = tpu.memref_slice %arg10[%dma_start3A_239, %dma_start3A_245] : memref<40x128xi32, #tpu.memory_space<vmem>> -> memref<1x128xi32, #tpu.memory_space<vmem>>
    %dma_start3A_247 = tpu.memref_squeeze %dma_start3A_246 : memref<1x128xi32, #tpu.memory_space<vmem>> -> memref<128xi32, #tpu.memory_space<vmem>>
    %dma_start3A_248 = arith.constant 0 : i32
    %dma_start3A_249 = arith.constant 0 : i32
    %dma_start3A_250 = tpu.memref_slice %arg2[%dma_start3A_248, %dma_start3A_249] : memref<10000x128xf32, #tpu.memory_space<hbm>> -> memref<10000x128xf32, #tpu.memory_space<hbm>>
    tpu.enqueue_indirect_dma source(%dma_start3A_250 : memref<10000x128xf32, #tpu.memory_space<hbm>>) target(%dma_start3A_244 : memref<128x128xf32, #tpu.memory_space<vmem>>) offsets(%dma_start3A_247 : memref<128xi32, #tpu.memory_space<vmem>>) semaphore(%arg19 : memref<!tpu.dma_semaphore, #tpu.memory_space<semaphore_mem>>)
    %scan3A_251 = arith.constant 0 : i32
    %scan3A_252 = arith.constant 0 : i32
    %scan3A_253 = arith.constant 20 : i32
    %scan3A_254 = arith.addi %scan3A_252, %scan3A_253 : i32
    %scan3A_255 = arith.constant 1 : i32
    scf.for %scan3A_436 = %scan3A_252 to %scan3A_254 step %scan3A_255  : i32 {
      %mul3A_437 = arith.constant 2 : i32
      %mul3A_438 = arith.muli %scan3A_436, %mul3A_437 : i32
      %add3A_439 = arith.constant 0 : i32
      %add3A_440 = arith.addi %mul3A_438, %add3A_439 : i32
      %dma_wait3A_441 = arith.constant 0 : i32
      %dma_wait3A_442 = arith.constant 0 : i32
      %dma_wait3A_443 = arith.constant 0 : i32
      %dma_wait3A_444 = tpu.memref_slice %arg12[%dma_wait3A_441, %dma_wait3A_442, %dma_wait3A_443] : memref<2x128x128xf32, #tpu.memory_space<vmem>> -> memref<1x128x128xf32, #tpu.memory_space<vmem>>
      %dma_wait3A_445 = tpu.memref_squeeze %dma_wait3A_444 : memref<1x128x128xf32, #tpu.memory_space<vmem>> -> memref<128x128xf32, #tpu.memory_space<vmem>>
      %dma_wait3A_446 = arith.constant 0 : i32
      %dma_wait3A_447 = tpu.memref_slice %arg10[%add3A_440, %dma_wait3A_446] : memref<40x128xi32, #tpu.memory_space<vmem>> -> memref<1x128xi32, #tpu.memory_space<vmem>>
      %dma_wait3A_448 = tpu.memref_squeeze %dma_wait3A_447 : memref<1x128xi32, #tpu.memory_space<vmem>> -> memref<128xi32, #tpu.memory_space<vmem>>
      %dma_wait3A_449 = arith.constant 0 : i32
      %dma_wait3A_450 = arith.constant 0 : i32
      %dma_wait3A_451 = tpu.memref_slice %arg2[%dma_wait3A_449, %dma_wait3A_450] : memref<10000x128xf32, #tpu.memory_space<hbm>> -> memref<10000x128xf32, #tpu.memory_space<hbm>>
      tpu.wait_indirect_dma semaphore(%arg18 : memref<!tpu.dma_semaphore, #tpu.memory_space<semaphore_mem>>) src(%dma_wait3A_451 : memref<10000x128xf32, #tpu.memory_space<hbm>>) dst(%dma_wait3A_445 : memref<128x128xf32, #tpu.memory_space<vmem>>)
      %dma_start3A_452 = arith.constant 0 : i32
      %dma_start3A_453 = arith.constant 0 : i32
      %dma_start3A_454 = arith.constant 0 : i32
      %dma_start3A_455 = tpu.memref_slice %arg12[%dma_start3A_452, %dma_start3A_453, %dma_start3A_454] : memref<2x128x128xf32, #tpu.memory_space<vmem>> -> memref<1x128x128xf32, #tpu.memory_space<vmem>>
      %dma_start3A_456 = tpu.memref_squeeze %dma_start3A_455 : memref<1x128x128xf32, #tpu.memory_space<vmem>> -> memref<128x128xf32, #tpu.memory_space<vmem>>
      %dma_start3A_457 = arith.constant 0 : i32
      %dma_start3A_458 = tpu.memref_slice %arg11[%add3A_440, %dma_start3A_457] : memref<40x128xi32, #tpu.memory_space<vmem>> -> memref<1x128xi32, #tpu.memory_space<vmem>>
      %dma_start3A_459 = tpu.memref_squeeze %dma_start3A_458 : memref<1x128xi32, #tpu.memory_space<vmem>> -> memref<128xi32, #tpu.memory_space<vmem>>
      %dma_start3A_460 = arith.constant 0 : i32
      %dma_start3A_461 = arith.constant 0 : i32
      %dma_start3A_462 = tpu.memref_slice %arg16[%dma_start3A_460, %dma_start3A_461] : memref<10240x128xf32, #tpu.memory_space<vmem_shared>> -> memref<10240x128xf32, #tpu.memory_space<vmem_shared>>
      tpu.enqueue_indirect_dma source(%dma_start3A_456 : memref<128x128xf32, #tpu.memory_space<vmem>>) target(%dma_start3A_462 : memref<10240x128xf32, #tpu.memory_space<vmem_shared>>) offsets(%dma_start3A_459 : memref<128xi32, #tpu.memory_space<vmem>>) semaphore(%arg20 : memref<!tpu.dma_semaphore, #tpu.memory_space<semaphore_mem>>) {add = true}
      %dma_start3A_463 = arith.constant 0 : i32
      %dma_start3A_464 = tpu.memref_slice %arg11[%add3A_440, %dma_start3A_463] : memref<40x128xi32, #tpu.memory_space<vmem>> -> memref<1x128xi32, #tpu.memory_space<vmem>>
      %dma_start3A_465 = tpu.memref_squeeze %dma_start3A_464 : memref<1x128xi32, #tpu.memory_space<vmem>> -> memref<128xi32, #tpu.memory_space<vmem>>
      %dma_start3A_466 = arith.constant 0 : i32
      %dma_start3A_467 = tpu.memref_slice %arg17[%dma_start3A_466] : memref<10240xf32, #tpu.memory_space<vmem_shared>> -> memref<10240xf32, #tpu.memory_space<vmem_shared>>
      tpu.enqueue_indirect_dma source(%arg13 : memref<128xf32, #tpu.memory_space<vmem>>) target(%dma_start3A_467 : memref<10240xf32, #tpu.memory_space<vmem_shared>>) offsets(%dma_start3A_465 : memref<128xi32, #tpu.memory_space<vmem>>) semaphore(%arg22 : memref<!tpu.dma_semaphore, #tpu.memory_space<semaphore_mem>>) {add = true}
      %lt3A = arith.constant 19 : i32
      %lt3A_468 = arith.cmpi slt, %scan3A_436, %lt3A : i32
      %convert_element_type3A = arith.extui %lt3A_468 : i1 to i32
      %cond3A = arith.constant 0 : i32
      %cond3A_469 = arith.cmpi ne, %convert_element_type3A, %cond3A : i32
      scf.if %cond3A_469 {
        %dma_wait3A_506 = arith.constant 0 : i32
        %dma_wait3A_507 = arith.constant 0 : i32
        %dma_wait3A_508 = arith.constant 0 : i32
        %dma_wait3A_509 = tpu.memref_slice %arg12[%dma_wait3A_506, %dma_wait3A_507, %dma_wait3A_508] : memref<2x128x128xf32, #tpu.memory_space<vmem>> -> memref<1x128x128xf32, #tpu.memory_space<vmem>>
        %dma_wait3A_510 = tpu.memref_squeeze %dma_wait3A_509 : memref<1x128x128xf32, #tpu.memory_space<vmem>> -> memref<128x128xf32, #tpu.memory_space<vmem>>
        %dma_wait3A_511 = arith.constant 0 : i32
        %dma_wait3A_512 = tpu.memref_slice %arg11[%add3A_440, %dma_wait3A_511] : memref<40x128xi32, #tpu.memory_space<vmem>> -> memref<1x128xi32, #tpu.memory_space<vmem>>
        %dma_wait3A_513 = tpu.memref_squeeze %dma_wait3A_512 : memref<1x128xi32, #tpu.memory_space<vmem>> -> memref<128xi32, #tpu.memory_space<vmem>>
        %dma_wait3A_514 = arith.constant 0 : i32
        %dma_wait3A_515 = arith.constant 0 : i32
        %dma_wait3A_516 = tpu.memref_slice %arg16[%dma_wait3A_514, %dma_wait3A_515] : memref<10240x128xf32, #tpu.memory_space<vmem_shared>> -> memref<10240x128xf32, #tpu.memory_space<vmem_shared>>
        tpu.wait_indirect_dma semaphore(%arg20 : memref<!tpu.dma_semaphore, #tpu.memory_space<semaphore_mem>>) src(%dma_wait3A_510 : memref<128x128xf32, #tpu.memory_space<vmem>>) dst(%dma_wait3A_516 : memref<10240x128xf32, #tpu.memory_space<vmem_shared>>)
        %add3A_517 = arith.constant 2 : i32
        %add3A_518 = arith.addi %add3A_440, %add3A_517 : i32
        %dma_start3A_519 = arith.constant 0 : i32
        %dma_start3A_520 = arith.constant 0 : i32
        %dma_start3A_521 = arith.constant 0 : i32
        %dma_start3A_522 = tpu.memref_slice %arg12[%dma_start3A_519, %dma_start3A_520, %dma_start3A_521] : memref<2x128x128xf32, #tpu.memory_space<vmem>> -> memref<1x128x128xf32, #tpu.memory_space<vmem>>
        %dma_start3A_523 = tpu.memref_squeeze %dma_start3A_522 : memref<1x128x128xf32, #tpu.memory_space<vmem>> -> memref<128x128xf32, #tpu.memory_space<vmem>>
        %dma_start3A_524 = arith.constant 0 : i32
        %dma_start3A_525 = tpu.memref_slice %arg10[%add3A_518, %dma_start3A_524] : memref<40x128xi32, #tpu.memory_space<vmem>> -> memref<1x128xi32, #tpu.memory_space<vmem>>
        %dma_start3A_526 = tpu.memref_squeeze %dma_start3A_525 : memref<1x128xi32, #tpu.memory_space<vmem>> -> memref<128xi32, #tpu.memory_space<vmem>>
        %dma_start3A_527 = arith.constant 0 : i32
        %dma_start3A_528 = arith.constant 0 : i32
        %dma_start3A_529 = tpu.memref_slice %arg2[%dma_start3A_527, %dma_start3A_528] : memref<10000x128xf32, #tpu.memory_space<hbm>> -> memref<10000x128xf32, #tpu.memory_space<hbm>>
        tpu.enqueue_indirect_dma source(%dma_start3A_529 : memref<10000x128xf32, #tpu.memory_space<hbm>>) target(%dma_start3A_523 : memref<128x128xf32, #tpu.memory_space<vmem>>) offsets(%dma_start3A_526 : memref<128xi32, #tpu.memory_space<vmem>>) semaphore(%arg18 : memref<!tpu.dma_semaphore, #tpu.memory_space<semaphore_mem>>)
      } else {
      }
      %mul3A_470 = arith.constant 2 : i32
      %mul3A_471 = arith.muli %scan3A_436, %mul3A_470 : i32
      %add3A_472 = arith.constant 1 : i32
      %add3A_473 = arith.addi %mul3A_471, %add3A_472 : i32
      %dma_wait3A_474 = arith.constant 1 : i32
      %dma_wait3A_475 = arith.constant 0 : i32
      %dma_wait3A_476 = arith.constant 0 : i32
      %dma_wait3A_477 = tpu.memref_slice %arg12[%dma_wait3A_474, %dma_wait3A_475, %dma_wait3A_476] : memref<2x128x128xf32, #tpu.memory_space<vmem>> -> memref<1x128x128xf32, #tpu.memory_space<vmem>>
      %dma_wait3A_478 = tpu.memref_squeeze %dma_wait3A_477 : memref<1x128x128xf32, #tpu.memory_space<vmem>> -> memref<128x128xf32, #tpu.memory_space<vmem>>
      %dma_wait3A_479 = arith.constant 0 : i32
      %dma_wait3A_480 = tpu.memref_slice %arg10[%add3A_473, %dma_wait3A_479] : memref<40x128xi32, #tpu.memory_space<vmem>> -> memref<1x128xi32, #tpu.memory_space<vmem>>
      %dma_wait3A_481 = tpu.memref_squeeze %dma_wait3A_480 : memref<1x128xi32, #tpu.memory_space<vmem>> -> memref<128xi32, #tpu.memory_space<vmem>>
      %dma_wait3A_482 = arith.constant 0 : i32
      %dma_wait3A_483 = arith.constant 0 : i32
      %dma_wait3A_484 = tpu.memref_slice %arg2[%dma_wait3A_482, %dma_wait3A_483] : memref<10000x128xf32, #tpu.memory_space<hbm>> -> memref<10000x128xf32, #tpu.memory_space<hbm>>
      tpu.wait_indirect_dma semaphore(%arg19 : memref<!tpu.dma_semaphore, #tpu.memory_space<semaphore_mem>>) src(%dma_wait3A_484 : memref<10000x128xf32, #tpu.memory_space<hbm>>) dst(%dma_wait3A_478 : memref<128x128xf32, #tpu.memory_space<vmem>>)
      %dma_start3A_485 = arith.constant 1 : i32
      %dma_start3A_486 = arith.constant 0 : i32
      %dma_start3A_487 = arith.constant 0 : i32
      %dma_start3A_488 = tpu.memref_slice %arg12[%dma_start3A_485, %dma_start3A_486, %dma_start3A_487] : memref<2x128x128xf32, #tpu.memory_space<vmem>> -> memref<1x128x128xf32, #tpu.memory_space<vmem>>
      %dma_start3A_489 = tpu.memref_squeeze %dma_start3A_488 : memref<1x128x128xf32, #tpu.memory_space<vmem>> -> memref<128x128xf32, #tpu.memory_space<vmem>>
      %dma_start3A_490 = arith.constant 0 : i32
      %dma_start3A_491 = tpu.memref_slice %arg11[%add3A_473, %dma_start3A_490] : memref<40x128xi32, #tpu.memory_space<vmem>> -> memref<1x128xi32, #tpu.memory_space<vmem>>
      %dma_start3A_492 = tpu.memref_squeeze %dma_start3A_491 : memref<1x128xi32, #tpu.memory_space<vmem>> -> memref<128xi32, #tpu.memory_space<vmem>>
      %dma_start3A_493 = arith.constant 0 : i32
      %dma_start3A_494 = arith.constant 0 : i32
      %dma_start3A_495 = tpu.memref_slice %arg16[%dma_start3A_493, %dma_start3A_494] : memref<10240x128xf32, #tpu.memory_space<vmem_shared>> -> memref<10240x128xf32, #tpu.memory_space<vmem_shared>>
      tpu.enqueue_indirect_dma source(%dma_start3A_489 : memref<128x128xf32, #tpu.memory_space<vmem>>) target(%dma_start3A_495 : memref<10240x128xf32, #tpu.memory_space<vmem_shared>>) offsets(%dma_start3A_492 : memref<128xi32, #tpu.memory_space<vmem>>) semaphore(%arg21 : memref<!tpu.dma_semaphore, #tpu.memory_space<semaphore_mem>>) {add = true}
      %dma_start3A_496 = arith.constant 0 : i32
      %dma_start3A_497 = tpu.memref_slice %arg11[%add3A_473, %dma_start3A_496] : memref<40x128xi32, #tpu.memory_space<vmem>> -> memref<1x128xi32, #tpu.memory_space<vmem>>
      %dma_start3A_498 = tpu.memref_squeeze %dma_start3A_497 : memref<1x128xi32, #tpu.memory_space<vmem>> -> memref<128xi32, #tpu.memory_space<vmem>>
      %dma_start3A_499 = arith.constant 0 : i32
      %dma_start3A_500 = tpu.memref_slice %arg17[%dma_start3A_499] : memref<10240xf32, #tpu.memory_space<vmem_shared>> -> memref<10240xf32, #tpu.memory_space<vmem_shared>>
      tpu.enqueue_indirect_dma source(%arg13 : memref<128xf32, #tpu.memory_space<vmem>>) target(%dma_start3A_500 : memref<10240xf32, #tpu.memory_space<vmem_shared>>) offsets(%dma_start3A_498 : memref<128xi32, #tpu.memory_space<vmem>>) semaphore(%arg22 : memref<!tpu.dma_semaphore, #tpu.memory_space<semaphore_mem>>) {add = true}
      %lt3A_501 = arith.constant 19 : i32
      %lt3A_502 = arith.cmpi slt, %scan3A_436, %lt3A_501 : i32
      %convert_element_type3A_503 = arith.extui %lt3A_502 : i1 to i32
      %cond3A_504 = arith.constant 0 : i32
      %cond3A_505 = arith.cmpi ne, %convert_element_type3A_503, %cond3A_504 : i32
      scf.if %cond3A_505 {
        %dma_wait3A_506 = arith.constant 1 : i32
        %dma_wait3A_507 = arith.constant 0 : i32
        %dma_wait3A_508 = arith.constant 0 : i32
        %dma_wait3A_509 = tpu.memref_slice %arg12[%dma_wait3A_506, %dma_wait3A_507, %dma_wait3A_508] : memref<2x128x128xf32, #tpu.memory_space<vmem>> -> memref<1x128x128xf32, #tpu.memory_space<vmem>>
        %dma_wait3A_510 = tpu.memref_squeeze %dma_wait3A_509 : memref<1x128x128xf32, #tpu.memory_space<vmem>> -> memref<128x128xf32, #tpu.memory_space<vmem>>
        %dma_wait3A_511 = arith.constant 0 : i32
        %dma_wait3A_512 = tpu.memref_slice %arg11[%add3A_473, %dma_wait3A_511] : memref<40x128xi32, #tpu.memory_space<vmem>> -> memref<1x128xi32, #tpu.memory_space<vmem>>
        %dma_wait3A_513 = tpu.memref_squeeze %dma_wait3A_512 : memref<1x128xi32, #tpu.memory_space<vmem>> -> memref<128xi32, #tpu.memory_space<vmem>>
        %dma_wait3A_514 = arith.constant 0 : i32
        %dma_wait3A_515 = arith.constant 0 : i32
        %dma_wait3A_516 = tpu.memref_slice %arg16[%dma_wait3A_514, %dma_wait3A_515] : memref<10240x128xf32, #tpu.memory_space<vmem_shared>> -> memref<10240x128xf32, #tpu.memory_space<vmem_shared>>
        tpu.wait_indirect_dma semaphore(%arg21 : memref<!tpu.dma_semaphore, #tpu.memory_space<semaphore_mem>>) src(%dma_wait3A_510 : memref<128x128xf32, #tpu.memory_space<vmem>>) dst(%dma_wait3A_516 : memref<10240x128xf32, #tpu.memory_space<vmem_shared>>)
        %add3A_517 = arith.constant 2 : i32
        %add3A_518 = arith.addi %add3A_473, %add3A_517 : i32
        %dma_start3A_519 = arith.constant 1 : i32
        %dma_start3A_520 = arith.constant 0 : i32
        %dma_start3A_521 = arith.constant 0 : i32
        %dma_start3A_522 = tpu.memref_slice %arg12[%dma_start3A_519, %dma_start3A_520, %dma_start3A_521] : memref<2x128x128xf32, #tpu.memory_space<vmem>> -> memref<1x128x128xf32, #tpu.memory_space<vmem>>
        %dma_start3A_523 = tpu.memref_squeeze %dma_start3A_522 : memref<1x128x128xf32, #tpu.memory_space<vmem>> -> memref<128x128xf32, #tpu.memory_space<vmem>>
        %dma_start3A_524 = arith.constant 0 : i32
        %dma_start3A_525 = tpu.memref_slice %arg10[%add3A_518, %dma_start3A_524] : memref<40x128xi32, #tpu.memory_space<vmem>> -> memref<1x128xi32, #tpu.memory_space<vmem>>
        %dma_start3A_526 = tpu.memref_squeeze %dma_start3A_525 : memref<1x128xi32, #tpu.memory_space<vmem>> -> memref<128xi32, #tpu.memory_space<vmem>>
        %dma_start3A_527 = arith.constant 0 : i32
        %dma_start3A_528 = arith.constant 0 : i32
        %dma_start3A_529 = tpu.memref_slice %arg2[%dma_start3A_527, %dma_start3A_528] : memref<10000x128xf32, #tpu.memory_space<hbm>> -> memref<10000x128xf32, #tpu.memory_space<hbm>>
        tpu.enqueue_indirect_dma source(%dma_start3A_529 : memref<10000x128xf32, #tpu.memory_space<hbm>>) target(%dma_start3A_523 : memref<128x128xf32, #tpu.memory_space<vmem>>) offsets(%dma_start3A_526 : memref<128xi32, #tpu.memory_space<vmem>>) semaphore(%arg19 : memref<!tpu.dma_semaphore, #tpu.memory_space<semaphore_mem>>)
      } else {
      }
    }
    %scan3A_256 = arith.constant 20 : i32
    %dma_wait3A_257 = arith.constant 0 : i32
    %dma_wait3A_258 = arith.constant 0 : i32
    %dma_wait3A_259 = arith.constant 0 : i32
    %dma_wait3A_260 = arith.constant 0 : i32
    %dma_wait3A_261 = tpu.memref_slice %arg12[%dma_wait3A_257, %dma_wait3A_259, %dma_wait3A_260] : memref<2x128x128xf32, #tpu.memory_space<vmem>> -> memref<1x128x128xf32, #tpu.memory_space<vmem>>
    %dma_wait3A_262 = tpu.memref_squeeze %dma_wait3A_261 : memref<1x128x128xf32, #tpu.memory_space<vmem>> -> memref<128x128xf32, #tpu.memory_space<vmem>>
    %dma_wait3A_263 = arith.constant 0 : i32
    %dma_wait3A_264 = tpu.memref_slice %arg11[%dma_wait3A_258, %dma_wait3A_263] : memref<40x128xi32, #tpu.memory_space<vmem>> -> memref<1x128xi32, #tpu.memory_space<vmem>>
    %dma_wait3A_265 = tpu.memref_squeeze %dma_wait3A_264 : memref<1x128xi32, #tpu.memory_space<vmem>> -> memref<128xi32, #tpu.memory_space<vmem>>
    %dma_wait3A_266 = arith.constant 0 : i32
    %dma_wait3A_267 = arith.constant 0 : i32
    %dma_wait3A_268 = tpu.memref_slice %arg16[%dma_wait3A_266, %dma_wait3A_267] : memref<10240x128xf32, #tpu.memory_space<vmem_shared>> -> memref<10240x128xf32, #tpu.memory_space<vmem_shared>>
    tpu.wait_indirect_dma semaphore(%arg20 : memref<!tpu.dma_semaphore, #tpu.memory_space<semaphore_mem>>) src(%dma_wait3A_262 : memref<128x128xf32, #tpu.memory_space<vmem>>) dst(%dma_wait3A_268 : memref<10240x128xf32, #tpu.memory_space<vmem_shared>>)
    %dma_wait3A_269 = arith.constant 1 : i32
    %dma_wait3A_270 = arith.constant 0 : i32
    %dma_wait3A_271 = arith.constant 0 : i32
    %dma_wait3A_272 = arith.constant 0 : i32
    %dma_wait3A_273 = tpu.memref_slice %arg12[%dma_wait3A_269, %dma_wait3A_271, %dma_wait3A_272] : memref<2x128x128xf32, #tpu.memory_space<vmem>> -> memref<1x128x128xf32, #tpu.memory_space<vmem>>
    %dma_wait3A_274 = tpu.memref_squeeze %dma_wait3A_273 : memref<1x128x128xf32, #tpu.memory_space<vmem>> -> memref<128x128xf32, #tpu.memory_space<vmem>>
    %dma_wait3A_275 = arith.constant 0 : i32
    %dma_wait3A_276 = tpu.memref_slice %arg11[%dma_wait3A_270, %dma_wait3A_275] : memref<40x128xi32, #tpu.memory_space<vmem>> -> memref<1x128xi32, #tpu.memory_space<vmem>>
    %dma_wait3A_277 = tpu.memref_squeeze %dma_wait3A_276 : memref<1x128xi32, #tpu.memory_space<vmem>> -> memref<128xi32, #tpu.memory_space<vmem>>
    %dma_wait3A_278 = arith.constant 0 : i32
    %dma_wait3A_279 = arith.constant 0 : i32
    %dma_wait3A_280 = tpu.memref_slice %arg16[%dma_wait3A_278, %dma_wait3A_279] : memref<10240x128xf32, #tpu.memory_space<vmem_shared>> -> memref<10240x128xf32, #tpu.memory_space<vmem_shared>>
    tpu.wait_indirect_dma semaphore(%arg21 : memref<!tpu.dma_semaphore, #tpu.memory_space<semaphore_mem>>) src(%dma_wait3A_274 : memref<128x128xf32, #tpu.memory_space<vmem>>) dst(%dma_wait3A_280 : memref<10240x128xf32, #tpu.memory_space<vmem_shared>>)
    %scan3A_281 = arith.constant 0 : i32
    %scan3A_282 = arith.constant 0 : i32
    %scan3A_283 = arith.constant 40 : i32
    %scan3A_284 = arith.addi %scan3A_282, %scan3A_283 : i32
    %scan3A_285 = arith.constant 1 : i32
    scf.for %scan3A_436 = %scan3A_282 to %scan3A_284 step %scan3A_285  : i32 {
      %dma_wait3A_437 = arith.constant 0 : i32
      %dma_wait3A_438 = arith.constant 0 : i32
      %dma_wait3A_439 = tpu.memref_slice %arg11[%dma_wait3A_437, %dma_wait3A_438] : memref<40x128xi32, #tpu.memory_space<vmem>> -> memref<1x128xi32, #tpu.memory_space<vmem>>
      %dma_wait3A_440 = tpu.memref_squeeze %dma_wait3A_439 : memref<1x128xi32, #tpu.memory_space<vmem>> -> memref<128xi32, #tpu.memory_space<vmem>>
      %dma_wait3A_441 = arith.constant 0 : i32
      %dma_wait3A_442 = tpu.memref_slice %arg17[%dma_wait3A_441] : memref<10240xf32, #tpu.memory_space<vmem_shared>> -> memref<10240xf32, #tpu.memory_space<vmem_shared>>
      tpu.wait_indirect_dma semaphore(%arg22 : memref<!tpu.dma_semaphore, #tpu.memory_space<semaphore_mem>>) src(%arg13 : memref<128xf32, #tpu.memory_space<vmem>>) dst(%dma_wait3A_442 : memref<10240xf32, #tpu.memory_space<vmem_shared>>)
    }
    %scan3A_286 = arith.constant 40 : i32
    %barrier3A_287 = arith.constant 0 : index
    tpu.barrier barrier_id(%barrier3A_287)
    %run_scoped3A_288 = arith.constant 1 : i32
    "tpu.region"() ({
      %run_scoped3A_436 = tpu.sem_alloc : memref<!tpu.dma_semaphore, #tpu.memory_space<semaphore_mem>>
      %dma_start3A_437 = arith.constant 0 : i32
      %dma_start3A_438 = tpu.memref_slice %arg8[%run_scoped3A_288, %arg0, %mul3A_2, %dma_start3A_437] : memref<3x2x10240x128xf32, #tpu.memory_space<hbm>> -> memref<1x1x640x128xf32, #tpu.memory_space<hbm>>
      %dma_start3A_439 = tpu.memref_squeeze %dma_start3A_438 : memref<1x1x640x128xf32, #tpu.memory_space<hbm>> -> memref<640x128xf32, #tpu.memory_space<hbm>>
      %dma_start3A_440 = arith.constant 0 : i32
      %dma_start3A_441 = tpu.memref_slice %arg16[%mul3A_2, %dma_start3A_440] : memref<10240x128xf32, #tpu.memory_space<vmem_shared>> -> memref<640x128xf32, #tpu.memory_space<vmem_shared>>
      tpu.enqueue_dma source(%dma_start3A_441 : memref<640x128xf32, #tpu.memory_space<vmem_shared>>) target(%dma_start3A_439 : memref<640x128xf32, #tpu.memory_space<hbm>>) target_semaphore(%run_scoped3A_436 : memref<!tpu.dma_semaphore, #tpu.memory_space<semaphore_mem>>)
      %dma_wait3A_442 = arith.constant 0 : i32
      %dma_wait3A_443 = tpu.memref_slice %arg8[%run_scoped3A_288, %arg0, %mul3A_2, %dma_wait3A_442] : memref<3x2x10240x128xf32, #tpu.memory_space<hbm>> -> memref<1x1x640x128xf32, #tpu.memory_space<hbm>>
      %dma_wait3A_444 = tpu.memref_squeeze %dma_wait3A_443 : memref<1x1x640x128xf32, #tpu.memory_space<hbm>> -> memref<640x128xf32, #tpu.memory_space<hbm>>
      %dma_wait3A_445 = arith.constant 0 : i32
      %dma_wait3A_446 = tpu.memref_slice %arg16[%mul3A_2, %dma_wait3A_445] : memref<10240x128xf32, #tpu.memory_space<vmem_shared>> -> memref<640x128xf32, #tpu.memory_space<vmem_shared>>
      tpu.wait_dma2 semaphore(%run_scoped3A_436 : memref<!tpu.dma_semaphore, #tpu.memory_space<semaphore_mem>>) src(%dma_wait3A_446 : memref<640x128xf32, #tpu.memory_space<vmem_shared>>) dst(%dma_wait3A_444 : memref<640x128xf32, #tpu.memory_space<hbm>>)
      tpu.yield
    }) : () -> ()
    %run_scoped3A_289 = arith.constant 1 : i32
    "tpu.region"() ({
      %run_scoped3A_436 = tpu.sem_alloc : memref<!tpu.dma_semaphore, #tpu.memory_space<semaphore_mem>>
      %dma_start3A_437 = tpu.memref_slice %arg9[%run_scoped3A_289, %arg0, %mul3A_2] : memref<3x2x10240xf32, #tpu.memory_space<hbm>> -> memref<1x1x640xf32, #tpu.memory_space<hbm>>
      %dma_start3A_438 = tpu.memref_squeeze %dma_start3A_437 : memref<1x1x640xf32, #tpu.memory_space<hbm>> -> memref<640xf32, #tpu.memory_space<hbm>>
      %dma_start3A_439 = tpu.memref_slice %arg17[%mul3A_2] : memref<10240xf32, #tpu.memory_space<vmem_shared>> -> memref<640xf32, #tpu.memory_space<vmem_shared>>
      tpu.enqueue_dma source(%dma_start3A_439 : memref<640xf32, #tpu.memory_space<vmem_shared>>) target(%dma_start3A_438 : memref<640xf32, #tpu.memory_space<hbm>>) target_semaphore(%run_scoped3A_436 : memref<!tpu.dma_semaphore, #tpu.memory_space<semaphore_mem>>)
      %dma_wait3A_440 = tpu.memref_slice %arg9[%run_scoped3A_289, %arg0, %mul3A_2] : memref<3x2x10240xf32, #tpu.memory_space<hbm>> -> memref<1x1x640xf32, #tpu.memory_space<hbm>>
      %dma_wait3A_441 = tpu.memref_squeeze %dma_wait3A_440 : memref<1x1x640xf32, #tpu.memory_space<hbm>> -> memref<640xf32, #tpu.memory_space<hbm>>
      %dma_wait3A_442 = tpu.memref_slice %arg17[%mul3A_2] : memref<10240xf32, #tpu.memory_space<vmem_shared>> -> memref<640xf32, #tpu.memory_space<vmem_shared>>
      tpu.wait_dma2 semaphore(%run_scoped3A_436 : memref<!tpu.dma_semaphore, #tpu.memory_space<semaphore_mem>>) src(%dma_wait3A_442 : memref<640xf32, #tpu.memory_space<vmem_shared>>) dst(%dma_wait3A_441 : memref<640xf32, #tpu.memory_space<hbm>>)
      tpu.yield
    }) : () -> ()
    %add3A_290 = arith.constant 0 : i32
    %add3A_291 = arith.addi %mul3A_2, %add3A_290 : i32
    "tpu.region"() ({
      %run_scoped3A_436 = tpu.sem_alloc : memref<!tpu.dma_semaphore, #tpu.memory_space<semaphore_mem>>
      %dma_start3A_437 = arith.constant 0 : i32
      %dma_start3A_438 = tpu.memref_slice %arg16[%add3A_291, %dma_start3A_437] : memref<10240x128xf32, #tpu.memory_space<vmem_shared>> -> memref<16x128xf32, #tpu.memory_space<vmem_shared>>
      %dma_start3A_439 = arith.constant 0 : i32
      %dma_start3A_440 = tpu.memref_slice %arg16[%add3A_291, %dma_start3A_439] : memref<10240x128xf32, #tpu.memory_space<vmem_shared>> -> memref<16x128xf32, #tpu.memory_space<vmem_shared>>
      tpu.enqueue_dma source(%arg14 : memref<16x128xf32, #tpu.memory_space<vmem>>) target(%dma_start3A_440 : memref<16x128xf32, #tpu.memory_space<vmem_shared>>) target_semaphore(%run_scoped3A_436 : memref<!tpu.dma_semaphore, #tpu.memory_space<semaphore_mem>>)
      %dma_wait3A_441 = arith.constant 0 : i32
      %dma_wait3A_442 = tpu.memref_slice %arg16[%add3A_291, %dma_wait3A_441] : memref<10240x128xf32, #tpu.memory_space<vmem_shared>> -> memref<16x128xf32, #tpu.memory_space<vmem_shared>>
      %dma_wait3A_443 = arith.constant 0 : i32
      %dma_wait3A_444 = tpu.memref_slice %arg16[%add3A_291, %dma_wait3A_443] : memref<10240x128xf32, #tpu.memory_space<vmem_shared>> -> memref<16x128xf32, #tpu.memory_space<vmem_shared>>
      tpu.wait_dma2 semaphore(%run_scoped3A_436 : memref<!tpu.dma_semaphore, #tpu.memory_space<semaphore_mem>>) src(%arg14 : memref<16x128xf32, #tpu.memory_space<vmem>>) dst(%dma_wait3A_444 : memref<16x128xf32, #tpu.memory_space<vmem_shared>>)
      tpu.yield
    }) : () -> ()
    %add3A_292 = arith.constant 16 : i32
    %add3A_293 = arith.addi %mul3A_2, %add3A_292 : i32
    "tpu.region"() ({
      %run_scoped3A_436 = tpu.sem_alloc : memref<!tpu.dma_semaphore, #tpu.memory_space<semaphore_mem>>
      %dma_start3A_437 = arith.constant 0 : i32
      %dma_start3A_438 = tpu.memref_slice %arg16[%add3A_293, %dma_start3A_437] : memref<10240x128xf32, #tpu.memory_space<vmem_shared>> -> memref<16x128xf32, #tpu.memory_space<vmem_shared>>
      %dma_start3A_439 = arith.constant 0 : i32
      %dma_start3A_440 = tpu.memref_slice %arg16[%add3A_293, %dma_start3A_439] : memref<10240x128xf32, #tpu.memory_space<vmem_shared>> -> memref<16x128xf32, #tpu.memory_space<vmem_shared>>
      tpu.enqueue_dma source(%arg14 : memref<16x128xf32, #tpu.memory_space<vmem>>) target(%dma_start3A_440 : memref<16x128xf32, #tpu.memory_space<vmem_shared>>) target_semaphore(%run_scoped3A_436 : memref<!tpu.dma_semaphore, #tpu.memory_space<semaphore_mem>>)
      %dma_wait3A_441 = arith.constant 0 : i32
      %dma_wait3A_442 = tpu.memref_slice %arg16[%add3A_293, %dma_wait3A_441] : memref<10240x128xf32, #tpu.memory_space<vmem_shared>> -> memref<16x128xf32, #tpu.memory_space<vmem_shared>>
      %dma_wait3A_443 = arith.constant 0 : i32
      %dma_wait3A_444 = tpu.memref_slice %arg16[%add3A_293, %dma_wait3A_443] : memref<10240x128xf32, #tpu.memory_space<vmem_shared>> -> memref<16x128xf32, #tpu.memory_space<vmem_shared>>
      tpu.wait_dma2 semaphore(%run_scoped3A_436 : memref<!tpu.dma_semaphore, #tpu.memory_space<semaphore_mem>>) src(%arg14 : memref<16x128xf32, #tpu.memory_space<vmem>>) dst(%dma_wait3A_444 : memref<16x128xf32, #tpu.memory_space<vmem_shared>>)
      tpu.yield
    }) : () -> ()
    %add3A_294 = arith.constant 32 : i32
    %add3A_295 = arith.addi %mul3A_2, %add3A_294 : i32
    "tpu.region"() ({
      %run_scoped3A_436 = tpu.sem_alloc : memref<!tpu.dma_semaphore, #tpu.memory_space<semaphore_mem>>
      %dma_start3A_437 = arith.constant 0 : i32
      %dma_start3A_438 = tpu.memref_slice %arg16[%add3A_295, %dma_start3A_437] : memref<10240x128xf32, #tpu.memory_space<vmem_shared>> -> memref<16x128xf32, #tpu.memory_space<vmem_shared>>
      %dma_start3A_439 = arith.constant 0 : i32
      %dma_start3A_440 = tpu.memref_slice %arg16[%add3A_295, %dma_start3A_439] : memref<10240x128xf32, #tpu.memory_space<vmem_shared>> -> memref<16x128xf32, #tpu.memory_space<vmem_shared>>
      tpu.enqueue_dma source(%arg14 : memref<16x128xf32, #tpu.memory_space<vmem>>) target(%dma_start3A_440 : memref<16x128xf32, #tpu.memory_space<vmem_shared>>) target_semaphore(%run_scoped3A_436 : memref<!tpu.dma_semaphore, #tpu.memory_space<semaphore_mem>>)
      %dma_wait3A_441 = arith.constant 0 : i32
      %dma_wait3A_442 = tpu.memref_slice %arg16[%add3A_295, %dma_wait3A_441] : memref<10240x128xf32, #tpu.memory_space<vmem_shared>> -> memref<16x128xf32, #tpu.memory_space<vmem_shared>>
      %dma_wait3A_443 = arith.constant 0 : i32
      %dma_wait3A_444 = tpu.memref_slice %arg16[%add3A_295, %dma_wait3A_443] : memref<10240x128xf32, #tpu.memory_space<vmem_shared>> -> memref<16x128xf32, #tpu.memory_space<vmem_shared>>
      tpu.wait_dma2 semaphore(%run_scoped3A_436 : memref<!tpu.dma_semaphore, #tpu.memory_space<semaphore_mem>>) src(%arg14 : memref<16x128xf32, #tpu.memory_space<vmem>>) dst(%dma_wait3A_444 : memref<16x128xf32, #tpu.memory_space<vmem_shared>>)
      tpu.yield
    }) : () -> ()
    %add3A_296 = arith.constant 48 : i32
    %add3A_297 = arith.addi %mul3A_2, %add3A_296 : i32
    "tpu.region"() ({
      %run_scoped3A_436 = tpu.sem_alloc : memref<!tpu.dma_semaphore, #tpu.memory_space<semaphore_mem>>
      %dma_start3A_437 = arith.constant 0 : i32
      %dma_start3A_438 = tpu.memref_slice %arg16[%add3A_297, %dma_start3A_437] : memref<10240x128xf32, #tpu.memory_space<vmem_shared>> -> memref<16x128xf32, #tpu.memory_space<vmem_shared>>
      %dma_start3A_439 = arith.constant 0 : i32
      %dma_start3A_440 = tpu.memref_slice %arg16[%add3A_297, %dma_start3A_439] : memref<10240x128xf32, #tpu.memory_space<vmem_shared>> -> memref<16x128xf32, #tpu.memory_space<vmem_shared>>
      tpu.enqueue_dma source(%arg14 : memref<16x128xf32, #tpu.memory_space<vmem>>) target(%dma_start3A_440 : memref<16x128xf32, #tpu.memory_space<vmem_shared>>) target_semaphore(%run_scoped3A_436 : memref<!tpu.dma_semaphore, #tpu.memory_space<semaphore_mem>>)
      %dma_wait3A_441 = arith.constant 0 : i32
      %dma_wait3A_442 = tpu.memref_slice %arg16[%add3A_297, %dma_wait3A_441] : memref<10240x128xf32, #tpu.memory_space<vmem_shared>> -> memref<16x128xf32, #tpu.memory_space<vmem_shared>>
      %dma_wait3A_443 = arith.constant 0 : i32
      %dma_wait3A_444 = tpu.memref_slice %arg16[%add3A_297, %dma_wait3A_443] : memref<10240x128xf32, #tpu.memory_space<vmem_shared>> -> memref<16x128xf32, #tpu.memory_space<vmem_shared>>
      tpu.wait_dma2 semaphore(%run_scoped3A_436 : memref<!tpu.dma_semaphore, #tpu.memory_space<semaphore_mem>>) src(%arg14 : memref<16x128xf32, #tpu.memory_space<vmem>>) dst(%dma_wait3A_444 : memref<16x128xf32, #tpu.memory_space<vmem_shared>>)
      tpu.yield
    }) : () -> ()
    %add3A_298 = arith.constant 64 : i32
    %add3A_299 = arith.addi %mul3A_2, %add3A_298 : i32
    "tpu.region"() ({
      %run_scoped3A_436 = tpu.sem_alloc : memref<!tpu.dma_semaphore, #tpu.memory_space<semaphore_mem>>
      %dma_start3A_437 = arith.constant 0 : i32
      %dma_start3A_438 = tpu.memref_slice %arg16[%add3A_299, %dma_start3A_437] : memref<10240x128xf32, #tpu.memory_space<vmem_shared>> -> memref<16x128xf32, #tpu.memory_space<vmem_shared>>
      %dma_start3A_439 = arith.constant 0 : i32
      %dma_start3A_440 = tpu.memref_slice %arg16[%add3A_299, %dma_start3A_439] : memref<10240x128xf32, #tpu.memory_space<vmem_shared>> -> memref<16x128xf32, #tpu.memory_space<vmem_shared>>
      tpu.enqueue_dma source(%arg14 : memref<16x128xf32, #tpu.memory_space<vmem>>) target(%dma_start3A_440 : memref<16x128xf32, #tpu.memory_space<vmem_shared>>) target_semaphore(%run_scoped3A_436 : memref<!tpu.dma_semaphore, #tpu.memory_space<semaphore_mem>>)
      %dma_wait3A_441 = arith.constant 0 : i32
      %dma_wait3A_442 = tpu.memref_slice %arg16[%add3A_299, %dma_wait3A_441] : memref<10240x128xf32, #tpu.memory_space<vmem_shared>> -> memref<16x128xf32, #tpu.memory_space<vmem_shared>>
      %dma_wait3A_443 = arith.constant 0 : i32
      %dma_wait3A_444 = tpu.memref_slice %arg16[%add3A_299, %dma_wait3A_443] : memref<10240x128xf32, #tpu.memory_space<vmem_shared>> -> memref<16x128xf32, #tpu.memory_space<vmem_shared>>
      tpu.wait_dma2 semaphore(%run_scoped3A_436 : memref<!tpu.dma_semaphore, #tpu.memory_space<semaphore_mem>>) src(%arg14 : memref<16x128xf32, #tpu.memory_space<vmem>>) dst(%dma_wait3A_444 : memref<16x128xf32, #tpu.memory_space<vmem_shared>>)
      tpu.yield
    }) : () -> ()
    %add3A_300 = arith.constant 80 : i32
    %add3A_301 = arith.addi %mul3A_2, %add3A_300 : i32
    "tpu.region"() ({
      %run_scoped3A_436 = tpu.sem_alloc : memref<!tpu.dma_semaphore, #tpu.memory_space<semaphore_mem>>
      %dma_start3A_437 = arith.constant 0 : i32
      %dma_start3A_438 = tpu.memref_slice %arg16[%add3A_301, %dma_start3A_437] : memref<10240x128xf32, #tpu.memory_space<vmem_shared>> -> memref<16x128xf32, #tpu.memory_space<vmem_shared>>
      %dma_start3A_439 = arith.constant 0 : i32
      %dma_start3A_440 = tpu.memref_slice %arg16[%add3A_301, %dma_start3A_439] : memref<10240x128xf32, #tpu.memory_space<vmem_shared>> -> memref<16x128xf32, #tpu.memory_space<vmem_shared>>
      tpu.enqueue_dma source(%arg14 : memref<16x128xf32, #tpu.memory_space<vmem>>) target(%dma_start3A_440 : memref<16x128xf32, #tpu.memory_space<vmem_shared>>) target_semaphore(%run_scoped3A_436 : memref<!tpu.dma_semaphore, #tpu.memory_space<semaphore_mem>>)
      %dma_wait3A_441 = arith.constant 0 : i32
      %dma_wait3A_442 = tpu.memref_slice %arg16[%add3A_301, %dma_wait3A_441] : memref<10240x128xf32, #tpu.memory_space<vmem_shared>> -> memref<16x128xf32, #tpu.memory_space<vmem_shared>>
      %dma_wait3A_443 = arith.constant 0 : i32
      %dma_wait3A_444 = tpu.memref_slice %arg16[%add3A_301, %dma_wait3A_443] : memref<10240x128xf32, #tpu.memory_space<vmem_shared>> -> memref<16x128xf32, #tpu.memory_space<vmem_shared>>
      tpu.wait_dma2 semaphore(%run_scoped3A_436 : memref<!tpu.dma_semaphore, #tpu.memory_space<semaphore_mem>>) src(%arg14 : memref<16x128xf32, #tpu.memory_space<vmem>>) dst(%dma_wait3A_444 : memref<16x128xf32, #tpu.memory_space<vmem_shared>>)
      tpu.yield
    }) : () -> ()
    %add3A_302 = arith.constant 96 : i32
    %add3A_303 = arith.addi %mul3A_2, %add3A_302 : i32
    "tpu.region"() ({
      %run_scoped3A_436 = tpu.sem_alloc : memref<!tpu.dma_semaphore, #tpu.memory_space<semaphore_mem>>
      %dma_start3A_437 = arith.constant 0 : i32
      %dma_start3A_438 = tpu.memref_slice %arg16[%add3A_303, %dma_start3A_437] : memref<10240x128xf32, #tpu.memory_space<vmem_shared>> -> memref<16x128xf32, #tpu.memory_space<vmem_shared>>
      %dma_start3A_439 = arith.constant 0 : i32
      %dma_start3A_440 = tpu.memref_slice %arg16[%add3A_303, %dma_start3A_439] : memref<10240x128xf32, #tpu.memory_space<vmem_shared>> -> memref<16x128xf32, #tpu.memory_space<vmem_shared>>
      tpu.enqueue_dma source(%arg14 : memref<16x128xf32, #tpu.memory_space<vmem>>) target(%dma_start3A_440 : memref<16x128xf32, #tpu.memory_space<vmem_shared>>) target_semaphore(%run_scoped3A_436 : memref<!tpu.dma_semaphore, #tpu.memory_space<semaphore_mem>>)
      %dma_wait3A_441 = arith.constant 0 : i32
      %dma_wait3A_442 = tpu.memref_slice %arg16[%add3A_303, %dma_wait3A_441] : memref<10240x128xf32, #tpu.memory_space<vmem_shared>> -> memref<16x128xf32, #tpu.memory_space<vmem_shared>>
      %dma_wait3A_443 = arith.constant 0 : i32
      %dma_wait3A_444 = tpu.memref_slice %arg16[%add3A_303, %dma_wait3A_443] : memref<10240x128xf32, #tpu.memory_space<vmem_shared>> -> memref<16x128xf32, #tpu.memory_space<vmem_shared>>
      tpu.wait_dma2 semaphore(%run_scoped3A_436 : memref<!tpu.dma_semaphore, #tpu.memory_space<semaphore_mem>>) src(%arg14 : memref<16x128xf32, #tpu.memory_space<vmem>>) dst(%dma_wait3A_444 : memref<16x128xf32, #tpu.memory_space<vmem_shared>>)
      tpu.yield
    }) : () -> ()
    %add3A_304 = arith.constant 112 : i32
    %add3A_305 = arith.addi %mul3A_2, %add3A_304 : i32
    "tpu.region"() ({
      %run_scoped3A_436 = tpu.sem_alloc : memref<!tpu.dma_semaphore, #tpu.memory_space<semaphore_mem>>
      %dma_start3A_437 = arith.constant 0 : i32
      %dma_start3A_438 = tpu.memref_slice %arg16[%add3A_305, %dma_start3A_437] : memref<10240x128xf32, #tpu.memory_space<vmem_shared>> -> memref<16x128xf32, #tpu.memory_space<vmem_shared>>
      %dma_start3A_439 = arith.constant 0 : i32
      %dma_start3A_440 = tpu.memref_slice %arg16[%add3A_305, %dma_start3A_439] : memref<10240x128xf32, #tpu.memory_space<vmem_shared>> -> memref<16x128xf32, #tpu.memory_space<vmem_shared>>
      tpu.enqueue_dma source(%arg14 : memref<16x128xf32, #tpu.memory_space<vmem>>) target(%dma_start3A_440 : memref<16x128xf32, #tpu.memory_space<vmem_shared>>) target_semaphore(%run_scoped3A_436 : memref<!tpu.dma_semaphore, #tpu.memory_space<semaphore_mem>>)
      %dma_wait3A_441 = arith.constant 0 : i32
      %dma_wait3A_442 = tpu.memref_slice %arg16[%add3A_305, %dma_wait3A_441] : memref<10240x128xf32, #tpu.memory_space<vmem_shared>> -> memref<16x128xf32, #tpu.memory_space<vmem_shared>>
      %dma_wait3A_443 = arith.constant 0 : i32
      %dma_wait3A_444 = tpu.memref_slice %arg16[%add3A_305, %dma_wait3A_443] : memref<10240x128xf32, #tpu.memory_space<vmem_shared>> -> memref<16x128xf32, #tpu.memory_space<vmem_shared>>
      tpu.wait_dma2 semaphore(%run_scoped3A_436 : memref<!tpu.dma_semaphore, #tpu.memory_space<semaphore_mem>>) src(%arg14 : memref<16x128xf32, #tpu.memory_space<vmem>>) dst(%dma_wait3A_444 : memref<16x128xf32, #tpu.memory_space<vmem_shared>>)
      tpu.yield
    }) : () -> ()
    %add3A_306 = arith.constant 128 : i32
    %add3A_307 = arith.addi %mul3A_2, %add3A_306 : i32
    "tpu.region"() ({
      %run_scoped3A_436 = tpu.sem_alloc : memref<!tpu.dma_semaphore, #tpu.memory_space<semaphore_mem>>
      %dma_start3A_437 = arith.constant 0 : i32
      %dma_start3A_438 = tpu.memref_slice %arg16[%add3A_307, %dma_start3A_437] : memref<10240x128xf32, #tpu.memory_space<vmem_shared>> -> memref<16x128xf32, #tpu.memory_space<vmem_shared>>
      %dma_start3A_439 = arith.constant 0 : i32
      %dma_start3A_440 = tpu.memref_slice %arg16[%add3A_307, %dma_start3A_439] : memref<10240x128xf32, #tpu.memory_space<vmem_shared>> -> memref<16x128xf32, #tpu.memory_space<vmem_shared>>
      tpu.enqueue_dma source(%arg14 : memref<16x128xf32, #tpu.memory_space<vmem>>) target(%dma_start3A_440 : memref<16x128xf32, #tpu.memory_space<vmem_shared>>) target_semaphore(%run_scoped3A_436 : memref<!tpu.dma_semaphore, #tpu.memory_space<semaphore_mem>>)
      %dma_wait3A_441 = arith.constant 0 : i32
      %dma_wait3A_442 = tpu.memref_slice %arg16[%add3A_307, %dma_wait3A_441] : memref<10240x128xf32, #tpu.memory_space<vmem_shared>> -> memref<16x128xf32, #tpu.memory_space<vmem_shared>>
      %dma_wait3A_443 = arith.constant 0 : i32
      %dma_wait3A_444 = tpu.memref_slice %arg16[%add3A_307, %dma_wait3A_443] : memref<10240x128xf32, #tpu.memory_space<vmem_shared>> -> memref<16x128xf32, #tpu.memory_space<vmem_shared>>
      tpu.wait_dma2 semaphore(%run_scoped3A_436 : memref<!tpu.dma_semaphore, #tpu.memory_space<semaphore_mem>>) src(%arg14 : memref<16x128xf32, #tpu.memory_space<vmem>>) dst(%dma_wait3A_444 : memref<16x128xf32, #tpu.memory_space<vmem_shared>>)
      tpu.yield
    }) : () -> ()
    %add3A_308 = arith.constant 144 : i32
    %add3A_309 = arith.addi %mul3A_2, %add3A_308 : i32
    "tpu.region"() ({
      %run_scoped3A_436 = tpu.sem_alloc : memref<!tpu.dma_semaphore, #tpu.memory_space<semaphore_mem>>
      %dma_start3A_437 = arith.constant 0 : i32
      %dma_start3A_438 = tpu.memref_slice %arg16[%add3A_309, %dma_start3A_437] : memref<10240x128xf32, #tpu.memory_space<vmem_shared>> -> memref<16x128xf32, #tpu.memory_space<vmem_shared>>
      %dma_start3A_439 = arith.constant 0 : i32
      %dma_start3A_440 = tpu.memref_slice %arg16[%add3A_309, %dma_start3A_439] : memref<10240x128xf32, #tpu.memory_space<vmem_shared>> -> memref<16x128xf32, #tpu.memory_space<vmem_shared>>
      tpu.enqueue_dma source(%arg14 : memref<16x128xf32, #tpu.memory_space<vmem>>) target(%dma_start3A_440 : memref<16x128xf32, #tpu.memory_space<vmem_shared>>) target_semaphore(%run_scoped3A_436 : memref<!tpu.dma_semaphore, #tpu.memory_space<semaphore_mem>>)
      %dma_wait3A_441 = arith.constant 0 : i32
      %dma_wait3A_442 = tpu.memref_slice %arg16[%add3A_309, %dma_wait3A_441] : memref<10240x128xf32, #tpu.memory_space<vmem_shared>> -> memref<16x128xf32, #tpu.memory_space<vmem_shared>>
      %dma_wait3A_443 = arith.constant 0 : i32
      %dma_wait3A_444 = tpu.memref_slice %arg16[%add3A_309, %dma_wait3A_443] : memref<10240x128xf32, #tpu.memory_space<vmem_shared>> -> memref<16x128xf32, #tpu.memory_space<vmem_shared>>
      tpu.wait_dma2 semaphore(%run_scoped3A_436 : memref<!tpu.dma_semaphore, #tpu.memory_space<semaphore_mem>>) src(%arg14 : memref<16x128xf32, #tpu.memory_space<vmem>>) dst(%dma_wait3A_444 : memref<16x128xf32, #tpu.memory_space<vmem_shared>>)
      tpu.yield
    }) : () -> ()
    %add3A_310 = arith.constant 160 : i32
    %add3A_311 = arith.addi %mul3A_2, %add3A_310 : i32
    "tpu.region"() ({
      %run_scoped3A_436 = tpu.sem_alloc : memref<!tpu.dma_semaphore, #tpu.memory_space<semaphore_mem>>
      %dma_start3A_437 = arith.constant 0 : i32
      %dma_start3A_438 = tpu.memref_slice %arg16[%add3A_311, %dma_start3A_437] : memref<10240x128xf32, #tpu.memory_space<vmem_shared>> -> memref<16x128xf32, #tpu.memory_space<vmem_shared>>
      %dma_start3A_439 = arith.constant 0 : i32
      %dma_start3A_440 = tpu.memref_slice %arg16[%add3A_311, %dma_start3A_439] : memref<10240x128xf32, #tpu.memory_space<vmem_shared>> -> memref<16x128xf32, #tpu.memory_space<vmem_shared>>
      tpu.enqueue_dma source(%arg14 : memref<16x128xf32, #tpu.memory_space<vmem>>) target(%dma_start3A_440 : memref<16x128xf32, #tpu.memory_space<vmem_shared>>) target_semaphore(%run_scoped3A_436 : memref<!tpu.dma_semaphore, #tpu.memory_space<semaphore_mem>>)
      %dma_wait3A_441 = arith.constant 0 : i32
      %dma_wait3A_442 = tpu.memref_slice %arg16[%add3A_311, %dma_wait3A_441] : memref<10240x128xf32, #tpu.memory_space<vmem_shared>> -> memref<16x128xf32, #tpu.memory_space<vmem_shared>>
      %dma_wait3A_443 = arith.constant 0 : i32
      %dma_wait3A_444 = tpu.memref_slice %arg16[%add3A_311, %dma_wait3A_443] : memref<10240x128xf32, #tpu.memory_space<vmem_shared>> -> memref<16x128xf32, #tpu.memory_space<vmem_shared>>
      tpu.wait_dma2 semaphore(%run_scoped3A_436 : memref<!tpu.dma_semaphore, #tpu.memory_space<semaphore_mem>>) src(%arg14 : memref<16x128xf32, #tpu.memory_space<vmem>>) dst(%dma_wait3A_444 : memref<16x128xf32, #tpu.memory_space<vmem_shared>>)
      tpu.yield
    }) : () -> ()
    %add3A_312 = arith.constant 176 : i32
    %add3A_313 = arith.addi %mul3A_2, %add3A_312 : i32
    "tpu.region"() ({
      %run_scoped3A_436 = tpu.sem_alloc : memref<!tpu.dma_semaphore, #tpu.memory_space<semaphore_mem>>
      %dma_start3A_437 = arith.constant 0 : i32
      %dma_start3A_438 = tpu.memref_slice %arg16[%add3A_313, %dma_start3A_437] : memref<10240x128xf32, #tpu.memory_space<vmem_shared>> -> memref<16x128xf32, #tpu.memory_space<vmem_shared>>
      %dma_start3A_439 = arith.constant 0 : i32
      %dma_start3A_440 = tpu.memref_slice %arg16[%add3A_313, %dma_start3A_439] : memref<10240x128xf32, #tpu.memory_space<vmem_shared>> -> memref<16x128xf32, #tpu.memory_space<vmem_shared>>
      tpu.enqueue_dma source(%arg14 : memref<16x128xf32, #tpu.memory_space<vmem>>) target(%dma_start3A_440 : memref<16x128xf32, #tpu.memory_space<vmem_shared>>) target_semaphore(%run_scoped3A_436 : memref<!tpu.dma_semaphore, #tpu.memory_space<semaphore_mem>>)
      %dma_wait3A_441 = arith.constant 0 : i32
      %dma_wait3A_442 = tpu.memref_slice %arg16[%add3A_313, %dma_wait3A_441] : memref<10240x128xf32, #tpu.memory_space<vmem_shared>> -> memref<16x128xf32, #tpu.memory_space<vmem_shared>>
      %dma_wait3A_443 = arith.constant 0 : i32
      %dma_wait3A_444 = tpu.memref_slice %arg16[%add3A_313, %dma_wait3A_443] : memref<10240x128xf32, #tpu.memory_space<vmem_shared>> -> memref<16x128xf32, #tpu.memory_space<vmem_shared>>
      tpu.wait_dma2 semaphore(%run_scoped3A_436 : memref<!tpu.dma_semaphore, #tpu.memory_space<semaphore_mem>>) src(%arg14 : memref<16x128xf32, #tpu.memory_space<vmem>>) dst(%dma_wait3A_444 : memref<16x128xf32, #tpu.memory_space<vmem_shared>>)
      tpu.yield
    }) : () -> ()
    %add3A_314 = arith.constant 192 : i32
    %add3A_315 = arith.addi %mul3A_2, %add3A_314 : i32
    "tpu.region"() ({
      %run_scoped3A_436 = tpu.sem_alloc : memref<!tpu.dma_semaphore, #tpu.memory_space<semaphore_mem>>
      %dma_start3A_437 = arith.constant 0 : i32
      %dma_start3A_438 = tpu.memref_slice %arg16[%add3A_315, %dma_start3A_437] : memref<10240x128xf32, #tpu.memory_space<vmem_shared>> -> memref<16x128xf32, #tpu.memory_space<vmem_shared>>
      %dma_start3A_439 = arith.constant 0 : i32
      %dma_start3A_440 = tpu.memref_slice %arg16[%add3A_315, %dma_start3A_439] : memref<10240x128xf32, #tpu.memory_space<vmem_shared>> -> memref<16x128xf32, #tpu.memory_space<vmem_shared>>
      tpu.enqueue_dma source(%arg14 : memref<16x128xf32, #tpu.memory_space<vmem>>) target(%dma_start3A_440 : memref<16x128xf32, #tpu.memory_space<vmem_shared>>) target_semaphore(%run_scoped3A_436 : memref<!tpu.dma_semaphore, #tpu.memory_space<semaphore_mem>>)
      %dma_wait3A_441 = arith.constant 0 : i32
      %dma_wait3A_442 = tpu.memref_slice %arg16[%add3A_315, %dma_wait3A_441] : memref<10240x128xf32, #tpu.memory_space<vmem_shared>> -> memref<16x128xf32, #tpu.memory_space<vmem_shared>>
      %dma_wait3A_443 = arith.constant 0 : i32
      %dma_wait3A_444 = tpu.memref_slice %arg16[%add3A_315, %dma_wait3A_443] : memref<10240x128xf32, #tpu.memory_space<vmem_shared>> -> memref<16x128xf32, #tpu.memory_space<vmem_shared>>
      tpu.wait_dma2 semaphore(%run_scoped3A_436 : memref<!tpu.dma_semaphore, #tpu.memory_space<semaphore_mem>>) src(%arg14 : memref<16x128xf32, #tpu.memory_space<vmem>>) dst(%dma_wait3A_444 : memref<16x128xf32, #tpu.memory_space<vmem_shared>>)
      tpu.yield
    }) : () -> ()
    %add3A_316 = arith.constant 208 : i32
    %add3A_317 = arith.addi %mul3A_2, %add3A_316 : i32
    "tpu.region"() ({
      %run_scoped3A_436 = tpu.sem_alloc : memref<!tpu.dma_semaphore, #tpu.memory_space<semaphore_mem>>
      %dma_start3A_437 = arith.constant 0 : i32
      %dma_start3A_438 = tpu.memref_slice %arg16[%add3A_317, %dma_start3A_437] : memref<10240x128xf32, #tpu.memory_space<vmem_shared>> -> memref<16x128xf32, #tpu.memory_space<vmem_shared>>
      %dma_start3A_439 = arith.constant 0 : i32
      %dma_start3A_440 = tpu.memref_slice %arg16[%add3A_317, %dma_start3A_439] : memref<10240x128xf32, #tpu.memory_space<vmem_shared>> -> memref<16x128xf32, #tpu.memory_space<vmem_shared>>
      tpu.enqueue_dma source(%arg14 : memref<16x128xf32, #tpu.memory_space<vmem>>) target(%dma_start3A_440 : memref<16x128xf32, #tpu.memory_space<vmem_shared>>) target_semaphore(%run_scoped3A_436 : memref<!tpu.dma_semaphore, #tpu.memory_space<semaphore_mem>>)
      %dma_wait3A_441 = arith.constant 0 : i32
      %dma_wait3A_442 = tpu.memref_slice %arg16[%add3A_317, %dma_wait3A_441] : memref<10240x128xf32, #tpu.memory_space<vmem_shared>> -> memref<16x128xf32, #tpu.memory_space<vmem_shared>>
      %dma_wait3A_443 = arith.constant 0 : i32
      %dma_wait3A_444 = tpu.memref_slice %arg16[%add3A_317, %dma_wait3A_443] : memref<10240x128xf32, #tpu.memory_space<vmem_shared>> -> memref<16x128xf32, #tpu.memory_space<vmem_shared>>
      tpu.wait_dma2 semaphore(%run_scoped3A_436 : memref<!tpu.dma_semaphore, #tpu.memory_space<semaphore_mem>>) src(%arg14 : memref<16x128xf32, #tpu.memory_space<vmem>>) dst(%dma_wait3A_444 : memref<16x128xf32, #tpu.memory_space<vmem_shared>>)
      tpu.yield
    }) : () -> ()
    %add3A_318 = arith.constant 224 : i32
    %add3A_319 = arith.addi %mul3A_2, %add3A_318 : i32
    "tpu.region"() ({
      %run_scoped3A_436 = tpu.sem_alloc : memref<!tpu.dma_semaphore, #tpu.memory_space<semaphore_mem>>
      %dma_start3A_437 = arith.constant 0 : i32
      %dma_start3A_438 = tpu.memref_slice %arg16[%add3A_319, %dma_start3A_437] : memref<10240x128xf32, #tpu.memory_space<vmem_shared>> -> memref<16x128xf32, #tpu.memory_space<vmem_shared>>
      %dma_start3A_439 = arith.constant 0 : i32
      %dma_start3A_440 = tpu.memref_slice %arg16[%add3A_319, %dma_start3A_439] : memref<10240x128xf32, #tpu.memory_space<vmem_shared>> -> memref<16x128xf32, #tpu.memory_space<vmem_shared>>
      tpu.enqueue_dma source(%arg14 : memref<16x128xf32, #tpu.memory_space<vmem>>) target(%dma_start3A_440 : memref<16x128xf32, #tpu.memory_space<vmem_shared>>) target_semaphore(%run_scoped3A_436 : memref<!tpu.dma_semaphore, #tpu.memory_space<semaphore_mem>>)
      %dma_wait3A_441 = arith.constant 0 : i32
      %dma_wait3A_442 = tpu.memref_slice %arg16[%add3A_319, %dma_wait3A_441] : memref<10240x128xf32, #tpu.memory_space<vmem_shared>> -> memref<16x128xf32, #tpu.memory_space<vmem_shared>>
      %dma_wait3A_443 = arith.constant 0 : i32
      %dma_wait3A_444 = tpu.memref_slice %arg16[%add3A_319, %dma_wait3A_443] : memref<10240x128xf32, #tpu.memory_space<vmem_shared>> -> memref<16x128xf32, #tpu.memory_space<vmem_shared>>
      tpu.wait_dma2 semaphore(%run_scoped3A_436 : memref<!tpu.dma_semaphore, #tpu.memory_space<semaphore_mem>>) src(%arg14 : memref<16x128xf32, #tpu.memory_space<vmem>>) dst(%dma_wait3A_444 : memref<16x128xf32, #tpu.memory_space<vmem_shared>>)
      tpu.yield
    }) : () -> ()
    %add3A_320 = arith.constant 240 : i32
    %add3A_321 = arith.addi %mul3A_2, %add3A_320 : i32
    "tpu.region"() ({
      %run_scoped3A_436 = tpu.sem_alloc : memref<!tpu.dma_semaphore, #tpu.memory_space<semaphore_mem>>
      %dma_start3A_437 = arith.constant 0 : i32
      %dma_start3A_438 = tpu.memref_slice %arg16[%add3A_321, %dma_start3A_437] : memref<10240x128xf32, #tpu.memory_space<vmem_shared>> -> memref<16x128xf32, #tpu.memory_space<vmem_shared>>
      %dma_start3A_439 = arith.constant 0 : i32
      %dma_start3A_440 = tpu.memref_slice %arg16[%add3A_321, %dma_start3A_439] : memref<10240x128xf32, #tpu.memory_space<vmem_shared>> -> memref<16x128xf32, #tpu.memory_space<vmem_shared>>
      tpu.enqueue_dma source(%arg14 : memref<16x128xf32, #tpu.memory_space<vmem>>) target(%dma_start3A_440 : memref<16x128xf32, #tpu.memory_space<vmem_shared>>) target_semaphore(%run_scoped3A_436 : memref<!tpu.dma_semaphore, #tpu.memory_space<semaphore_mem>>)
      %dma_wait3A_441 = arith.constant 0 : i32
      %dma_wait3A_442 = tpu.memref_slice %arg16[%add3A_321, %dma_wait3A_441] : memref<10240x128xf32, #tpu.memory_space<vmem_shared>> -> memref<16x128xf32, #tpu.memory_space<vmem_shared>>
      %dma_wait3A_443 = arith.constant 0 : i32
      %dma_wait3A_444 = tpu.memref_slice %arg16[%add3A_321, %dma_wait3A_443] : memref<10240x128xf32, #tpu.memory_space<vmem_shared>> -> memref<16x128xf32, #tpu.memory_space<vmem_shared>>
      tpu.wait_dma2 semaphore(%run_scoped3A_436 : memref<!tpu.dma_semaphore, #tpu.memory_space<semaphore_mem>>) src(%arg14 : memref<16x128xf32, #tpu.memory_space<vmem>>) dst(%dma_wait3A_444 : memref<16x128xf32, #tpu.memory_space<vmem_shared>>)
      tpu.yield
    }) : () -> ()
    %add3A_322 = arith.constant 256 : i32
    %add3A_323 = arith.addi %mul3A_2, %add3A_322 : i32
    "tpu.region"() ({
      %run_scoped3A_436 = tpu.sem_alloc : memref<!tpu.dma_semaphore, #tpu.memory_space<semaphore_mem>>
      %dma_start3A_437 = arith.constant 0 : i32
      %dma_start3A_438 = tpu.memref_slice %arg16[%add3A_323, %dma_start3A_437] : memref<10240x128xf32, #tpu.memory_space<vmem_shared>> -> memref<16x128xf32, #tpu.memory_space<vmem_shared>>
      %dma_start3A_439 = arith.constant 0 : i32
      %dma_start3A_440 = tpu.memref_slice %arg16[%add3A_323, %dma_start3A_439] : memref<10240x128xf32, #tpu.memory_space<vmem_shared>> -> memref<16x128xf32, #tpu.memory_space<vmem_shared>>
      tpu.enqueue_dma source(%arg14 : memref<16x128xf32, #tpu.memory_space<vmem>>) target(%dma_start3A_440 : memref<16x128xf32, #tpu.memory_space<vmem_shared>>) target_semaphore(%run_scoped3A_436 : memref<!tpu.dma_semaphore, #tpu.memory_space<semaphore_mem>>)
      %dma_wait3A_441 = arith.constant 0 : i32
      %dma_wait3A_442 = tpu.memref_slice %arg16[%add3A_323, %dma_wait3A_441] : memref<10240x128xf32, #tpu.memory_space<vmem_shared>> -> memref<16x128xf32, #tpu.memory_space<vmem_shared>>
      %dma_wait3A_443 = arith.constant 0 : i32
      %dma_wait3A_444 = tpu.memref_slice %arg16[%add3A_323, %dma_wait3A_443] : memref<10240x128xf32, #tpu.memory_space<vmem_shared>> -> memref<16x128xf32, #tpu.memory_space<vmem_shared>>
      tpu.wait_dma2 semaphore(%run_scoped3A_436 : memref<!tpu.dma_semaphore, #tpu.memory_space<semaphore_mem>>) src(%arg14 : memref<16x128xf32, #tpu.memory_space<vmem>>) dst(%dma_wait3A_444 : memref<16x128xf32, #tpu.memory_space<vmem_shared>>)
      tpu.yield
    }) : () -> ()
    %add3A_324 = arith.constant 272 : i32
    %add3A_325 = arith.addi %mul3A_2, %add3A_324 : i32
    "tpu.region"() ({
      %run_scoped3A_436 = tpu.sem_alloc : memref<!tpu.dma_semaphore, #tpu.memory_space<semaphore_mem>>
      %dma_start3A_437 = arith.constant 0 : i32
      %dma_start3A_438 = tpu.memref_slice %arg16[%add3A_325, %dma_start3A_437] : memref<10240x128xf32, #tpu.memory_space<vmem_shared>> -> memref<16x128xf32, #tpu.memory_space<vmem_shared>>
      %dma_start3A_439 = arith.constant 0 : i32
      %dma_start3A_440 = tpu.memref_slice %arg16[%add3A_325, %dma_start3A_439] : memref<10240x128xf32, #tpu.memory_space<vmem_shared>> -> memref<16x128xf32, #tpu.memory_space<vmem_shared>>
      tpu.enqueue_dma source(%arg14 : memref<16x128xf32, #tpu.memory_space<vmem>>) target(%dma_start3A_440 : memref<16x128xf32, #tpu.memory_space<vmem_shared>>) target_semaphore(%run_scoped3A_436 : memref<!tpu.dma_semaphore, #tpu.memory_space<semaphore_mem>>)
      %dma_wait3A_441 = arith.constant 0 : i32
      %dma_wait3A_442 = tpu.memref_slice %arg16[%add3A_325, %dma_wait3A_441] : memref<10240x128xf32, #tpu.memory_space<vmem_shared>> -> memref<16x128xf32, #tpu.memory_space<vmem_shared>>
      %dma_wait3A_443 = arith.constant 0 : i32
      %dma_wait3A_444 = tpu.memref_slice %arg16[%add3A_325, %dma_wait3A_443] : memref<10240x128xf32, #tpu.memory_space<vmem_shared>> -> memref<16x128xf32, #tpu.memory_space<vmem_shared>>
      tpu.wait_dma2 semaphore(%run_scoped3A_436 : memref<!tpu.dma_semaphore, #tpu.memory_space<semaphore_mem>>) src(%arg14 : memref<16x128xf32, #tpu.memory_space<vmem>>) dst(%dma_wait3A_444 : memref<16x128xf32, #tpu.memory_space<vmem_shared>>)
      tpu.yield
    }) : () -> ()
    %add3A_326 = arith.constant 288 : i32
    %add3A_327 = arith.addi %mul3A_2, %add3A_326 : i32
    "tpu.region"() ({
      %run_scoped3A_436 = tpu.sem_alloc : memref<!tpu.dma_semaphore, #tpu.memory_space<semaphore_mem>>
      %dma_start3A_437 = arith.constant 0 : i32
      %dma_start3A_438 = tpu.memref_slice %arg16[%add3A_327, %dma_start3A_437] : memref<10240x128xf32, #tpu.memory_space<vmem_shared>> -> memref<16x128xf32, #tpu.memory_space<vmem_shared>>
      %dma_start3A_439 = arith.constant 0 : i32
      %dma_start3A_440 = tpu.memref_slice %arg16[%add3A_327, %dma_start3A_439] : memref<10240x128xf32, #tpu.memory_space<vmem_shared>> -> memref<16x128xf32, #tpu.memory_space<vmem_shared>>
      tpu.enqueue_dma source(%arg14 : memref<16x128xf32, #tpu.memory_space<vmem>>) target(%dma_start3A_440 : memref<16x128xf32, #tpu.memory_space<vmem_shared>>) target_semaphore(%run_scoped3A_436 : memref<!tpu.dma_semaphore, #tpu.memory_space<semaphore_mem>>)
      %dma_wait3A_441 = arith.constant 0 : i32
      %dma_wait3A_442 = tpu.memref_slice %arg16[%add3A_327, %dma_wait3A_441] : memref<10240x128xf32, #tpu.memory_space<vmem_shared>> -> memref<16x128xf32, #tpu.memory_space<vmem_shared>>
      %dma_wait3A_443 = arith.constant 0 : i32
      %dma_wait3A_444 = tpu.memref_slice %arg16[%add3A_327, %dma_wait3A_443] : memref<10240x128xf32, #tpu.memory_space<vmem_shared>> -> memref<16x128xf32, #tpu.memory_space<vmem_shared>>
      tpu.wait_dma2 semaphore(%run_scoped3A_436 : memref<!tpu.dma_semaphore, #tpu.memory_space<semaphore_mem>>) src(%arg14 : memref<16x128xf32, #tpu.memory_space<vmem>>) dst(%dma_wait3A_444 : memref<16x128xf32, #tpu.memory_space<vmem_shared>>)
      tpu.yield
    }) : () -> ()
    %add3A_328 = arith.constant 304 : i32
    %add3A_329 = arith.addi %mul3A_2, %add3A_328 : i32
    "tpu.region"() ({
      %run_scoped3A_436 = tpu.sem_alloc : memref<!tpu.dma_semaphore, #tpu.memory_space<semaphore_mem>>
      %dma_start3A_437 = arith.constant 0 : i32
      %dma_start3A_438 = tpu.memref_slice %arg16[%add3A_329, %dma_start3A_437] : memref<10240x128xf32, #tpu.memory_space<vmem_shared>> -> memref<16x128xf32, #tpu.memory_space<vmem_shared>>
      %dma_start3A_439 = arith.constant 0 : i32
      %dma_start3A_440 = tpu.memref_slice %arg16[%add3A_329, %dma_start3A_439] : memref<10240x128xf32, #tpu.memory_space<vmem_shared>> -> memref<16x128xf32, #tpu.memory_space<vmem_shared>>
      tpu.enqueue_dma source(%arg14 : memref<16x128xf32, #tpu.memory_space<vmem>>) target(%dma_start3A_440 : memref<16x128xf32, #tpu.memory_space<vmem_shared>>) target_semaphore(%run_scoped3A_436 : memref<!tpu.dma_semaphore, #tpu.memory_space<semaphore_mem>>)
      %dma_wait3A_441 = arith.constant 0 : i32
      %dma_wait3A_442 = tpu.memref_slice %arg16[%add3A_329, %dma_wait3A_441] : memref<10240x128xf32, #tpu.memory_space<vmem_shared>> -> memref<16x128xf32, #tpu.memory_space<vmem_shared>>
      %dma_wait3A_443 = arith.constant 0 : i32
      %dma_wait3A_444 = tpu.memref_slice %arg16[%add3A_329, %dma_wait3A_443] : memref<10240x128xf32, #tpu.memory_space<vmem_shared>> -> memref<16x128xf32, #tpu.memory_space<vmem_shared>>
      tpu.wait_dma2 semaphore(%run_scoped3A_436 : memref<!tpu.dma_semaphore, #tpu.memory_space<semaphore_mem>>) src(%arg14 : memref<16x128xf32, #tpu.memory_space<vmem>>) dst(%dma_wait3A_444 : memref<16x128xf32, #tpu.memory_space<vmem_shared>>)
      tpu.yield
    }) : () -> ()
    %add3A_330 = arith.constant 320 : i32
    %add3A_331 = arith.addi %mul3A_2, %add3A_330 : i32
    "tpu.region"() ({
      %run_scoped3A_436 = tpu.sem_alloc : memref<!tpu.dma_semaphore, #tpu.memory_space<semaphore_mem>>
      %dma_start3A_437 = arith.constant 0 : i32
      %dma_start3A_438 = tpu.memref_slice %arg16[%add3A_331, %dma_start3A_437] : memref<10240x128xf32, #tpu.memory_space<vmem_shared>> -> memref<16x128xf32, #tpu.memory_space<vmem_shared>>
      %dma_start3A_439 = arith.constant 0 : i32
      %dma_start3A_440 = tpu.memref_slice %arg16[%add3A_331, %dma_start3A_439] : memref<10240x128xf32, #tpu.memory_space<vmem_shared>> -> memref<16x128xf32, #tpu.memory_space<vmem_shared>>
      tpu.enqueue_dma source(%arg14 : memref<16x128xf32, #tpu.memory_space<vmem>>) target(%dma_start3A_440 : memref<16x128xf32, #tpu.memory_space<vmem_shared>>) target_semaphore(%run_scoped3A_436 : memref<!tpu.dma_semaphore, #tpu.memory_space<semaphore_mem>>)
      %dma_wait3A_441 = arith.constant 0 : i32
      %dma_wait3A_442 = tpu.memref_slice %arg16[%add3A_331, %dma_wait3A_441] : memref<10240x128xf32, #tpu.memory_space<vmem_shared>> -> memref<16x128xf32, #tpu.memory_space<vmem_shared>>
      %dma_wait3A_443 = arith.constant 0 : i32
      %dma_wait3A_444 = tpu.memref_slice %arg16[%add3A_331, %dma_wait3A_443] : memref<10240x128xf32, #tpu.memory_space<vmem_shared>> -> memref<16x128xf32, #tpu.memory_space<vmem_shared>>
      tpu.wait_dma2 semaphore(%run_scoped3A_436 : memref<!tpu.dma_semaphore, #tpu.memory_space<semaphore_mem>>) src(%arg14 : memref<16x128xf32, #tpu.memory_space<vmem>>) dst(%dma_wait3A_444 : memref<16x128xf32, #tpu.memory_space<vmem_shared>>)
      tpu.yield
    }) : () -> ()
    %add3A_332 = arith.constant 336 : i32
    %add3A_333 = arith.addi %mul3A_2, %add3A_332 : i32
    "tpu.region"() ({
      %run_scoped3A_436 = tpu.sem_alloc : memref<!tpu.dma_semaphore, #tpu.memory_space<semaphore_mem>>
      %dma_start3A_437 = arith.constant 0 : i32
      %dma_start3A_438 = tpu.memref_slice %arg16[%add3A_333, %dma_start3A_437] : memref<10240x128xf32, #tpu.memory_space<vmem_shared>> -> memref<16x128xf32, #tpu.memory_space<vmem_shared>>
      %dma_start3A_439 = arith.constant 0 : i32
      %dma_start3A_440 = tpu.memref_slice %arg16[%add3A_333, %dma_start3A_439] : memref<10240x128xf32, #tpu.memory_space<vmem_shared>> -> memref<16x128xf32, #tpu.memory_space<vmem_shared>>
      tpu.enqueue_dma source(%arg14 : memref<16x128xf32, #tpu.memory_space<vmem>>) target(%dma_start3A_440 : memref<16x128xf32, #tpu.memory_space<vmem_shared>>) target_semaphore(%run_scoped3A_436 : memref<!tpu.dma_semaphore, #tpu.memory_space<semaphore_mem>>)
      %dma_wait3A_441 = arith.constant 0 : i32
      %dma_wait3A_442 = tpu.memref_slice %arg16[%add3A_333, %dma_wait3A_441] : memref<10240x128xf32, #tpu.memory_space<vmem_shared>> -> memref<16x128xf32, #tpu.memory_space<vmem_shared>>
      %dma_wait3A_443 = arith.constant 0 : i32
      %dma_wait3A_444 = tpu.memref_slice %arg16[%add3A_333, %dma_wait3A_443] : memref<10240x128xf32, #tpu.memory_space<vmem_shared>> -> memref<16x128xf32, #tpu.memory_space<vmem_shared>>
      tpu.wait_dma2 semaphore(%run_scoped3A_436 : memref<!tpu.dma_semaphore, #tpu.memory_space<semaphore_mem>>) src(%arg14 : memref<16x128xf32, #tpu.memory_space<vmem>>) dst(%dma_wait3A_444 : memref<16x128xf32, #tpu.memory_space<vmem_shared>>)
      tpu.yield
    }) : () -> ()
    %add3A_334 = arith.constant 352 : i32
    %add3A_335 = arith.addi %mul3A_2, %add3A_334 : i32
    "tpu.region"() ({
      %run_scoped3A_436 = tpu.sem_alloc : memref<!tpu.dma_semaphore, #tpu.memory_space<semaphore_mem>>
      %dma_start3A_437 = arith.constant 0 : i32
      %dma_start3A_438 = tpu.memref_slice %arg16[%add3A_335, %dma_start3A_437] : memref<10240x128xf32, #tpu.memory_space<vmem_shared>> -> memref<16x128xf32, #tpu.memory_space<vmem_shared>>
      %dma_start3A_439 = arith.constant 0 : i32
      %dma_start3A_440 = tpu.memref_slice %arg16[%add3A_335, %dma_start3A_439] : memref<10240x128xf32, #tpu.memory_space<vmem_shared>> -> memref<16x128xf32, #tpu.memory_space<vmem_shared>>
      tpu.enqueue_dma source(%arg14 : memref<16x128xf32, #tpu.memory_space<vmem>>) target(%dma_start3A_440 : memref<16x128xf32, #tpu.memory_space<vmem_shared>>) target_semaphore(%run_scoped3A_436 : memref<!tpu.dma_semaphore, #tpu.memory_space<semaphore_mem>>)
      %dma_wait3A_441 = arith.constant 0 : i32
      %dma_wait3A_442 = tpu.memref_slice %arg16[%add3A_335, %dma_wait3A_441] : memref<10240x128xf32, #tpu.memory_space<vmem_shared>> -> memref<16x128xf32, #tpu.memory_space<vmem_shared>>
      %dma_wait3A_443 = arith.constant 0 : i32
      %dma_wait3A_444 = tpu.memref_slice %arg16[%add3A_335, %dma_wait3A_443] : memref<10240x128xf32, #tpu.memory_space<vmem_shared>> -> memref<16x128xf32, #tpu.memory_space<vmem_shared>>
      tpu.wait_dma2 semaphore(%run_scoped3A_436 : memref<!tpu.dma_semaphore, #tpu.memory_space<semaphore_mem>>) src(%arg14 : memref<16x128xf32, #tpu.memory_space<vmem>>) dst(%dma_wait3A_444 : memref<16x128xf32, #tpu.memory_space<vmem_shared>>)
      tpu.yield
    }) : () -> ()
    %add3A_336 = arith.constant 368 : i32
    %add3A_337 = arith.addi %mul3A_2, %add3A_336 : i32
    "tpu.region"() ({
      %run_scoped3A_436 = tpu.sem_alloc : memref<!tpu.dma_semaphore, #tpu.memory_space<semaphore_mem>>
      %dma_start3A_437 = arith.constant 0 : i32
      %dma_start3A_438 = tpu.memref_slice %arg16[%add3A_337, %dma_start3A_437] : memref<10240x128xf32, #tpu.memory_space<vmem_shared>> -> memref<16x128xf32, #tpu.memory_space<vmem_shared>>
      %dma_start3A_439 = arith.constant 0 : i32
      %dma_start3A_440 = tpu.memref_slice %arg16[%add3A_337, %dma_start3A_439] : memref<10240x128xf32, #tpu.memory_space<vmem_shared>> -> memref<16x128xf32, #tpu.memory_space<vmem_shared>>
      tpu.enqueue_dma source(%arg14 : memref<16x128xf32, #tpu.memory_space<vmem>>) target(%dma_start3A_440 : memref<16x128xf32, #tpu.memory_space<vmem_shared>>) target_semaphore(%run_scoped3A_436 : memref<!tpu.dma_semaphore, #tpu.memory_space<semaphore_mem>>)
      %dma_wait3A_441 = arith.constant 0 : i32
      %dma_wait3A_442 = tpu.memref_slice %arg16[%add3A_337, %dma_wait3A_441] : memref<10240x128xf32, #tpu.memory_space<vmem_shared>> -> memref<16x128xf32, #tpu.memory_space<vmem_shared>>
      %dma_wait3A_443 = arith.constant 0 : i32
      %dma_wait3A_444 = tpu.memref_slice %arg16[%add3A_337, %dma_wait3A_443] : memref<10240x128xf32, #tpu.memory_space<vmem_shared>> -> memref<16x128xf32, #tpu.memory_space<vmem_shared>>
      tpu.wait_dma2 semaphore(%run_scoped3A_436 : memref<!tpu.dma_semaphore, #tpu.memory_space<semaphore_mem>>) src(%arg14 : memref<16x128xf32, #tpu.memory_space<vmem>>) dst(%dma_wait3A_444 : memref<16x128xf32, #tpu.memory_space<vmem_shared>>)
      tpu.yield
    }) : () -> ()
    %add3A_338 = arith.constant 384 : i32
    %add3A_339 = arith.addi %mul3A_2, %add3A_338 : i32
    "tpu.region"() ({
      %run_scoped3A_436 = tpu.sem_alloc : memref<!tpu.dma_semaphore, #tpu.memory_space<semaphore_mem>>
      %dma_start3A_437 = arith.constant 0 : i32
      %dma_start3A_438 = tpu.memref_slice %arg16[%add3A_339, %dma_start3A_437] : memref<10240x128xf32, #tpu.memory_space<vmem_shared>> -> memref<16x128xf32, #tpu.memory_space<vmem_shared>>
      %dma_start3A_439 = arith.constant 0 : i32
      %dma_start3A_440 = tpu.memref_slice %arg16[%add3A_339, %dma_start3A_439] : memref<10240x128xf32, #tpu.memory_space<vmem_shared>> -> memref<16x128xf32, #tpu.memory_space<vmem_shared>>
      tpu.enqueue_dma source(%arg14 : memref<16x128xf32, #tpu.memory_space<vmem>>) target(%dma_start3A_440 : memref<16x128xf32, #tpu.memory_space<vmem_shared>>) target_semaphore(%run_scoped3A_436 : memref<!tpu.dma_semaphore, #tpu.memory_space<semaphore_mem>>)
      %dma_wait3A_441 = arith.constant 0 : i32
      %dma_wait3A_442 = tpu.memref_slice %arg16[%add3A_339, %dma_wait3A_441] : memref<10240x128xf32, #tpu.memory_space<vmem_shared>> -> memref<16x128xf32, #tpu.memory_space<vmem_shared>>
      %dma_wait3A_443 = arith.constant 0 : i32
      %dma_wait3A_444 = tpu.memref_slice %arg16[%add3A_339, %dma_wait3A_443] : memref<10240x128xf32, #tpu.memory_space<vmem_shared>> -> memref<16x128xf32, #tpu.memory_space<vmem_shared>>
      tpu.wait_dma2 semaphore(%run_scoped3A_436 : memref<!tpu.dma_semaphore, #tpu.memory_space<semaphore_mem>>) src(%arg14 : memref<16x128xf32, #tpu.memory_space<vmem>>) dst(%dma_wait3A_444 : memref<16x128xf32, #tpu.memory_space<vmem_shared>>)
      tpu.yield
    }) : () -> ()
    %add3A_340 = arith.constant 400 : i32
    %add3A_341 = arith.addi %mul3A_2, %add3A_340 : i32
    "tpu.region"() ({
      %run_scoped3A_436 = tpu.sem_alloc : memref<!tpu.dma_semaphore, #tpu.memory_space<semaphore_mem>>
      %dma_start3A_437 = arith.constant 0 : i32
      %dma_start3A_438 = tpu.memref_slice %arg16[%add3A_341, %dma_start3A_437] : memref<10240x128xf32, #tpu.memory_space<vmem_shared>> -> memref<16x128xf32, #tpu.memory_space<vmem_shared>>
      %dma_start3A_439 = arith.constant 0 : i32
      %dma_start3A_440 = tpu.memref_slice %arg16[%add3A_341, %dma_start3A_439] : memref<10240x128xf32, #tpu.memory_space<vmem_shared>> -> memref<16x128xf32, #tpu.memory_space<vmem_shared>>
      tpu.enqueue_dma source(%arg14 : memref<16x128xf32, #tpu.memory_space<vmem>>) target(%dma_start3A_440 : memref<16x128xf32, #tpu.memory_space<vmem_shared>>) target_semaphore(%run_scoped3A_436 : memref<!tpu.dma_semaphore, #tpu.memory_space<semaphore_mem>>)
      %dma_wait3A_441 = arith.constant 0 : i32
      %dma_wait3A_442 = tpu.memref_slice %arg16[%add3A_341, %dma_wait3A_441] : memref<10240x128xf32, #tpu.memory_space<vmem_shared>> -> memref<16x128xf32, #tpu.memory_space<vmem_shared>>
      %dma_wait3A_443 = arith.constant 0 : i32
      %dma_wait3A_444 = tpu.memref_slice %arg16[%add3A_341, %dma_wait3A_443] : memref<10240x128xf32, #tpu.memory_space<vmem_shared>> -> memref<16x128xf32, #tpu.memory_space<vmem_shared>>
      tpu.wait_dma2 semaphore(%run_scoped3A_436 : memref<!tpu.dma_semaphore, #tpu.memory_space<semaphore_mem>>) src(%arg14 : memref<16x128xf32, #tpu.memory_space<vmem>>) dst(%dma_wait3A_444 : memref<16x128xf32, #tpu.memory_space<vmem_shared>>)
      tpu.yield
    }) : () -> ()
    %add3A_342 = arith.constant 416 : i32
    %add3A_343 = arith.addi %mul3A_2, %add3A_342 : i32
    "tpu.region"() ({
      %run_scoped3A_436 = tpu.sem_alloc : memref<!tpu.dma_semaphore, #tpu.memory_space<semaphore_mem>>
      %dma_start3A_437 = arith.constant 0 : i32
      %dma_start3A_438 = tpu.memref_slice %arg16[%add3A_343, %dma_start3A_437] : memref<10240x128xf32, #tpu.memory_space<vmem_shared>> -> memref<16x128xf32, #tpu.memory_space<vmem_shared>>
      %dma_start3A_439 = arith.constant 0 : i32
      %dma_start3A_440 = tpu.memref_slice %arg16[%add3A_343, %dma_start3A_439] : memref<10240x128xf32, #tpu.memory_space<vmem_shared>> -> memref<16x128xf32, #tpu.memory_space<vmem_shared>>
      tpu.enqueue_dma source(%arg14 : memref<16x128xf32, #tpu.memory_space<vmem>>) target(%dma_start3A_440 : memref<16x128xf32, #tpu.memory_space<vmem_shared>>) target_semaphore(%run_scoped3A_436 : memref<!tpu.dma_semaphore, #tpu.memory_space<semaphore_mem>>)
      %dma_wait3A_441 = arith.constant 0 : i32
      %dma_wait3A_442 = tpu.memref_slice %arg16[%add3A_343, %dma_wait3A_441] : memref<10240x128xf32, #tpu.memory_space<vmem_shared>> -> memref<16x128xf32, #tpu.memory_space<vmem_shared>>
      %dma_wait3A_443 = arith.constant 0 : i32
      %dma_wait3A_444 = tpu.memref_slice %arg16[%add3A_343, %dma_wait3A_443] : memref<10240x128xf32, #tpu.memory_space<vmem_shared>> -> memref<16x128xf32, #tpu.memory_space<vmem_shared>>
      tpu.wait_dma2 semaphore(%run_scoped3A_436 : memref<!tpu.dma_semaphore, #tpu.memory_space<semaphore_mem>>) src(%arg14 : memref<16x128xf32, #tpu.memory_space<vmem>>) dst(%dma_wait3A_444 : memref<16x128xf32, #tpu.memory_space<vmem_shared>>)
      tpu.yield
    }) : () -> ()
    %add3A_344 = arith.constant 432 : i32
    %add3A_345 = arith.addi %mul3A_2, %add3A_344 : i32
    "tpu.region"() ({
      %run_scoped3A_436 = tpu.sem_alloc : memref<!tpu.dma_semaphore, #tpu.memory_space<semaphore_mem>>
      %dma_start3A_437 = arith.constant 0 : i32
      %dma_start3A_438 = tpu.memref_slice %arg16[%add3A_345, %dma_start3A_437] : memref<10240x128xf32, #tpu.memory_space<vmem_shared>> -> memref<16x128xf32, #tpu.memory_space<vmem_shared>>
      %dma_start3A_439 = arith.constant 0 : i32
      %dma_start3A_440 = tpu.memref_slice %arg16[%add3A_345, %dma_start3A_439] : memref<10240x128xf32, #tpu.memory_space<vmem_shared>> -> memref<16x128xf32, #tpu.memory_space<vmem_shared>>
      tpu.enqueue_dma source(%arg14 : memref<16x128xf32, #tpu.memory_space<vmem>>) target(%dma_start3A_440 : memref<16x128xf32, #tpu.memory_space<vmem_shared>>) target_semaphore(%run_scoped3A_436 : memref<!tpu.dma_semaphore, #tpu.memory_space<semaphore_mem>>)
      %dma_wait3A_441 = arith.constant 0 : i32
      %dma_wait3A_442 = tpu.memref_slice %arg16[%add3A_345, %dma_wait3A_441] : memref<10240x128xf32, #tpu.memory_space<vmem_shared>> -> memref<16x128xf32, #tpu.memory_space<vmem_shared>>
      %dma_wait3A_443 = arith.constant 0 : i32
      %dma_wait3A_444 = tpu.memref_slice %arg16[%add3A_345, %dma_wait3A_443] : memref<10240x128xf32, #tpu.memory_space<vmem_shared>> -> memref<16x128xf32, #tpu.memory_space<vmem_shared>>
      tpu.wait_dma2 semaphore(%run_scoped3A_436 : memref<!tpu.dma_semaphore, #tpu.memory_space<semaphore_mem>>) src(%arg14 : memref<16x128xf32, #tpu.memory_space<vmem>>) dst(%dma_wait3A_444 : memref<16x128xf32, #tpu.memory_space<vmem_shared>>)
      tpu.yield
    }) : () -> ()
    %add3A_346 = arith.constant 448 : i32
    %add3A_347 = arith.addi %mul3A_2, %add3A_346 : i32
    "tpu.region"() ({
      %run_scoped3A_436 = tpu.sem_alloc : memref<!tpu.dma_semaphore, #tpu.memory_space<semaphore_mem>>
      %dma_start3A_437 = arith.constant 0 : i32
      %dma_start3A_438 = tpu.memref_slice %arg16[%add3A_347, %dma_start3A_437] : memref<10240x128xf32, #tpu.memory_space<vmem_shared>> -> memref<16x128xf32, #tpu.memory_space<vmem_shared>>
      %dma_start3A_439 = arith.constant 0 : i32
      %dma_start3A_440 = tpu.memref_slice %arg16[%add3A_347, %dma_start3A_439] : memref<10240x128xf32, #tpu.memory_space<vmem_shared>> -> memref<16x128xf32, #tpu.memory_space<vmem_shared>>
      tpu.enqueue_dma source(%arg14 : memref<16x128xf32, #tpu.memory_space<vmem>>) target(%dma_start3A_440 : memref<16x128xf32, #tpu.memory_space<vmem_shared>>) target_semaphore(%run_scoped3A_436 : memref<!tpu.dma_semaphore, #tpu.memory_space<semaphore_mem>>)
      %dma_wait3A_441 = arith.constant 0 : i32
      %dma_wait3A_442 = tpu.memref_slice %arg16[%add3A_347, %dma_wait3A_441] : memref<10240x128xf32, #tpu.memory_space<vmem_shared>> -> memref<16x128xf32, #tpu.memory_space<vmem_shared>>
      %dma_wait3A_443 = arith.constant 0 : i32
      %dma_wait3A_444 = tpu.memref_slice %arg16[%add3A_347, %dma_wait3A_443] : memref<10240x128xf32, #tpu.memory_space<vmem_shared>> -> memref<16x128xf32, #tpu.memory_space<vmem_shared>>
      tpu.wait_dma2 semaphore(%run_scoped3A_436 : memref<!tpu.dma_semaphore, #tpu.memory_space<semaphore_mem>>) src(%arg14 : memref<16x128xf32, #tpu.memory_space<vmem>>) dst(%dma_wait3A_444 : memref<16x128xf32, #tpu.memory_space<vmem_shared>>)
      tpu.yield
    }) : () -> ()
    %add3A_348 = arith.constant 464 : i32
    %add3A_349 = arith.addi %mul3A_2, %add3A_348 : i32
    "tpu.region"() ({
      %run_scoped3A_436 = tpu.sem_alloc : memref<!tpu.dma_semaphore, #tpu.memory_space<semaphore_mem>>
      %dma_start3A_437 = arith.constant 0 : i32
      %dma_start3A_438 = tpu.memref_slice %arg16[%add3A_349, %dma_start3A_437] : memref<10240x128xf32, #tpu.memory_space<vmem_shared>> -> memref<16x128xf32, #tpu.memory_space<vmem_shared>>
      %dma_start3A_439 = arith.constant 0 : i32
      %dma_start3A_440 = tpu.memref_slice %arg16[%add3A_349, %dma_start3A_439] : memref<10240x128xf32, #tpu.memory_space<vmem_shared>> -> memref<16x128xf32, #tpu.memory_space<vmem_shared>>
      tpu.enqueue_dma source(%arg14 : memref<16x128xf32, #tpu.memory_space<vmem>>) target(%dma_start3A_440 : memref<16x128xf32, #tpu.memory_space<vmem_shared>>) target_semaphore(%run_scoped3A_436 : memref<!tpu.dma_semaphore, #tpu.memory_space<semaphore_mem>>)
      %dma_wait3A_441 = arith.constant 0 : i32
      %dma_wait3A_442 = tpu.memref_slice %arg16[%add3A_349, %dma_wait3A_441] : memref<10240x128xf32, #tpu.memory_space<vmem_shared>> -> memref<16x128xf32, #tpu.memory_space<vmem_shared>>
      %dma_wait3A_443 = arith.constant 0 : i32
      %dma_wait3A_444 = tpu.memref_slice %arg16[%add3A_349, %dma_wait3A_443] : memref<10240x128xf32, #tpu.memory_space<vmem_shared>> -> memref<16x128xf32, #tpu.memory_space<vmem_shared>>
      tpu.wait_dma2 semaphore(%run_scoped3A_436 : memref<!tpu.dma_semaphore, #tpu.memory_space<semaphore_mem>>) src(%arg14 : memref<16x128xf32, #tpu.memory_space<vmem>>) dst(%dma_wait3A_444 : memref<16x128xf32, #tpu.memory_space<vmem_shared>>)
      tpu.yield
    }) : () -> ()
    %add3A_350 = arith.constant 480 : i32
    %add3A_351 = arith.addi %mul3A_2, %add3A_350 : i32
    "tpu.region"() ({
      %run_scoped3A_436 = tpu.sem_alloc : memref<!tpu.dma_semaphore, #tpu.memory_space<semaphore_mem>>
      %dma_start3A_437 = arith.constant 0 : i32
      %dma_start3A_438 = tpu.memref_slice %arg16[%add3A_351, %dma_start3A_437] : memref<10240x128xf32, #tpu.memory_space<vmem_shared>> -> memref<16x128xf32, #tpu.memory_space<vmem_shared>>
      %dma_start3A_439 = arith.constant 0 : i32
      %dma_start3A_440 = tpu.memref_slice %arg16[%add3A_351, %dma_start3A_439] : memref<10240x128xf32, #tpu.memory_space<vmem_shared>> -> memref<16x128xf32, #tpu.memory_space<vmem_shared>>
      tpu.enqueue_dma source(%arg14 : memref<16x128xf32, #tpu.memory_space<vmem>>) target(%dma_start3A_440 : memref<16x128xf32, #tpu.memory_space<vmem_shared>>) target_semaphore(%run_scoped3A_436 : memref<!tpu.dma_semaphore, #tpu.memory_space<semaphore_mem>>)
      %dma_wait3A_441 = arith.constant 0 : i32
      %dma_wait3A_442 = tpu.memref_slice %arg16[%add3A_351, %dma_wait3A_441] : memref<10240x128xf32, #tpu.memory_space<vmem_shared>> -> memref<16x128xf32, #tpu.memory_space<vmem_shared>>
      %dma_wait3A_443 = arith.constant 0 : i32
      %dma_wait3A_444 = tpu.memref_slice %arg16[%add3A_351, %dma_wait3A_443] : memref<10240x128xf32, #tpu.memory_space<vmem_shared>> -> memref<16x128xf32, #tpu.memory_space<vmem_shared>>
      tpu.wait_dma2 semaphore(%run_scoped3A_436 : memref<!tpu.dma_semaphore, #tpu.memory_space<semaphore_mem>>) src(%arg14 : memref<16x128xf32, #tpu.memory_space<vmem>>) dst(%dma_wait3A_444 : memref<16x128xf32, #tpu.memory_space<vmem_shared>>)
      tpu.yield
    }) : () -> ()
    %add3A_352 = arith.constant 496 : i32
    %add3A_353 = arith.addi %mul3A_2, %add3A_352 : i32
    "tpu.region"() ({
      %run_scoped3A_436 = tpu.sem_alloc : memref<!tpu.dma_semaphore, #tpu.memory_space<semaphore_mem>>
      %dma_start3A_437 = arith.constant 0 : i32
      %dma_start3A_438 = tpu.memref_slice %arg16[%add3A_353, %dma_start3A_437] : memref<10240x128xf32, #tpu.memory_space<vmem_shared>> -> memref<16x128xf32, #tpu.memory_space<vmem_shared>>
      %dma_start3A_439 = arith.constant 0 : i32
      %dma_start3A_440 = tpu.memref_slice %arg16[%add3A_353, %dma_start3A_439] : memref<10240x128xf32, #tpu.memory_space<vmem_shared>> -> memref<16x128xf32, #tpu.memory_space<vmem_shared>>
      tpu.enqueue_dma source(%arg14 : memref<16x128xf32, #tpu.memory_space<vmem>>) target(%dma_start3A_440 : memref<16x128xf32, #tpu.memory_space<vmem_shared>>) target_semaphore(%run_scoped3A_436 : memref<!tpu.dma_semaphore, #tpu.memory_space<semaphore_mem>>)
      %dma_wait3A_441 = arith.constant 0 : i32
      %dma_wait3A_442 = tpu.memref_slice %arg16[%add3A_353, %dma_wait3A_441] : memref<10240x128xf32, #tpu.memory_space<vmem_shared>> -> memref<16x128xf32, #tpu.memory_space<vmem_shared>>
      %dma_wait3A_443 = arith.constant 0 : i32
      %dma_wait3A_444 = tpu.memref_slice %arg16[%add3A_353, %dma_wait3A_443] : memref<10240x128xf32, #tpu.memory_space<vmem_shared>> -> memref<16x128xf32, #tpu.memory_space<vmem_shared>>
      tpu.wait_dma2 semaphore(%run_scoped3A_436 : memref<!tpu.dma_semaphore, #tpu.memory_space<semaphore_mem>>) src(%arg14 : memref<16x128xf32, #tpu.memory_space<vmem>>) dst(%dma_wait3A_444 : memref<16x128xf32, #tpu.memory_space<vmem_shared>>)
      tpu.yield
    }) : () -> ()
    %add3A_354 = arith.constant 512 : i32
    %add3A_355 = arith.addi %mul3A_2, %add3A_354 : i32
    "tpu.region"() ({
      %run_scoped3A_436 = tpu.sem_alloc : memref<!tpu.dma_semaphore, #tpu.memory_space<semaphore_mem>>
      %dma_start3A_437 = arith.constant 0 : i32
      %dma_start3A_438 = tpu.memref_slice %arg16[%add3A_355, %dma_start3A_437] : memref<10240x128xf32, #tpu.memory_space<vmem_shared>> -> memref<16x128xf32, #tpu.memory_space<vmem_shared>>
      %dma_start3A_439 = arith.constant 0 : i32
      %dma_start3A_440 = tpu.memref_slice %arg16[%add3A_355, %dma_start3A_439] : memref<10240x128xf32, #tpu.memory_space<vmem_shared>> -> memref<16x128xf32, #tpu.memory_space<vmem_shared>>
      tpu.enqueue_dma source(%arg14 : memref<16x128xf32, #tpu.memory_space<vmem>>) target(%dma_start3A_440 : memref<16x128xf32, #tpu.memory_space<vmem_shared>>) target_semaphore(%run_scoped3A_436 : memref<!tpu.dma_semaphore, #tpu.memory_space<semaphore_mem>>)
      %dma_wait3A_441 = arith.constant 0 : i32
      %dma_wait3A_442 = tpu.memref_slice %arg16[%add3A_355, %dma_wait3A_441] : memref<10240x128xf32, #tpu.memory_space<vmem_shared>> -> memref<16x128xf32, #tpu.memory_space<vmem_shared>>
      %dma_wait3A_443 = arith.constant 0 : i32
      %dma_wait3A_444 = tpu.memref_slice %arg16[%add3A_355, %dma_wait3A_443] : memref<10240x128xf32, #tpu.memory_space<vmem_shared>> -> memref<16x128xf32, #tpu.memory_space<vmem_shared>>
      tpu.wait_dma2 semaphore(%run_scoped3A_436 : memref<!tpu.dma_semaphore, #tpu.memory_space<semaphore_mem>>) src(%arg14 : memref<16x128xf32, #tpu.memory_space<vmem>>) dst(%dma_wait3A_444 : memref<16x128xf32, #tpu.memory_space<vmem_shared>>)
      tpu.yield
    }) : () -> ()
    %add3A_356 = arith.constant 528 : i32
    %add3A_357 = arith.addi %mul3A_2, %add3A_356 : i32
    "tpu.region"() ({
      %run_scoped3A_436 = tpu.sem_alloc : memref<!tpu.dma_semaphore, #tpu.memory_space<semaphore_mem>>
      %dma_start3A_437 = arith.constant 0 : i32
      %dma_start3A_438 = tpu.memref_slice %arg16[%add3A_357, %dma_start3A_437] : memref<10240x128xf32, #tpu.memory_space<vmem_shared>> -> memref<16x128xf32, #tpu.memory_space<vmem_shared>>
      %dma_start3A_439 = arith.constant 0 : i32
      %dma_start3A_440 = tpu.memref_slice %arg16[%add3A_357, %dma_start3A_439] : memref<10240x128xf32, #tpu.memory_space<vmem_shared>> -> memref<16x128xf32, #tpu.memory_space<vmem_shared>>
      tpu.enqueue_dma source(%arg14 : memref<16x128xf32, #tpu.memory_space<vmem>>) target(%dma_start3A_440 : memref<16x128xf32, #tpu.memory_space<vmem_shared>>) target_semaphore(%run_scoped3A_436 : memref<!tpu.dma_semaphore, #tpu.memory_space<semaphore_mem>>)
      %dma_wait3A_441 = arith.constant 0 : i32
      %dma_wait3A_442 = tpu.memref_slice %arg16[%add3A_357, %dma_wait3A_441] : memref<10240x128xf32, #tpu.memory_space<vmem_shared>> -> memref<16x128xf32, #tpu.memory_space<vmem_shared>>
      %dma_wait3A_443 = arith.constant 0 : i32
      %dma_wait3A_444 = tpu.memref_slice %arg16[%add3A_357, %dma_wait3A_443] : memref<10240x128xf32, #tpu.memory_space<vmem_shared>> -> memref<16x128xf32, #tpu.memory_space<vmem_shared>>
      tpu.wait_dma2 semaphore(%run_scoped3A_436 : memref<!tpu.dma_semaphore, #tpu.memory_space<semaphore_mem>>) src(%arg14 : memref<16x128xf32, #tpu.memory_space<vmem>>) dst(%dma_wait3A_444 : memref<16x128xf32, #tpu.memory_space<vmem_shared>>)
      tpu.yield
    }) : () -> ()
    %add3A_358 = arith.constant 544 : i32
    %add3A_359 = arith.addi %mul3A_2, %add3A_358 : i32
    "tpu.region"() ({
      %run_scoped3A_436 = tpu.sem_alloc : memref<!tpu.dma_semaphore, #tpu.memory_space<semaphore_mem>>
      %dma_start3A_437 = arith.constant 0 : i32
      %dma_start3A_438 = tpu.memref_slice %arg16[%add3A_359, %dma_start3A_437] : memref<10240x128xf32, #tpu.memory_space<vmem_shared>> -> memref<16x128xf32, #tpu.memory_space<vmem_shared>>
      %dma_start3A_439 = arith.constant 0 : i32
      %dma_start3A_440 = tpu.memref_slice %arg16[%add3A_359, %dma_start3A_439] : memref<10240x128xf32, #tpu.memory_space<vmem_shared>> -> memref<16x128xf32, #tpu.memory_space<vmem_shared>>
      tpu.enqueue_dma source(%arg14 : memref<16x128xf32, #tpu.memory_space<vmem>>) target(%dma_start3A_440 : memref<16x128xf32, #tpu.memory_space<vmem_shared>>) target_semaphore(%run_scoped3A_436 : memref<!tpu.dma_semaphore, #tpu.memory_space<semaphore_mem>>)
      %dma_wait3A_441 = arith.constant 0 : i32
      %dma_wait3A_442 = tpu.memref_slice %arg16[%add3A_359, %dma_wait3A_441] : memref<10240x128xf32, #tpu.memory_space<vmem_shared>> -> memref<16x128xf32, #tpu.memory_space<vmem_shared>>
      %dma_wait3A_443 = arith.constant 0 : i32
      %dma_wait3A_444 = tpu.memref_slice %arg16[%add3A_359, %dma_wait3A_443] : memref<10240x128xf32, #tpu.memory_space<vmem_shared>> -> memref<16x128xf32, #tpu.memory_space<vmem_shared>>
      tpu.wait_dma2 semaphore(%run_scoped3A_436 : memref<!tpu.dma_semaphore, #tpu.memory_space<semaphore_mem>>) src(%arg14 : memref<16x128xf32, #tpu.memory_space<vmem>>) dst(%dma_wait3A_444 : memref<16x128xf32, #tpu.memory_space<vmem_shared>>)
      tpu.yield
    }) : () -> ()
    %add3A_360 = arith.constant 560 : i32
    %add3A_361 = arith.addi %mul3A_2, %add3A_360 : i32
    "tpu.region"() ({
      %run_scoped3A_436 = tpu.sem_alloc : memref<!tpu.dma_semaphore, #tpu.memory_space<semaphore_mem>>
      %dma_start3A_437 = arith.constant 0 : i32
      %dma_start3A_438 = tpu.memref_slice %arg16[%add3A_361, %dma_start3A_437] : memref<10240x128xf32, #tpu.memory_space<vmem_shared>> -> memref<16x128xf32, #tpu.memory_space<vmem_shared>>
      %dma_start3A_439 = arith.constant 0 : i32
      %dma_start3A_440 = tpu.memref_slice %arg16[%add3A_361, %dma_start3A_439] : memref<10240x128xf32, #tpu.memory_space<vmem_shared>> -> memref<16x128xf32, #tpu.memory_space<vmem_shared>>
      tpu.enqueue_dma source(%arg14 : memref<16x128xf32, #tpu.memory_space<vmem>>) target(%dma_start3A_440 : memref<16x128xf32, #tpu.memory_space<vmem_shared>>) target_semaphore(%run_scoped3A_436 : memref<!tpu.dma_semaphore, #tpu.memory_space<semaphore_mem>>)
      %dma_wait3A_441 = arith.constant 0 : i32
      %dma_wait3A_442 = tpu.memref_slice %arg16[%add3A_361, %dma_wait3A_441] : memref<10240x128xf32, #tpu.memory_space<vmem_shared>> -> memref<16x128xf32, #tpu.memory_space<vmem_shared>>
      %dma_wait3A_443 = arith.constant 0 : i32
      %dma_wait3A_444 = tpu.memref_slice %arg16[%add3A_361, %dma_wait3A_443] : memref<10240x128xf32, #tpu.memory_space<vmem_shared>> -> memref<16x128xf32, #tpu.memory_space<vmem_shared>>
      tpu.wait_dma2 semaphore(%run_scoped3A_436 : memref<!tpu.dma_semaphore, #tpu.memory_space<semaphore_mem>>) src(%arg14 : memref<16x128xf32, #tpu.memory_space<vmem>>) dst(%dma_wait3A_444 : memref<16x128xf32, #tpu.memory_space<vmem_shared>>)
      tpu.yield
    }) : () -> ()
    %add3A_362 = arith.constant 576 : i32
    %add3A_363 = arith.addi %mul3A_2, %add3A_362 : i32
    "tpu.region"() ({
      %run_scoped3A_436 = tpu.sem_alloc : memref<!tpu.dma_semaphore, #tpu.memory_space<semaphore_mem>>
      %dma_start3A_437 = arith.constant 0 : i32
      %dma_start3A_438 = tpu.memref_slice %arg16[%add3A_363, %dma_start3A_437] : memref<10240x128xf32, #tpu.memory_space<vmem_shared>> -> memref<16x128xf32, #tpu.memory_space<vmem_shared>>
      %dma_start3A_439 = arith.constant 0 : i32
      %dma_start3A_440 = tpu.memref_slice %arg16[%add3A_363, %dma_start3A_439] : memref<10240x128xf32, #tpu.memory_space<vmem_shared>> -> memref<16x128xf32, #tpu.memory_space<vmem_shared>>
      tpu.enqueue_dma source(%arg14 : memref<16x128xf32, #tpu.memory_space<vmem>>) target(%dma_start3A_440 : memref<16x128xf32, #tpu.memory_space<vmem_shared>>) target_semaphore(%run_scoped3A_436 : memref<!tpu.dma_semaphore, #tpu.memory_space<semaphore_mem>>)
      %dma_wait3A_441 = arith.constant 0 : i32
      %dma_wait3A_442 = tpu.memref_slice %arg16[%add3A_363, %dma_wait3A_441] : memref<10240x128xf32, #tpu.memory_space<vmem_shared>> -> memref<16x128xf32, #tpu.memory_space<vmem_shared>>
      %dma_wait3A_443 = arith.constant 0 : i32
      %dma_wait3A_444 = tpu.memref_slice %arg16[%add3A_363, %dma_wait3A_443] : memref<10240x128xf32, #tpu.memory_space<vmem_shared>> -> memref<16x128xf32, #tpu.memory_space<vmem_shared>>
      tpu.wait_dma2 semaphore(%run_scoped3A_436 : memref<!tpu.dma_semaphore, #tpu.memory_space<semaphore_mem>>) src(%arg14 : memref<16x128xf32, #tpu.memory_space<vmem>>) dst(%dma_wait3A_444 : memref<16x128xf32, #tpu.memory_space<vmem_shared>>)
      tpu.yield
    }) : () -> ()
    %add3A_364 = arith.constant 592 : i32
    %add3A_365 = arith.addi %mul3A_2, %add3A_364 : i32
    "tpu.region"() ({
      %run_scoped3A_436 = tpu.sem_alloc : memref<!tpu.dma_semaphore, #tpu.memory_space<semaphore_mem>>
      %dma_start3A_437 = arith.constant 0 : i32
      %dma_start3A_438 = tpu.memref_slice %arg16[%add3A_365, %dma_start3A_437] : memref<10240x128xf32, #tpu.memory_space<vmem_shared>> -> memref<16x128xf32, #tpu.memory_space<vmem_shared>>
      %dma_start3A_439 = arith.constant 0 : i32
      %dma_start3A_440 = tpu.memref_slice %arg16[%add3A_365, %dma_start3A_439] : memref<10240x128xf32, #tpu.memory_space<vmem_shared>> -> memref<16x128xf32, #tpu.memory_space<vmem_shared>>
      tpu.enqueue_dma source(%arg14 : memref<16x128xf32, #tpu.memory_space<vmem>>) target(%dma_start3A_440 : memref<16x128xf32, #tpu.memory_space<vmem_shared>>) target_semaphore(%run_scoped3A_436 : memref<!tpu.dma_semaphore, #tpu.memory_space<semaphore_mem>>)
      %dma_wait3A_441 = arith.constant 0 : i32
      %dma_wait3A_442 = tpu.memref_slice %arg16[%add3A_365, %dma_wait3A_441] : memref<10240x128xf32, #tpu.memory_space<vmem_shared>> -> memref<16x128xf32, #tpu.memory_space<vmem_shared>>
      %dma_wait3A_443 = arith.constant 0 : i32
      %dma_wait3A_444 = tpu.memref_slice %arg16[%add3A_365, %dma_wait3A_443] : memref<10240x128xf32, #tpu.memory_space<vmem_shared>> -> memref<16x128xf32, #tpu.memory_space<vmem_shared>>
      tpu.wait_dma2 semaphore(%run_scoped3A_436 : memref<!tpu.dma_semaphore, #tpu.memory_space<semaphore_mem>>) src(%arg14 : memref<16x128xf32, #tpu.memory_space<vmem>>) dst(%dma_wait3A_444 : memref<16x128xf32, #tpu.memory_space<vmem_shared>>)
      tpu.yield
    }) : () -> ()
    %add3A_366 = arith.constant 608 : i32
    %add3A_367 = arith.addi %mul3A_2, %add3A_366 : i32
    "tpu.region"() ({
      %run_scoped3A_436 = tpu.sem_alloc : memref<!tpu.dma_semaphore, #tpu.memory_space<semaphore_mem>>
      %dma_start3A_437 = arith.constant 0 : i32
      %dma_start3A_438 = tpu.memref_slice %arg16[%add3A_367, %dma_start3A_437] : memref<10240x128xf32, #tpu.memory_space<vmem_shared>> -> memref<16x128xf32, #tpu.memory_space<vmem_shared>>
      %dma_start3A_439 = arith.constant 0 : i32
      %dma_start3A_440 = tpu.memref_slice %arg16[%add3A_367, %dma_start3A_439] : memref<10240x128xf32, #tpu.memory_space<vmem_shared>> -> memref<16x128xf32, #tpu.memory_space<vmem_shared>>
      tpu.enqueue_dma source(%arg14 : memref<16x128xf32, #tpu.memory_space<vmem>>) target(%dma_start3A_440 : memref<16x128xf32, #tpu.memory_space<vmem_shared>>) target_semaphore(%run_scoped3A_436 : memref<!tpu.dma_semaphore, #tpu.memory_space<semaphore_mem>>)
      %dma_wait3A_441 = arith.constant 0 : i32
      %dma_wait3A_442 = tpu.memref_slice %arg16[%add3A_367, %dma_wait3A_441] : memref<10240x128xf32, #tpu.memory_space<vmem_shared>> -> memref<16x128xf32, #tpu.memory_space<vmem_shared>>
      %dma_wait3A_443 = arith.constant 0 : i32
      %dma_wait3A_444 = tpu.memref_slice %arg16[%add3A_367, %dma_wait3A_443] : memref<10240x128xf32, #tpu.memory_space<vmem_shared>> -> memref<16x128xf32, #tpu.memory_space<vmem_shared>>
      tpu.wait_dma2 semaphore(%run_scoped3A_436 : memref<!tpu.dma_semaphore, #tpu.memory_space<semaphore_mem>>) src(%arg14 : memref<16x128xf32, #tpu.memory_space<vmem>>) dst(%dma_wait3A_444 : memref<16x128xf32, #tpu.memory_space<vmem_shared>>)
      tpu.yield
    }) : () -> ()
    %add3A_368 = arith.constant 624 : i32
    %add3A_369 = arith.addi %mul3A_2, %add3A_368 : i32
    "tpu.region"() ({
      %run_scoped3A_436 = tpu.sem_alloc : memref<!tpu.dma_semaphore, #tpu.memory_space<semaphore_mem>>
      %dma_start3A_437 = arith.constant 0 : i32
      %dma_start3A_438 = tpu.memref_slice %arg16[%add3A_369, %dma_start3A_437] : memref<10240x128xf32, #tpu.memory_space<vmem_shared>> -> memref<16x128xf32, #tpu.memory_space<vmem_shared>>
      %dma_start3A_439 = arith.constant 0 : i32
      %dma_start3A_440 = tpu.memref_slice %arg16[%add3A_369, %dma_start3A_439] : memref<10240x128xf32, #tpu.memory_space<vmem_shared>> -> memref<16x128xf32, #tpu.memory_space<vmem_shared>>
      tpu.enqueue_dma source(%arg14 : memref<16x128xf32, #tpu.memory_space<vmem>>) target(%dma_start3A_440 : memref<16x128xf32, #tpu.memory_space<vmem_shared>>) target_semaphore(%run_scoped3A_436 : memref<!tpu.dma_semaphore, #tpu.memory_space<semaphore_mem>>)
      %dma_wait3A_441 = arith.constant 0 : i32
      %dma_wait3A_442 = tpu.memref_slice %arg16[%add3A_369, %dma_wait3A_441] : memref<10240x128xf32, #tpu.memory_space<vmem_shared>> -> memref<16x128xf32, #tpu.memory_space<vmem_shared>>
      %dma_wait3A_443 = arith.constant 0 : i32
      %dma_wait3A_444 = tpu.memref_slice %arg16[%add3A_369, %dma_wait3A_443] : memref<10240x128xf32, #tpu.memory_space<vmem_shared>> -> memref<16x128xf32, #tpu.memory_space<vmem_shared>>
      tpu.wait_dma2 semaphore(%run_scoped3A_436 : memref<!tpu.dma_semaphore, #tpu.memory_space<semaphore_mem>>) src(%arg14 : memref<16x128xf32, #tpu.memory_space<vmem>>) dst(%dma_wait3A_444 : memref<16x128xf32, #tpu.memory_space<vmem_shared>>)
      tpu.yield
    }) : () -> ()
    "tpu.region"() ({
      %run_scoped3A_436 = tpu.sem_alloc : memref<!tpu.dma_semaphore, #tpu.memory_space<semaphore_mem>>
      %dma_start3A_437 = tpu.memref_slice %arg17[%mul3A_2] : memref<10240xf32, #tpu.memory_space<vmem_shared>> -> memref<640xf32, #tpu.memory_space<vmem_shared>>
      %dma_start3A_438 = tpu.memref_slice %arg17[%mul3A_2] : memref<10240xf32, #tpu.memory_space<vmem_shared>> -> memref<640xf32, #tpu.memory_space<vmem_shared>>
      tpu.enqueue_dma source(%arg15 : memref<640xf32, #tpu.memory_space<vmem>>) target(%dma_start3A_438 : memref<640xf32, #tpu.memory_space<vmem_shared>>) target_semaphore(%run_scoped3A_436 : memref<!tpu.dma_semaphore, #tpu.memory_space<semaphore_mem>>)
      %dma_wait3A_439 = tpu.memref_slice %arg17[%mul3A_2] : memref<10240xf32, #tpu.memory_space<vmem_shared>> -> memref<640xf32, #tpu.memory_space<vmem_shared>>
      %dma_wait3A_440 = tpu.memref_slice %arg17[%mul3A_2] : memref<10240xf32, #tpu.memory_space<vmem_shared>> -> memref<640xf32, #tpu.memory_space<vmem_shared>>
      tpu.wait_dma2 semaphore(%run_scoped3A_436 : memref<!tpu.dma_semaphore, #tpu.memory_space<semaphore_mem>>) src(%arg15 : memref<640xf32, #tpu.memory_space<vmem>>) dst(%dma_wait3A_440 : memref<640xf32, #tpu.memory_space<vmem_shared>>)
      tpu.yield
    }) : () -> ()
    %barrier3A_370 = arith.constant 0 : index
    tpu.barrier barrier_id(%barrier3A_370)
    %run_scoped3A_371 = arith.constant 2 : i32
    "tpu.region"() ({
      %run_scoped3A_436 = tpu.sem_alloc : memref<!tpu.dma_semaphore, #tpu.memory_space<semaphore_mem>>
      %dma_start3A_437 = arith.constant 0 : i32
      %dma_start3A_438 = arith.constant 0 : i32
      %dma_start3A_439 = tpu.memref_slice %arg3[%run_scoped3A_371, %add3A, %dma_start3A_437, %dma_start3A_438] : memref<3x32x40x128xi32, #tpu.memory_space<hbm>> -> memref<1x1x40x128xi32, #tpu.memory_space<hbm>>
      %dma_start3A_440 = tpu.memref_squeeze %dma_start3A_439 : memref<1x1x40x128xi32, #tpu.memory_space<hbm>> -> memref<40x128xi32, #tpu.memory_space<hbm>>
      %dma_start3A_441 = arith.constant 0 : i32
      %dma_start3A_442 = arith.constant 0 : i32
      %dma_start3A_443 = tpu.memref_slice %arg3[%run_scoped3A_371, %add3A, %dma_start3A_441, %dma_start3A_442] : memref<3x32x40x128xi32, #tpu.memory_space<hbm>> -> memref<1x1x40x128xi32, #tpu.memory_space<hbm>>
      %dma_start3A_444 = tpu.memref_squeeze %dma_start3A_443 : memref<1x1x40x128xi32, #tpu.memory_space<hbm>> -> memref<40x128xi32, #tpu.memory_space<hbm>>
      tpu.enqueue_dma source(%dma_start3A_444 : memref<40x128xi32, #tpu.memory_space<hbm>>) target(%arg10 : memref<40x128xi32, #tpu.memory_space<vmem>>) target_semaphore(%run_scoped3A_436 : memref<!tpu.dma_semaphore, #tpu.memory_space<semaphore_mem>>)
      %dma_wait3A_445 = arith.constant 0 : i32
      %dma_wait3A_446 = arith.constant 0 : i32
      %dma_wait3A_447 = tpu.memref_slice %arg3[%run_scoped3A_371, %add3A, %dma_wait3A_445, %dma_wait3A_446] : memref<3x32x40x128xi32, #tpu.memory_space<hbm>> -> memref<1x1x40x128xi32, #tpu.memory_space<hbm>>
      %dma_wait3A_448 = tpu.memref_squeeze %dma_wait3A_447 : memref<1x1x40x128xi32, #tpu.memory_space<hbm>> -> memref<40x128xi32, #tpu.memory_space<hbm>>
      %dma_wait3A_449 = arith.constant 0 : i32
      %dma_wait3A_450 = arith.constant 0 : i32
      %dma_wait3A_451 = tpu.memref_slice %arg3[%run_scoped3A_371, %add3A, %dma_wait3A_449, %dma_wait3A_450] : memref<3x32x40x128xi32, #tpu.memory_space<hbm>> -> memref<1x1x40x128xi32, #tpu.memory_space<hbm>>
      %dma_wait3A_452 = tpu.memref_squeeze %dma_wait3A_451 : memref<1x1x40x128xi32, #tpu.memory_space<hbm>> -> memref<40x128xi32, #tpu.memory_space<hbm>>
      tpu.wait_dma2 semaphore(%run_scoped3A_436 : memref<!tpu.dma_semaphore, #tpu.memory_space<semaphore_mem>>) src(%dma_wait3A_452 : memref<40x128xi32, #tpu.memory_space<hbm>>) dst(%arg10 : memref<40x128xi32, #tpu.memory_space<vmem>>)
      tpu.yield
    }) : () -> ()
    %run_scoped3A_372 = arith.constant 2 : i32
    "tpu.region"() ({
      %run_scoped3A_436 = tpu.sem_alloc : memref<!tpu.dma_semaphore, #tpu.memory_space<semaphore_mem>>
      %dma_start3A_437 = arith.constant 0 : i32
      %dma_start3A_438 = arith.constant 0 : i32
      %dma_start3A_439 = tpu.memref_slice %arg4[%run_scoped3A_372, %add3A, %dma_start3A_437, %dma_start3A_438] : memref<3x32x40x128xi32, #tpu.memory_space<hbm>> -> memref<1x1x40x128xi32, #tpu.memory_space<hbm>>
      %dma_start3A_440 = tpu.memref_squeeze %dma_start3A_439 : memref<1x1x40x128xi32, #tpu.memory_space<hbm>> -> memref<40x128xi32, #tpu.memory_space<hbm>>
      %dma_start3A_441 = arith.constant 0 : i32
      %dma_start3A_442 = arith.constant 0 : i32
      %dma_start3A_443 = tpu.memref_slice %arg4[%run_scoped3A_372, %add3A, %dma_start3A_441, %dma_start3A_442] : memref<3x32x40x128xi32, #tpu.memory_space<hbm>> -> memref<1x1x40x128xi32, #tpu.memory_space<hbm>>
      %dma_start3A_444 = tpu.memref_squeeze %dma_start3A_443 : memref<1x1x40x128xi32, #tpu.memory_space<hbm>> -> memref<40x128xi32, #tpu.memory_space<hbm>>
      tpu.enqueue_dma source(%dma_start3A_444 : memref<40x128xi32, #tpu.memory_space<hbm>>) target(%arg11 : memref<40x128xi32, #tpu.memory_space<vmem>>) target_semaphore(%run_scoped3A_436 : memref<!tpu.dma_semaphore, #tpu.memory_space<semaphore_mem>>)
      %dma_wait3A_445 = arith.constant 0 : i32
      %dma_wait3A_446 = arith.constant 0 : i32
      %dma_wait3A_447 = tpu.memref_slice %arg4[%run_scoped3A_372, %add3A, %dma_wait3A_445, %dma_wait3A_446] : memref<3x32x40x128xi32, #tpu.memory_space<hbm>> -> memref<1x1x40x128xi32, #tpu.memory_space<hbm>>
      %dma_wait3A_448 = tpu.memref_squeeze %dma_wait3A_447 : memref<1x1x40x128xi32, #tpu.memory_space<hbm>> -> memref<40x128xi32, #tpu.memory_space<hbm>>
      %dma_wait3A_449 = arith.constant 0 : i32
      %dma_wait3A_450 = arith.constant 0 : i32
      %dma_wait3A_451 = tpu.memref_slice %arg4[%run_scoped3A_372, %add3A, %dma_wait3A_449, %dma_wait3A_450] : memref<3x32x40x128xi32, #tpu.memory_space<hbm>> -> memref<1x1x40x128xi32, #tpu.memory_space<hbm>>
      %dma_wait3A_452 = tpu.memref_squeeze %dma_wait3A_451 : memref<1x1x40x128xi32, #tpu.memory_space<hbm>> -> memref<40x128xi32, #tpu.memory_space<hbm>>
      tpu.wait_dma2 semaphore(%run_scoped3A_436 : memref<!tpu.dma_semaphore, #tpu.memory_space<semaphore_mem>>) src(%dma_wait3A_452 : memref<40x128xi32, #tpu.memory_space<hbm>>) dst(%arg11 : memref<40x128xi32, #tpu.memory_space<vmem>>)
      tpu.yield
    }) : () -> ()
    %dma_start3A_373 = arith.constant 0 : i32
    %dma_start3A_374 = arith.constant 0 : i32
    %dma_start3A_375 = arith.constant 0 : i32
    %dma_start3A_376 = arith.constant 0 : i32
    %dma_start3A_377 = tpu.memref_slice %arg12[%dma_start3A_374, %dma_start3A_375, %dma_start3A_376] : memref<2x128x128xf32, #tpu.memory_space<vmem>> -> memref<1x128x128xf32, #tpu.memory_space<vmem>>
    %dma_start3A_378 = tpu.memref_squeeze %dma_start3A_377 : memref<1x128x128xf32, #tpu.memory_space<vmem>> -> memref<128x128xf32, #tpu.memory_space<vmem>>
    %dma_start3A_379 = arith.constant 0 : i32
    %dma_start3A_380 = tpu.memref_slice %arg10[%dma_start3A_373, %dma_start3A_379] : memref<40x128xi32, #tpu.memory_space<vmem>> -> memref<1x128xi32, #tpu.memory_space<vmem>>
    %dma_start3A_381 = tpu.memref_squeeze %dma_start3A_380 : memref<1x128xi32, #tpu.memory_space<vmem>> -> memref<128xi32, #tpu.memory_space<vmem>>
    %dma_start3A_382 = arith.constant 0 : i32
    %dma_start3A_383 = arith.constant 0 : i32
    %dma_start3A_384 = tpu.memref_slice %arg2[%dma_start3A_382, %dma_start3A_383] : memref<10000x128xf32, #tpu.memory_space<hbm>> -> memref<10000x128xf32, #tpu.memory_space<hbm>>
    tpu.enqueue_indirect_dma source(%dma_start3A_384 : memref<10000x128xf32, #tpu.memory_space<hbm>>) target(%dma_start3A_378 : memref<128x128xf32, #tpu.memory_space<vmem>>) offsets(%dma_start3A_381 : memref<128xi32, #tpu.memory_space<vmem>>) semaphore(%arg18 : memref<!tpu.dma_semaphore, #tpu.memory_space<semaphore_mem>>)
    %dma_start3A_385 = arith.constant 1 : i32
    %dma_start3A_386 = arith.constant 1 : i32
    %dma_start3A_387 = arith.constant 0 : i32
    %dma_start3A_388 = arith.constant 0 : i32
    %dma_start3A_389 = tpu.memref_slice %arg12[%dma_start3A_386, %dma_start3A_387, %dma_start3A_388] : memref<2x128x128xf32, #tpu.memory_space<vmem>> -> memref<1x128x128xf32, #tpu.memory_space<vmem>>
    %dma_start3A_390 = tpu.memref_squeeze %dma_start3A_389 : memref<1x128x128xf32, #tpu.memory_space<vmem>> -> memref<128x128xf32, #tpu.memory_space<vmem>>
    %dma_start3A_391 = arith.constant 0 : i32
    %dma_start3A_392 = tpu.memref_slice %arg10[%dma_start3A_385, %dma_start3A_391] : memref<40x128xi32, #tpu.memory_space<vmem>> -> memref<1x128xi32, #tpu.memory_space<vmem>>
    %dma_start3A_393 = tpu.memref_squeeze %dma_start3A_392 : memref<1x128xi32, #tpu.memory_space<vmem>> -> memref<128xi32, #tpu.memory_space<vmem>>
    %dma_start3A_394 = arith.constant 0 : i32
    %dma_start3A_395 = arith.constant 0 : i32
    %dma_start3A_396 = tpu.memref_slice %arg2[%dma_start3A_394, %dma_start3A_395] : memref<10000x128xf32, #tpu.memory_space<hbm>> -> memref<10000x128xf32, #tpu.memory_space<hbm>>
    tpu.enqueue_indirect_dma source(%dma_start3A_396 : memref<10000x128xf32, #tpu.memory_space<hbm>>) target(%dma_start3A_390 : memref<128x128xf32, #tpu.memory_space<vmem>>) offsets(%dma_start3A_393 : memref<128xi32, #tpu.memory_space<vmem>>) semaphore(%arg19 : memref<!tpu.dma_semaphore, #tpu.memory_space<semaphore_mem>>)
    %scan3A_397 = arith.constant 0 : i32
    %scan3A_398 = arith.constant 0 : i32
    %scan3A_399 = arith.constant 20 : i32
    %scan3A_400 = arith.addi %scan3A_398, %scan3A_399 : i32
    %scan3A_401 = arith.constant 1 : i32
    scf.for %scan3A_436 = %scan3A_398 to %scan3A_400 step %scan3A_401  : i32 {
      %mul3A_437 = arith.constant 2 : i32
      %mul3A_438 = arith.muli %scan3A_436, %mul3A_437 : i32
      %add3A_439 = arith.constant 0 : i32
      %add3A_440 = arith.addi %mul3A_438, %add3A_439 : i32
      %dma_wait3A_441 = arith.constant 0 : i32
      %dma_wait3A_442 = arith.constant 0 : i32
      %dma_wait3A_443 = arith.constant 0 : i32
      %dma_wait3A_444 = tpu.memref_slice %arg12[%dma_wait3A_441, %dma_wait3A_442, %dma_wait3A_443] : memref<2x128x128xf32, #tpu.memory_space<vmem>> -> memref<1x128x128xf32, #tpu.memory_space<vmem>>
      %dma_wait3A_445 = tpu.memref_squeeze %dma_wait3A_444 : memref<1x128x128xf32, #tpu.memory_space<vmem>> -> memref<128x128xf32, #tpu.memory_space<vmem>>
      %dma_wait3A_446 = arith.constant 0 : i32
      %dma_wait3A_447 = tpu.memref_slice %arg10[%add3A_440, %dma_wait3A_446] : memref<40x128xi32, #tpu.memory_space<vmem>> -> memref<1x128xi32, #tpu.memory_space<vmem>>
      %dma_wait3A_448 = tpu.memref_squeeze %dma_wait3A_447 : memref<1x128xi32, #tpu.memory_space<vmem>> -> memref<128xi32, #tpu.memory_space<vmem>>
      %dma_wait3A_449 = arith.constant 0 : i32
      %dma_wait3A_450 = arith.constant 0 : i32
      %dma_wait3A_451 = tpu.memref_slice %arg2[%dma_wait3A_449, %dma_wait3A_450] : memref<10000x128xf32, #tpu.memory_space<hbm>> -> memref<10000x128xf32, #tpu.memory_space<hbm>>
      tpu.wait_indirect_dma semaphore(%arg18 : memref<!tpu.dma_semaphore, #tpu.memory_space<semaphore_mem>>) src(%dma_wait3A_451 : memref<10000x128xf32, #tpu.memory_space<hbm>>) dst(%dma_wait3A_445 : memref<128x128xf32, #tpu.memory_space<vmem>>)
      %dma_start3A_452 = arith.constant 0 : i32
      %dma_start3A_453 = arith.constant 0 : i32
      %dma_start3A_454 = arith.constant 0 : i32
      %dma_start3A_455 = tpu.memref_slice %arg12[%dma_start3A_452, %dma_start3A_453, %dma_start3A_454] : memref<2x128x128xf32, #tpu.memory_space<vmem>> -> memref<1x128x128xf32, #tpu.memory_space<vmem>>
      %dma_start3A_456 = tpu.memref_squeeze %dma_start3A_455 : memref<1x128x128xf32, #tpu.memory_space<vmem>> -> memref<128x128xf32, #tpu.memory_space<vmem>>
      %dma_start3A_457 = arith.constant 0 : i32
      %dma_start3A_458 = tpu.memref_slice %arg11[%add3A_440, %dma_start3A_457] : memref<40x128xi32, #tpu.memory_space<vmem>> -> memref<1x128xi32, #tpu.memory_space<vmem>>
      %dma_start3A_459 = tpu.memref_squeeze %dma_start3A_458 : memref<1x128xi32, #tpu.memory_space<vmem>> -> memref<128xi32, #tpu.memory_space<vmem>>
      %dma_start3A_460 = arith.constant 0 : i32
      %dma_start3A_461 = arith.constant 0 : i32
      %dma_start3A_462 = tpu.memref_slice %arg16[%dma_start3A_460, %dma_start3A_461] : memref<10240x128xf32, #tpu.memory_space<vmem_shared>> -> memref<10240x128xf32, #tpu.memory_space<vmem_shared>>
      tpu.enqueue_indirect_dma source(%dma_start3A_456 : memref<128x128xf32, #tpu.memory_space<vmem>>) target(%dma_start3A_462 : memref<10240x128xf32, #tpu.memory_space<vmem_shared>>) offsets(%dma_start3A_459 : memref<128xi32, #tpu.memory_space<vmem>>) semaphore(%arg20 : memref<!tpu.dma_semaphore, #tpu.memory_space<semaphore_mem>>) {add = true}
      %dma_start3A_463 = arith.constant 0 : i32
      %dma_start3A_464 = tpu.memref_slice %arg11[%add3A_440, %dma_start3A_463] : memref<40x128xi32, #tpu.memory_space<vmem>> -> memref<1x128xi32, #tpu.memory_space<vmem>>
      %dma_start3A_465 = tpu.memref_squeeze %dma_start3A_464 : memref<1x128xi32, #tpu.memory_space<vmem>> -> memref<128xi32, #tpu.memory_space<vmem>>
      %dma_start3A_466 = arith.constant 0 : i32
      %dma_start3A_467 = tpu.memref_slice %arg17[%dma_start3A_466] : memref<10240xf32, #tpu.memory_space<vmem_shared>> -> memref<10240xf32, #tpu.memory_space<vmem_shared>>
      tpu.enqueue_indirect_dma source(%arg13 : memref<128xf32, #tpu.memory_space<vmem>>) target(%dma_start3A_467 : memref<10240xf32, #tpu.memory_space<vmem_shared>>) offsets(%dma_start3A_465 : memref<128xi32, #tpu.memory_space<vmem>>) semaphore(%arg22 : memref<!tpu.dma_semaphore, #tpu.memory_space<semaphore_mem>>) {add = true}
      %lt3A = arith.constant 19 : i32
      %lt3A_468 = arith.cmpi slt, %scan3A_436, %lt3A : i32
      %convert_element_type3A = arith.extui %lt3A_468 : i1 to i32
      %cond3A = arith.constant 0 : i32
      %cond3A_469 = arith.cmpi ne, %convert_element_type3A, %cond3A : i32
      scf.if %cond3A_469 {
        %dma_wait3A_506 = arith.constant 0 : i32
        %dma_wait3A_507 = arith.constant 0 : i32
        %dma_wait3A_508 = arith.constant 0 : i32
        %dma_wait3A_509 = tpu.memref_slice %arg12[%dma_wait3A_506, %dma_wait3A_507, %dma_wait3A_508] : memref<2x128x128xf32, #tpu.memory_space<vmem>> -> memref<1x128x128xf32, #tpu.memory_space<vmem>>
        %dma_wait3A_510 = tpu.memref_squeeze %dma_wait3A_509 : memref<1x128x128xf32, #tpu.memory_space<vmem>> -> memref<128x128xf32, #tpu.memory_space<vmem>>
        %dma_wait3A_511 = arith.constant 0 : i32
        %dma_wait3A_512 = tpu.memref_slice %arg11[%add3A_440, %dma_wait3A_511] : memref<40x128xi32, #tpu.memory_space<vmem>> -> memref<1x128xi32, #tpu.memory_space<vmem>>
        %dma_wait3A_513 = tpu.memref_squeeze %dma_wait3A_512 : memref<1x128xi32, #tpu.memory_space<vmem>> -> memref<128xi32, #tpu.memory_space<vmem>>
        %dma_wait3A_514 = arith.constant 0 : i32
        %dma_wait3A_515 = arith.constant 0 : i32
        %dma_wait3A_516 = tpu.memref_slice %arg16[%dma_wait3A_514, %dma_wait3A_515] : memref<10240x128xf32, #tpu.memory_space<vmem_shared>> -> memref<10240x128xf32, #tpu.memory_space<vmem_shared>>
        tpu.wait_indirect_dma semaphore(%arg20 : memref<!tpu.dma_semaphore, #tpu.memory_space<semaphore_mem>>) src(%dma_wait3A_510 : memref<128x128xf32, #tpu.memory_space<vmem>>) dst(%dma_wait3A_516 : memref<10240x128xf32, #tpu.memory_space<vmem_shared>>)
        %add3A_517 = arith.constant 2 : i32
        %add3A_518 = arith.addi %add3A_440, %add3A_517 : i32
        %dma_start3A_519 = arith.constant 0 : i32
        %dma_start3A_520 = arith.constant 0 : i32
        %dma_start3A_521 = arith.constant 0 : i32
        %dma_start3A_522 = tpu.memref_slice %arg12[%dma_start3A_519, %dma_start3A_520, %dma_start3A_521] : memref<2x128x128xf32, #tpu.memory_space<vmem>> -> memref<1x128x128xf32, #tpu.memory_space<vmem>>
        %dma_start3A_523 = tpu.memref_squeeze %dma_start3A_522 : memref<1x128x128xf32, #tpu.memory_space<vmem>> -> memref<128x128xf32, #tpu.memory_space<vmem>>
        %dma_start3A_524 = arith.constant 0 : i32
        %dma_start3A_525 = tpu.memref_slice %arg10[%add3A_518, %dma_start3A_524] : memref<40x128xi32, #tpu.memory_space<vmem>> -> memref<1x128xi32, #tpu.memory_space<vmem>>
        %dma_start3A_526 = tpu.memref_squeeze %dma_start3A_525 : memref<1x128xi32, #tpu.memory_space<vmem>> -> memref<128xi32, #tpu.memory_space<vmem>>
        %dma_start3A_527 = arith.constant 0 : i32
        %dma_start3A_528 = arith.constant 0 : i32
        %dma_start3A_529 = tpu.memref_slice %arg2[%dma_start3A_527, %dma_start3A_528] : memref<10000x128xf32, #tpu.memory_space<hbm>> -> memref<10000x128xf32, #tpu.memory_space<hbm>>
        tpu.enqueue_indirect_dma source(%dma_start3A_529 : memref<10000x128xf32, #tpu.memory_space<hbm>>) target(%dma_start3A_523 : memref<128x128xf32, #tpu.memory_space<vmem>>) offsets(%dma_start3A_526 : memref<128xi32, #tpu.memory_space<vmem>>) semaphore(%arg18 : memref<!tpu.dma_semaphore, #tpu.memory_space<semaphore_mem>>)
      } else {
      }
      %mul3A_470 = arith.constant 2 : i32
      %mul3A_471 = arith.muli %scan3A_436, %mul3A_470 : i32
      %add3A_472 = arith.constant 1 : i32
      %add3A_473 = arith.addi %mul3A_471, %add3A_472 : i32
      %dma_wait3A_474 = arith.constant 1 : i32
      %dma_wait3A_475 = arith.constant 0 : i32
      %dma_wait3A_476 = arith.constant 0 : i32
      %dma_wait3A_477 = tpu.memref_slice %arg12[%dma_wait3A_474, %dma_wait3A_475, %dma_wait3A_476] : memref<2x128x128xf32, #tpu.memory_space<vmem>> -> memref<1x128x128xf32, #tpu.memory_space<vmem>>
      %dma_wait3A_478 = tpu.memref_squeeze %dma_wait3A_477 : memref<1x128x128xf32, #tpu.memory_space<vmem>> -> memref<128x128xf32, #tpu.memory_space<vmem>>
      %dma_wait3A_479 = arith.constant 0 : i32
      %dma_wait3A_480 = tpu.memref_slice %arg10[%add3A_473, %dma_wait3A_479] : memref<40x128xi32, #tpu.memory_space<vmem>> -> memref<1x128xi32, #tpu.memory_space<vmem>>
      %dma_wait3A_481 = tpu.memref_squeeze %dma_wait3A_480 : memref<1x128xi32, #tpu.memory_space<vmem>> -> memref<128xi32, #tpu.memory_space<vmem>>
      %dma_wait3A_482 = arith.constant 0 : i32
      %dma_wait3A_483 = arith.constant 0 : i32
      %dma_wait3A_484 = tpu.memref_slice %arg2[%dma_wait3A_482, %dma_wait3A_483] : memref<10000x128xf32, #tpu.memory_space<hbm>> -> memref<10000x128xf32, #tpu.memory_space<hbm>>
      tpu.wait_indirect_dma semaphore(%arg19 : memref<!tpu.dma_semaphore, #tpu.memory_space<semaphore_mem>>) src(%dma_wait3A_484 : memref<10000x128xf32, #tpu.memory_space<hbm>>) dst(%dma_wait3A_478 : memref<128x128xf32, #tpu.memory_space<vmem>>)
      %dma_start3A_485 = arith.constant 1 : i32
      %dma_start3A_486 = arith.constant 0 : i32
      %dma_start3A_487 = arith.constant 0 : i32
      %dma_start3A_488 = tpu.memref_slice %arg12[%dma_start3A_485, %dma_start3A_486, %dma_start3A_487] : memref<2x128x128xf32, #tpu.memory_space<vmem>> -> memref<1x128x128xf32, #tpu.memory_space<vmem>>
      %dma_start3A_489 = tpu.memref_squeeze %dma_start3A_488 : memref<1x128x128xf32, #tpu.memory_space<vmem>> -> memref<128x128xf32, #tpu.memory_space<vmem>>
      %dma_start3A_490 = arith.constant 0 : i32
      %dma_start3A_491 = tpu.memref_slice %arg11[%add3A_473, %dma_start3A_490] : memref<40x128xi32, #tpu.memory_space<vmem>> -> memref<1x128xi32, #tpu.memory_space<vmem>>
      %dma_start3A_492 = tpu.memref_squeeze %dma_start3A_491 : memref<1x128xi32, #tpu.memory_space<vmem>> -> memref<128xi32, #tpu.memory_space<vmem>>
      %dma_start3A_493 = arith.constant 0 : i32
      %dma_start3A_494 = arith.constant 0 : i32
      %dma_start3A_495 = tpu.memref_slice %arg16[%dma_start3A_493, %dma_start3A_494] : memref<10240x128xf32, #tpu.memory_space<vmem_shared>> -> memref<10240x128xf32, #tpu.memory_space<vmem_shared>>
      tpu.enqueue_indirect_dma source(%dma_start3A_489 : memref<128x128xf32, #tpu.memory_space<vmem>>) target(%dma_start3A_495 : memref<10240x128xf32, #tpu.memory_space<vmem_shared>>) offsets(%dma_start3A_492 : memref<128xi32, #tpu.memory_space<vmem>>) semaphore(%arg21 : memref<!tpu.dma_semaphore, #tpu.memory_space<semaphore_mem>>) {add = true}
      %dma_start3A_496 = arith.constant 0 : i32
      %dma_start3A_497 = tpu.memref_slice %arg11[%add3A_473, %dma_start3A_496] : memref<40x128xi32, #tpu.memory_space<vmem>> -> memref<1x128xi32, #tpu.memory_space<vmem>>
      %dma_start3A_498 = tpu.memref_squeeze %dma_start3A_497 : memref<1x128xi32, #tpu.memory_space<vmem>> -> memref<128xi32, #tpu.memory_space<vmem>>
      %dma_start3A_499 = arith.constant 0 : i32
      %dma_start3A_500 = tpu.memref_slice %arg17[%dma_start3A_499] : memref<10240xf32, #tpu.memory_space<vmem_shared>> -> memref<10240xf32, #tpu.memory_space<vmem_shared>>
      tpu.enqueue_indirect_dma source(%arg13 : memref<128xf32, #tpu.memory_space<vmem>>) target(%dma_start3A_500 : memref<10240xf32, #tpu.memory_space<vmem_shared>>) offsets(%dma_start3A_498 : memref<128xi32, #tpu.memory_space<vmem>>) semaphore(%arg22 : memref<!tpu.dma_semaphore, #tpu.memory_space<semaphore_mem>>) {add = true}
      %lt3A_501 = arith.constant 19 : i32
      %lt3A_502 = arith.cmpi slt, %scan3A_436, %lt3A_501 : i32
      %convert_element_type3A_503 = arith.extui %lt3A_502 : i1 to i32
      %cond3A_504 = arith.constant 0 : i32
      %cond3A_505 = arith.cmpi ne, %convert_element_type3A_503, %cond3A_504 : i32
      scf.if %cond3A_505 {
        %dma_wait3A_506 = arith.constant 1 : i32
        %dma_wait3A_507 = arith.constant 0 : i32
        %dma_wait3A_508 = arith.constant 0 : i32
        %dma_wait3A_509 = tpu.memref_slice %arg12[%dma_wait3A_506, %dma_wait3A_507, %dma_wait3A_508] : memref<2x128x128xf32, #tpu.memory_space<vmem>> -> memref<1x128x128xf32, #tpu.memory_space<vmem>>
        %dma_wait3A_510 = tpu.memref_squeeze %dma_wait3A_509 : memref<1x128x128xf32, #tpu.memory_space<vmem>> -> memref<128x128xf32, #tpu.memory_space<vmem>>
        %dma_wait3A_511 = arith.constant 0 : i32
        %dma_wait3A_512 = tpu.memref_slice %arg11[%add3A_473, %dma_wait3A_511] : memref<40x128xi32, #tpu.memory_space<vmem>> -> memref<1x128xi32, #tpu.memory_space<vmem>>
        %dma_wait3A_513 = tpu.memref_squeeze %dma_wait3A_512 : memref<1x128xi32, #tpu.memory_space<vmem>> -> memref<128xi32, #tpu.memory_space<vmem>>
        %dma_wait3A_514 = arith.constant 0 : i32
        %dma_wait3A_515 = arith.constant 0 : i32
        %dma_wait3A_516 = tpu.memref_slice %arg16[%dma_wait3A_514, %dma_wait3A_515] : memref<10240x128xf32, #tpu.memory_space<vmem_shared>> -> memref<10240x128xf32, #tpu.memory_space<vmem_shared>>
        tpu.wait_indirect_dma semaphore(%arg21 : memref<!tpu.dma_semaphore, #tpu.memory_space<semaphore_mem>>) src(%dma_wait3A_510 : memref<128x128xf32, #tpu.memory_space<vmem>>) dst(%dma_wait3A_516 : memref<10240x128xf32, #tpu.memory_space<vmem_shared>>)
        %add3A_517 = arith.constant 2 : i32
        %add3A_518 = arith.addi %add3A_473, %add3A_517 : i32
        %dma_start3A_519 = arith.constant 1 : i32
        %dma_start3A_520 = arith.constant 0 : i32
        %dma_start3A_521 = arith.constant 0 : i32
        %dma_start3A_522 = tpu.memref_slice %arg12[%dma_start3A_519, %dma_start3A_520, %dma_start3A_521] : memref<2x128x128xf32, #tpu.memory_space<vmem>> -> memref<1x128x128xf32, #tpu.memory_space<vmem>>
        %dma_start3A_523 = tpu.memref_squeeze %dma_start3A_522 : memref<1x128x128xf32, #tpu.memory_space<vmem>> -> memref<128x128xf32, #tpu.memory_space<vmem>>
        %dma_start3A_524 = arith.constant 0 : i32
        %dma_start3A_525 = tpu.memref_slice %arg10[%add3A_518, %dma_start3A_524] : memref<40x128xi32, #tpu.memory_space<vmem>> -> memref<1x128xi32, #tpu.memory_space<vmem>>
        %dma_start3A_526 = tpu.memref_squeeze %dma_start3A_525 : memref<1x128xi32, #tpu.memory_space<vmem>> -> memref<128xi32, #tpu.memory_space<vmem>>
        %dma_start3A_527 = arith.constant 0 : i32
        %dma_start3A_528 = arith.constant 0 : i32
        %dma_start3A_529 = tpu.memref_slice %arg2[%dma_start3A_527, %dma_start3A_528] : memref<10000x128xf32, #tpu.memory_space<hbm>> -> memref<10000x128xf32, #tpu.memory_space<hbm>>
        tpu.enqueue_indirect_dma source(%dma_start3A_529 : memref<10000x128xf32, #tpu.memory_space<hbm>>) target(%dma_start3A_523 : memref<128x128xf32, #tpu.memory_space<vmem>>) offsets(%dma_start3A_526 : memref<128xi32, #tpu.memory_space<vmem>>) semaphore(%arg19 : memref<!tpu.dma_semaphore, #tpu.memory_space<semaphore_mem>>)
      } else {
      }
    }
    %scan3A_402 = arith.constant 20 : i32
    %dma_wait3A_403 = arith.constant 0 : i32
    %dma_wait3A_404 = arith.constant 0 : i32
    %dma_wait3A_405 = arith.constant 0 : i32
    %dma_wait3A_406 = arith.constant 0 : i32
    %dma_wait3A_407 = tpu.memref_slice %arg12[%dma_wait3A_403, %dma_wait3A_405, %dma_wait3A_406] : memref<2x128x128xf32, #tpu.memory_space<vmem>> -> memref<1x128x128xf32, #tpu.memory_space<vmem>>
    %dma_wait3A_408 = tpu.memref_squeeze %dma_wait3A_407 : memref<1x128x128xf32, #tpu.memory_space<vmem>> -> memref<128x128xf32, #tpu.memory_space<vmem>>
    %dma_wait3A_409 = arith.constant 0 : i32
    %dma_wait3A_410 = tpu.memref_slice %arg11[%dma_wait3A_404, %dma_wait3A_409] : memref<40x128xi32, #tpu.memory_space<vmem>> -> memref<1x128xi32, #tpu.memory_space<vmem>>
    %dma_wait3A_411 = tpu.memref_squeeze %dma_wait3A_410 : memref<1x128xi32, #tpu.memory_space<vmem>> -> memref<128xi32, #tpu.memory_space<vmem>>
    %dma_wait3A_412 = arith.constant 0 : i32
    %dma_wait3A_413 = arith.constant 0 : i32
    %dma_wait3A_414 = tpu.memref_slice %arg16[%dma_wait3A_412, %dma_wait3A_413] : memref<10240x128xf32, #tpu.memory_space<vmem_shared>> -> memref<10240x128xf32, #tpu.memory_space<vmem_shared>>
    tpu.wait_indirect_dma semaphore(%arg20 : memref<!tpu.dma_semaphore, #tpu.memory_space<semaphore_mem>>) src(%dma_wait3A_408 : memref<128x128xf32, #tpu.memory_space<vmem>>) dst(%dma_wait3A_414 : memref<10240x128xf32, #tpu.memory_space<vmem_shared>>)
    %dma_wait3A_415 = arith.constant 1 : i32
    %dma_wait3A_416 = arith.constant 0 : i32
    %dma_wait3A_417 = arith.constant 0 : i32
    %dma_wait3A_418 = arith.constant 0 : i32
    %dma_wait3A_419 = tpu.memref_slice %arg12[%dma_wait3A_415, %dma_wait3A_417, %dma_wait3A_418] : memref<2x128x128xf32, #tpu.memory_space<vmem>> -> memref<1x128x128xf32, #tpu.memory_space<vmem>>
    %dma_wait3A_420 = tpu.memref_squeeze %dma_wait3A_419 : memref<1x128x128xf32, #tpu.memory_space<vmem>> -> memref<128x128xf32, #tpu.memory_space<vmem>>
    %dma_wait3A_421 = arith.constant 0 : i32
    %dma_wait3A_422 = tpu.memref_slice %arg11[%dma_wait3A_416, %dma_wait3A_421] : memref<40x128xi32, #tpu.memory_space<vmem>> -> memref<1x128xi32, #tpu.memory_space<vmem>>
    %dma_wait3A_423 = tpu.memref_squeeze %dma_wait3A_422 : memref<1x128xi32, #tpu.memory_space<vmem>> -> memref<128xi32, #tpu.memory_space<vmem>>
    %dma_wait3A_424 = arith.constant 0 : i32
    %dma_wait3A_425 = arith.constant 0 : i32
    %dma_wait3A_426 = tpu.memref_slice %arg16[%dma_wait3A_424, %dma_wait3A_425] : memref<10240x128xf32, #tpu.memory_space<vmem_shared>> -> memref<10240x128xf32, #tpu.memory_space<vmem_shared>>
    tpu.wait_indirect_dma semaphore(%arg21 : memref<!tpu.dma_semaphore, #tpu.memory_space<semaphore_mem>>) src(%dma_wait3A_420 : memref<128x128xf32, #tpu.memory_space<vmem>>) dst(%dma_wait3A_426 : memref<10240x128xf32, #tpu.memory_space<vmem_shared>>)
    %scan3A_427 = arith.constant 0 : i32
    %scan3A_428 = arith.constant 0 : i32
    %scan3A_429 = arith.constant 40 : i32
    %scan3A_430 = arith.addi %scan3A_428, %scan3A_429 : i32
    %scan3A_431 = arith.constant 1 : i32
    scf.for %scan3A_436 = %scan3A_428 to %scan3A_430 step %scan3A_431  : i32 {
      %dma_wait3A_437 = arith.constant 0 : i32
      %dma_wait3A_438 = arith.constant 0 : i32
      %dma_wait3A_439 = tpu.memref_slice %arg11[%dma_wait3A_437, %dma_wait3A_438] : memref<40x128xi32, #tpu.memory_space<vmem>> -> memref<1x128xi32, #tpu.memory_space<vmem>>
      %dma_wait3A_440 = tpu.memref_squeeze %dma_wait3A_439 : memref<1x128xi32, #tpu.memory_space<vmem>> -> memref<128xi32, #tpu.memory_space<vmem>>
      %dma_wait3A_441 = arith.constant 0 : i32
      %dma_wait3A_442 = tpu.memref_slice %arg17[%dma_wait3A_441] : memref<10240xf32, #tpu.memory_space<vmem_shared>> -> memref<10240xf32, #tpu.memory_space<vmem_shared>>
      tpu.wait_indirect_dma semaphore(%arg22 : memref<!tpu.dma_semaphore, #tpu.memory_space<semaphore_mem>>) src(%arg13 : memref<128xf32, #tpu.memory_space<vmem>>) dst(%dma_wait3A_442 : memref<10240xf32, #tpu.memory_space<vmem_shared>>)
    }
    %scan3A_432 = arith.constant 40 : i32
    %barrier3A_433 = arith.constant 0 : index
    tpu.barrier barrier_id(%barrier3A_433)
    %run_scoped3A_434 = arith.constant 2 : i32
    "tpu.region"() ({
      %run_scoped3A_436 = tpu.sem_alloc : memref<!tpu.dma_semaphore, #tpu.memory_space<semaphore_mem>>
      %dma_start3A_437 = arith.constant 0 : i32
      %dma_start3A_438 = tpu.memref_slice %arg8[%run_scoped3A_434, %arg0, %mul3A_2, %dma_start3A_437] : memref<3x2x10240x128xf32, #tpu.memory_space<hbm>> -> memref<1x1x640x128xf32, #tpu.memory_space<hbm>>
      %dma_start3A_439 = tpu.memref_squeeze %dma_start3A_438 : memref<1x1x640x128xf32, #tpu.memory_space<hbm>> -> memref<640x128xf32, #tpu.memory_space<hbm>>
      %dma_start3A_440 = arith.constant 0 : i32
      %dma_start3A_441 = tpu.memref_slice %arg16[%mul3A_2, %dma_start3A_440] : memref<10240x128xf32, #tpu.memory_space<vmem_shared>> -> memref<640x128xf32, #tpu.memory_space<vmem_shared>>
      tpu.enqueue_dma source(%dma_start3A_441 : memref<640x128xf32, #tpu.memory_space<vmem_shared>>) target(%dma_start3A_439 : memref<640x128xf32, #tpu.memory_space<hbm>>) target_semaphore(%run_scoped3A_436 : memref<!tpu.dma_semaphore, #tpu.memory_space<semaphore_mem>>)
      %dma_wait3A_442 = arith.constant 0 : i32
      %dma_wait3A_443 = tpu.memref_slice %arg8[%run_scoped3A_434, %arg0, %mul3A_2, %dma_wait3A_442] : memref<3x2x10240x128xf32, #tpu.memory_space<hbm>> -> memref<1x1x640x128xf32, #tpu.memory_space<hbm>>
      %dma_wait3A_444 = tpu.memref_squeeze %dma_wait3A_443 : memref<1x1x640x128xf32, #tpu.memory_space<hbm>> -> memref<640x128xf32, #tpu.memory_space<hbm>>
      %dma_wait3A_445 = arith.constant 0 : i32
      %dma_wait3A_446 = tpu.memref_slice %arg16[%mul3A_2, %dma_wait3A_445] : memref<10240x128xf32, #tpu.memory_space<vmem_shared>> -> memref<640x128xf32, #tpu.memory_space<vmem_shared>>
      tpu.wait_dma2 semaphore(%run_scoped3A_436 : memref<!tpu.dma_semaphore, #tpu.memory_space<semaphore_mem>>) src(%dma_wait3A_446 : memref<640x128xf32, #tpu.memory_space<vmem_shared>>) dst(%dma_wait3A_444 : memref<640x128xf32, #tpu.memory_space<hbm>>)
      tpu.yield
    }) : () -> ()
    %run_scoped3A_435 = arith.constant 2 : i32
    "tpu.region"() ({
      %run_scoped3A_436 = tpu.sem_alloc : memref<!tpu.dma_semaphore, #tpu.memory_space<semaphore_mem>>
      %dma_start3A_437 = tpu.memref_slice %arg9[%run_scoped3A_435, %arg0, %mul3A_2] : memref<3x2x10240xf32, #tpu.memory_space<hbm>> -> memref<1x1x640xf32, #tpu.memory_space<hbm>>
      %dma_start3A_438 = tpu.memref_squeeze %dma_start3A_437 : memref<1x1x640xf32, #tpu.memory_space<hbm>> -> memref<640xf32, #tpu.memory_space<hbm>>
      %dma_start3A_439 = tpu.memref_slice %arg17[%mul3A_2] : memref<10240xf32, #tpu.memory_space<vmem_shared>> -> memref<640xf32, #tpu.memory_space<vmem_shared>>
      tpu.enqueue_dma source(%dma_start3A_439 : memref<640xf32, #tpu.memory_space<vmem_shared>>) target(%dma_start3A_438 : memref<640xf32, #tpu.memory_space<hbm>>) target_semaphore(%run_scoped3A_436 : memref<!tpu.dma_semaphore, #tpu.memory_space<semaphore_mem>>)
      %dma_wait3A_440 = tpu.memref_slice %arg9[%run_scoped3A_435, %arg0, %mul3A_2] : memref<3x2x10240xf32, #tpu.memory_space<hbm>> -> memref<1x1x640xf32, #tpu.memory_space<hbm>>
      %dma_wait3A_441 = tpu.memref_squeeze %dma_wait3A_440 : memref<1x1x640xf32, #tpu.memory_space<hbm>> -> memref<640xf32, #tpu.memory_space<hbm>>
      %dma_wait3A_442 = tpu.memref_slice %arg17[%mul3A_2] : memref<10240xf32, #tpu.memory_space<vmem_shared>> -> memref<640xf32, #tpu.memory_space<vmem_shared>>
      tpu.wait_dma2 semaphore(%run_scoped3A_436 : memref<!tpu.dma_semaphore, #tpu.memory_space<semaphore_mem>>) src(%dma_wait3A_442 : memref<640xf32, #tpu.memory_space<vmem_shared>>) dst(%dma_wait3A_441 : memref<640xf32, #tpu.memory_space<hbm>>)
      tpu.yield
    }) : () -> ()
    return
  }
}

module attributes {stable_mosaic.version = 14 : i64} {
  func.func @body(%arg0: i32, %arg1: memref<3x2x1280x128xf32, #tpu.memory_space<vmem>>, %arg2: memref<3x2x1280x1xf32, #tpu.memory_space<vmem>>, %arg3: memref<1280x128xf32, #tpu.memory_space<vmem>>, %arg4: memref<128x128xf32, #tpu.memory_space<vmem>>, %arg5: memref<1x128xf32, #tpu.memory_space<vmem>>, %arg6: memref<1280x128xf32, #tpu.memory_space<vmem>>) attributes {dimension_semantics = [#tpu.dimension_semantics<arbitrary>], iteration_bounds = array<i64: 8>, scalar_prefetch = 0 : i64, scratch_operands = 0 : i64, tpu.core_type = #tpu.core_type<tc>, window_params = [{transform_indices = @transform_0, window_bounds = array<i64: 3, 2, 1280, 128>}, {transform_indices = @transform_1, window_bounds = array<i64: 3, 2, 1280, 1>}, {transform_indices = @transform_2, window_bounds = array<i64: 1280, 128>}, {pipeline_mode = #tpu.pipeline_mode<synchronous>, transform_indices = @transform_3, window_bounds = array<i64: 128, 128>}, {pipeline_mode = #tpu.pipeline_mode<synchronous>, transform_indices = @transform_4, window_bounds = array<i64: 1, 128>}, {transform_indices = @transform_5, window_bounds = array<i64: 1280, 128>}]} {
    %get3A = arith.constant 0 : index
    %get3A_0 = arith.constant 0 : index
    %get3A_1 = vector.load %arg3[%get3A, %get3A_0] : memref<1280x128xf32, #tpu.memory_space<vmem>>, vector<1280x128xf32>
    %get3A_2 = arith.constant 0 : index
    %get3A_3 = arith.constant 0 : index
    %get3A_4 = arith.constant 0 : index
    %get3A_5 = arith.constant 0 : index
    %get3A_6 = vector.load %arg1[%get3A_2, %get3A_3, %get3A_4, %get3A_5] : memref<3x2x1280x128xf32, #tpu.memory_space<vmem>>, vector<1x1x1280x128xf32>
    %get3A_7 = vector.shape_cast %get3A_6 : vector<1x1x1280x128xf32> to vector<1280x128xf32>
    %get3A_8 = arith.constant 0 : index
    %get3A_9 = arith.constant 1 : index
    %get3A_10 = arith.constant 0 : index
    %get3A_11 = arith.constant 0 : index
    %get3A_12 = vector.load %arg1[%get3A_8, %get3A_9, %get3A_10, %get3A_11] : memref<3x2x1280x128xf32, #tpu.memory_space<vmem>>, vector<1x1x1280x128xf32>
    %get3A_13 = vector.shape_cast %get3A_12 : vector<1x1x1280x128xf32> to vector<1280x128xf32>
    %add3A = arith.addf %get3A_7, %get3A_13 : vector<1280x128xf32>
    %get3A_14 = arith.constant 0 : index
    %get3A_15 = arith.constant 0 : index
    %get3A_16 = arith.constant 0 : index
    %get3A_17 = arith.constant 0 : index
    %get3A_18 = vector.load %arg2[%get3A_14, %get3A_15, %get3A_16, %get3A_17] : memref<3x2x1280x1xf32, #tpu.memory_space<vmem>>, vector<1x1x1280x1xf32>
    %get3A_19 = vector.shape_cast %get3A_18 : vector<1x1x1280x1xf32> to vector<1280x1xf32>
    %get3A_20 = arith.constant 0 : index
    %get3A_21 = arith.constant 1 : index
    %get3A_22 = arith.constant 0 : index
    %get3A_23 = arith.constant 0 : index
    %get3A_24 = vector.load %arg2[%get3A_20, %get3A_21, %get3A_22, %get3A_23] : memref<3x2x1280x1xf32, #tpu.memory_space<vmem>>, vector<1x1x1280x1xf32>
    %get3A_25 = vector.shape_cast %get3A_24 : vector<1x1x1280x1xf32> to vector<1280x1xf32>
    %add3A_26 = arith.addf %get3A_19, %get3A_25 : vector<1280x1xf32>
    %mul3A = arith.constant 5.000000e-01 : f32
    %mul3A_27 = vector.broadcast %mul3A : f32 to vector<1280x128xf32>
    %mul3A_28 = arith.mulf %mul3A_27, %add3A : vector<1280x128xf32>
    %jit3A = arith.constant 1.000000e+00 : f32
    %max3A = vector.broadcast %jit3A : f32 to vector<1280x1xf32>
    %max3A_29 = arith.maximumf %max3A, %add3A_26 : vector<1280x1xf32>
    %div3A = vector.broadcast %max3A_29 : vector<1280x1xf32> to vector<1280x128xf32>
    %div3A_30 = arith.divf %mul3A_28, %div3A : vector<1280x128xf32>
    %add3A_31 = arith.addf %get3A_1, %div3A_30 : vector<1280x128xf32>
    %get3A_32 = arith.constant 1 : index
    %get3A_33 = arith.constant 0 : index
    %get3A_34 = arith.constant 0 : index
    %get3A_35 = arith.constant 0 : index
    %get3A_36 = vector.load %arg1[%get3A_32, %get3A_33, %get3A_34, %get3A_35] : memref<3x2x1280x128xf32, #tpu.memory_space<vmem>>, vector<1x1x1280x128xf32>
    %get3A_37 = vector.shape_cast %get3A_36 : vector<1x1x1280x128xf32> to vector<1280x128xf32>
    %get3A_38 = arith.constant 1 : index
    %get3A_39 = arith.constant 1 : index
    %get3A_40 = arith.constant 0 : index
    %get3A_41 = arith.constant 0 : index
    %get3A_42 = vector.load %arg1[%get3A_38, %get3A_39, %get3A_40, %get3A_41] : memref<3x2x1280x128xf32, #tpu.memory_space<vmem>>, vector<1x1x1280x128xf32>
    %get3A_43 = vector.shape_cast %get3A_42 : vector<1x1x1280x128xf32> to vector<1280x128xf32>
    %add3A_44 = arith.addf %get3A_37, %get3A_43 : vector<1280x128xf32>
    %get3A_45 = arith.constant 1 : index
    %get3A_46 = arith.constant 0 : index
    %get3A_47 = arith.constant 0 : index
    %get3A_48 = arith.constant 0 : index
    %get3A_49 = vector.load %arg2[%get3A_45, %get3A_46, %get3A_47, %get3A_48] : memref<3x2x1280x1xf32, #tpu.memory_space<vmem>>, vector<1x1x1280x1xf32>
    %get3A_50 = vector.shape_cast %get3A_49 : vector<1x1x1280x1xf32> to vector<1280x1xf32>
    %get3A_51 = arith.constant 1 : index
    %get3A_52 = arith.constant 1 : index
    %get3A_53 = arith.constant 0 : index
    %get3A_54 = arith.constant 0 : index
    %get3A_55 = vector.load %arg2[%get3A_51, %get3A_52, %get3A_53, %get3A_54] : memref<3x2x1280x1xf32, #tpu.memory_space<vmem>>, vector<1x1x1280x1xf32>
    %get3A_56 = vector.shape_cast %get3A_55 : vector<1x1x1280x1xf32> to vector<1280x1xf32>
    %add3A_57 = arith.addf %get3A_50, %get3A_56 : vector<1280x1xf32>
    %mul3A_58 = arith.constant 5.000000e-01 : f32
    %mul3A_59 = vector.broadcast %mul3A_58 : f32 to vector<1280x128xf32>
    %mul3A_60 = arith.mulf %mul3A_59, %add3A_44 : vector<1280x128xf32>
    %jit3A_61 = arith.constant 1.000000e+00 : f32
    %max3A_62 = vector.broadcast %jit3A_61 : f32 to vector<1280x1xf32>
    %max3A_63 = arith.maximumf %max3A_62, %add3A_57 : vector<1280x1xf32>
    %div3A_64 = vector.broadcast %max3A_63 : vector<1280x1xf32> to vector<1280x128xf32>
    %div3A_65 = arith.divf %mul3A_60, %div3A_64 : vector<1280x128xf32>
    %add3A_66 = arith.addf %add3A_31, %div3A_65 : vector<1280x128xf32>
    %get3A_67 = arith.constant 2 : index
    %get3A_68 = arith.constant 0 : index
    %get3A_69 = arith.constant 0 : index
    %get3A_70 = arith.constant 0 : index
    %get3A_71 = vector.load %arg1[%get3A_67, %get3A_68, %get3A_69, %get3A_70] : memref<3x2x1280x128xf32, #tpu.memory_space<vmem>>, vector<1x1x1280x128xf32>
    %get3A_72 = vector.shape_cast %get3A_71 : vector<1x1x1280x128xf32> to vector<1280x128xf32>
    %get3A_73 = arith.constant 2 : index
    %get3A_74 = arith.constant 1 : index
    %get3A_75 = arith.constant 0 : index
    %get3A_76 = arith.constant 0 : index
    %get3A_77 = vector.load %arg1[%get3A_73, %get3A_74, %get3A_75, %get3A_76] : memref<3x2x1280x128xf32, #tpu.memory_space<vmem>>, vector<1x1x1280x128xf32>
    %get3A_78 = vector.shape_cast %get3A_77 : vector<1x1x1280x128xf32> to vector<1280x128xf32>
    %add3A_79 = arith.addf %get3A_72, %get3A_78 : vector<1280x128xf32>
    %get3A_80 = arith.constant 2 : index
    %get3A_81 = arith.constant 0 : index
    %get3A_82 = arith.constant 0 : index
    %get3A_83 = arith.constant 0 : index
    %get3A_84 = vector.load %arg2[%get3A_80, %get3A_81, %get3A_82, %get3A_83] : memref<3x2x1280x1xf32, #tpu.memory_space<vmem>>, vector<1x1x1280x1xf32>
    %get3A_85 = vector.shape_cast %get3A_84 : vector<1x1x1280x1xf32> to vector<1280x1xf32>
    %get3A_86 = arith.constant 2 : index
    %get3A_87 = arith.constant 1 : index
    %get3A_88 = arith.constant 0 : index
    %get3A_89 = arith.constant 0 : index
    %get3A_90 = vector.load %arg2[%get3A_86, %get3A_87, %get3A_88, %get3A_89] : memref<3x2x1280x1xf32, #tpu.memory_space<vmem>>, vector<1x1x1280x1xf32>
    %get3A_91 = vector.shape_cast %get3A_90 : vector<1x1x1280x1xf32> to vector<1280x1xf32>
    %add3A_92 = arith.addf %get3A_85, %get3A_91 : vector<1280x1xf32>
    %mul3A_93 = arith.constant 5.000000e-01 : f32
    %mul3A_94 = vector.broadcast %mul3A_93 : f32 to vector<1280x128xf32>
    %mul3A_95 = arith.mulf %mul3A_94, %add3A_79 : vector<1280x128xf32>
    %jit3A_96 = arith.constant 1.000000e+00 : f32
    %max3A_97 = vector.broadcast %jit3A_96 : f32 to vector<1280x1xf32>
    %max3A_98 = arith.maximumf %max3A_97, %add3A_92 : vector<1280x1xf32>
    %div3A_99 = vector.broadcast %max3A_98 : vector<1280x1xf32> to vector<1280x128xf32>
    %div3A_100 = arith.divf %mul3A_95, %div3A_99 : vector<1280x128xf32>
    %add3A_101 = arith.addf %add3A_66, %div3A_100 : vector<1280x128xf32>
    %get3A_102 = arith.constant 0 : index
    %get3A_103 = arith.constant 0 : index
    %get3A_104 = vector.load %arg4[%get3A_102, %get3A_103] : memref<128x128xf32, #tpu.memory_space<vmem>>, vector<128x128xf32>
    %dot_general3A = arith.constant dense<0.000000e+00> : vector<1280x128xf32>
    %dot_general3A_105 = tpu.matmul %add3A_101, %get3A_104, %dot_general3A {dimension_numbers = #tpu.dot_dimension_numbers<[1], [1], [0], [0], [0, 0, 1, 0], [], []>, transpose_lhs_hint = false} : vector<1280x128xf32>, vector<128x128xf32>, vector<1280x128xf32> -> vector<1280x128xf32>
    %get3A_106 = arith.constant 0 : index
    %get3A_107 = arith.constant 0 : index
    %get3A_108 = vector.load %arg5[%get3A_106, %get3A_107] : memref<1x128xf32, #tpu.memory_space<vmem>>, vector<1x128xf32>
    %add3A_109 = vector.broadcast %get3A_108 : vector<1x128xf32> to vector<1280x128xf32>
    %add3A_110 = arith.addf %dot_general3A_105, %add3A_109 : vector<1280x128xf32>
    %swap3A = arith.constant 0 : index
    %swap3A_111 = arith.constant 0 : index
    %swap3A_112 = vector.load %arg6[%swap3A, %swap3A_111] : memref<1280x128xf32, #tpu.memory_space<vmem>>, vector<1280x128xf32>
    tpu.vector_store %arg6[%swap3A, %swap3A_111], %add3A_110 {strides = array<i32>} : memref<1280x128xf32, #tpu.memory_space<vmem>>, vector<1280x128xf32>,
    return
  }
  func.func @transform_0(%arg0: i32) -> (i32, i32, i32, i32) {
    %c0_i32 = arith.constant 0 : i32
    %c0_i32_0 = arith.constant 0 : i32
    %c0_i32_1 = arith.constant 0 : i32
    %c0_i32_2 = arith.constant 0 : i32
    return %c0_i32, %c0_i32_0, %arg0, %c0_i32_1 : i32, i32, i32, i32
  }
  func.func @transform_1(%arg0: i32) -> (i32, i32, i32, i32) {
    %c0_i32 = arith.constant 0 : i32
    %c0_i32_0 = arith.constant 0 : i32
    %c0_i32_1 = arith.constant 0 : i32
    %c0_i32_2 = arith.constant 0 : i32
    return %c0_i32, %c0_i32_0, %arg0, %c0_i32_1 : i32, i32, i32, i32
  }
  func.func @transform_2(%arg0: i32) -> (i32, i32) {
    %c0_i32 = arith.constant 0 : i32
    %c0_i32_0 = arith.constant 0 : i32
    return %arg0, %c0_i32 : i32, i32
  }
  func.func @transform_3(%arg0: i32) -> (i32, i32) {
    %c0_i32 = arith.constant 0 : i32
    %c0_i32_0 = arith.constant 0 : i32
    %c0_i32_1 = arith.constant 0 : i32
    return %c0_i32, %c0_i32_0 : i32, i32
  }
  func.func @transform_4(%arg0: i32) -> (i32, i32) {
    %c0_i32 = arith.constant 0 : i32
    %c0_i32_0 = arith.constant 0 : i32
    %c0_i32_1 = arith.constant 0 : i32
    return %c0_i32, %c0_i32_0 : i32, i32
  }
  func.func @transform_5(%arg0: i32) -> (i32, i32) {
    %c0_i32 = arith.constant 0 : i32
    %c0_i32_0 = arith.constant 0 : i32
    return %arg0, %c0_i32 : i32, i32
  }
}

</mosaic_0001>

<sc_bundles>
// kernel: kernel.4.cloned.1.call-start
scs
__scs_entry_jumppad:
0x0: {  	(pc) =	sbr.rel $0x88, $3  }
0x1: {  	(tag) =	ssettag $0x0;
	lr =	simm.s32 $0x1  }
0x2: {  	[smem:$0x3F9B] =	sst lr;
	_ =	strace $0xD0000000  }
0x3: {  	_ = 	snop  }
0x4: {  	_ = 	snop  }
0x5: {  	_ = 	snop  }
0x6: {  	_ = 	snop  }
0x7: {  	_ = 	snop  }
__scs_overlays_trampoline_lowered:
0x8: {  	[smem:$0x3FAA] =	sst s0  }
0x9: {  	[smem:$0x3FAB] =	sst s1  }
0xa: {  	[smem:$0x3FAC] =	sst s2  }
0xb: {  	[smem:$0x3FAD] =	sst s3  }
0xc: {  	[smem:$0x3FAE] =	sst s4  }
0xd: {  	[smem:$0x3FAF] =	sst s5  }
0xe: {  	[smem:$0x3FB0] =	sst s6  }
0xf: {  	[smem:$0x3FB1] =	sst s7  }
0x10: {  	[smem:$0x3FB2] =	sst s8  }
0x11: {  	[smem:$0x3FB3] =	sst s9;
	s0 =	simm.s32 @!p0 $0x0  }
0x12: {  	s1 =	sld [smem:$0x3F99];
	s0 =	simm.s32 @p0 $0x1  }
0x13: {  	[smem:$0x3FB4] =	sst s0;
	s0 =	simm.s32 @!p1 $0x0  }
0x14: {  	s2 =	sld [smem:$0x3F98];
	s0 =	simm.s32 @p1 $0x1  }
0x15: {  	[smem:$0x3FB5] =	sst s0;
	s0 =	simm.s32 @!p2 $0x0  }
0x16: {  	s3 =	sld [smem:$0x3FDB];
	s0 =	simm.s32 @p2 $0x1  }
0x17: {  	s4 =	simm.s32 $0x1BF5;
	[smem:$0x3FB7] =	sst s0  }
0x18: {  	s0 =	sld [smem:$0x3F9A];
	_ =	swait.ge [sflag:s4], $0x0  }
0x19: {  	s7 =	sld [smem:$0x3F9B]  }
0x1a: {  	s8 =	sadd.s32 $0xFFFFE003, lr  }
0x1b: {  	s9 =	sadd.s32 $0xFFFFFEF7, lr;
	s5 =	simm.s32 $0xFFFFFFFF;
	p2 =	slt.u32 s8, $0xFFFFF086  }
0x1c: {  	p1 =	slt.u32 s9, $0xF7A;
	s5 =	simm.s32 @!p2 $0x0  }
0x1d: {  	s5 =	simm.s32 @p1 $0x1;
	p0 =	seq.s32 s7, s2  }
0x1e: {  	s7 =	smul.u32 @!p0 $0xF7A, s2;
	p2 =	seq.s32 @!p0 s5, $0x0  }
0x1f: {  	s9 =	smul.u32 $0xF7A, s1;
	s8 =	simm.s32 @!p0 $0x1BF5;
	p2 =	por !p2, p0  }
0x20: {  	[sflag:s8] =	ssyncset.s32 @!p0 $0xFFFFF086;
	s6 =	sadd.s32 @!p0 s3, s7;
	s7 =	simm.s32 @!p0 $0x108  }
0x21: {  	s3 =	sadd.s32 s3, s9;
	s6 =	sadd.s32 @!p0 $0x88, s6;
	s7 =	simm.s32 @p2 $0x1082  }
0x22: {  	[simem:s7], [sflag:s8] =	dma.local @!p0 [hbm:s6], $0xF7A  }
0x23: {  	s9 =	sor.u32 $0xD0000000, s2;
	s6 =	simm.s32 $0x108;
	_ =	swait.ge @!p0 [sflag:s8], $0x0  }
0x24: {  	s3 =	sadd.s32 $0x88, s3;
	s6 =	simm.s32 @!p1 $0x1082;
	[sflag:s4] =	ssyncset.s32 $0xFFFFF086  }
0x25: {  	[simem:s6], [sflag:s4] =	dma.local [hbm:s3], $0xF7A  }
0x26: {  	[smem:$0x3F9B] =	sst s1;
	(tag) =	ssettag s2;
	_ =	strace s9  }
0x27: {  	s1 =	sld [smem:$0x3FAB]  }
0x28: {  	s2 =	sld [smem:$0x3FAC]  }
0x29: {  	s4 =	sld [smem:$0x3FAE]  }
0x2a: {  	p0 =	seq.s32 s5, $0x0;
	s5 =	sld [smem:$0x3FAF]  }
0x2b: {  	s6 =	sld [smem:$0x3FB0]  }
0x2c: {  	s7 =	sld [smem:$0x3FB1]  }
0x2d: {  	s3 =	simm.s32 $0x108;
	s8 =	sld [smem:$0x3FB2]  }
0x2e: {  	s3 =	simm.s32 @!p0 $0x1082;
	s9 =	sld [smem:$0x3FB3]  }
0x2f: {  	lr =	sadd.s32 s0, s3;
	s0 =	sld [smem:$0x3FAA]  }
0x30: {  	s3 =	sld [smem:$0x3FAD]  }
0x31: {  	[smem:$0x3FB6] =	sst s10  }
0x32: {  	s10 =	sld [smem:$0x3FB4];
	_ =	sdelay $0x3  }
0x33: {  	p0 =	seq.s32 s10, $0x1;
	s10 =	sld [smem:$0x3FB6];
	_ =	sdelay $0x3  }
0x34: {  	[smem:$0x3FB6] =	sst s10  }
0x35: {  	s10 =	sld [smem:$0x3FB5];
	_ =	sdelay $0x3  }
0x36: {  	p1 =	seq.s32 s10, $0x1;
	s10 =	sld [smem:$0x3FB6];
	_ =	sdelay $0x3  }
0x37: {  	[smem:$0x3FB6] =	sst s10  }
0x38: {  	s10 =	sld [smem:$0x3FB7]  }
0x39: {  	_ = 	snop;
	(pc) =	sbr.ind lr, $3  }
0x3a: {  	_ = 	snop  }
0x3b: {  	_ = 	snop  }
0x3c: {  	p2 =	seq.s32 s10, $0x1;
	s10 =	sld [smem:$0x3FB6]  }
0x3d: {  	_ =	shalt  }
0x3e: {  	_ =	shalt  }
0x3f: {  	_ =	shalt  }
0x40: {  	_ =	shalt  }
0x41: {  	_ =	shalt  }
0x42: {  	_ =	shalt  }
0x43: {  	_ =	shalt  }
0x44: {  	_ =	shalt  }
0x45: {  	_ =	shalt  }
0x46: {  	_ =	shalt  }
0x47: {  	_ =	shalt  }
0x48: {  	_ =	shalt  }
0x49: {  	_ =	shalt  }
0x4a: {  	_ =	shalt  }
0x4b: {  	_ =	shalt  }
0x4c: {  	_ =	shalt  }
0x4d: {  	_ =	shalt  }
0x4e: {  	_ =	shalt  }
0x4f: {  	_ =	shalt  }
0x50: {  	_ =	shalt  }
0x51: {  	_ =	shalt  }
0x52: {  	_ =	shalt  }
0x53: {  	_ =	shalt  }
0x54: {  	_ =	shalt  }
0x55: {  	_ =	shalt  }
0x56: {  	_ =	shalt  }
0x57: {  	_ =	shalt  }
0x58: {  	_ =	shalt  }
0x59: {  	_ =	shalt  }
0x5a: {  	_ =	shalt  }
0x5b: {  	_ =	shalt  }
0x5c: {  	_ =	shalt  }
0x5d: {  	_ =	shalt  }
0x5e: {  	_ =	shalt  }
0x5f: {  	_ =	shalt  }
0x60: {  	_ =	shalt  }
0x61: {  	_ =	shalt  }
0x62: {  	_ =	shalt  }
0x63: {  	_ =	shalt  }
0x64: {  	_ =	shalt  }
0x65: {  	_ =	shalt  }
0x66: {  	_ =	shalt  }
0x67: {  	_ =	shalt  }
0x68: {  	_ =	shalt  }
0x69: {  	_ =	shalt  }
0x6a: {  	_ =	shalt  }
0x6b: {  	_ =	shalt  }
0x6c: {  	_ =	shalt  }
0x6d: {  	_ =	shalt  }
0x6e: {  	_ =	shalt  }
0x6f: {  	_ =	shalt  }
0x70: {  	_ =	shalt  }
0x71: {  	_ =	shalt  }
0x72: {  	_ =	shalt  }
0x73: {  	_ =	shalt  }
0x74: {  	_ =	shalt  }
0x75: {  	_ =	shalt  }
0x76: {  	_ =	shalt  }
0x77: {  	_ =	shalt  }
0x78: {  	_ =	shalt  }
0x79: {  	_ =	shalt  }
0x7a: {  	_ =	shalt  }
0x7b: {  	_ =	shalt  }
0x7c: {  	_ =	shalt  }
0x7d: {  	_ =	shalt  }
0x7e: {  	_ =	shalt  }
0x7f: {  	_ =	shalt  }
0x80: {  	_ =	shalt  }
0x81: {  	_ =	shalt  }
0x82: {  	_ =	shalt  }
0x83: {  	_ =	shalt  }
0x84: {  	_ =	shalt  }
0x85: {  	_ =	shalt  }
0x86: {  	_ =	shalt  }
0x87: {  	_ =	shalt  }
.Lfunc_end0:
.L_simem_size_0:
called_computation_lowered:
.L_overlay_start_0:
0x88: {  	s2 =	sld [smem:$0x3FD9]  }
0x89: {  	s3 =	sld [smem:$0x3FFE];
	_ =	sdelay $0x1  }
0x8a: {  	s1 =	srdreg.scid  }
0x8b: {  	s0 =	sand.u32 $0x1, s1  }
0x8c: {  	s17 =	sshll.u32 s0, $0xA;
	s2 =	sadd.s32 s3, s2  }
0x8d: {  	s2 =	sadd.s32 s2, s17  }
0x8e: {  	[smem:$0x3FC2] =	sst s2  }
0x8f: {  	_ = 	snop  }
0x90: {  	s2 =	sld [smem:$0x3FC9]  }
0x91: {  	s18 =	sld [smem:$0x3FD0];
	(tm) =	ssettm $0x1  }
0x92: {  	s4 =	sld [smem:$0x3FFB];
	_ =	sdelay $0x3  }
0x93: {  	_ =	strace s4  }
0x94: {  	s4 =	sld [smem:$0x3FFC];
	_ =	sdelay $0x3  }
0x95: {  	_ =	strace s4  }
0x96: {  	s4 =	sld [smem:$0x3FFD];
	_ =	sdelay $0x3  }
0x97: {  	_ =	strace s4  }
0x98: {  	_ =	strace $0x8FFFFFFF  }
0x99: {  	s19 =	sld [smem:$0x3FDB];
	_ =	sdelay $0x1  }
0x9a: {  	s5 =	simm.s32 $_scs_section_size  }
0x9b: {  	s6 =	simm.s32 $_size__tile_overlayer_lowered;
	s7 =	simm.s32 $_tile_overlayer_lowered  }
0x9c: {  	s22 =	simm.s32 $0x1BFF;
	s21 =	sshll.u32 s7, $0x1;
	s4 =	sadd.s32 s5, s19  }
0x9d: {  	s8 =	simm.s32 $0x0;
	s20 =	sshll.u32 s6, $0x1;
	s6 =	sadd.s32 s21, s4  }
0x9e: {  	[timem:s8], [sflag:s22] =	dma.local [hbm:s6], s20  }
0x9f: {  	_ =	swait.ge [sflag:s22], s20  }
0xa0: {  	s5 =	ssub.s32 $0x0, s20;
	[sflag:s22] =	ssyncset.done $0x0  }
0xa1: {  	[sflag:s22] =	ssyncadd.s32 s5;
	_ =	sdelay $0x1  }
0xa2: {  	s23 =	simm.s32 $0x1B8B  }
0xa3: {  	_ =	swait.ge [sflag:s23], $0x1  }
0xa4: {  	[sflag:s23] =	ssyncset.done $0x0  }
0xa5: {  	s25 =	simm.s32 $0x1B8E;
	s24 =	sld [smem:$0x3FFE];
	[sflag:s23] =	ssyncadd.s32 $0xFFFFFFFF  }
0xa6: {  	s26 =	simm.s32 $execute0_lowered;
	[smem:$0x3FD2] =	sst s25  }
0xa7: {  	s6 =	sshll.u32 s26, $0x1;
	_ =	strace $0x80000046;
	[dreg:$0x1] =	wrdreg $0xFFFFFFFF  }
0xa8: {  	s28 =	simm.s32 $_size_execute0_lowered;
	s4 =	sadd.s32 s4, s6;
	[dreg:$0x0] =	wrdreg $0x0  }
0xa9: {  	s6 =	sshll.u32 s28, $0x1;
	[dreg:$0x2] =	wrdreg s4  }
0xaa: {  	[dreg:$0x3] =	wrdreg s6  }
0xab: {  	[dreg:$0x4] =	wrdreg $0xC0  }
0xac: {  	_ =	task [dreg:s8], $0x5FFFF  }
0xad: {  	[dreg:$0x1] =	wrdreg $0xFFFFFFFF  }
0xae: {  	[dreg:$0x0] =	wrdreg $0x60  }
0xaf: {  	[dreg:$0x2] =	wrdreg s2  }
0xb0: {  	[dreg:$0x3] =	wrdreg s18  }
0xb1: {  	[dreg:$0x4] =	wrdreg s24  }
0xb2: {  	[dreg:$0x5] =	wrdreg $0xB3000  }
0xb3: {  	[dreg:$0x6] =	wrdreg $0x1F3000  }
0xb4: {  	[dreg:$0x7] =	wrdreg $0x9  }
0xb5: {  	_ =	task.clear_ibuf [dreg:s8], $0x8FFFF;
	_ =	strace $0x90000046  }
0xb6: {  	s29 =	simm.s32 $0x9;
	_ =	strace $0x80000048  }
0xb7: {  	_ =	swait.ge [sflag:s29], $0x1  }
0xb8: {  	[sflag:s29] =	ssyncadd.s32 $0xFFFFFFFF  }
0xb9: {  	_ =	strace $0x90000048  }
0xba: {  	_ =	sfence  }
0xbb: {  	s30 =	sld [smem:$0x0];
	_ =	sdelay $0x2  }
0xbc: {  	s31 =	sshll.u32 s1, $0xD;
	s1 =	sshrl.u32 s1, $0x2  }
0xbd: {  	s3 =	sand.u32 $0x4000, s31;
	s1 =	sadd.s32 s1, s30  }
0xbe: {  	s0 =	sor.u32 s3, s0;
	s1 =	sshll.u32 s1, $0x11  }
0xbf: {  	s0 =	sor.u32 s1, s0  }
0xc0: {  	s0 =	sadd.s32 $0x8F2B, s0  }
0xc1: {  	[sflag:s0] =	ssyncadd.remote.s32 $0x1  }
0xc2: {  	_ =	sfence.sel $0xFFFF  }
0xc3: {  	[dreg:$0x0] =	wrdreg $0xFFFFFFFF;
	(pc) =	sbr.abs _section_cstart, $3  }
0xc4: {  	[dreg:$0x1] =	wrdreg $0xFFFFFFFF  }
0xc5: {  	_ =	task.clear_ibuf [dreg:s8], $0x2FFFF;
	_ =	strace $0x9FFFFFFF  }
0xc6: {  	(tm) =	ssettm $0x7FFFFFFF  }
0xc7: {  	_ =	shalt  }
tec
execute0_lowered:
.L_overlay_start_1:
0x0: {  	(tag) =	ssettag $0x1  }
0x1: {  	s0 =	rddreg [dreg:$0x0]  }
0x2: {  	s1 =	rddreg [dreg:$0x1]  }
0x3: {  	s2 =	rddreg [dreg:$0x2]  }
0x4: {  	s3 =	rddreg [dreg:$0x3]  }
0x5: {  	s5 =	srdreg.scid;
	s4 =	rddreg [dreg:$0x4]  }
0x6: {  	s14 =	stileid.u32;
	s8 =	simm.s32 $0x0;
	s5 =	sand.u32 $0x1, s5  }
0x7: {  	s7 =	smul.u32 $0x14000, s14;
	[smem:$0x7FF] =	sst s8;
	s17 =	sadd.s32 $0xF000, s2  }
0x8: {  	s18 =	sadd.s32 $0xF400, s2;
	s19 =	sadd.s32 $0xF200, s2;
	s20 =	smul.u32 $0x50000, s14  }
0x9: {  	s26 =	smul.u32 $0x500, s14;
	_ =	strace $0x80000047;
	[dreg:$0x6] =	wrdreg s17  }
0xa: {  	s9 =	sshll.u32 s14, $0x1;
	s6 =	smul.u32 $0x140000, s5;
	[dreg:$0x7] =	wrdreg s18  }
0xb: {  	s10 =	ssub.s32 $0x2, s5;
	s11 =	sor.u32 s5, s9;
	s5 =	sshll.u32 s5, $0x7  }
0xc: {  	s21 =	sadd.s32 $0xF600, s2;
	[dreg:$0x8] =	wrdreg s19;
	s5 =	sor.u32 s5, s26  }
0xd: {  	s6 =	sadd.s32 s7, s6;
	s7 =	sshrl.u32 s20, $0x2;
	s31 =	sshrl.u32 s5, $0x3  }
0xe: {  	s22 =	smul.u32 $0x1400, s11;
	s9 =	sadd.s32 s7, s3;
	s20 =	sadd.s32 s21, s31  }
0xf: {  	s12 =	smul.u32 $0xA00, s14;
	s23 =	sadd.s32 $0x800, s9;
	[dreg:$0x12] =	wrdreg s20  }
0x10: {  	s7 =	sshrl.u32 s22, $0x3;
	s24 =	sadd.s32 $0x1000, s9;
	[dreg:$0x9] =	wrdreg s23  }
0x11: {  	s28 =	sadd.s32 s1, s7;
	[dreg:$0xa] =	wrdreg s24  }
0x12: {  	s25 =	sshrl.u32 s12, $0x2;
	s29 =	sadd.s32 s2, s7;
	[dreg:$0xb] =	wrdreg s28  }
0x13: {  	s12 =	sadd.s32 s25, s4;
	s25 =	sadd.s32 $0x1800, s9;
	[dreg:$0xc] =	wrdreg s29  }
0x14: {  	s26 =	sadd.s32 $0x2000, s9;
	[dreg:$0x18] =	wrdreg s25  }
0x15: {  	s18 =	sadd.s32 $0x5000, s5;
	s31 =	sadd.s32 $0x4000, s9;
	[dreg:$0x19] =	wrdreg s26  }
0x16: {  	s19 =	sadd.s32 $0xA000, s5;
	s5 =	sadd.s32 $0x5000, s9;
	[dreg:$0x1d] =	wrdreg s31  }
0x17: {  	s8 =	sadd.s32 $0x6800, s9;
	[dreg:$0x1f] =	wrdreg s5  }
0x18: {  	s13 =	sshrl.u32 s10, $0x1;
	s11 =	sadd.s32 $0x7800, s9;
	[smem:$0x7E9] =	sst s8  }
0x19: {  	s6 =	sshrl.u32 s6, $0x3;
	s14 =	sadd.s32 $0x8800, s9;
	[smem:$0x7EB] =	sst s11  }
0x1a: {  	s6 =	sadd.s32 s6, s2;
	s20 =	sadd.s32 $0xB800, s9;
	[smem:$0x7ED] =	sst s14  }
0x1b: {  	s15 =	sadd.s32 $0x5000, s7;
	s30 =	sadd.s32 $0x11400, s6;
	[smem:$0x7F3] =	sst s20  }
0x1c: {  	s10 =	ssub.s32 s10, s13;
	s16 =	sadd.s32 s1, s15;
	[dreg:$0xd] =	wrdreg s30  }
0x1d: {  	s7 =	sadd.s32 $0xA000, s7;
	s13 =	sadd.s32 s2, s15;
	[dreg:$0xe] =	wrdreg s16  }
0x1e: {  	s1 =	sadd.s32 s1, s7;
	[dreg:$0xf] =	wrdreg s13  }
0x1f: {  	s17 =	sadd.s32 s2, s7;
	[dreg:$0x10] =	wrdreg s1  }
0x20: {  	s22 =	sadd.s32 $0x61400, s6;
	[dreg:$0x11] =	wrdreg s17  }
0x21: {  	s23 =	sadd.s32 $0xB1400, s6;
	[dreg:$0x15] =	wrdreg s22  }
0x22: {  	s24 =	smax.u32 s10, $0x1;
	[dreg:$0x16] =	wrdreg s23  }
0x23: {  	s28 =	sadd.s32 $0x2800, s9;
	[dreg:$0x17] =	wrdreg s24  }
0x24: {  	s29 =	sadd.s32 $0x3000, s9;
	[dreg:$0x1a] =	wrdreg s28  }
0x25: {  	s6 =	sadd.s32 $0x5800, s9;
	[dreg:$0x1b] =	wrdreg s29  }
0x26: {  	s7 =	sadd.s32 $0x6000, s9;
	[smem:$0x7E7] =	sst s6  }
0x27: {  	s10 =	sadd.s32 $0x7000, s9;
	[smem:$0x7E8] =	sst s7  }
0x28: {  	s2 =	sshrl.u32 s19, $0x3;
	s15 =	sadd.s32 $0x9000, s9;
	[smem:$0x7EA] =	sst s10  }
0x29: {  	s19 =	sadd.s32 $0xB000, s9;
	s25 =	sadd.s32 $0xE000, s9;
	[smem:$0x7EE] =	sst s15  }
0x2a: {  	s26 =	sadd.s32 $0xE800, s9;
	s31 =	sadd.s32 $0x10800, s9;
	[smem:$0x7F2] =	sst s19  }
0x2b: {  	s8 =	sadd.s32 $0x13000, s9;
	s14 =	simm.s32 $0xA800;
	[smem:$0x7F8] =	sst s25  }
0x2c: {  	s20 =	simm.s32 $0x1;
	s5 =	simm.s32 $0x5;
	[smem:$0x7F9] =	sst s26  }
0x2d: {  	s1 =	sshrl.u32 s18, $0x3;
	s30 =	sadd.s32 $0x3800, s9;
	[smem:$0x7FD] =	sst s31  }
0x2e: {  	s13 =	sadd.s32 $0x8000, s9;
	s16 =	sadd.s32 $0x9800, s9;
	[dreg:$0x1c] =	wrdreg s30  }
0x2f: {  	s17 =	sadd.s32 $0xA000, s9;
	s18 =	sadd.s32 $0xA800, s9;
	[smem:$0x7EC] =	sst s13  }
0x30: {  	s22 =	sadd.s32 $0xC800, s9;
	s23 =	sadd.s32 $0xD000, s9;
	[smem:$0x7EF] =	sst s16  }
0x31: {  	s24 =	sadd.s32 $0xD800, s9;
	s28 =	sadd.s32 $0xF000, s9;
	[smem:$0x7F0] =	sst s17  }
0x32: {  	s29 =	sadd.s32 $0xF800, s9;
	s6 =	sadd.s32 $0x12000, s9;
	[smem:$0x7F1] =	sst s18  }
0x33: {  	s7 =	sadd.s32 $0x12800, s9;
	s15 =	simm.s32 $0x6;
	[smem:$0x7F5] =	sst s22  }
0x34: {  	s19 =	simm.s32 $0x6800;
	s25 =	simm.s32 $0x2780;
	[smem:$0x7F6] =	sst s23  }
0x35: {  	s10 =	simm.s32 $0x0;
	s1 =	sadd.s32 s21, s1;
	[smem:$0x7F7] =	sst s24  }
0x36: {  	s21 =	sadd.s32 s21, s2;
	s2 =	sadd.s32 $0x4800, s9;
	[smem:$0x7FA] =	sst s28  }
0x37: {  	[smem:$0x7FB] =	sst s29;
	s30 =	sadd.s32 $0x10000, s9;
	s13 =	sadd.s32 $0x13800, s9  }
0x38: {  	s16 =	simm.s32 $0xA880;
	s17 =	simm.s32 $0x80;
	[dreg:$0x13] =	wrdreg s1  }
0x39: {  	s18 =	simm.s32 $0x2800;
	s22 =	simm.s32 $0x2;
	[dreg:$0x14] =	wrdreg s21  }
0x3a: {  	s23 =	simm.s32 $0x4;
	s24 =	simm.s32 $0x2700;
	[dreg:$0x1e] =	wrdreg s2  }
0x3b: {  	s21 =	sadd.s32 $0xC000, s9;
	[smem:$0x7FC] =	sst s30;
	s1 =	sadd.s32 $0x11000, s9  }
0x3c: {  	s2 =	sadd.s32 $0x11800, s9;
	[smem:$0x7F4] =	sst s21;
	s21 =	simm.s32 $0x3  }
.LBB2_1:
0x3d: {  	s11 =	simm.s32 $0x0;
	s26 =	rddreg [dreg:$0x6]  }
0x3e: {  	[tilespmem:s14], [sflag:$0x6] =	stream.linear.gather [hbm4b:s26+s11], $0x80, $0x38;
	[tilespmem:$0x1F580] =	vst v63  }
0x3f: {  	_ =	swait.ge [sflag:s15], $0x80  }
0x40: {  	[sflag:s15] =	ssyncset.done $0x0  }
0x41: {  	s30 =	rddreg [dreg:$0x7];
	[sflag:s15] =	ssyncadd.s32 $0xFFFFFF80  }
0x42: {  	[tilespmem:s16], [sflag:$0x6] =	stream.linear.gather [hbm4b:s30+s11], $0x800, $0x38;
	[tilespmem:$0x1F580] =	vst v63  }
0x43: {  	_ =	swait.ge [sflag:s15], $0x800  }
0x44: {  	[sflag:s15] =	ssyncset.done $0x0  }
0x45: {  	s28 =	simm.s32 $0xB080;
	s31 =	rddreg [dreg:$0x8];
	[sflag:s15] =	ssyncadd.s32 $0xFFFFF800  }
0x46: {  	[tilespmem:s28], [sflag:$0x6] =	stream.linear.gather [hbm4b:s31+s11], $0x280, $0x38;
	[tilespmem:$0x1F580] =	vst v63  }
0x47: {  	_ =	swait.ge [sflag:s15], $0x280  }
0x48: {  	[sflag:s15] =	ssyncset.done $0x0  }
0x49: {  	[sflag:s15] =	ssyncadd.s32 $0xFFFFFD80  }
0x4a: {  	[spmem:s9] =	stream.linear.scatter [tilespmem:s16], [sflag:$0x6], $0x800, $0x38;
	[tilespmem:$0x1F580] =	vst v63  }
0x4b: {  	_ =	swait.ge [sflag:s15], $0x800  }
0x4c: {  	[sflag:s15] =	ssyncset.done $0x0  }
0x4d: {  	s29 =	rddreg [dreg:$0x9];
	[sflag:s15] =	ssyncadd.s32 $0xFFFFF800  }
0x4e: {  	[spmem:s29] =	stream.linear.scatter [tilespmem:s16], [sflag:$0x6], $0x800, $0x38;
	[tilespmem:$0x1F580] =	vst v63  }
0x4f: {  	_ =	swait.ge [sflag:s15], $0x800  }
0x50: {  	[sflag:s15] =	ssyncset.done $0x0  }
0x51: {  	s30 =	rddreg [dreg:$0xa];
	[sflag:s15] =	ssyncadd.s32 $0xFFFFF800  }
0x52: {  	[spmem:s30] =	stream.linear.scatter [tilespmem:s16], [sflag:$0x6], $0x800, $0x38;
	[tilespmem:$0x1F580] =	vst v63  }
0x53: {  	_ =	swait.ge [sflag:s15], $0x800  }
0x54: {  	[sflag:s15] =	ssyncset.done $0x0  }
0x55: {  	s31 =	rddreg [dreg:$0x18];
	[sflag:s15] =	ssyncadd.s32 $0xFFFFF800  }
0x56: {  	[spmem:s31] =	stream.linear.scatter [tilespmem:s16], [sflag:$0x6], $0x800, $0x38;
	[tilespmem:$0x1F580] =	vst v63  }
0x57: {  	_ =	swait.ge [sflag:s15], $0x800  }
0x58: {  	[sflag:s15] =	ssyncset.done $0x0  }
0x59: {  	s29 =	rddreg [dreg:$0x19];
	[sflag:s15] =	ssyncadd.s32 $0xFFFFF800  }
0x5a: {  	[spmem:s29] =	stream.linear.scatter [tilespmem:s16], [sflag:$0x6], $0x800, $0x38;
	[tilespmem:$0x1F580] =	vst v63  }
0x5b: {  	_ =	swait.ge [sflag:s15], $0x800  }
0x5c: {  	[sflag:s15] =	ssyncset.done $0x0  }
0x5d: {  	s30 =	rddreg [dreg:$0x1a];
	[sflag:s15] =	ssyncadd.s32 $0xFFFFF800  }
0x5e: {  	[spmem:s30] =	stream.linear.scatter [tilespmem:s16], [sflag:$0x6], $0x800, $0x38;
	[tilespmem:$0x1F580] =	vst v63  }
0x5f: {  	_ =	swait.ge [sflag:s15], $0x800  }
0x60: {  	[sflag:s15] =	ssyncset.done $0x0  }
0x61: {  	s31 =	rddreg [dreg:$0x1b];
	[sflag:s15] =	ssyncadd.s32 $0xFFFFF800  }
0x62: {  	[spmem:s31] =	stream.linear.scatter [tilespmem:s16], [sflag:$0x6], $0x800, $0x38;
	[tilespmem:$0x1F580] =	vst v63  }
0x63: {  	_ =	swait.ge [sflag:s15], $0x800  }
0x64: {  	[sflag:s15] =	ssyncset.done $0x0  }
0x65: {  	s29 =	rddreg [dreg:$0x1c];
	[sflag:s15] =	ssyncadd.s32 $0xFFFFF800  }
0x66: {  	[spmem:s29] =	stream.linear.scatter [tilespmem:s16], [sflag:$0x6], $0x800, $0x38;
	[tilespmem:$0x1F580] =	vst v63  }
0x67: {  	_ =	swait.ge [sflag:s15], $0x800  }
0x68: {  	[sflag:s15] =	ssyncset.done $0x0  }
0x69: {  	s30 =	rddreg [dreg:$0x1d];
	[sflag:s15] =	ssyncadd.s32 $0xFFFFF800  }
0x6a: {  	[spmem:s30] =	stream.linear.scatter [tilespmem:s16], [sflag:$0x6], $0x800, $0x38;
	[tilespmem:$0x1F580] =	vst v63  }
0x6b: {  	_ =	swait.ge [sflag:s15], $0x800  }
0x6c: {  	[sflag:s15] =	ssyncset.done $0x0  }
0x6d: {  	s31 =	rddreg [dreg:$0x1e];
	[sflag:s15] =	ssyncadd.s32 $0xFFFFF800  }
0x6e: {  	[spmem:s31] =	stream.linear.scatter [tilespmem:s16], [sflag:$0x6], $0x800, $0x38;
	[tilespmem:$0x1F580] =	vst v63  }
0x6f: {  	_ =	swait.ge [sflag:s15], $0x800  }
0x70: {  	[sflag:s15] =	ssyncset.done $0x0  }
0x71: {  	s29 =	rddreg [dreg:$0x1f];
	[sflag:s15] =	ssyncadd.s32 $0xFFFFF800  }
0x72: {  	[spmem:s29] =	stream.linear.scatter [tilespmem:s16], [sflag:$0x6], $0x800, $0x38;
	[tilespmem:$0x1F580] =	vst v63  }
0x73: {  	_ =	swait.ge [sflag:s15], $0x800  }
0x74: {  	s30 =	sld [smem:$0x7E7]  }
0x75: {  	[sflag:s15] =	ssyncset.done $0x0  }
0x76: {  	[sflag:s15] =	ssyncadd.s32 $0xFFFFF800  }
0x77: {  	[spmem:s30] =	stream.linear.scatter [tilespmem:s16], [sflag:$0x6], $0x800, $0x38;
	[tilespmem:$0x1F580] =	vst v63  }
0x78: {  	_ =	swait.ge [sflag:s15], $0x800  }
0x79: {  	s31 =	sld [smem:$0x7E8]  }
0x7a: {  	[sflag:s15] =	ssyncset.done $0x0  }
0x7b: {  	[sflag:s15] =	ssyncadd.s32 $0xFFFFF800  }
0x7c: {  	[spmem:s31] =	stream.linear.scatter [tilespmem:s16], [sflag:$0x6], $0x800, $0x38;
	[tilespmem:$0x1F580] =	vst v63  }
0x7d: {  	_ =	swait.ge [sflag:s15], $0x800  }
0x7e: {  	s29 =	sld [smem:$0x7E9]  }
0x7f: {  	[sflag:s15] =	ssyncset.done $0x0  }
0x80: {  	[sflag:s15] =	ssyncadd.s32 $0xFFFFF800  }
0x81: {  	[spmem:s29] =	stream.linear.scatter [tilespmem:s16], [sflag:$0x6], $0x800, $0x38;
	[tilespmem:$0x1F580] =	vst v63  }
0x82: {  	_ =	swait.ge [sflag:s15], $0x800  }
0x83: {  	s30 =	sld [smem:$0x7EA]  }
0x84: {  	[sflag:s15] =	ssyncset.done $0x0  }
0x85: {  	[sflag:s15] =	ssyncadd.s32 $0xFFFFF800  }
0x86: {  	[spmem:s30] =	stream.linear.scatter [tilespmem:s16], [sflag:$0x6], $0x800, $0x38;
	[tilespmem:$0x1F580] =	vst v63  }
0x87: {  	_ =	swait.ge [sflag:s15], $0x800  }
0x88: {  	s31 =	sld [smem:$0x7EB]  }
0x89: {  	[sflag:s15] =	ssyncset.done $0x0  }
0x8a: {  	[sflag:s15] =	ssyncadd.s32 $0xFFFFF800  }
0x8b: {  	[spmem:s31] =	stream.linear.scatter [tilespmem:s16], [sflag:$0x6], $0x800, $0x38;
	[tilespmem:$0x1F580] =	vst v63  }
0x8c: {  	_ =	swait.ge [sflag:s15], $0x800  }
0x8d: {  	s29 =	sld [smem:$0x7EC]  }
0x8e: {  	[sflag:s15] =	ssyncset.done $0x0  }
0x8f: {  	[sflag:s15] =	ssyncadd.s32 $0xFFFFF800  }
0x90: {  	[spmem:s29] =	stream.linear.scatter [tilespmem:s16], [sflag:$0x6], $0x800, $0x38;
	[tilespmem:$0x1F580] =	vst v63  }
0x91: {  	_ =	swait.ge [sflag:s15], $0x800  }
0x92: {  	s30 =	sld [smem:$0x7ED]  }
0x93: {  	[sflag:s15] =	ssyncset.done $0x0  }
0x94: {  	[sflag:s15] =	ssyncadd.s32 $0xFFFFF800  }
0x95: {  	[spmem:s30] =	stream.linear.scatter [tilespmem:s16], [sflag:$0x6], $0x800, $0x38;
	[tilespmem:$0x1F580] =	vst v63  }
0x96: {  	_ =	swait.ge [sflag:s15], $0x800  }
0x97: {  	s31 =	sld [smem:$0x7EE]  }
0x98: {  	[sflag:s15] =	ssyncset.done $0x0  }
0x99: {  	[sflag:s15] =	ssyncadd.s32 $0xFFFFF800  }
0x9a: {  	[spmem:s31] =	stream.linear.scatter [tilespmem:s16], [sflag:$0x6], $0x800, $0x38;
	[tilespmem:$0x1F580] =	vst v63  }
0x9b: {  	_ =	swait.ge [sflag:s15], $0x800  }
0x9c: {  	s29 =	sld [smem:$0x7EF]  }
0x9d: {  	[sflag:s15] =	ssyncset.done $0x0  }
0x9e: {  	[sflag:s15] =	ssyncadd.s32 $0xFFFFF800  }
0x9f: {  	[spmem:s29] =	stream.linear.scatter [tilespmem:s16], [sflag:$0x6], $0x800, $0x38;
	[tilespmem:$0x1F580] =	vst v63  }
0xa0: {  	_ =	swait.ge [sflag:s15], $0x800  }
0xa1: {  	s30 =	sld [smem:$0x7F0]  }
0xa2: {  	[sflag:s15] =	ssyncset.done $0x0  }
0xa3: {  	[sflag:s15] =	ssyncadd.s32 $0xFFFFF800  }
0xa4: {  	[spmem:s30] =	stream.linear.scatter [tilespmem:s16], [sflag:$0x6], $0x800, $0x38;
	[tilespmem:$0x1F580] =	vst v63  }
0xa5: {  	_ =	swait.ge [sflag:s15], $0x800  }
0xa6: {  	s31 =	sld [smem:$0x7F1]  }
0xa7: {  	[sflag:s15] =	ssyncset.done $0x0  }
0xa8: {  	[sflag:s15] =	ssyncadd.s32 $0xFFFFF800  }
0xa9: {  	[spmem:s31] =	stream.linear.scatter [tilespmem:s16], [sflag:$0x6], $0x800, $0x38;
	[tilespmem:$0x1F580] =	vst v63  }
0xaa: {  	_ =	swait.ge [sflag:s15], $0x800  }
0xab: {  	s29 =	sld [smem:$0x7F2]  }
0xac: {  	[sflag:s15] =	ssyncset.done $0x0  }
0xad: {  	[sflag:s15] =	ssyncadd.s32 $0xFFFFF800  }
0xae: {  	[spmem:s29] =	stream.linear.scatter [tilespmem:s16], [sflag:$0x6], $0x800, $0x38;
	[tilespmem:$0x1F580] =	vst v63  }
0xaf: {  	_ =	swait.ge [sflag:s15], $0x800  }
0xb0: {  	s30 =	sld [smem:$0x7F3]  }
0xb1: {  	[sflag:s15] =	ssyncset.done $0x0  }
0xb2: {  	[sflag:s15] =	ssyncadd.s32 $0xFFFFF800  }
0xb3: {  	[spmem:s30] =	stream.linear.scatter [tilespmem:s16], [sflag:$0x6], $0x800, $0x38;
	[tilespmem:$0x1F580] =	vst v63  }
0xb4: {  	_ =	swait.ge [sflag:s15], $0x800  }
0xb5: {  	s31 =	sld [smem:$0x7F4]  }
0xb6: {  	[sflag:s15] =	ssyncset.done $0x0  }
0xb7: {  	[sflag:s15] =	ssyncadd.s32 $0xFFFFF800  }
0xb8: {  	[spmem:s31] =	stream.linear.scatter [tilespmem:s16], [sflag:$0x6], $0x800, $0x38;
	[tilespmem:$0x1F580] =	vst v63  }
0xb9: {  	_ =	swait.ge [sflag:s15], $0x800  }
0xba: {  	s29 =	sld [smem:$0x7F5]  }
0xbb: {  	[sflag:s15] =	ssyncset.done $0x0  }
0xbc: {  	[sflag:s15] =	ssyncadd.s32 $0xFFFFF800  }
0xbd: {  	[spmem:s29] =	stream.linear.scatter [tilespmem:s16], [sflag:$0x6], $0x800, $0x38;
	[tilespmem:$0x1F580] =	vst v63  }
0xbe: {  	_ =	swait.ge [sflag:s15], $0x800  }
0xbf: {  	s30 =	sld [smem:$0x7F6]  }
0xc0: {  	[sflag:s15] =	ssyncset.done $0x0  }
0xc1: {  	[sflag:s15] =	ssyncadd.s32 $0xFFFFF800  }
0xc2: {  	[spmem:s30] =	stream.linear.scatter [tilespmem:s16], [sflag:$0x6], $0x800, $0x38;
	[tilespmem:$0x1F580] =	vst v63  }
0xc3: {  	_ =	swait.ge [sflag:s15], $0x800  }
0xc4: {  	s31 =	sld [smem:$0x7F7]  }
0xc5: {  	[sflag:s15] =	ssyncset.done $0x0  }
0xc6: {  	[sflag:s15] =	ssyncadd.s32 $0xFFFFF800  }
0xc7: {  	[spmem:s31] =	stream.linear.scatter [tilespmem:s16], [sflag:$0x6], $0x800, $0x38;
	[tilespmem:$0x1F580] =	vst v63  }
0xc8: {  	_ =	swait.ge [sflag:s15], $0x800  }
0xc9: {  	s29 =	sld [smem:$0x7F8]  }
0xca: {  	[sflag:s15] =	ssyncset.done $0x0  }
0xcb: {  	[sflag:s15] =	ssyncadd.s32 $0xFFFFF800  }
0xcc: {  	[spmem:s29] =	stream.linear.scatter [tilespmem:s16], [sflag:$0x6], $0x800, $0x38;
	[tilespmem:$0x1F580] =	vst v63  }
0xcd: {  	_ =	swait.ge [sflag:s15], $0x800  }
0xce: {  	s30 =	sld [smem:$0x7F9]  }
0xcf: {  	[sflag:s15] =	ssyncset.done $0x0  }
0xd0: {  	[sflag:s15] =	ssyncadd.s32 $0xFFFFF800  }
0xd1: {  	[spmem:s30] =	stream.linear.scatter [tilespmem:s16], [sflag:$0x6], $0x800, $0x38;
	[tilespmem:$0x1F580] =	vst v63  }
0xd2: {  	_ =	swait.ge [sflag:s15], $0x800  }
0xd3: {  	s31 =	sld [smem:$0x7FA]  }
0xd4: {  	[sflag:s15] =	ssyncset.done $0x0  }
0xd5: {  	[sflag:s15] =	ssyncadd.s32 $0xFFFFF800  }
0xd6: {  	[spmem:s31] =	stream.linear.scatter [tilespmem:s16], [sflag:$0x6], $0x800, $0x38;
	[tilespmem:$0x1F580] =	vst v63  }
0xd7: {  	_ =	swait.ge [sflag:s15], $0x800  }
0xd8: {  	s29 =	sld [smem:$0x7FB]  }
0xd9: {  	[sflag:s15] =	ssyncset.done $0x0  }
0xda: {  	[sflag:s15] =	ssyncadd.s32 $0xFFFFF800  }
0xdb: {  	[spmem:s29] =	stream.linear.scatter [tilespmem:s16], [sflag:$0x6], $0x800, $0x38;
	[tilespmem:$0x1F580] =	vst v63  }
0xdc: {  	_ =	swait.ge [sflag:s15], $0x800  }
0xdd: {  	s30 =	sld [smem:$0x7FC]  }
0xde: {  	[sflag:s15] =	ssyncset.done $0x0  }
0xdf: {  	[sflag:s15] =	ssyncadd.s32 $0xFFFFF800  }
0xe0: {  	[spmem:s30] =	stream.linear.scatter [tilespmem:s16], [sflag:$0x6], $0x800, $0x38;
	[tilespmem:$0x1F580] =	vst v63  }
0xe1: {  	_ =	swait.ge [sflag:s15], $0x800  }
0xe2: {  	s31 =	sld [smem:$0x7FD]  }
0xe3: {  	[sflag:s15] =	ssyncset.done $0x0  }
0xe4: {  	[sflag:s15] =	ssyncadd.s32 $0xFFFFF800  }
0xe5: {  	[spmem:s31] =	stream.linear.scatter [tilespmem:s16], [sflag:$0x6], $0x800, $0x38;
	[tilespmem:$0x1F580] =	vst v63  }
0xe6: {  	_ =	swait.ge [sflag:s15], $0x800  }
0xe7: {  	[sflag:s15] =	ssyncset.done $0x0  }
0xe8: {  	[sflag:s15] =	ssyncadd.s32 $0xFFFFF800  }
0xe9: {  	[spmem:s1] =	stream.linear.scatter [tilespmem:s16], [sflag:$0x6], $0x800, $0x38;
	[tilespmem:$0x1F580] =	vst v63  }
0xea: {  	_ =	swait.ge [sflag:s15], $0x800  }
0xeb: {  	[sflag:s15] =	ssyncset.done $0x0  }
0xec: {  	[sflag:s15] =	ssyncadd.s32 $0xFFFFF800  }
0xed: {  	[spmem:s2] =	stream.linear.scatter [tilespmem:s16], [sflag:$0x6], $0x800, $0x38;
	[tilespmem:$0x1F580] =	vst v63  }
0xee: {  	_ =	swait.ge [sflag:s15], $0x800  }
0xef: {  	[sflag:s15] =	ssyncset.done $0x0  }
0xf0: {  	[sflag:s15] =	ssyncadd.s32 $0xFFFFF800  }
0xf1: {  	[spmem:s6] =	stream.linear.scatter [tilespmem:s16], [sflag:$0x6], $0x800, $0x38;
	[tilespmem:$0x1F580] =	vst v63  }
0xf2: {  	_ =	swait.ge [sflag:s15], $0x800  }
0xf3: {  	[sflag:s15] =	ssyncset.done $0x0  }
0xf4: {  	[sflag:s15] =	ssyncadd.s32 $0xFFFFF800  }
0xf5: {  	[spmem:s7] =	stream.linear.scatter [tilespmem:s16], [sflag:$0x6], $0x800, $0x38;
	[tilespmem:$0x1F580] =	vst v63  }
0xf6: {  	_ =	swait.ge [sflag:s15], $0x800  }
0xf7: {  	[sflag:s15] =	ssyncset.done $0x0  }
0xf8: {  	[sflag:s15] =	ssyncadd.s32 $0xFFFFF800  }
0xf9: {  	[spmem:s8] =	stream.linear.scatter [tilespmem:s16], [sflag:$0x6], $0x800, $0x38;
	[tilespmem:$0x1F580] =	vst v63  }
0xfa: {  	_ =	swait.ge [sflag:s15], $0x800  }
0xfb: {  	[sflag:s15] =	ssyncset.done $0x0  }
0xfc: {  	[sflag:s15] =	ssyncadd.s32 $0xFFFFF800  }
0xfd: {  	[spmem:s13] =	stream.linear.scatter [tilespmem:s16], [sflag:$0x6], $0x800, $0x38;
	[tilespmem:$0x1F580] =	vst v63  }
0xfe: {  	_ =	swait.ge [sflag:s15], $0x800  }
0xff: {  	[sflag:s15] =	ssyncset.done $0x0  }
0x100: {  	[sflag:s15] =	ssyncadd.s32 $0xFFFFF800  }
0x101: {  	[spmem:s12] =	stream.linear.scatter [tilespmem:s28], [sflag:$0x6], $0x280, $0x38;
	[tilespmem:$0x1F580] =	vst v63  }
0x102: {  	_ =	swait.ge [sflag:s15], $0x280  }
0x103: {  	[sflag:s15] =	ssyncset.done $0x0  }
0x104: {  	[sflag:s15] =	ssyncadd.s32 $0xFFFFFD80  }
0x105: {  	[bflag:$0x0] =	sbarrier.arrive $0xFFFF  }
0x106: {  	s29 =	rddreg [dreg:$0xb]  }
0x107: {  	[tilespmem:s11], [sflag:$0x6] =	stream.linear.gather [hbm4b:s29+s11], $0x1400, $0x38;
	[tilespmem:$0x1F580] =	vst v63  }
0x108: {  	_ =	swait.ge [sflag:s15], $0x1400  }
0x109: {  	[sflag:s15] =	ssyncset.done $0x0  }
0x10a: {  	s31 =	simm.s32 $0x1400;
	s30 =	rddreg [dreg:$0xc];
	[sflag:s15] =	ssyncadd.s32 $0xFFFFEC00  }
0x10b: {  	[tilespmem:s31], [sflag:$0x6] =	stream.linear.gather [hbm4b:s30+s11], $0x1400, $0x38;
	[tilespmem:$0x1F580] =	vst v63  }
0x10c: {  	_ =	swait.ge [sflag:s15], $0x1400  }
0x10d: {  	[sflag:s15] =	ssyncset.done $0x0  }
0x10e: {  	[sflag:s15] =	ssyncadd.s32 $0xFFFFEC00  }
0x10f: {  	[tilespmem:s18], [sflag:$0x1] =	stream.indirect.gather [hbm4b:s0+s17], $0x80, s11, s17, $0xb8;
	[tilespmem:$0x1F580] =	vst v63  }
0x110: {  	_ = 	snop  }
0x111: {  	[tilespmem:s19], [sflag:$0x2] =	stream.indirect.gather [hbm4b:s0+s17], $0x80, s17, s17, $0xb8;
	[tilespmem:$0x1F580] =	vst v63  }
0x112: {  	_ =	swait.ge [sflag:s20], $0x4000  }
0x113: {  	[sflag:s20] =	ssyncset.done $0x0  }
0x114: {  	s29 =	simm.s32 $0x1400;
	[sflag:s20] =	ssyncadd.s32 $0xFFFFC000  }
0x115: {  	[spmem:s3] =	stream.indirect.scatter.add.f32 [tilespmem:s18], [sflag:$0x3], $0x80, s29, s17, $0xb8;
	[tilespmem:$0x1F580] =	vst v63  }
0x116: {  	_ = 	snop  }
0x117: {  	[spmem:s4] =	stream.indirect.scatter.add.f32 [tilespmem:s14], [sflag:$0x5], $0x1, s29, s17, $0xb8;
	[tilespmem:$0x1F580] =	vst v63  }
0x118: {  	_ =	swait.ge [sflag:s21], $0x4000  }
0x119: {  	[sflag:s21] =	ssyncset.done $0x0  }
0x11a: {  	s30 =	simm.s32 $0x100;
	[sflag:s21] =	ssyncadd.s32 $0xFFFFC000  }
0x11b: {  	[tilespmem:s18], [sflag:$0x1] =	stream.indirect.gather [hbm4b:s0+s17], $0x80, s30, s17, $0xb8;
	[tilespmem:$0x1F580] =	vst v63  }
0x11c: {  	_ =	swait.ge [sflag:s22], $0x4000  }
0x11d: {  	[sflag:s22] =	ssyncset.done $0x0  }
0x11e: {  	s31 =	simm.s32 $0x1480;
	[sflag:s22] =	ssyncadd.s32 $0xFFFFC000  }
0x11f: {  	[spmem:s3] =	stream.indirect.scatter.add.f32 [tilespmem:s19], [sflag:$0x4], $0x80, s31, s17, $0xb8;
	[tilespmem:$0x1F580] =	vst v63  }
0x120: {  	_ = 	snop  }
0x121: {  	[spmem:s4] =	stream.indirect.scatter.add.f32 [tilespmem:s14], [sflag:$0x5], $0x1, s31, s17, $0xb8;
	[tilespmem:$0x1F580] =	vst v63  }
0x122: {  	_ =	swait.ge [sflag:s23], $0x4000  }
0x123: {  	[sflag:s23] =	ssyncset.done $0x0  }
0x124: {  	s26 =	simm.s32 $0x180;
	s11 =	simm.s32 $0x400;
	[sflag:s23] =	ssyncadd.s32 $0xFFFFC000  }
.LBB2_2:
0x125: {  	[tilespmem:s19], [sflag:$0x2] =	stream.indirect.gather [hbm4b:s0+s17], $0x80, s26, s17, $0xb8;
	[tilespmem:$0x1F580] =	vst v63  }
0x126: {  	s26 =	smov.u32 s11  }
0x127: {  	p0 =	sne.s32 s11, $0x4800;
	s11 =	sadd.s32 $0x400, s11;
	_ =	swait.ge [sflag:s20], $0x4000  }
0x128: {  	s26 =	sshra.s32 s26, $0x2;
	[sflag:s20] =	ssyncset.done $0x0  }
0x129: {  	s28 =	sadd.s32 $0x1400, s26;
	[sflag:s20] =	ssyncadd.s32 $0xFFFFC000  }
0x12a: {  	[spmem:s3] =	stream.indirect.scatter.add.f32 [tilespmem:s18], [sflag:$0x3], $0x80, s28, s17, $0xb8;
	[tilespmem:$0x1F580] =	vst v63  }
0x12b: {  	_ = 	snop  }
0x12c: {  	[spmem:s4] =	stream.indirect.scatter.add.f32 [tilespmem:s14], [sflag:$0x5], $0x1, s28, s17, $0xb8;
	[tilespmem:$0x1F580] =	vst v63  }
0x12d: {  	_ =	swait.ge [sflag:s21], $0x4000  }
0x12e: {  	[sflag:s21] =	ssyncset.done $0x0  }
0x12f: {  	s28 =	sadd.s32 $0x100, s26;
	[sflag:s21] =	ssyncadd.s32 $0xFFFFC000  }
0x130: {  	[tilespmem:s18], [sflag:$0x1] =	stream.indirect.gather [hbm4b:s0+s17], $0x80, s28, s17, $0xb8;
	[tilespmem:$0x1F580] =	vst v63  }
0x131: {  	_ =	swait.ge [sflag:s22], $0x4000  }
0x132: {  	[sflag:s22] =	ssyncset.done $0x0  }
0x133: {  	s28 =	sadd.s32 $0x1480, s26;
	[sflag:s22] =	ssyncadd.s32 $0xFFFFC000  }
0x134: {  	[spmem:s3] =	stream.indirect.scatter.add.f32 [tilespmem:s19], [sflag:$0x4], $0x80, s28, s17, $0xb8;
	[tilespmem:$0x1F580] =	vst v63  }
.Ltmp0:
0x135: {  	(pc) =	sbr.rel @p0 .LBB2_2-.Ltmp0, $4  }
0x136: {  	[spmem:s4] =	stream.indirect.scatter.add.f32 [tilespmem:s14], [sflag:$0x5], $0x1, s28, s17, $0xb8;
	[tilespmem:$0x1F580] =	vst v63  }
0x137: {  	_ =	swait.ge [sflag:s23], $0x4000  }
0x138: {  	[sflag:s23] =	ssyncset.done $0x0  }
0x139: {  	s26 =	sadd.s32 $0x180, s26;
	[sflag:s23] =	ssyncadd.s32 $0xFFFFC000  }
0x13a: {  	[tilespmem:s19], [sflag:$0x2] =	stream.indirect.gather [hbm4b:s0+s17], $0x80, s26, s17, $0xb8;
	[tilespmem:$0x1F580] =	vst v63  }
0x13b: {  	_ =	swait.ge [sflag:s20], $0x4000  }
0x13c: {  	[sflag:s20] =	ssyncset.done $0x0  }
0x13d: {  	[sflag:s20] =	ssyncadd.s32 $0xFFFFC000  }
0x13e: {  	[spmem:s3] =	stream.indirect.scatter.add.f32 [tilespmem:s18], [sflag:$0x3], $0x80, s24, s17, $0xb8;
	[tilespmem:$0x1F580] =	vst v63  }
0x13f: {  	_ = 	snop  }
0x140: {  	[spmem:s4] =	stream.indirect.scatter.add.f32 [tilespmem:s14], [sflag:$0x5], $0x1, s24, s17, $0xb8;
	[tilespmem:$0x1F580] =	vst v63  }
0x141: {  	_ =	swait.ge [sflag:s22], $0x4000  }
0x142: {  	[sflag:s22] =	ssyncset.done $0x0  }
0x143: {  	[sflag:s22] =	ssyncadd.s32 $0xFFFFC000  }
0x144: {  	[spmem:s3] =	stream.indirect.scatter.add.f32 [tilespmem:s19], [sflag:$0x4], $0x80, s25, s17, $0xb8;
	[tilespmem:$0x1F580] =	vst v63  }
0x145: {  	_ = 	snop  }
0x146: {  	[spmem:s4] =	stream.indirect.scatter.add.f32 [tilespmem:s14], [sflag:$0x5], $0x1, s25, s17, $0xb8;
	[tilespmem:$0x1F580] =	vst v63  }
0x147: {  	_ =	swait.ge [sflag:s21], $0x4000  }
0x148: {  	[sflag:s21] =	ssyncset.done $0x0  }
0x149: {  	[sflag:s21] =	ssyncadd.s32 $0xFFFFC000  }
0x14a: {  	_ =	swait.ge [sflag:s23], $0x4000  }
0x14b: {  	[sflag:s23] =	ssyncset.done $0x0  }
0x14c: {  	[sflag:s23] =	ssyncadd.s32 $0xFFFFC000  }
0x14d: {  	_ =	swait.ge [sflag:s5], $0x80  }
0x14e: {  	s11 =	simm.s32 $0x27;
	[sflag:s5] =	ssyncset.done $0x0  }
.LBB2_4:
0x14f: {  	p0 =	sne.s32 s11, $0x1;
	s11 =	sadd.s32 $0xFFFFFFFF, s11;
	[sflag:s5] =	ssyncadd.s32 $0xFFFFFF80  }
.Ltmp1:
0x150: {  	(pc) =	sbr.rel @p0 .LBB2_4-.Ltmp1, $3  }
0x151: {  	_ =	sdelay $0x1  }
0x152: {  	_ =	swait.ge [sflag:s5], $0x80  }
0x153: {  	[sflag:s5] =	ssyncset.done $0x0  }
0x154: {  	[sflag:s5] =	ssyncadd.s32 $0xFFFFFF80;
	s11 =	stileid.u32  }
0x155: {  	s11 =	sshll.u32 s11, $0x6;
	[bflag:$0x0] =	sbarrier.arrive $0xFFFF  }
0x156: {  	s26 =	sshrl.u32 s9, $0x3;
	s11 =	sor.u32 $0x1C06, s11;
	s28 =	rddreg [dreg:$0xd]  }
0x157: {  	[hbm:s28], [sflag:s11] =	dma.local [spmem:s26], $0x2800  }
0x158: {  	_ =	swait.ge [sflag:s15], $0x2800  }
0x159: {  	s30 =	simm.s32 $0x20;
	s31 =	simm.s32 $0x10;
	[sflag:s15] =	ssyncset.done $0x0  }
0x15a: {  	s28 =	sshrl.u32 s12, $0x3;
	s29 =	rddreg [dreg:$0x12];
	[sflag:s15] =	ssyncadd.s32 $0xFFFFD800  }
0x15b: {  	[hbm:s29@s30], [sflag:s11] =	dma.strided [spmem:s28@s31], $0x50, s20, $0x10   }
0x15c: {  	_ =	swait.ge [sflag:s15], $0x50  }
0x15d: {  	[sflag:s15] =	ssyncset.done $0x0  }
0x15e: {  	[sflag:s15] =	ssyncadd.s32 $0xFFFFFFB0  }
0x15f: {  	[spmem:s9] =	stream.linear.scatter [tilespmem:s16], [sflag:$0x6], $0x800, $0x38;
	[tilespmem:$0x1F580] =	vst v63  }
0x160: {  	_ =	swait.ge [sflag:s15], $0x800  }
0x161: {  	[sflag:s15] =	ssyncset.done $0x0  }
0x162: {  	s29 =	rddreg [dreg:$0x9];
	[sflag:s15] =	ssyncadd.s32 $0xFFFFF800  }
0x163: {  	[spmem:s29] =	stream.linear.scatter [tilespmem:s16], [sflag:$0x6], $0x800, $0x38;
	[tilespmem:$0x1F580] =	vst v63  }
0x164: {  	_ =	swait.ge [sflag:s15], $0x800  }
0x165: {  	[sflag:s15] =	ssyncset.done $0x0  }
0x166: {  	s29 =	rddreg [dreg:$0xa];
	[sflag:s15] =	ssyncadd.s32 $0xFFFFF800  }
0x167: {  	[spmem:s29] =	stream.linear.scatter [tilespmem:s16], [sflag:$0x6], $0x800, $0x38;
	[tilespmem:$0x1F580] =	vst v63  }
0x168: {  	_ =	swait.ge [sflag:s15], $0x800  }
0x169: {  	[sflag:s15] =	ssyncset.done $0x0  }
0x16a: {  	s29 =	rddreg [dreg:$0x18];
	[sflag:s15] =	ssyncadd.s32 $0xFFFFF800  }
0x16b: {  	[spmem:s29] =	stream.linear.scatter [tilespmem:s16], [sflag:$0x6], $0x800, $0x38;
	[tilespmem:$0x1F580] =	vst v63  }
0x16c: {  	_ =	swait.ge [sflag:s15], $0x800  }
0x16d: {  	[sflag:s15] =	ssyncset.done $0x0  }
0x16e: {  	s29 =	rddreg [dreg:$0x19];
	[sflag:s15] =	ssyncadd.s32 $0xFFFFF800  }
0x16f: {  	[spmem:s29] =	stream.linear.scatter [tilespmem:s16], [sflag:$0x6], $0x800, $0x38;
	[tilespmem:$0x1F580] =	vst v63  }
0x170: {  	_ =	swait.ge [sflag:s15], $0x800  }
0x171: {  	[sflag:s15] =	ssyncset.done $0x0  }
0x172: {  	s29 =	rddreg [dreg:$0x1a];
	[sflag:s15] =	ssyncadd.s32 $0xFFFFF800  }
0x173: {  	[spmem:s29] =	stream.linear.scatter [tilespmem:s16], [sflag:$0x6], $0x800, $0x38;
	[tilespmem:$0x1F580] =	vst v63  }
0x174: {  	_ =	swait.ge [sflag:s15], $0x800  }
0x175: {  	[sflag:s15] =	ssyncset.done $0x0  }
0x176: {  	s29 =	rddreg [dreg:$0x1b];
	[sflag:s15] =	ssyncadd.s32 $0xFFFFF800  }
0x177: {  	[spmem:s29] =	stream.linear.scatter [tilespmem:s16], [sflag:$0x6], $0x800, $0x38;
	[tilespmem:$0x1F580] =	vst v63  }
0x178: {  	_ =	swait.ge [sflag:s15], $0x800  }
0x179: {  	[sflag:s15] =	ssyncset.done $0x0  }
0x17a: {  	s29 =	rddreg [dreg:$0x1c];
	[sflag:s15] =	ssyncadd.s32 $0xFFFFF800  }
0x17b: {  	[spmem:s29] =	stream.linear.scatter [tilespmem:s16], [sflag:$0x6], $0x800, $0x38;
	[tilespmem:$0x1F580] =	vst v63  }
0x17c: {  	_ =	swait.ge [sflag:s15], $0x800  }
0x17d: {  	[sflag:s15] =	ssyncset.done $0x0  }
0x17e: {  	s29 =	rddreg [dreg:$0x1d];
	[sflag:s15] =	ssyncadd.s32 $0xFFFFF800  }
0x17f: {  	[spmem:s29] =	stream.linear.scatter [tilespmem:s16], [sflag:$0x6], $0x800, $0x38;
	[tilespmem:$0x1F580] =	vst v63  }
0x180: {  	_ =	swait.ge [sflag:s15], $0x800  }
0x181: {  	[sflag:s15] =	ssyncset.done $0x0  }
0x182: {  	s29 =	rddreg [dreg:$0x1e];
	[sflag:s15] =	ssyncadd.s32 $0xFFFFF800  }
0x183: {  	[spmem:s29] =	stream.linear.scatter [tilespmem:s16], [sflag:$0x6], $0x800, $0x38;
	[tilespmem:$0x1F580] =	vst v63  }
0x184: {  	_ =	swait.ge [sflag:s15], $0x800  }
0x185: {  	[sflag:s15] =	ssyncset.done $0x0  }
0x186: {  	s29 =	rddreg [dreg:$0x1f];
	[sflag:s15] =	ssyncadd.s32 $0xFFFFF800  }
0x187: {  	[spmem:s29] =	stream.linear.scatter [tilespmem:s16], [sflag:$0x6], $0x800, $0x38;
	[tilespmem:$0x1F580] =	vst v63  }
0x188: {  	_ =	swait.ge [sflag:s15], $0x800  }
0x189: {  	s29 =	sld [smem:$0x7E7]  }
0x18a: {  	[sflag:s15] =	ssyncset.done $0x0  }
0x18b: {  	[sflag:s15] =	ssyncadd.s32 $0xFFFFF800  }
0x18c: {  	[spmem:s29] =	stream.linear.scatter [tilespmem:s16], [sflag:$0x6], $0x800, $0x38;
	[tilespmem:$0x1F580] =	vst v63  }
0x18d: {  	_ =	swait.ge [sflag:s15], $0x800  }
0x18e: {  	s29 =	sld [smem:$0x7E8]  }
0x18f: {  	[sflag:s15] =	ssyncset.done $0x0  }
0x190: {  	[sflag:s15] =	ssyncadd.s32 $0xFFFFF800  }
0x191: {  	[spmem:s29] =	stream.linear.scatter [tilespmem:s16], [sflag:$0x6], $0x800, $0x38;
	[tilespmem:$0x1F580] =	vst v63  }
0x192: {  	_ =	swait.ge [sflag:s15], $0x800  }
0x193: {  	s29 =	sld [smem:$0x7E9]  }
0x194: {  	[sflag:s15] =	ssyncset.done $0x0  }
0x195: {  	[sflag:s15] =	ssyncadd.s32 $0xFFFFF800  }
0x196: {  	[spmem:s29] =	stream.linear.scatter [tilespmem:s16], [sflag:$0x6], $0x800, $0x38;
	[tilespmem:$0x1F580] =	vst v63  }
0x197: {  	_ =	swait.ge [sflag:s15], $0x800  }
0x198: {  	s29 =	sld [smem:$0x7EA]  }
0x199: {  	[sflag:s15] =	ssyncset.done $0x0  }
0x19a: {  	[sflag:s15] =	ssyncadd.s32 $0xFFFFF800  }
0x19b: {  	[spmem:s29] =	stream.linear.scatter [tilespmem:s16], [sflag:$0x6], $0x800, $0x38;
	[tilespmem:$0x1F580] =	vst v63  }
0x19c: {  	_ =	swait.ge [sflag:s15], $0x800  }
0x19d: {  	s29 =	sld [smem:$0x7EB]  }
0x19e: {  	[sflag:s15] =	ssyncset.done $0x0  }
0x19f: {  	[sflag:s15] =	ssyncadd.s32 $0xFFFFF800  }
0x1a0: {  	[spmem:s29] =	stream.linear.scatter [tilespmem:s16], [sflag:$0x6], $0x800, $0x38;
	[tilespmem:$0x1F580] =	vst v63  }
0x1a1: {  	_ =	swait.ge [sflag:s15], $0x800  }
0x1a2: {  	s29 =	sld [smem:$0x7EC]  }
0x1a3: {  	[sflag:s15] =	ssyncset.done $0x0  }
0x1a4: {  	[sflag:s15] =	ssyncadd.s32 $0xFFFFF800  }
0x1a5: {  	[spmem:s29] =	stream.linear.scatter [tilespmem:s16], [sflag:$0x6], $0x800, $0x38;
	[tilespmem:$0x1F580] =	vst v63  }
0x1a6: {  	_ =	swait.ge [sflag:s15], $0x800  }
0x1a7: {  	s29 =	sld [smem:$0x7ED]  }
0x1a8: {  	[sflag:s15] =	ssyncset.done $0x0  }
0x1a9: {  	[sflag:s15] =	ssyncadd.s32 $0xFFFFF800  }
0x1aa: {  	[spmem:s29] =	stream.linear.scatter [tilespmem:s16], [sflag:$0x6], $0x800, $0x38;
	[tilespmem:$0x1F580] =	vst v63  }
0x1ab: {  	_ =	swait.ge [sflag:s15], $0x800  }
0x1ac: {  	s29 =	sld [smem:$0x7EE]  }
0x1ad: {  	[sflag:s15] =	ssyncset.done $0x0  }
0x1ae: {  	[sflag:s15] =	ssyncadd.s32 $0xFFFFF800  }
0x1af: {  	[spmem:s29] =	stream.linear.scatter [tilespmem:s16], [sflag:$0x6], $0x800, $0x38;
	[tilespmem:$0x1F580] =	vst v63  }
0x1b0: {  	_ =	swait.ge [sflag:s15], $0x800  }
0x1b1: {  	s29 =	sld [smem:$0x7EF]  }
0x1b2: {  	[sflag:s15] =	ssyncset.done $0x0  }
0x1b3: {  	[sflag:s15] =	ssyncadd.s32 $0xFFFFF800  }
0x1b4: {  	[spmem:s29] =	stream.linear.scatter [tilespmem:s16], [sflag:$0x6], $0x800, $0x38;
	[tilespmem:$0x1F580] =	vst v63  }
0x1b5: {  	_ =	swait.ge [sflag:s15], $0x800  }
0x1b6: {  	s29 =	sld [smem:$0x7F0]  }
0x1b7: {  	[sflag:s15] =	ssyncset.done $0x0  }
0x1b8: {  	[sflag:s15] =	ssyncadd.s32 $0xFFFFF800  }
0x1b9: {  	[spmem:s29] =	stream.linear.scatter [tilespmem:s16], [sflag:$0x6], $0x800, $0x38;
	[tilespmem:$0x1F580] =	vst v63  }
0x1ba: {  	_ =	swait.ge [sflag:s15], $0x800  }
0x1bb: {  	s29 =	sld [smem:$0x7F1]  }
0x1bc: {  	[sflag:s15] =	ssyncset.done $0x0  }
0x1bd: {  	[sflag:s15] =	ssyncadd.s32 $0xFFFFF800  }
0x1be: {  	[spmem:s29] =	stream.linear.scatter [tilespmem:s16], [sflag:$0x6], $0x800, $0x38;
	[tilespmem:$0x1F580] =	vst v63  }
0x1bf: {  	_ =	swait.ge [sflag:s15], $0x800  }
0x1c0: {  	s29 =	sld [smem:$0x7F2]  }
0x1c1: {  	[sflag:s15] =	ssyncset.done $0x0  }
0x1c2: {  	[sflag:s15] =	ssyncadd.s32 $0xFFFFF800  }
0x1c3: {  	[spmem:s29] =	stream.linear.scatter [tilespmem:s16], [sflag:$0x6], $0x800, $0x38;
	[tilespmem:$0x1F580] =	vst v63  }
0x1c4: {  	_ =	swait.ge [sflag:s15], $0x800  }
0x1c5: {  	s29 =	sld [smem:$0x7F3]  }
0x1c6: {  	[sflag:s15] =	ssyncset.done $0x0  }
0x1c7: {  	[sflag:s15] =	ssyncadd.s32 $0xFFFFF800  }
0x1c8: {  	[spmem:s29] =	stream.linear.scatter [tilespmem:s16], [sflag:$0x6], $0x800, $0x38;
	[tilespmem:$0x1F580] =	vst v63  }
0x1c9: {  	_ =	swait.ge [sflag:s15], $0x800  }
0x1ca: {  	s29 =	sld [smem:$0x7F4]  }
0x1cb: {  	[sflag:s15] =	ssyncset.done $0x0  }
0x1cc: {  	[sflag:s15] =	ssyncadd.s32 $0xFFFFF800  }
0x1cd: {  	[spmem:s29] =	stream.linear.scatter [tilespmem:s16], [sflag:$0x6], $0x800, $0x38;
	[tilespmem:$0x1F580] =	vst v63  }
0x1ce: {  	_ =	swait.ge [sflag:s15], $0x800  }
0x1cf: {  	s29 =	sld [smem:$0x7F5]  }
0x1d0: {  	[sflag:s15] =	ssyncset.done $0x0  }
0x1d1: {  	[sflag:s15] =	ssyncadd.s32 $0xFFFFF800  }
0x1d2: {  	[spmem:s29] =	stream.linear.scatter [tilespmem:s16], [sflag:$0x6], $0x800, $0x38;
	[tilespmem:$0x1F580] =	vst v63  }
0x1d3: {  	_ =	swait.ge [sflag:s15], $0x800  }
0x1d4: {  	s29 =	sld [smem:$0x7F6]  }
0x1d5: {  	[sflag:s15] =	ssyncset.done $0x0  }
0x1d6: {  	[sflag:s15] =	ssyncadd.s32 $0xFFFFF800  }
0x1d7: {  	[spmem:s29] =	stream.linear.scatter [tilespmem:s16], [sflag:$0x6], $0x800, $0x38;
	[tilespmem:$0x1F580] =	vst v63  }
0x1d8: {  	_ =	swait.ge [sflag:s15], $0x800  }
0x1d9: {  	s29 =	sld [smem:$0x7F7]  }
0x1da: {  	[sflag:s15] =	ssyncset.done $0x0  }
0x1db: {  	[sflag:s15] =	ssyncadd.s32 $0xFFFFF800  }
0x1dc: {  	[spmem:s29] =	stream.linear.scatter [tilespmem:s16], [sflag:$0x6], $0x800, $0x38;
	[tilespmem:$0x1F580] =	vst v63  }
0x1dd: {  	_ =	swait.ge [sflag:s15], $0x800  }
0x1de: {  	s29 =	sld [smem:$0x7F8]  }
0x1df: {  	[sflag:s15] =	ssyncset.done $0x0  }
0x1e0: {  	[sflag:s15] =	ssyncadd.s32 $0xFFFFF800  }
0x1e1: {  	[spmem:s29] =	stream.linear.scatter [tilespmem:s16], [sflag:$0x6], $0x800, $0x38;
	[tilespmem:$0x1F580] =	vst v63  }
0x1e2: {  	_ =	swait.ge [sflag:s15], $0x800  }
0x1e3: {  	s29 =	sld [smem:$0x7F9]  }
0x1e4: {  	[sflag:s15] =	ssyncset.done $0x0  }
0x1e5: {  	[sflag:s15] =	ssyncadd.s32 $0xFFFFF800  }
0x1e6: {  	[spmem:s29] =	stream.linear.scatter [tilespmem:s16], [sflag:$0x6], $0x800, $0x38;
	[tilespmem:$0x1F580] =	vst v63  }
0x1e7: {  	_ =	swait.ge [sflag:s15], $0x800  }
0x1e8: {  	s29 =	sld [smem:$0x7FA]  }
0x1e9: {  	[sflag:s15] =	ssyncset.done $0x0  }
0x1ea: {  	[sflag:s15] =	ssyncadd.s32 $0xFFFFF800  }
0x1eb: {  	[spmem:s29] =	stream.linear.scatter [tilespmem:s16], [sflag:$0x6], $0x800, $0x38;
	[tilespmem:$0x1F580] =	vst v63  }
0x1ec: {  	_ =	swait.ge [sflag:s15], $0x800  }
0x1ed: {  	s29 =	sld [smem:$0x7FB]  }
0x1ee: {  	[sflag:s15] =	ssyncset.done $0x0  }
0x1ef: {  	[sflag:s15] =	ssyncadd.s32 $0xFFFFF800  }
0x1f0: {  	[spmem:s29] =	stream.linear.scatter [tilespmem:s16], [sflag:$0x6], $0x800, $0x38;
	[tilespmem:$0x1F580] =	vst v63  }
0x1f1: {  	_ =	swait.ge [sflag:s15], $0x800  }
0x1f2: {  	s29 =	sld [smem:$0x7FC]  }
0x1f3: {  	[sflag:s15] =	ssyncset.done $0x0  }
0x1f4: {  	[sflag:s15] =	ssyncadd.s32 $0xFFFFF800  }
0x1f5: {  	[spmem:s29] =	stream.linear.scatter [tilespmem:s16], [sflag:$0x6], $0x800, $0x38;
	[tilespmem:$0x1F580] =	vst v63  }
0x1f6: {  	_ =	swait.ge [sflag:s15], $0x800  }
0x1f7: {  	s29 =	sld [smem:$0x7FD]  }
0x1f8: {  	[sflag:s15] =	ssyncset.done $0x0  }
0x1f9: {  	[sflag:s15] =	ssyncadd.s32 $0xFFFFF800  }
0x1fa: {  	[spmem:s29] =	stream.linear.scatter [tilespmem:s16], [sflag:$0x6], $0x800, $0x38;
	[tilespmem:$0x1F580] =	vst v63  }
0x1fb: {  	_ =	swait.ge [sflag:s15], $0x800  }
0x1fc: {  	[sflag:s15] =	ssyncset.done $0x0  }
0x1fd: {  	[sflag:s15] =	ssyncadd.s32 $0xFFFFF800  }
0x1fe: {  	[spmem:s1] =	stream.linear.scatter [tilespmem:s16], [sflag:$0x6], $0x800, $0x38;
	[tilespmem:$0x1F580] =	vst v63  }
0x1ff: {  	_ =	swait.ge [sflag:s15], $0x800  }
0x200: {  	[sflag:s15] =	ssyncset.done $0x0  }
0x201: {  	[sflag:s15] =	ssyncadd.s32 $0xFFFFF800  }
0x202: {  	[spmem:s2] =	stream.linear.scatter [tilespmem:s16], [sflag:$0x6], $0x800, $0x38;
	[tilespmem:$0x1F580] =	vst v63  }
0x203: {  	_ =	swait.ge [sflag:s15], $0x800  }
0x204: {  	[sflag:s15] =	ssyncset.done $0x0  }
0x205: {  	[sflag:s15] =	ssyncadd.s32 $0xFFFFF800  }
0x206: {  	[spmem:s6] =	stream.linear.scatter [tilespmem:s16], [sflag:$0x6], $0x800, $0x38;
	[tilespmem:$0x1F580] =	vst v63  }
0x207: {  	_ =	swait.ge [sflag:s15], $0x800  }
0x208: {  	[sflag:s15] =	ssyncset.done $0x0  }
0x209: {  	[sflag:s15] =	ssyncadd.s32 $0xFFFFF800  }
0x20a: {  	[spmem:s7] =	stream.linear.scatter [tilespmem:s16], [sflag:$0x6], $0x800, $0x38;
	[tilespmem:$0x1F580] =	vst v63  }
0x20b: {  	_ =	swait.ge [sflag:s15], $0x800  }
0x20c: {  	[sflag:s15] =	ssyncset.done $0x0  }
0x20d: {  	[sflag:s15] =	ssyncadd.s32 $0xFFFFF800  }
0x20e: {  	[spmem:s8] =	stream.linear.scatter [tilespmem:s16], [sflag:$0x6], $0x800, $0x38;
	[tilespmem:$0x1F580] =	vst v63  }
0x20f: {  	_ =	swait.ge [sflag:s15], $0x800  }
0x210: {  	[sflag:s15] =	ssyncset.done $0x0  }
0x211: {  	[sflag:s15] =	ssyncadd.s32 $0xFFFFF800  }
0x212: {  	[spmem:s13] =	stream.linear.scatter [tilespmem:s16], [sflag:$0x6], $0x800, $0x38;
	[tilespmem:$0x1F580] =	vst v63  }
0x213: {  	_ =	swait.ge [sflag:s15], $0x800  }
0x214: {  	[sflag:s15] =	ssyncset.done $0x0  }
0x215: {  	s29 =	simm.s32 $0xB080;
	[sflag:s15] =	ssyncadd.s32 $0xFFFFF800  }
0x216: {  	[spmem:s12] =	stream.linear.scatter [tilespmem:s29], [sflag:$0x6], $0x280, $0x38;
	[tilespmem:$0x1F580] =	vst v63  }
0x217: {  	_ =	swait.ge [sflag:s15], $0x280  }
0x218: {  	[sflag:s15] =	ssyncset.done $0x0  }
0x219: {  	[sflag:s15] =	ssyncadd.s32 $0xFFFFFD80  }
0x21a: {  	[bflag:$0x0] =	sbarrier.arrive $0xFFFF  }
0x21b: {  	s29 =	simm.s32 $0x0;
	s30 =	rddreg [dreg:$0xe]  }
0x21c: {  	[tilespmem:s29], [sflag:$0x6] =	stream.linear.gather [hbm4b:s30+s29], $0x1400, $0x38;
	[tilespmem:$0x1F580] =	vst v63  }
0x21d: {  	_ =	swait.ge [sflag:s15], $0x1400  }
0x21e: {  	[sflag:s15] =	ssyncset.done $0x0  }
0x21f: {  	s31 =	simm.s32 $0x1400;
	s30 =	rddreg [dreg:$0xf];
	[sflag:s15] =	ssyncadd.s32 $0xFFFFEC00  }
0x220: {  	[tilespmem:s31], [sflag:$0x6] =	stream.linear.gather [hbm4b:s30+s29], $0x1400, $0x38;
	[tilespmem:$0x1F580] =	vst v63  }
0x221: {  	_ =	swait.ge [sflag:s15], $0x1400  }
0x222: {  	[sflag:s15] =	ssyncset.done $0x0  }
0x223: {  	[sflag:s15] =	ssyncadd.s32 $0xFFFFEC00  }
0x224: {  	[tilespmem:s18], [sflag:$0x1] =	stream.indirect.gather [hbm4b:s0+s17], $0x80, s29, s17, $0xb8;
	[tilespmem:$0x1F580] =	vst v63  }
0x225: {  	_ = 	snop  }
0x226: {  	[tilespmem:s19], [sflag:$0x2] =	stream.indirect.gather [hbm4b:s0+s17], $0x80, s17, s17, $0xb8;
	[tilespmem:$0x1F580] =	vst v63  }
0x227: {  	_ =	swait.ge [sflag:s20], $0x4000  }
0x228: {  	[sflag:s20] =	ssyncset.done $0x0  }
0x229: {  	s29 =	simm.s32 $0x1400;
	[sflag:s20] =	ssyncadd.s32 $0xFFFFC000  }
0x22a: {  	[spmem:s3] =	stream.indirect.scatter.add.f32 [tilespmem:s18], [sflag:$0x3], $0x80, s29, s17, $0xb8;
	[tilespmem:$0x1F580] =	vst v63  }
0x22b: {  	_ = 	snop  }
0x22c: {  	[spmem:s4] =	stream.indirect.scatter.add.f32 [tilespmem:s14], [sflag:$0x5], $0x1, s29, s17, $0xb8;
	[tilespmem:$0x1F580] =	vst v63  }
0x22d: {  	_ =	swait.ge [sflag:s21], $0x4000  }
0x22e: {  	[sflag:s21] =	ssyncset.done $0x0  }
0x22f: {  	s29 =	simm.s32 $0x100;
	[sflag:s21] =	ssyncadd.s32 $0xFFFFC000  }
0x230: {  	[tilespmem:s18], [sflag:$0x1] =	stream.indirect.gather [hbm4b:s0+s17], $0x80, s29, s17, $0xb8;
	[tilespmem:$0x1F580] =	vst v63  }
0x231: {  	_ =	swait.ge [sflag:s22], $0x4000  }
0x232: {  	[sflag:s22] =	ssyncset.done $0x0  }
0x233: {  	s29 =	simm.s32 $0x1480;
	[sflag:s22] =	ssyncadd.s32 $0xFFFFC000  }
0x234: {  	[spmem:s3] =	stream.indirect.scatter.add.f32 [tilespmem:s19], [sflag:$0x4], $0x80, s29, s17, $0xb8;
	[tilespmem:$0x1F580] =	vst v63  }
0x235: {  	_ = 	snop  }
0x236: {  	[spmem:s4] =	stream.indirect.scatter.add.f32 [tilespmem:s14], [sflag:$0x5], $0x1, s29, s17, $0xb8;
	[tilespmem:$0x1F580] =	vst v63  }
0x237: {  	_ =	swait.ge [sflag:s23], $0x4000  }
0x238: {  	[sflag:s23] =	ssyncset.done $0x0  }
0x239: {  	s30 =	simm.s32 $0x180;
	s29 =	simm.s32 $0x400;
	[sflag:s23] =	ssyncadd.s32 $0xFFFFC000  }
.LBB2_6:
0x23a: {  	[tilespmem:s19], [sflag:$0x2] =	stream.indirect.gather [hbm4b:s0+s17], $0x80, s30, s17, $0xb8;
	[tilespmem:$0x1F580] =	vst v63  }
0x23b: {  	s30 =	smov.u32 s29  }
0x23c: {  	p0 =	sne.s32 s29, $0x4800;
	s29 =	sadd.s32 $0x400, s29;
	_ =	swait.ge [sflag:s20], $0x4000  }
0x23d: {  	s30 =	sshra.s32 s30, $0x2;
	[sflag:s20] =	ssyncset.done $0x0  }
0x23e: {  	s31 =	sadd.s32 $0x1400, s30;
	[sflag:s20] =	ssyncadd.s32 $0xFFFFC000  }
0x23f: {  	[spmem:s3] =	stream.indirect.scatter.add.f32 [tilespmem:s18], [sflag:$0x3], $0x80, s31, s17, $0xb8;
	[tilespmem:$0x1F580] =	vst v63  }
0x240: {  	_ = 	snop  }
0x241: {  	[spmem:s4] =	stream.indirect.scatter.add.f32 [tilespmem:s14], [sflag:$0x5], $0x1, s31, s17, $0xb8;
	[tilespmem:$0x1F580] =	vst v63  }
0x242: {  	_ =	swait.ge [sflag:s21], $0x4000  }
0x243: {  	[sflag:s21] =	ssyncset.done $0x0  }
0x244: {  	s31 =	sadd.s32 $0x100, s30;
	[sflag:s21] =	ssyncadd.s32 $0xFFFFC000  }
0x245: {  	[tilespmem:s18], [sflag:$0x1] =	stream.indirect.gather [hbm4b:s0+s17], $0x80, s31, s17, $0xb8;
	[tilespmem:$0x1F580] =	vst v63  }
0x246: {  	_ =	swait.ge [sflag:s22], $0x4000  }
0x247: {  	[sflag:s22] =	ssyncset.done $0x0  }
0x248: {  	s31 =	sadd.s32 $0x1480, s30;
	[sflag:s22] =	ssyncadd.s32 $0xFFFFC000  }
0x249: {  	[spmem:s3] =	stream.indirect.scatter.add.f32 [tilespmem:s19], [sflag:$0x4], $0x80, s31, s17, $0xb8;
	[tilespmem:$0x1F580] =	vst v63  }
.Ltmp2:
0x24a: {  	(pc) =	sbr.rel @p0 .LBB2_6-.Ltmp2, $4  }
0x24b: {  	[spmem:s4] =	stream.indirect.scatter.add.f32 [tilespmem:s14], [sflag:$0x5], $0x1, s31, s17, $0xb8;
	[tilespmem:$0x1F580] =	vst v63  }
0x24c: {  	_ =	swait.ge [sflag:s23], $0x4000  }
0x24d: {  	[sflag:s23] =	ssyncset.done $0x0  }
0x24e: {  	s30 =	sadd.s32 $0x180, s30;
	[sflag:s23] =	ssyncadd.s32 $0xFFFFC000  }
0x24f: {  	[tilespmem:s19], [sflag:$0x2] =	stream.indirect.gather [hbm4b:s0+s17], $0x80, s30, s17, $0xb8;
	[tilespmem:$0x1F580] =	vst v63  }
0x250: {  	_ =	swait.ge [sflag:s20], $0x4000  }
0x251: {  	[sflag:s20] =	ssyncset.done $0x0  }
0x252: {  	[sflag:s20] =	ssyncadd.s32 $0xFFFFC000  }
0x253: {  	[spmem:s3] =	stream.indirect.scatter.add.f32 [tilespmem:s18], [sflag:$0x3], $0x80, s24, s17, $0xb8;
	[tilespmem:$0x1F580] =	vst v63  }
0x254: {  	_ = 	snop  }
0x255: {  	[spmem:s4] =	stream.indirect.scatter.add.f32 [tilespmem:s14], [sflag:$0x5], $0x1, s24, s17, $0xb8;
	[tilespmem:$0x1F580] =	vst v63  }
0x256: {  	_ =	swait.ge [sflag:s22], $0x4000  }
0x257: {  	[sflag:s22] =	ssyncset.done $0x0  }
0x258: {  	[sflag:s22] =	ssyncadd.s32 $0xFFFFC000  }
0x259: {  	[spmem:s3] =	stream.indirect.scatter.add.f32 [tilespmem:s19], [sflag:$0x4], $0x80, s25, s17, $0xb8;
	[tilespmem:$0x1F580] =	vst v63  }
0x25a: {  	_ = 	snop  }
0x25b: {  	[spmem:s4] =	stream.indirect.scatter.add.f32 [tilespmem:s14], [sflag:$0x5], $0x1, s25, s17, $0xb8;
	[tilespmem:$0x1F580] =	vst v63  }
0x25c: {  	_ =	swait.ge [sflag:s21], $0x4000  }
0x25d: {  	[sflag:s21] =	ssyncset.done $0x0  }
0x25e: {  	[sflag:s21] =	ssyncadd.s32 $0xFFFFC000  }
0x25f: {  	_ =	swait.ge [sflag:s23], $0x4000  }
0x260: {  	[sflag:s23] =	ssyncset.done $0x0  }
0x261: {  	[sflag:s23] =	ssyncadd.s32 $0xFFFFC000  }
0x262: {  	_ =	swait.ge [sflag:s5], $0x80  }
0x263: {  	s29 =	simm.s32 $0x27;
	[sflag:s5] =	ssyncset.done $0x0  }
.LBB2_8:
0x264: {  	p0 =	sne.s32 s29, $0x1;
	s29 =	sadd.s32 $0xFFFFFFFF, s29;
	[sflag:s5] =	ssyncadd.s32 $0xFFFFFF80  }
.Ltmp3:
0x265: {  	(pc) =	sbr.rel @p0 .LBB2_8-.Ltmp3, $3  }
0x266: {  	_ =	sdelay $0x1  }
0x267: {  	_ =	swait.ge [sflag:s5], $0x80  }
0x268: {  	[sflag:s5] =	ssyncset.done $0x0  }
0x269: {  	[sflag:s5] =	ssyncadd.s32 $0xFFFFFF80  }
0x26a: {  	[bflag:$0x0] =	sbarrier.arrive $0xFFFF  }
0x26b: {  	s29 =	rddreg [dreg:$0x15]  }
0x26c: {  	[hbm:s29], [sflag:s11] =	dma.local [spmem:s26], $0x2800  }
0x26d: {  	_ =	swait.ge [sflag:s15], $0x2800  }
0x26e: {  	s30 =	simm.s32 $0x20;
	[sflag:s15] =	ssyncset.done $0x0  }
0x26f: {  	s31 =	simm.s32 $0x10;
	s29 =	rddreg [dreg:$0x13];
	[sflag:s15] =	ssyncadd.s32 $0xFFFFD800  }
0x270: {  	[hbm:s29@s30], [sflag:s11] =	dma.strided [spmem:s28@s31], $0x50, s20, $0x10   }
0x271: {  	_ =	swait.ge [sflag:s15], $0x50  }
0x272: {  	[sflag:s15] =	ssyncset.done $0x0  }
0x273: {  	[sflag:s15] =	ssyncadd.s32 $0xFFFFFFB0  }
0x274: {  	[spmem:s9] =	stream.linear.scatter [tilespmem:s16], [sflag:$0x6], $0x800, $0x38;
	[tilespmem:$0x1F580] =	vst v63  }
0x275: {  	_ =	swait.ge [sflag:s15], $0x800  }
0x276: {  	[sflag:s15] =	ssyncset.done $0x0  }
0x277: {  	s29 =	rddreg [dreg:$0x9];
	[sflag:s15] =	ssyncadd.s32 $0xFFFFF800  }
0x278: {  	[spmem:s29] =	stream.linear.scatter [tilespmem:s16], [sflag:$0x6], $0x800, $0x38;
	[tilespmem:$0x1F580] =	vst v63  }
0x279: {  	_ =	swait.ge [sflag:s15], $0x800  }
0x27a: {  	[sflag:s15] =	ssyncset.done $0x0  }
0x27b: {  	s29 =	rddreg [dreg:$0xa];
	[sflag:s15] =	ssyncadd.s32 $0xFFFFF800  }
0x27c: {  	[spmem:s29] =	stream.linear.scatter [tilespmem:s16], [sflag:$0x6], $0x800, $0x38;
	[tilespmem:$0x1F580] =	vst v63  }
0x27d: {  	_ =	swait.ge [sflag:s15], $0x800  }
0x27e: {  	[sflag:s15] =	ssyncset.done $0x0  }
0x27f: {  	s29 =	rddreg [dreg:$0x18];
	[sflag:s15] =	ssyncadd.s32 $0xFFFFF800  }
0x280: {  	[spmem:s29] =	stream.linear.scatter [tilespmem:s16], [sflag:$0x6], $0x800, $0x38;
	[tilespmem:$0x1F580] =	vst v63  }
0x281: {  	_ =	swait.ge [sflag:s15], $0x800  }
0x282: {  	[sflag:s15] =	ssyncset.done $0x0  }
0x283: {  	s29 =	rddreg [dreg:$0x19];
	[sflag:s15] =	ssyncadd.s32 $0xFFFFF800  }
0x284: {  	[spmem:s29] =	stream.linear.scatter [tilespmem:s16], [sflag:$0x6], $0x800, $0x38;
	[tilespmem:$0x1F580] =	vst v63  }
0x285: {  	_ =	swait.ge [sflag:s15], $0x800  }
0x286: {  	[sflag:s15] =	ssyncset.done $0x0  }
0x287: {  	s29 =	rddreg [dreg:$0x1a];
	[sflag:s15] =	ssyncadd.s32 $0xFFFFF800  }
0x288: {  	[spmem:s29] =	stream.linear.scatter [tilespmem:s16], [sflag:$0x6], $0x800, $0x38;
	[tilespmem:$0x1F580] =	vst v63  }
0x289: {  	_ =	swait.ge [sflag:s15], $0x800  }
0x28a: {  	[sflag:s15] =	ssyncset.done $0x0  }
0x28b: {  	s29 =	rddreg [dreg:$0x1b];
	[sflag:s15] =	ssyncadd.s32 $0xFFFFF800  }
0x28c: {  	[spmem:s29] =	stream.linear.scatter [tilespmem:s16], [sflag:$0x6], $0x800, $0x38;
	[tilespmem:$0x1F580] =	vst v63  }
0x28d: {  	_ =	swait.ge [sflag:s15], $0x800  }
0x28e: {  	[sflag:s15] =	ssyncset.done $0x0  }
0x28f: {  	s29 =	rddreg [dreg:$0x1c];
	[sflag:s15] =	ssyncadd.s32 $0xFFFFF800  }
0x290: {  	[spmem:s29] =	stream.linear.scatter [tilespmem:s16], [sflag:$0x6], $0x800, $0x38;
	[tilespmem:$0x1F580] =	vst v63  }
0x291: {  	_ =	swait.ge [sflag:s15], $0x800  }
0x292: {  	[sflag:s15] =	ssyncset.done $0x0  }
0x293: {  	s29 =	rddreg [dreg:$0x1d];
	[sflag:s15] =	ssyncadd.s32 $0xFFFFF800  }
0x294: {  	[spmem:s29] =	stream.linear.scatter [tilespmem:s16], [sflag:$0x6], $0x800, $0x38;
	[tilespmem:$0x1F580] =	vst v63  }
0x295: {  	_ =	swait.ge [sflag:s15], $0x800  }
0x296: {  	[sflag:s15] =	ssyncset.done $0x0  }
0x297: {  	s29 =	rddreg [dreg:$0x1e];
	[sflag:s15] =	ssyncadd.s32 $0xFFFFF800  }
0x298: {  	[spmem:s29] =	stream.linear.scatter [tilespmem:s16], [sflag:$0x6], $0x800, $0x38;
	[tilespmem:$0x1F580] =	vst v63  }
0x299: {  	_ =	swait.ge [sflag:s15], $0x800  }
0x29a: {  	[sflag:s15] =	ssyncset.done $0x0  }
0x29b: {  	s29 =	rddreg [dreg:$0x1f];
	[sflag:s15] =	ssyncadd.s32 $0xFFFFF800  }
0x29c: {  	[spmem:s29] =	stream.linear.scatter [tilespmem:s16], [sflag:$0x6], $0x800, $0x38;
	[tilespmem:$0x1F580] =	vst v63  }
0x29d: {  	_ =	swait.ge [sflag:s15], $0x800  }
0x29e: {  	s29 =	sld [smem:$0x7E7]  }
0x29f: {  	[sflag:s15] =	ssyncset.done $0x0  }
0x2a0: {  	[sflag:s15] =	ssyncadd.s32 $0xFFFFF800  }
0x2a1: {  	[spmem:s29] =	stream.linear.scatter [tilespmem:s16], [sflag:$0x6], $0x800, $0x38;
	[tilespmem:$0x1F580] =	vst v63  }
0x2a2: {  	_ =	swait.ge [sflag:s15], $0x800  }
0x2a3: {  	s29 =	sld [smem:$0x7E8]  }
0x2a4: {  	[sflag:s15] =	ssyncset.done $0x0  }
0x2a5: {  	[sflag:s15] =	ssyncadd.s32 $0xFFFFF800  }
0x2a6: {  	[spmem:s29] =	stream.linear.scatter [tilespmem:s16], [sflag:$0x6], $0x800, $0x38;
	[tilespmem:$0x1F580] =	vst v63  }
0x2a7: {  	_ =	swait.ge [sflag:s15], $0x800  }
0x2a8: {  	s29 =	sld [smem:$0x7E9]  }
0x2a9: {  	[sflag:s15] =	ssyncset.done $0x0  }
0x2aa: {  	[sflag:s15] =	ssyncadd.s32 $0xFFFFF800  }
0x2ab: {  	[spmem:s29] =	stream.linear.scatter [tilespmem:s16], [sflag:$0x6], $0x800, $0x38;
	[tilespmem:$0x1F580] =	vst v63  }
0x2ac: {  	_ =	swait.ge [sflag:s15], $0x800  }
0x2ad: {  	s29 =	sld [smem:$0x7EA]  }
0x2ae: {  	[sflag:s15] =	ssyncset.done $0x0  }
0x2af: {  	[sflag:s15] =	ssyncadd.s32 $0xFFFFF800  }
0x2b0: {  	[spmem:s29] =	stream.linear.scatter [tilespmem:s16], [sflag:$0x6], $0x800, $0x38;
	[tilespmem:$0x1F580] =	vst v63  }
0x2b1: {  	_ =	swait.ge [sflag:s15], $0x800  }
0x2b2: {  	s29 =	sld [smem:$0x7EB]  }
0x2b3: {  	[sflag:s15] =	ssyncset.done $0x0  }
0x2b4: {  	[sflag:s15] =	ssyncadd.s32 $0xFFFFF800  }
0x2b5: {  	[spmem:s29] =	stream.linear.scatter [tilespmem:s16], [sflag:$0x6], $0x800, $0x38;
	[tilespmem:$0x1F580] =	vst v63  }
0x2b6: {  	_ =	swait.ge [sflag:s15], $0x800  }
0x2b7: {  	s29 =	sld [smem:$0x7EC]  }
0x2b8: {  	[sflag:s15] =	ssyncset.done $0x0  }
0x2b9: {  	[sflag:s15] =	ssyncadd.s32 $0xFFFFF800  }
0x2ba: {  	[spmem:s29] =	stream.linear.scatter [tilespmem:s16], [sflag:$0x6], $0x800, $0x38;
	[tilespmem:$0x1F580] =	vst v63  }
0x2bb: {  	_ =	swait.ge [sflag:s15], $0x800  }
0x2bc: {  	s29 =	sld [smem:$0x7ED]  }
0x2bd: {  	[sflag:s15] =	ssyncset.done $0x0  }
0x2be: {  	[sflag:s15] =	ssyncadd.s32 $0xFFFFF800  }
0x2bf: {  	[spmem:s29] =	stream.linear.scatter [tilespmem:s16], [sflag:$0x6], $0x800, $0x38;
	[tilespmem:$0x1F580] =	vst v63  }
0x2c0: {  	_ =	swait.ge [sflag:s15], $0x800  }
0x2c1: {  	s29 =	sld [smem:$0x7EE]  }
0x2c2: {  	[sflag:s15] =	ssyncset.done $0x0  }
0x2c3: {  	[sflag:s15] =	ssyncadd.s32 $0xFFFFF800  }
0x2c4: {  	[spmem:s29] =	stream.linear.scatter [tilespmem:s16], [sflag:$0x6], $0x800, $0x38;
	[tilespmem:$0x1F580] =	vst v63  }
0x2c5: {  	_ =	swait.ge [sflag:s15], $0x800  }
0x2c6: {  	s29 =	sld [smem:$0x7EF]  }
0x2c7: {  	[sflag:s15] =	ssyncset.done $0x0  }
0x2c8: {  	[sflag:s15] =	ssyncadd.s32 $0xFFFFF800  }
0x2c9: {  	[spmem:s29] =	stream.linear.scatter [tilespmem:s16], [sflag:$0x6], $0x800, $0x38;
	[tilespmem:$0x1F580] =	vst v63  }
0x2ca: {  	_ =	swait.ge [sflag:s15], $0x800  }
0x2cb: {  	s29 =	sld [smem:$0x7F0]  }
0x2cc: {  	[sflag:s15] =	ssyncset.done $0x0  }
0x2cd: {  	[sflag:s15] =	ssyncadd.s32 $0xFFFFF800  }
0x2ce: {  	[spmem:s29] =	stream.linear.scatter [tilespmem:s16], [sflag:$0x6], $0x800, $0x38;
	[tilespmem:$0x1F580] =	vst v63  }
0x2cf: {  	_ =	swait.ge [sflag:s15], $0x800  }
0x2d0: {  	s29 =	sld [smem:$0x7F1]  }
0x2d1: {  	[sflag:s15] =	ssyncset.done $0x0  }
0x2d2: {  	[sflag:s15] =	ssyncadd.s32 $0xFFFFF800  }
0x2d3: {  	[spmem:s29] =	stream.linear.scatter [tilespmem:s16], [sflag:$0x6], $0x800, $0x38;
	[tilespmem:$0x1F580] =	vst v63  }
0x2d4: {  	_ =	swait.ge [sflag:s15], $0x800  }
0x2d5: {  	s29 =	sld [smem:$0x7F2]  }
0x2d6: {  	[sflag:s15] =	ssyncset.done $0x0  }
0x2d7: {  	[sflag:s15] =	ssyncadd.s32 $0xFFFFF800  }
0x2d8: {  	[spmem:s29] =	stream.linear.scatter [tilespmem:s16], [sflag:$0x6], $0x800, $0x38;
	[tilespmem:$0x1F580] =	vst v63  }
0x2d9: {  	_ =	swait.ge [sflag:s15], $0x800  }
0x2da: {  	s29 =	sld [smem:$0x7F3]  }
0x2db: {  	[sflag:s15] =	ssyncset.done $0x0  }
0x2dc: {  	[sflag:s15] =	ssyncadd.s32 $0xFFFFF800  }
0x2dd: {  	[spmem:s29] =	stream.linear.scatter [tilespmem:s16], [sflag:$0x6], $0x800, $0x38;
	[tilespmem:$0x1F580] =	vst v63  }
0x2de: {  	_ =	swait.ge [sflag:s15], $0x800  }
0x2df: {  	s29 =	sld [smem:$0x7F4]  }
0x2e0: {  	[sflag:s15] =	ssyncset.done $0x0  }
0x2e1: {  	[sflag:s15] =	ssyncadd.s32 $0xFFFFF800  }
0x2e2: {  	[spmem:s29] =	stream.linear.scatter [tilespmem:s16], [sflag:$0x6], $0x800, $0x38;
	[tilespmem:$0x1F580] =	vst v63  }
0x2e3: {  	_ =	swait.ge [sflag:s15], $0x800  }
0x2e4: {  	s29 =	sld [smem:$0x7F5]  }
0x2e5: {  	[sflag:s15] =	ssyncset.done $0x0  }
0x2e6: {  	[sflag:s15] =	ssyncadd.s32 $0xFFFFF800  }
0x2e7: {  	[spmem:s29] =	stream.linear.scatter [tilespmem:s16], [sflag:$0x6], $0x800, $0x38;
	[tilespmem:$0x1F580] =	vst v63  }
0x2e8: {  	_ =	swait.ge [sflag:s15], $0x800  }
0x2e9: {  	s29 =	sld [smem:$0x7F6]  }
0x2ea: {  	[sflag:s15] =	ssyncset.done $0x0  }
0x2eb: {  	[sflag:s15] =	ssyncadd.s32 $0xFFFFF800  }
0x2ec: {  	[spmem:s29] =	stream.linear.scatter [tilespmem:s16], [sflag:$0x6], $0x800, $0x38;
	[tilespmem:$0x1F580] =	vst v63  }
0x2ed: {  	_ =	swait.ge [sflag:s15], $0x800  }
0x2ee: {  	s29 =	sld [smem:$0x7F7]  }
0x2ef: {  	[sflag:s15] =	ssyncset.done $0x0  }
0x2f0: {  	[sflag:s15] =	ssyncadd.s32 $0xFFFFF800  }
0x2f1: {  	[spmem:s29] =	stream.linear.scatter [tilespmem:s16], [sflag:$0x6], $0x800, $0x38;
	[tilespmem:$0x1F580] =	vst v63  }
0x2f2: {  	_ =	swait.ge [sflag:s15], $0x800  }
0x2f3: {  	s29 =	sld [smem:$0x7F8]  }
0x2f4: {  	[sflag:s15] =	ssyncset.done $0x0  }
0x2f5: {  	[sflag:s15] =	ssyncadd.s32 $0xFFFFF800  }
0x2f6: {  	[spmem:s29] =	stream.linear.scatter [tilespmem:s16], [sflag:$0x6], $0x800, $0x38;
	[tilespmem:$0x1F580] =	vst v63  }
0x2f7: {  	_ =	swait.ge [sflag:s15], $0x800  }
0x2f8: {  	s29 =	sld [smem:$0x7F9]  }
0x2f9: {  	[sflag:s15] =	ssyncset.done $0x0  }
0x2fa: {  	[sflag:s15] =	ssyncadd.s32 $0xFFFFF800  }
0x2fb: {  	[spmem:s29] =	stream.linear.scatter [tilespmem:s16], [sflag:$0x6], $0x800, $0x38;
	[tilespmem:$0x1F580] =	vst v63  }
0x2fc: {  	_ =	swait.ge [sflag:s15], $0x800  }
0x2fd: {  	s29 =	sld [smem:$0x7FA]  }
0x2fe: {  	[sflag:s15] =	ssyncset.done $0x0  }
0x2ff: {  	[sflag:s15] =	ssyncadd.s32 $0xFFFFF800  }
0x300: {  	[spmem:s29] =	stream.linear.scatter [tilespmem:s16], [sflag:$0x6], $0x800, $0x38;
	[tilespmem:$0x1F580] =	vst v63  }
0x301: {  	_ =	swait.ge [sflag:s15], $0x800  }
0x302: {  	s29 =	sld [smem:$0x7FB]  }
0x303: {  	[sflag:s15] =	ssyncset.done $0x0  }
0x304: {  	[sflag:s15] =	ssyncadd.s32 $0xFFFFF800  }
0x305: {  	[spmem:s29] =	stream.linear.scatter [tilespmem:s16], [sflag:$0x6], $0x800, $0x38;
	[tilespmem:$0x1F580] =	vst v63  }
0x306: {  	_ =	swait.ge [sflag:s15], $0x800  }
0x307: {  	s29 =	sld [smem:$0x7FC]  }
0x308: {  	[sflag:s15] =	ssyncset.done $0x0  }
0x309: {  	[sflag:s15] =	ssyncadd.s32 $0xFFFFF800  }
0x30a: {  	[spmem:s29] =	stream.linear.scatter [tilespmem:s16], [sflag:$0x6], $0x800, $0x38;
	[tilespmem:$0x1F580] =	vst v63  }
0x30b: {  	_ =	swait.ge [sflag:s15], $0x800  }
0x30c: {  	s29 =	sld [smem:$0x7FD]  }
0x30d: {  	[sflag:s15] =	ssyncset.done $0x0  }
0x30e: {  	[sflag:s15] =	ssyncadd.s32 $0xFFFFF800  }
0x30f: {  	[spmem:s29] =	stream.linear.scatter [tilespmem:s16], [sflag:$0x6], $0x800, $0x38;
	[tilespmem:$0x1F580] =	vst v63  }
0x310: {  	_ =	swait.ge [sflag:s15], $0x800  }
0x311: {  	[sflag:s15] =	ssyncset.done $0x0  }
0x312: {  	[sflag:s15] =	ssyncadd.s32 $0xFFFFF800  }
0x313: {  	[spmem:s1] =	stream.linear.scatter [tilespmem:s16], [sflag:$0x6], $0x800, $0x38;
	[tilespmem:$0x1F580] =	vst v63  }
0x314: {  	_ =	swait.ge [sflag:s15], $0x800  }
0x315: {  	[sflag:s15] =	ssyncset.done $0x0  }
0x316: {  	[sflag:s15] =	ssyncadd.s32 $0xFFFFF800  }
0x317: {  	[spmem:s2] =	stream.linear.scatter [tilespmem:s16], [sflag:$0x6], $0x800, $0x38;
	[tilespmem:$0x1F580] =	vst v63  }
0x318: {  	_ =	swait.ge [sflag:s15], $0x800  }
0x319: {  	[sflag:s15] =	ssyncset.done $0x0  }
0x31a: {  	[sflag:s15] =	ssyncadd.s32 $0xFFFFF800  }
0x31b: {  	[spmem:s6] =	stream.linear.scatter [tilespmem:s16], [sflag:$0x6], $0x800, $0x38;
	[tilespmem:$0x1F580] =	vst v63  }
0x31c: {  	_ =	swait.ge [sflag:s15], $0x800  }
0x31d: {  	[sflag:s15] =	ssyncset.done $0x0  }
0x31e: {  	[sflag:s15] =	ssyncadd.s32 $0xFFFFF800  }
0x31f: {  	[spmem:s7] =	stream.linear.scatter [tilespmem:s16], [sflag:$0x6], $0x800, $0x38;
	[tilespmem:$0x1F580] =	vst v63  }
0x320: {  	_ =	swait.ge [sflag:s15], $0x800  }
0x321: {  	[sflag:s15] =	ssyncset.done $0x0  }
0x322: {  	[sflag:s15] =	ssyncadd.s32 $0xFFFFF800  }
0x323: {  	[spmem:s8] =	stream.linear.scatter [tilespmem:s16], [sflag:$0x6], $0x800, $0x38;
	[tilespmem:$0x1F580] =	vst v63  }
0x324: {  	_ =	swait.ge [sflag:s15], $0x800  }
0x325: {  	[sflag:s15] =	ssyncset.done $0x0  }
0x326: {  	[sflag:s15] =	ssyncadd.s32 $0xFFFFF800  }
0x327: {  	[spmem:s13] =	stream.linear.scatter [tilespmem:s16], [sflag:$0x6], $0x800, $0x38;
	[tilespmem:$0x1F580] =	vst v63  }
0x328: {  	_ =	swait.ge [sflag:s15], $0x800  }
0x329: {  	[sflag:s15] =	ssyncset.done $0x0  }
0x32a: {  	s29 =	simm.s32 $0xB080;
	[sflag:s15] =	ssyncadd.s32 $0xFFFFF800  }
0x32b: {  	[spmem:s12] =	stream.linear.scatter [tilespmem:s29], [sflag:$0x6], $0x280, $0x38;
	[tilespmem:$0x1F580] =	vst v63  }
0x32c: {  	_ =	swait.ge [sflag:s15], $0x280  }
0x32d: {  	[sflag:s15] =	ssyncset.done $0x0  }
0x32e: {  	[sflag:s15] =	ssyncadd.s32 $0xFFFFFD80  }
0x32f: {  	[bflag:$0x0] =	sbarrier.arrive $0xFFFF  }
0x330: {  	s29 =	simm.s32 $0x0;
	s30 =	rddreg [dreg:$0x10]  }
0x331: {  	[tilespmem:s29], [sflag:$0x6] =	stream.linear.gather [hbm4b:s30+s29], $0x1400, $0x38;
	[tilespmem:$0x1F580] =	vst v63  }
0x332: {  	_ =	swait.ge [sflag:s15], $0x1400  }
0x333: {  	[sflag:s15] =	ssyncset.done $0x0  }
0x334: {  	s31 =	simm.s32 $0x1400;
	s30 =	rddreg [dreg:$0x11];
	[sflag:s15] =	ssyncadd.s32 $0xFFFFEC00  }
0x335: {  	[tilespmem:s31], [sflag:$0x6] =	stream.linear.gather [hbm4b:s30+s29], $0x1400, $0x38;
	[tilespmem:$0x1F580] =	vst v63  }
0x336: {  	_ =	swait.ge [sflag:s15], $0x1400  }
0x337: {  	[sflag:s15] =	ssyncset.done $0x0  }
0x338: {  	[sflag:s15] =	ssyncadd.s32 $0xFFFFEC00  }
0x339: {  	[tilespmem:s18], [sflag:$0x1] =	stream.indirect.gather [hbm4b:s0+s17], $0x80, s29, s17, $0xb8;
	[tilespmem:$0x1F580] =	vst v63  }
0x33a: {  	_ = 	snop  }
0x33b: {  	[tilespmem:s19], [sflag:$0x2] =	stream.indirect.gather [hbm4b:s0+s17], $0x80, s17, s17, $0xb8;
	[tilespmem:$0x1F580] =	vst v63  }
0x33c: {  	_ =	swait.ge [sflag:s20], $0x4000  }
0x33d: {  	[sflag:s20] =	ssyncset.done $0x0  }
0x33e: {  	s29 =	simm.s32 $0x1400;
	[sflag:s20] =	ssyncadd.s32 $0xFFFFC000  }
0x33f: {  	[spmem:s3] =	stream.indirect.scatter.add.f32 [tilespmem:s18], [sflag:$0x3], $0x80, s29, s17, $0xb8;
	[tilespmem:$0x1F580] =	vst v63  }
0x340: {  	_ = 	snop  }
0x341: {  	[spmem:s4] =	stream.indirect.scatter.add.f32 [tilespmem:s14], [sflag:$0x5], $0x1, s29, s17, $0xb8;
	[tilespmem:$0x1F580] =	vst v63  }
0x342: {  	_ =	swait.ge [sflag:s21], $0x4000  }
0x343: {  	[sflag:s21] =	ssyncset.done $0x0  }
0x344: {  	s29 =	simm.s32 $0x100;
	[sflag:s21] =	ssyncadd.s32 $0xFFFFC000  }
0x345: {  	[tilespmem:s18], [sflag:$0x1] =	stream.indirect.gather [hbm4b:s0+s17], $0x80, s29, s17, $0xb8;
	[tilespmem:$0x1F580] =	vst v63  }
0x346: {  	_ =	swait.ge [sflag:s22], $0x4000  }
0x347: {  	[sflag:s22] =	ssyncset.done $0x0  }
0x348: {  	s29 =	simm.s32 $0x1480;
	[sflag:s22] =	ssyncadd.s32 $0xFFFFC000  }
0x349: {  	[spmem:s3] =	stream.indirect.scatter.add.f32 [tilespmem:s19], [sflag:$0x4], $0x80, s29, s17, $0xb8;
	[tilespmem:$0x1F580] =	vst v63  }
0x34a: {  	_ = 	snop  }
0x34b: {  	[spmem:s4] =	stream.indirect.scatter.add.f32 [tilespmem:s14], [sflag:$0x5], $0x1, s29, s17, $0xb8;
	[tilespmem:$0x1F580] =	vst v63  }
0x34c: {  	_ =	swait.ge [sflag:s23], $0x4000  }
0x34d: {  	[sflag:s23] =	ssyncset.done $0x0  }
0x34e: {  	s30 =	simm.s32 $0x180;
	s29 =	simm.s32 $0x400;
	[sflag:s23] =	ssyncadd.s32 $0xFFFFC000  }
.LBB2_10:
0x34f: {  	[tilespmem:s19], [sflag:$0x2] =	stream.indirect.gather [hbm4b:s0+s17], $0x80, s30, s17, $0xb8;
	[tilespmem:$0x1F580] =	vst v63  }
0x350: {  	s30 =	smov.u32 s29  }
0x351: {  	p0 =	sne.s32 s29, $0x4800;
	s29 =	sadd.s32 $0x400, s29;
	_ =	swait.ge [sflag:s20], $0x4000  }
0x352: {  	s30 =	sshra.s32 s30, $0x2;
	[sflag:s20] =	ssyncset.done $0x0  }
0x353: {  	s31 =	sadd.s32 $0x1400, s30;
	[sflag:s20] =	ssyncadd.s32 $0xFFFFC000  }
0x354: {  	[spmem:s3] =	stream.indirect.scatter.add.f32 [tilespmem:s18], [sflag:$0x3], $0x80, s31, s17, $0xb8;
	[tilespmem:$0x1F580] =	vst v63  }
0x355: {  	_ = 	snop  }
0x356: {  	[spmem:s4] =	stream.indirect.scatter.add.f32 [tilespmem:s14], [sflag:$0x5], $0x1, s31, s17, $0xb8;
	[tilespmem:$0x1F580] =	vst v63  }
0x357: {  	_ =	swait.ge [sflag:s21], $0x4000  }
0x358: {  	[sflag:s21] =	ssyncset.done $0x0  }
0x359: {  	s31 =	sadd.s32 $0x100, s30;
	[sflag:s21] =	ssyncadd.s32 $0xFFFFC000  }
0x35a: {  	[tilespmem:s18], [sflag:$0x1] =	stream.indirect.gather [hbm4b:s0+s17], $0x80, s31, s17, $0xb8;
	[tilespmem:$0x1F580] =	vst v63  }
0x35b: {  	_ =	swait.ge [sflag:s22], $0x4000  }
0x35c: {  	[sflag:s22] =	ssyncset.done $0x0  }
0x35d: {  	s31 =	sadd.s32 $0x1480, s30;
	[sflag:s22] =	ssyncadd.s32 $0xFFFFC000  }
0x35e: {  	[spmem:s3] =	stream.indirect.scatter.add.f32 [tilespmem:s19], [sflag:$0x4], $0x80, s31, s17, $0xb8;
	[tilespmem:$0x1F580] =	vst v63  }
.Ltmp4:
0x35f: {  	(pc) =	sbr.rel @p0 .LBB2_10-.Ltmp4, $4  }
0x360: {  	[spmem:s4] =	stream.indirect.scatter.add.f32 [tilespmem:s14], [sflag:$0x5], $0x1, s31, s17, $0xb8;
	[tilespmem:$0x1F580] =	vst v63  }
0x361: {  	_ =	swait.ge [sflag:s23], $0x4000  }
0x362: {  	[sflag:s23] =	ssyncset.done $0x0  }
0x363: {  	s30 =	sadd.s32 $0x180, s30;
	[sflag:s23] =	ssyncadd.s32 $0xFFFFC000  }
0x364: {  	[tilespmem:s19], [sflag:$0x2] =	stream.indirect.gather [hbm4b:s0+s17], $0x80, s30, s17, $0xb8;
	[tilespmem:$0x1F580] =	vst v63  }
0x365: {  	_ =	swait.ge [sflag:s20], $0x4000  }
0x366: {  	[sflag:s20] =	ssyncset.done $0x0  }
0x367: {  	[sflag:s20] =	ssyncadd.s32 $0xFFFFC000  }
0x368: {  	[spmem:s3] =	stream.indirect.scatter.add.f32 [tilespmem:s18], [sflag:$0x3], $0x80, s24, s17, $0xb8;
	[tilespmem:$0x1F580] =	vst v63  }
0x369: {  	_ = 	snop  }
0x36a: {  	[spmem:s4] =	stream.indirect.scatter.add.f32 [tilespmem:s14], [sflag:$0x5], $0x1, s24, s17, $0xb8;
	[tilespmem:$0x1F580] =	vst v63  }
0x36b: {  	_ =	swait.ge [sflag:s22], $0x4000  }
0x36c: {  	[sflag:s22] =	ssyncset.done $0x0  }
0x36d: {  	[sflag:s22] =	ssyncadd.s32 $0xFFFFC000  }
0x36e: {  	[spmem:s3] =	stream.indirect.scatter.add.f32 [tilespmem:s19], [sflag:$0x4], $0x80, s25, s17, $0xb8;
	[tilespmem:$0x1F580] =	vst v63  }
0x36f: {  	_ = 	snop  }
0x370: {  	[spmem:s4] =	stream.indirect.scatter.add.f32 [tilespmem:s14], [sflag:$0x5], $0x1, s25, s17, $0xb8;
	[tilespmem:$0x1F580] =	vst v63  }
0x371: {  	_ =	swait.ge [sflag:s21], $0x4000  }
0x372: {  	[sflag:s21] =	ssyncset.done $0x0  }
0x373: {  	[sflag:s21] =	ssyncadd.s32 $0xFFFFC000  }
0x374: {  	_ =	swait.ge [sflag:s23], $0x4000  }
0x375: {  	[sflag:s23] =	ssyncset.done $0x0  }
0x376: {  	[sflag:s23] =	ssyncadd.s32 $0xFFFFC000  }
0x377: {  	_ =	swait.ge [sflag:s5], $0x80  }
0x378: {  	s29 =	simm.s32 $0x27;
	[sflag:s5] =	ssyncset.done $0x0  }
.LBB2_12:
0x379: {  	p0 =	sne.s32 s29, $0x1;
	s29 =	sadd.s32 $0xFFFFFFFF, s29;
	[sflag:s5] =	ssyncadd.s32 $0xFFFFFF80  }
.Ltmp5:
0x37a: {  	(pc) =	sbr.rel @p0 .LBB2_12-.Ltmp5, $3  }
0x37b: {  	_ =	sdelay $0x1  }
0x37c: {  	_ =	swait.ge [sflag:s5], $0x80  }
0x37d: {  	[sflag:s5] =	ssyncset.done $0x0  }
0x37e: {  	[sflag:s5] =	ssyncadd.s32 $0xFFFFFF80  }
0x37f: {  	[bflag:$0x0] =	sbarrier.arrive $0xFFFF  }
0x380: {  	s29 =	rddreg [dreg:$0x16]  }
0x381: {  	[hbm:s29], [sflag:s11] =	dma.local [spmem:s26], $0x2800  }
0x382: {  	_ =	swait.ge [sflag:s15], $0x2800  }
0x383: {  	s31 =	simm.s32 $0x20;
	[sflag:s15] =	ssyncset.done $0x0  }
0x384: {  	s30 =	simm.s32 $0x10;
	s26 =	rddreg [dreg:$0x14];
	[sflag:s15] =	ssyncadd.s32 $0xFFFFD800  }
0x385: {  	[hbm:s26@s31], [sflag:s11] =	dma.strided [spmem:s28@s30], $0x50, s20, $0x10   }
0x386: {  	_ =	swait.ge [sflag:s15], $0x50  }
0x387: {  	s10 =	sadd.s32 $0x1, s10;
	s31 =	rddreg [dreg:$0x17]  }
0x388: {  	p0 =	sne.s32 s10, s31  }
.Ltmp6:
0x389: {  	_ = 	snop;
	(pc) =	sbr.rel @p0 .LBB2_1-.Ltmp6, $3  }
0x38a: {  	_ =	sdelay $0x1  }
0x38b: {  	[sflag:s15] =	ssyncset.done $0x0  }
0x38c: {  	[sflag:s15] =	ssyncadd.s32 $0xFFFFFFB0  }
0x38d: {  	_ =	sfence.sel $0x180000  }
0x38e: {  	[bflag:$0x0] =	sbarrier.arrive $0xFFFF  }
0x38f: {  	_ =	strace $0x90000047  }
0x390: {  	s0 =	stileid.u32;
	[bflag:$0x2] =	sbarrier.arrive $0xFFFF  }
0x391: {  	p0 =	sne.s32 s0, $0x0;
	s0 =	rddreg [dreg:$0x5]  }
0x392: {  	s0 =	sadd.s32 @!p0 $0x100000, s0  }
0x393: {  	[sflag:s0] =	ssyncadd.tile.s32 @!p0 $0x1;
	_ =	shalt  }
.Lfunc_end2:
_tile_overlayer_lowered:
.L_overlay_start_2:
0x394: {  	(tag) =	ssettag $0x2  }
0x395: {  	s0 =	rddreg [dreg:$0x0];
	s2 =	stileid.u32  }
0x396: {  	s1 =	rddreg [dreg:$0x1];
	p0 =	sne.s32 s2, $0x0  }
0x397: {  	s3 =	rddreg [dreg:$0x2];
	[bflag:$0x3] =	sbarrier.arrive $0xFFFF;
	s2 =	simm.s32 @!p0 $0x1C06  }
0x398: {  	[timem:s3], [sflag:s2] =	dma.local @!p0 [hbm:s0], s1  }
0x399: {  	s0 =	simm.s32 @!p0 $0x6  }
0x39a: {  	_ =	swait.ge @!p0 [sflag:s0], s1  }
0x39b: {  	s1 =	ssub.s32 @!p0 $0x0, s1;
	[sflag:s0] =	ssyncset.done @!p0 $0x0  }
0x39c: {  	[sflag:s0] =	ssyncadd.s32 @!p0 s1  }
0x39d: {  	[bflag:$0x3] =	sbarrier.arrive $0xFFFF  }
0x39e: {  	_ =	shalt  }

</sc_bundles>
